<compile_context>
chip_gen: v7x
topology: tpu7x:2x2x1
jax: 0.10.2.dev20260603
libtpu: 0.0.44.dev20260713+nightly
codegen_flags: <defaults>
</compile_context>

<pallas_src>
import functools

import jax
import jax.numpy as jnp
from jax import lax
from jax.experimental import pallas as pl
from jax.experimental.pallas import tpu as pltpu
from jax.experimental.pallas import tpu_sc as plsc

H = 128
ACCW = 64
R = 8
CHUNK = 128


def _gather_pass(n_tab, width, e_rows):
  mesh = plsc.VectorSubcoreMesh(core_axis_name="c", subcore_axis_name="s")
  rows_per_tile = e_rows // 32
  chunks_per_tile = rows_per_tile // CHUNK
  assert rows_per_tile % CHUNK == 0

  @functools.partial(
      pl.kernel,
      out_type=jax.ShapeDtypeStruct((e_rows, width), jnp.float32),
      mesh=mesh,
      scratch_types=[
          pltpu.VMEM((CHUNK,), jnp.int32),
          pltpu.VMEM((CHUNK, width), jnp.float32),
          pltpu.SemaphoreType.DMA,
      ],
  )
  def k(tab_hbm, src_hbm, msg_hbm, src_v, rows_v, sem):
    wid = lax.axis_index("c") * 16 + lax.axis_index("s")
    base = wid * rows_per_tile

    def chunk_body(g, _):
      eb = pl.multiple_of(base + g * CHUNK, CHUNK)
      pltpu.sync_copy(src_hbm.at[pl.ds(eb, CHUNK)], src_v)
      pltpu.async_copy(tab_hbm.at[src_v], rows_v, sem).wait()
      pltpu.sync_copy(rows_v, msg_hbm.at[pl.ds(eb, CHUNK)])
      return 0
    lax.fori_loop(0, chunks_per_tile, chunk_body, 0)

  return k


def _scatter_pass(n_half, n_init, e_rows):
  mesh = plsc.VectorSubcoreMesh(core_axis_name="c", subcore_axis_name="s")
  zrows = 64
  init_per_tile = n_init // 16
  out_per_tile = n_half // 16
  assert init_per_tile % zrows == 0 and out_per_tile % zrows == 0
  chunks_per_tile = e_rows // (16 * CHUNK)
  assert e_rows % (16 * CHUNK) == 0

  @functools.partial(
      pl.kernel,
      out_type=jax.ShapeDtypeStruct((2 * n_half, H), jnp.float32),
      mesh=mesh,
      scratch_types=[
          pltpu.VMEM((CHUNK,), jnp.int32),
          pltpu.VMEM((CHUNK, H), jnp.float32),
          pltpu.VMEM((zrows, H), jnp.float32),
          pltpu.VMEM_SHARED((n_init, H), jnp.float32),
      ],
  )
  def k(scaled_hbm, dstc_hbm, out_hbm, dst_v, chunk_v, zbuf_v, acc_sh):
    cid = lax.axis_index("c")
    sid = lax.axis_index("s")

    def zrow(i, _):
      for j in range(H // 16):
        zbuf_v[i, pl.ds(16 * j, 16)] = jnp.zeros((16,), jnp.float32)
      return 0
    lax.fori_loop(0, zrows, zrow, 0)
    for b in range(init_per_tile // zrows):
      pltpu.sync_copy(zbuf_v, acc_sh.at[pl.ds(sid * init_per_tile + b * zrows, zrows)])
    plsc.subcore_barrier()

    base = sid * (chunks_per_tile * CHUNK)

    def chunk_body(g, _):
      eb = pl.multiple_of(base + g * CHUNK, CHUNK)
      db = pl.multiple_of(cid * e_rows + eb, CHUNK)
      pltpu.sync_copy(dstc_hbm.at[pl.ds(db, CHUNK)], dst_v)
      pltpu.sync_copy(scaled_hbm.at[pl.ds(eb, CHUNK)], chunk_v)
      pltpu.sync_copy(chunk_v, acc_sh.at[dst_v], add=True)
      return 0
    lax.fori_loop(0, chunks_per_tile, chunk_body, 0)
    plsc.subcore_barrier()

    for b in range(out_per_tile // zrows):
      r = sid * out_per_tile + b * zrows
      pltpu.sync_copy(acc_sh.at[pl.ds(r, zrows)], zbuf_v)
      ro = pl.multiple_of(cid * n_half + r, zrows)
      pltpu.sync_copy(zbuf_v, out_hbm.at[pl.ds(ro, zrows)])

  return k


def _matmul(x, w):
  n, k = x.shape
  p = w.shape[1]
  bn = 512
  assert n % bn == 0

  def body(xr, wr, outr):
    outr[...] = jnp.dot(xr[...], wr[...], preferred_element_type=jnp.float32)

  return pl.pallas_call(
      body,
      grid=(n // bn,),
      in_specs=[
          pl.BlockSpec((bn, k), lambda i: (i, 0)),
          pl.BlockSpec((k, p), lambda i: (0, 0)),
      ],
      out_specs=pl.BlockSpec((bn, p), lambda i: (i, 0)),
      out_shape=jax.ShapeDtypeStruct((n, p), jnp.float32),
  )(x, w)


def kernel(x, edge_index, edge_type, comp0, bases0, root0, bias0,
           comp1, bases1, root1, bias1, comp2, bases2, root2, bias2):
  n, h = x.shape
  src = edge_index[0]
  dst = edge_index[1]
  et = edge_type
  e = src.shape[0]
  n_pad = ((n + 2047) // 2048) * 2048
  x = jnp.pad(x, ((0, n_pad - n), (0, 0)))

  flat = dst * R + et
  cnt = jnp.zeros((n * R,), jnp.float32).at[flat].add(1.0)
  inv = 1.0 / jnp.maximum(cnt, 1.0)
  ic = inv[flat]

  e_pad = ((e + 8191) // 8192) * 8192
  pad = e_pad - e
  src_p = jnp.pad(src, (0, pad))
  dst_p = jnp.pad(dst, (0, pad), constant_values=n)

  n_half = n_pad // 2
  n_init = n_half + 1024
  d0 = jnp.where(dst_p < n_half, dst_p, n_half)
  d1 = jnp.where(dst_p >= n_half, dst_p - n_half, n_half)
  d1 = jnp.where(dst_p >= n, n_half, d1)
  dst_cat = jnp.concatenate([d0, d1])

  def coefs(comp):
    cf = comp[et, :] * ic[:, None]
    cf = jnp.pad(cf, ((0, pad), (0, 0)))
    return cf[:, 0:1], cf[:, 1:2]

  gather_sq = _gather_pass(n_pad, 2 * H, e_pad)
  gather_l2 = _gather_pass(n_pad, H, e_pad)
  scatter = _scatter_pass(n_half, n_init, e_pad)

  def square_layer(xl, comp, bases, root, bias):
    wcat = jnp.concatenate([bases[0], bases[1], root], axis=1)
    y = _matmul(xl, wcat)
    msg = gather_sq(y[:, :2 * H], src_p)
    cf0, cf1 = coefs(comp)
    scaled = msg[:, :H] * cf0 + msg[:, H:] * cf1
    agg = scatter(scaled, dst_cat)
    return y[:, 2 * H:] + agg + bias

  x1 = square_layer(x, comp0, bases0, root0, bias0)
  x2 = square_layer(x1, comp1, bases1, root1, bias1)

  w2 = jnp.concatenate([bases2[0], bases2[1], root2], axis=1)
  w2p = jnp.pad(w2, ((0, 0), (0, H - 3)))
  y2 = _matmul(x2, w2p)
  msg2 = gather_l2(y2, src_p)
  cf20, cf21 = coefs(comp2)
  val = msg2[:, 0:1] * cf20 + msg2[:, 1:2] * cf21
  scaled2 = jnp.broadcast_to(val, (e_pad, H))
  acc2 = scatter(scaled2, dst_cat)
  return (y2[:n, 2:3] + acc2[:n, :1]) + bias2

# --- scband reference (transcript-rebuilt; emitter-appended) ---
"""Pipeline reference for scband-rgcn-1322849927182 (READ-ONLY COPY).

The authoritative reference and input builder live on the scoring server;
editing this copy changes nothing except your own understanding.
"""

import jax, jax.numpy as jnp
import numpy as np

N = 10000
E = 320000
R = 8
NB = 2
H = 128
OUT = 1

def setup_inputs(seed: int = 0):
    key = jax.random.key(seed)
    ks = jax.random.split(key, 16)
    inp = {}
    inp['x'] = jax.random.normal(ks[0], (N, H), dtype=jnp.float32)
    inp['edge_index'] = jax.random.randint(ks[1], (2, E), 0, N, dtype=jnp.int32)
    inp['edge_type'] = jax.random.randint(ks[2], (E,), 0, R, dtype=jnp.int32)
    dims = [(H, H), (H, H), (H, OUT)]
    k = 3
    for l, (i, o) in enumerate(dims):
        inp['comp%d' % l] = jax.random.normal(ks[k], (R, NB), dtype=jnp.float32) / np.sqrt(NB); k += 1
        inp['bases%d' % l] = jax.random.normal(ks[k], (NB, i, o), dtype=jnp.float32) / np.sqrt(i); k += 1
        inp['root%d' % l] = jax.random.normal(ks[k], (i, o), dtype=jnp.float32) / np.sqrt(i); k += 1
        inp['bias%d' % l] = jnp.zeros((o,), dtype=jnp.float32); k += 1
    return inp

def _rgcn_layer(x, src, dst, edge_type, comp, bases, root, bias):
    # basis decomposition: weight[r] = sum_b comp[r,b] * bases[b]
    weight = jnp.einsum('rb,bio->rio', comp, bases)
    out = x @ root + bias
    xs = x[src]
    for r in range(R):
        mask = (edge_type == r).astype(x.dtype)
        msg = xs * mask[:, None]
        summed = jax.ops.segment_sum(msg, dst, num_segments=N)
        count = jax.ops.segment_sum(mask, dst, num_segments=N)
        mean = summed / jnp.clip(count, 1.0)[:, None]
        out = out + mean @ weight[r]
    return out

def reference(x, edge_index, edge_type, comp0, bases0, root0, bias0, comp1, bases1, root1, bias1, comp2, bases2, root2, bias2):
    src, dst = edge_index[0], edge_index[1]
    h = _rgcn_layer(x, src, dst, edge_type, comp0, bases0, root0, bias0)
    h = _rgcn_layer(h, src, dst, edge_type, comp1, bases1, root1, bias1)
    h = _rgcn_layer(h, src, dst, edge_type, comp2, bases2, root2, bias2)
    return h

if __name__ == "__main__":
    import jax
    _d = setup_inputs()
    print(jax.jit(kernel)(*tuple(_d.values())))

</pallas_src>

<mosaic_0001>
#map = affine_map<(d0, d1) -> (0, 0)>
#map1 = affine_map<(d0, d1) -> (0)>
module attributes {stable_mosaic.version = 14 : i64} {
  func.func @k(%arg0: i32, %arg1: i32, %arg2: memref<10240x256xf32, #tpu.memory_space<hbm>>, %arg3: memref<327680xi32, #tpu.memory_space<hbm>>, %arg4: memref<327680x256xf32, #tpu.memory_space<hbm>>, %arg5: memref<128xi32, #tpu.memory_space<vmem>>, %arg6: memref<128x256xf32, #tpu.memory_space<vmem>>, %arg7: memref<!tpu.dma_semaphore, #tpu.memory_space<semaphore_mem>>) attributes {dimension_semantics = [#tpu.dimension_semantics<core_parallel>, #tpu.dimension_semantics<subcore_parallel>], iteration_bounds = array<i64: 2, 16>, scalar_prefetch = 0 : i64, scratch_operands = 3 : i64, tpu.core_type = #tpu.core_type<sc_vector_subcore>, window_params = [{transform_indices = #map}, {transform_indices = #map1}, {transform_indices = #map}]} {
    %mul3A = arith.constant 16 : i32
    %mul3A_0 = arith.muli %arg0, %mul3A : i32
    %add3A = arith.addi %mul3A_0, %arg1 : i32
    %mul3A_1 = arith.constant 10240 : i32
    %mul3A_2 = arith.muli %add3A, %mul3A_1 : i32
    %scan3A = arith.constant 0 : i32
    %scan3A_3 = arith.constant 0 : i32
    %scan3A_4 = arith.constant 80 : i32
    %scan3A_5 = arith.addi %scan3A_3, %scan3A_4 : i32
    %scan3A_6 = arith.constant 1 : i32
    %scan3A_7 = scf.for %scan3A_9 = %scan3A_3 to %scan3A_5 step %scan3A_6 iter_args(%scan3A_10 = %scan3A) -> (i32)  : i32 {
      %mul3A_11 = arith.constant 128 : i32
      %mul3A_12 = arith.muli %scan3A_9, %mul3A_11 : i32
      %add3A_13 = arith.addi %mul3A_2, %mul3A_12 : i32
      %multiple_of3A = tpu.assume_multiple %add3A_13, 128 : i32
      "tpu.region"() ({
        %run_scoped3A = tpu.sem_alloc : memref<!tpu.dma_semaphore, #tpu.memory_space<semaphore_mem>>
        %dma_start3A_19 = tpu.memref_slice %arg3[%multiple_of3A] : memref<327680xi32, #tpu.memory_space<hbm>> -> memref<128xi32, #tpu.memory_space<hbm>>
        %dma_start3A_20 = tpu.memref_slice %arg3[%multiple_of3A] : memref<327680xi32, #tpu.memory_space<hbm>> -> memref<128xi32, #tpu.memory_space<hbm>>
        tpu.enqueue_dma source(%dma_start3A_20 : memref<128xi32, #tpu.memory_space<hbm>>) target(%arg5 : memref<128xi32, #tpu.memory_space<vmem>>) target_semaphore(%run_scoped3A : memref<!tpu.dma_semaphore, #tpu.memory_space<semaphore_mem>>)
        %dma_wait3A_21 = tpu.memref_slice %arg3[%multiple_of3A] : memref<327680xi32, #tpu.memory_space<hbm>> -> memref<128xi32, #tpu.memory_space<hbm>>
        %dma_wait3A_22 = tpu.memref_slice %arg3[%multiple_of3A] : memref<327680xi32, #tpu.memory_space<hbm>> -> memref<128xi32, #tpu.memory_space<hbm>>
        tpu.wait_dma2 semaphore(%run_scoped3A : memref<!tpu.dma_semaphore, #tpu.memory_space<semaphore_mem>>) src(%dma_wait3A_22 : memref<128xi32, #tpu.memory_space<hbm>>) dst(%arg5 : memref<128xi32, #tpu.memory_space<vmem>>)
        tpu.yield
      }) : () -> ()
      %dma_start3A = arith.constant 0 : i32
      %dma_start3A_14 = arith.constant 0 : i32
      %dma_start3A_15 = tpu.memref_slice %arg2[%dma_start3A, %dma_start3A_14] : memref<10240x256xf32, #tpu.memory_space<hbm>> -> memref<10240x256xf32, #tpu.memory_space<hbm>>
      tpu.enqueue_indirect_dma source(%dma_start3A_15 : memref<10240x256xf32, #tpu.memory_space<hbm>>) target(%arg6 : memref<128x256xf32, #tpu.memory_space<vmem>>) offsets(%arg5 : memref<128xi32, #tpu.memory_space<vmem>>) semaphore(%arg7 : memref<!tpu.dma_semaphore, #tpu.memory_space<semaphore_mem>>)
      %dma_wait3A = arith.constant 0 : i32
      %dma_wait3A_16 = arith.constant 0 : i32
      %dma_wait3A_17 = tpu.memref_slice %arg2[%dma_wait3A, %dma_wait3A_16] : memref<10240x256xf32, #tpu.memory_space<hbm>> -> memref<10240x256xf32, #tpu.memory_space<hbm>>
      tpu.wait_indirect_dma semaphore(%arg7 : memref<!tpu.dma_semaphore, #tpu.memory_space<semaphore_mem>>) src(%dma_wait3A_17 : memref<10240x256xf32, #tpu.memory_space<hbm>>) dst(%arg6 : memref<128x256xf32, #tpu.memory_space<vmem>>)
      "tpu.region"() ({
        %run_scoped3A = tpu.sem_alloc : memref<!tpu.dma_semaphore, #tpu.memory_space<semaphore_mem>>
        %dma_start3A_19 = arith.constant 0 : i32
        %dma_start3A_20 = tpu.memref_slice %arg4[%multiple_of3A, %dma_start3A_19] : memref<327680x256xf32, #tpu.memory_space<hbm>> -> memref<128x256xf32, #tpu.memory_space<hbm>>
        %dma_start3A_21 = arith.constant 0 : i32
        %dma_start3A_22 = tpu.memref_slice %arg4[%multiple_of3A, %dma_start3A_21] : memref<327680x256xf32, #tpu.memory_space<hbm>> -> memref<128x256xf32, #tpu.memory_space<hbm>>
        tpu.enqueue_dma source(%arg6 : memref<128x256xf32, #tpu.memory_space<vmem>>) target(%dma_start3A_22 : memref<128x256xf32, #tpu.memory_space<hbm>>) target_semaphore(%run_scoped3A : memref<!tpu.dma_semaphore, #tpu.memory_space<semaphore_mem>>)
        %dma_wait3A_23 = arith.constant 0 : i32
        %dma_wait3A_24 = tpu.memref_slice %arg4[%multiple_of3A, %dma_wait3A_23] : memref<327680x256xf32, #tpu.memory_space<hbm>> -> memref<128x256xf32, #tpu.memory_space<hbm>>
        %dma_wait3A_25 = arith.constant 0 : i32
        %dma_wait3A_26 = tpu.memref_slice %arg4[%multiple_of3A, %dma_wait3A_25] : memref<327680x256xf32, #tpu.memory_space<hbm>> -> memref<128x256xf32, #tpu.memory_space<hbm>>
        tpu.wait_dma2 semaphore(%run_scoped3A : memref<!tpu.dma_semaphore, #tpu.memory_space<semaphore_mem>>) src(%arg6 : memref<128x256xf32, #tpu.memory_space<vmem>>) dst(%dma_wait3A_26 : memref<128x256xf32, #tpu.memory_space<hbm>>)
        tpu.yield
      }) : () -> ()
      %scan3A_18 = arith.constant 0 : i32
      scf.yield %scan3A_18 : i32
    }
    %scan3A_8 = arith.constant 80 : i32
    return
  }
}

#map = affine_map<(d0, d1) -> (0, 0)>
#map1 = affine_map<(d0, d1) -> (0)>
module attributes {stable_mosaic.version = 14 : i64} {
  func.func @k(%arg0: i32, %arg1: i32, %arg2: memref<327680x128xf32, #tpu.memory_space<hbm>>, %arg3: memref<655360xi32, #tpu.memory_space<hbm>>, %arg4: memref<10240x128xf32, #tpu.memory_space<hbm>>, %arg5: memref<128xi32, #tpu.memory_space<vmem>>, %arg6: memref<128x128xf32, #tpu.memory_space<vmem>>, %arg7: memref<64x128xf32, #tpu.memory_space<vmem>>, %arg8: memref<6144x128xf32, #tpu.memory_space<vmem_shared>>) attributes {dimension_semantics = [#tpu.dimension_semantics<core_parallel>, #tpu.dimension_semantics<subcore_parallel>], iteration_bounds = array<i64: 2, 16>, scalar_prefetch = 0 : i64, scratch_operands = 4 : i64, tpu.core_type = #tpu.core_type<sc_vector_subcore>, window_params = [{transform_indices = #map}, {transform_indices = #map1}, {transform_indices = #map}]} {
    %scan3A = arith.constant 0 : i32
    %scan3A_0 = arith.constant 0 : i32
    %scan3A_1 = arith.constant 64 : i32
    %scan3A_2 = arith.addi %scan3A_0, %scan3A_1 : i32
    %scan3A_3 = arith.constant 1 : i32
    %scan3A_4 = scf.for %scan3A_77 = %scan3A_0 to %scan3A_2 step %scan3A_3 iter_args(%scan3A_78 = %scan3A) -> (i32)  : i32 {
      %broadcast_in_dim3A = arith.constant 0.000000e+00 : f32
      %broadcast_in_dim3A_79 = vector.broadcast %broadcast_in_dim3A : f32 to vector<16xf32>
      %swap3A = arith.index_cast %scan3A_77 : i32 to index
      %swap3A_80 = arith.constant 0 : index
      %swap3A_81 = tpu.vector_load %arg7[%swap3A, %swap3A_80] {strides = array<i32>} : memref<64x128xf32, #tpu.memory_space<vmem>>, vector<1x16xf32>,
      %swap3A_82 = vector.shape_cast %swap3A_81 : vector<1x16xf32> to vector<16xf32>
      %swap3A_83 = vector.shape_cast %broadcast_in_dim3A_79 : vector<16xf32> to vector<1x16xf32>
      tpu.vector_store %arg7[%swap3A, %swap3A_80], %swap3A_83 {strides = array<i32>} : memref<64x128xf32, #tpu.memory_space<vmem>>, vector<1x16xf32>,
      %broadcast_in_dim3A_84 = arith.constant 0.000000e+00 : f32
      %broadcast_in_dim3A_85 = vector.broadcast %broadcast_in_dim3A_84 : f32 to vector<16xf32>
      %swap3A_86 = arith.index_cast %scan3A_77 : i32 to index
      %swap3A_87 = arith.constant 16 : index
      %swap3A_88 = tpu.vector_load %arg7[%swap3A_86, %swap3A_87] {strides = array<i32>} : memref<64x128xf32, #tpu.memory_space<vmem>>, vector<1x16xf32>,
      %swap3A_89 = vector.shape_cast %swap3A_88 : vector<1x16xf32> to vector<16xf32>
      %swap3A_90 = vector.shape_cast %broadcast_in_dim3A_85 : vector<16xf32> to vector<1x16xf32>
      tpu.vector_store %arg7[%swap3A_86, %swap3A_87], %swap3A_90 {strides = array<i32>} : memref<64x128xf32, #tpu.memory_space<vmem>>, vector<1x16xf32>,
      %broadcast_in_dim3A_91 = arith.constant 0.000000e+00 : f32
      %broadcast_in_dim3A_92 = vector.broadcast %broadcast_in_dim3A_91 : f32 to vector<16xf32>
      %swap3A_93 = arith.index_cast %scan3A_77 : i32 to index
      %swap3A_94 = arith.constant 32 : index
      %swap3A_95 = tpu.vector_load %arg7[%swap3A_93, %swap3A_94] {strides = array<i32>} : memref<64x128xf32, #tpu.memory_space<vmem>>, vector<1x16xf32>,
      %swap3A_96 = vector.shape_cast %swap3A_95 : vector<1x16xf32> to vector<16xf32>
      %swap3A_97 = vector.shape_cast %broadcast_in_dim3A_92 : vector<16xf32> to vector<1x16xf32>
      tpu.vector_store %arg7[%swap3A_93, %swap3A_94], %swap3A_97 {strides = array<i32>} : memref<64x128xf32, #tpu.memory_space<vmem>>, vector<1x16xf32>,
      %broadcast_in_dim3A_98 = arith.constant 0.000000e+00 : f32
      %broadcast_in_dim3A_99 = vector.broadcast %broadcast_in_dim3A_98 : f32 to vector<16xf32>
      %swap3A_100 = arith.index_cast %scan3A_77 : i32 to index
      %swap3A_101 = arith.constant 48 : index
      %swap3A_102 = tpu.vector_load %arg7[%swap3A_100, %swap3A_101] {strides = array<i32>} : memref<64x128xf32, #tpu.memory_space<vmem>>, vector<1x16xf32>,
      %swap3A_103 = vector.shape_cast %swap3A_102 : vector<1x16xf32> to vector<16xf32>
      %swap3A_104 = vector.shape_cast %broadcast_in_dim3A_99 : vector<16xf32> to vector<1x16xf32>
      tpu.vector_store %arg7[%swap3A_100, %swap3A_101], %swap3A_104 {strides = array<i32>} : memref<64x128xf32, #tpu.memory_space<vmem>>, vector<1x16xf32>,
      %broadcast_in_dim3A_105 = arith.constant 0.000000e+00 : f32
      %broadcast_in_dim3A_106 = vector.broadcast %broadcast_in_dim3A_105 : f32 to vector<16xf32>
      %swap3A_107 = arith.index_cast %scan3A_77 : i32 to index
      %swap3A_108 = arith.constant 64 : index
      %swap3A_109 = tpu.vector_load %arg7[%swap3A_107, %swap3A_108] {strides = array<i32>} : memref<64x128xf32, #tpu.memory_space<vmem>>, vector<1x16xf32>,
      %swap3A_110 = vector.shape_cast %swap3A_109 : vector<1x16xf32> to vector<16xf32>
      %swap3A_111 = vector.shape_cast %broadcast_in_dim3A_106 : vector<16xf32> to vector<1x16xf32>
      tpu.vector_store %arg7[%swap3A_107, %swap3A_108], %swap3A_111 {strides = array<i32>} : memref<64x128xf32, #tpu.memory_space<vmem>>, vector<1x16xf32>,
      %broadcast_in_dim3A_112 = arith.constant 0.000000e+00 : f32
      %broadcast_in_dim3A_113 = vector.broadcast %broadcast_in_dim3A_112 : f32 to vector<16xf32>
      %swap3A_114 = arith.index_cast %scan3A_77 : i32 to index
      %swap3A_115 = arith.constant 80 : index
      %swap3A_116 = tpu.vector_load %arg7[%swap3A_114, %swap3A_115] {strides = array<i32>} : memref<64x128xf32, #tpu.memory_space<vmem>>, vector<1x16xf32>,
      %swap3A_117 = vector.shape_cast %swap3A_116 : vector<1x16xf32> to vector<16xf32>
      %swap3A_118 = vector.shape_cast %broadcast_in_dim3A_113 : vector<16xf32> to vector<1x16xf32>
      tpu.vector_store %arg7[%swap3A_114, %swap3A_115], %swap3A_118 {strides = array<i32>} : memref<64x128xf32, #tpu.memory_space<vmem>>, vector<1x16xf32>,
      %broadcast_in_dim3A_119 = arith.constant 0.000000e+00 : f32
      %broadcast_in_dim3A_120 = vector.broadcast %broadcast_in_dim3A_119 : f32 to vector<16xf32>
      %swap3A_121 = arith.index_cast %scan3A_77 : i32 to index
      %swap3A_122 = arith.constant 96 : index
      %swap3A_123 = tpu.vector_load %arg7[%swap3A_121, %swap3A_122] {strides = array<i32>} : memref<64x128xf32, #tpu.memory_space<vmem>>, vector<1x16xf32>,
      %swap3A_124 = vector.shape_cast %swap3A_123 : vector<1x16xf32> to vector<16xf32>
      %swap3A_125 = vector.shape_cast %broadcast_in_dim3A_120 : vector<16xf32> to vector<1x16xf32>
      tpu.vector_store %arg7[%swap3A_121, %swap3A_122], %swap3A_125 {strides = array<i32>} : memref<64x128xf32, #tpu.memory_space<vmem>>, vector<1x16xf32>,
      %broadcast_in_dim3A_126 = arith.constant 0.000000e+00 : f32
      %broadcast_in_dim3A_127 = vector.broadcast %broadcast_in_dim3A_126 : f32 to vector<16xf32>
      %swap3A_128 = arith.index_cast %scan3A_77 : i32 to index
      %swap3A_129 = arith.constant 112 : index
      %swap3A_130 = tpu.vector_load %arg7[%swap3A_128, %swap3A_129] {strides = array<i32>} : memref<64x128xf32, #tpu.memory_space<vmem>>, vector<1x16xf32>,
      %swap3A_131 = vector.shape_cast %swap3A_130 : vector<1x16xf32> to vector<16xf32>
      %swap3A_132 = vector.shape_cast %broadcast_in_dim3A_127 : vector<16xf32> to vector<1x16xf32>
      tpu.vector_store %arg7[%swap3A_128, %swap3A_129], %swap3A_132 {strides = array<i32>} : memref<64x128xf32, #tpu.memory_space<vmem>>, vector<1x16xf32>,
      %scan3A_133 = arith.constant 0 : i32
      scf.yield %scan3A_133 : i32
    }
    %scan3A_5 = arith.constant 64 : i32
    %mul3A = arith.constant 384 : i32
    %mul3A_6 = arith.muli %arg1, %mul3A : i32
    %add3A = arith.constant 0 : i32
    %add3A_7 = arith.addi %mul3A_6, %add3A : i32
    "tpu.region"() ({
      %run_scoped3A = tpu.sem_alloc : memref<!tpu.dma_semaphore, #tpu.memory_space<semaphore_mem>>
      %dma_start3A = arith.constant 0 : i32
      %dma_start3A_77 = tpu.memref_slice %arg8[%add3A_7, %dma_start3A] : memref<6144x128xf32, #tpu.memory_space<vmem_shared>> -> memref<64x128xf32, #tpu.memory_space<vmem_shared>>
      %dma_start3A_78 = arith.constant 0 : i32
      %dma_start3A_79 = tpu.memref_slice %arg8[%add3A_7, %dma_start3A_78] : memref<6144x128xf32, #tpu.memory_space<vmem_shared>> -> memref<64x128xf32, #tpu.memory_space<vmem_shared>>
      tpu.enqueue_dma source(%arg7 : memref<64x128xf32, #tpu.memory_space<vmem>>) target(%dma_start3A_79 : memref<64x128xf32, #tpu.memory_space<vmem_shared>>) target_semaphore(%run_scoped3A : memref<!tpu.dma_semaphore, #tpu.memory_space<semaphore_mem>>)
      %dma_wait3A = arith.constant 0 : i32
      %dma_wait3A_80 = tpu.memref_slice %arg8[%add3A_7, %dma_wait3A] : memref<6144x128xf32, #tpu.memory_space<vmem_shared>> -> memref<64x128xf32, #tpu.memory_space<vmem_shared>>
      %dma_wait3A_81 = arith.constant 0 : i32
      %dma_wait3A_82 = tpu.memref_slice %arg8[%add3A_7, %dma_wait3A_81] : memref<6144x128xf32, #tpu.memory_space<vmem_shared>> -> memref<64x128xf32, #tpu.memory_space<vmem_shared>>
      tpu.wait_dma2 semaphore(%run_scoped3A : memref<!tpu.dma_semaphore, #tpu.memory_space<semaphore_mem>>) src(%arg7 : memref<64x128xf32, #tpu.memory_space<vmem>>) dst(%dma_wait3A_82 : memref<64x128xf32, #tpu.memory_space<vmem_shared>>)
      tpu.yield
    }) : () -> ()
    %mul3A_8 = arith.constant 384 : i32
    %mul3A_9 = arith.muli %arg1, %mul3A_8 : i32
    %add3A_10 = arith.constant 64 : i32
    %add3A_11 = arith.addi %mul3A_9, %add3A_10 : i32
    "tpu.region"() ({
      %run_scoped3A = tpu.sem_alloc : memref<!tpu.dma_semaphore, #tpu.memory_space<semaphore_mem>>
      %dma_start3A = arith.constant 0 : i32
      %dma_start3A_77 = tpu.memref_slice %arg8[%add3A_11, %dma_start3A] : memref<6144x128xf32, #tpu.memory_space<vmem_shared>> -> memref<64x128xf32, #tpu.memory_space<vmem_shared>>
      %dma_start3A_78 = arith.constant 0 : i32
      %dma_start3A_79 = tpu.memref_slice %arg8[%add3A_11, %dma_start3A_78] : memref<6144x128xf32, #tpu.memory_space<vmem_shared>> -> memref<64x128xf32, #tpu.memory_space<vmem_shared>>
      tpu.enqueue_dma source(%arg7 : memref<64x128xf32, #tpu.memory_space<vmem>>) target(%dma_start3A_79 : memref<64x128xf32, #tpu.memory_space<vmem_shared>>) target_semaphore(%run_scoped3A : memref<!tpu.dma_semaphore, #tpu.memory_space<semaphore_mem>>)
      %dma_wait3A = arith.constant 0 : i32
      %dma_wait3A_80 = tpu.memref_slice %arg8[%add3A_11, %dma_wait3A] : memref<6144x128xf32, #tpu.memory_space<vmem_shared>> -> memref<64x128xf32, #tpu.memory_space<vmem_shared>>
      %dma_wait3A_81 = arith.constant 0 : i32
      %dma_wait3A_82 = tpu.memref_slice %arg8[%add3A_11, %dma_wait3A_81] : memref<6144x128xf32, #tpu.memory_space<vmem_shared>> -> memref<64x128xf32, #tpu.memory_space<vmem_shared>>
      tpu.wait_dma2 semaphore(%run_scoped3A : memref<!tpu.dma_semaphore, #tpu.memory_space<semaphore_mem>>) src(%arg7 : memref<64x128xf32, #tpu.memory_space<vmem>>) dst(%dma_wait3A_82 : memref<64x128xf32, #tpu.memory_space<vmem_shared>>)
      tpu.yield
    }) : () -> ()
    %mul3A_12 = arith.constant 384 : i32
    %mul3A_13 = arith.muli %arg1, %mul3A_12 : i32
    %add3A_14 = arith.constant 128 : i32
    %add3A_15 = arith.addi %mul3A_13, %add3A_14 : i32
    "tpu.region"() ({
      %run_scoped3A = tpu.sem_alloc : memref<!tpu.dma_semaphore, #tpu.memory_space<semaphore_mem>>
      %dma_start3A = arith.constant 0 : i32
      %dma_start3A_77 = tpu.memref_slice %arg8[%add3A_15, %dma_start3A] : memref<6144x128xf32, #tpu.memory_space<vmem_shared>> -> memref<64x128xf32, #tpu.memory_space<vmem_shared>>
      %dma_start3A_78 = arith.constant 0 : i32
      %dma_start3A_79 = tpu.memref_slice %arg8[%add3A_15, %dma_start3A_78] : memref<6144x128xf32, #tpu.memory_space<vmem_shared>> -> memref<64x128xf32, #tpu.memory_space<vmem_shared>>
      tpu.enqueue_dma source(%arg7 : memref<64x128xf32, #tpu.memory_space<vmem>>) target(%dma_start3A_79 : memref<64x128xf32, #tpu.memory_space<vmem_shared>>) target_semaphore(%run_scoped3A : memref<!tpu.dma_semaphore, #tpu.memory_space<semaphore_mem>>)
      %dma_wait3A = arith.constant 0 : i32
      %dma_wait3A_80 = tpu.memref_slice %arg8[%add3A_15, %dma_wait3A] : memref<6144x128xf32, #tpu.memory_space<vmem_shared>> -> memref<64x128xf32, #tpu.memory_space<vmem_shared>>
      %dma_wait3A_81 = arith.constant 0 : i32
      %dma_wait3A_82 = tpu.memref_slice %arg8[%add3A_15, %dma_wait3A_81] : memref<6144x128xf32, #tpu.memory_space<vmem_shared>> -> memref<64x128xf32, #tpu.memory_space<vmem_shared>>
      tpu.wait_dma2 semaphore(%run_scoped3A : memref<!tpu.dma_semaphore, #tpu.memory_space<semaphore_mem>>) src(%arg7 : memref<64x128xf32, #tpu.memory_space<vmem>>) dst(%dma_wait3A_82 : memref<64x128xf32, #tpu.memory_space<vmem_shared>>)
      tpu.yield
    }) : () -> ()
    %mul3A_16 = arith.constant 384 : i32
    %mul3A_17 = arith.muli %arg1, %mul3A_16 : i32
    %add3A_18 = arith.constant 192 : i32
    %add3A_19 = arith.addi %mul3A_17, %add3A_18 : i32
    "tpu.region"() ({
      %run_scoped3A = tpu.sem_alloc : memref<!tpu.dma_semaphore, #tpu.memory_space<semaphore_mem>>
      %dma_start3A = arith.constant 0 : i32
      %dma_start3A_77 = tpu.memref_slice %arg8[%add3A_19, %dma_start3A] : memref<6144x128xf32, #tpu.memory_space<vmem_shared>> -> memref<64x128xf32, #tpu.memory_space<vmem_shared>>
      %dma_start3A_78 = arith.constant 0 : i32
      %dma_start3A_79 = tpu.memref_slice %arg8[%add3A_19, %dma_start3A_78] : memref<6144x128xf32, #tpu.memory_space<vmem_shared>> -> memref<64x128xf32, #tpu.memory_space<vmem_shared>>
      tpu.enqueue_dma source(%arg7 : memref<64x128xf32, #tpu.memory_space<vmem>>) target(%dma_start3A_79 : memref<64x128xf32, #tpu.memory_space<vmem_shared>>) target_semaphore(%run_scoped3A : memref<!tpu.dma_semaphore, #tpu.memory_space<semaphore_mem>>)
      %dma_wait3A = arith.constant 0 : i32
      %dma_wait3A_80 = tpu.memref_slice %arg8[%add3A_19, %dma_wait3A] : memref<6144x128xf32, #tpu.memory_space<vmem_shared>> -> memref<64x128xf32, #tpu.memory_space<vmem_shared>>
      %dma_wait3A_81 = arith.constant 0 : i32
      %dma_wait3A_82 = tpu.memref_slice %arg8[%add3A_19, %dma_wait3A_81] : memref<6144x128xf32, #tpu.memory_space<vmem_shared>> -> memref<64x128xf32, #tpu.memory_space<vmem_shared>>
      tpu.wait_dma2 semaphore(%run_scoped3A : memref<!tpu.dma_semaphore, #tpu.memory_space<semaphore_mem>>) src(%arg7 : memref<64x128xf32, #tpu.memory_space<vmem>>) dst(%dma_wait3A_82 : memref<64x128xf32, #tpu.memory_space<vmem_shared>>)
      tpu.yield
    }) : () -> ()
    %mul3A_20 = arith.constant 384 : i32
    %mul3A_21 = arith.muli %arg1, %mul3A_20 : i32
    %add3A_22 = arith.constant 256 : i32
    %add3A_23 = arith.addi %mul3A_21, %add3A_22 : i32
    "tpu.region"() ({
      %run_scoped3A = tpu.sem_alloc : memref<!tpu.dma_semaphore, #tpu.memory_space<semaphore_mem>>
      %dma_start3A = arith.constant 0 : i32
      %dma_start3A_77 = tpu.memref_slice %arg8[%add3A_23, %dma_start3A] : memref<6144x128xf32, #tpu.memory_space<vmem_shared>> -> memref<64x128xf32, #tpu.memory_space<vmem_shared>>
      %dma_start3A_78 = arith.constant 0 : i32
      %dma_start3A_79 = tpu.memref_slice %arg8[%add3A_23, %dma_start3A_78] : memref<6144x128xf32, #tpu.memory_space<vmem_shared>> -> memref<64x128xf32, #tpu.memory_space<vmem_shared>>
      tpu.enqueue_dma source(%arg7 : memref<64x128xf32, #tpu.memory_space<vmem>>) target(%dma_start3A_79 : memref<64x128xf32, #tpu.memory_space<vmem_shared>>) target_semaphore(%run_scoped3A : memref<!tpu.dma_semaphore, #tpu.memory_space<semaphore_mem>>)
      %dma_wait3A = arith.constant 0 : i32
      %dma_wait3A_80 = tpu.memref_slice %arg8[%add3A_23, %dma_wait3A] : memref<6144x128xf32, #tpu.memory_space<vmem_shared>> -> memref<64x128xf32, #tpu.memory_space<vmem_shared>>
      %dma_wait3A_81 = arith.constant 0 : i32
      %dma_wait3A_82 = tpu.memref_slice %arg8[%add3A_23, %dma_wait3A_81] : memref<6144x128xf32, #tpu.memory_space<vmem_shared>> -> memref<64x128xf32, #tpu.memory_space<vmem_shared>>
      tpu.wait_dma2 semaphore(%run_scoped3A : memref<!tpu.dma_semaphore, #tpu.memory_space<semaphore_mem>>) src(%arg7 : memref<64x128xf32, #tpu.memory_space<vmem>>) dst(%dma_wait3A_82 : memref<64x128xf32, #tpu.memory_space<vmem_shared>>)
      tpu.yield
    }) : () -> ()
    %mul3A_24 = arith.constant 384 : i32
    %mul3A_25 = arith.muli %arg1, %mul3A_24 : i32
    %add3A_26 = arith.constant 320 : i32
    %add3A_27 = arith.addi %mul3A_25, %add3A_26 : i32
    "tpu.region"() ({
      %run_scoped3A = tpu.sem_alloc : memref<!tpu.dma_semaphore, #tpu.memory_space<semaphore_mem>>
      %dma_start3A = arith.constant 0 : i32
      %dma_start3A_77 = tpu.memref_slice %arg8[%add3A_27, %dma_start3A] : memref<6144x128xf32, #tpu.memory_space<vmem_shared>> -> memref<64x128xf32, #tpu.memory_space<vmem_shared>>
      %dma_start3A_78 = arith.constant 0 : i32
      %dma_start3A_79 = tpu.memref_slice %arg8[%add3A_27, %dma_start3A_78] : memref<6144x128xf32, #tpu.memory_space<vmem_shared>> -> memref<64x128xf32, #tpu.memory_space<vmem_shared>>
      tpu.enqueue_dma source(%arg7 : memref<64x128xf32, #tpu.memory_space<vmem>>) target(%dma_start3A_79 : memref<64x128xf32, #tpu.memory_space<vmem_shared>>) target_semaphore(%run_scoped3A : memref<!tpu.dma_semaphore, #tpu.memory_space<semaphore_mem>>)
      %dma_wait3A = arith.constant 0 : i32
      %dma_wait3A_80 = tpu.memref_slice %arg8[%add3A_27, %dma_wait3A] : memref<6144x128xf32, #tpu.memory_space<vmem_shared>> -> memref<64x128xf32, #tpu.memory_space<vmem_shared>>
      %dma_wait3A_81 = arith.constant 0 : i32
      %dma_wait3A_82 = tpu.memref_slice %arg8[%add3A_27, %dma_wait3A_81] : memref<6144x128xf32, #tpu.memory_space<vmem_shared>> -> memref<64x128xf32, #tpu.memory_space<vmem_shared>>
      tpu.wait_dma2 semaphore(%run_scoped3A : memref<!tpu.dma_semaphore, #tpu.memory_space<semaphore_mem>>) src(%arg7 : memref<64x128xf32, #tpu.memory_space<vmem>>) dst(%dma_wait3A_82 : memref<64x128xf32, #tpu.memory_space<vmem_shared>>)
      tpu.yield
    }) : () -> ()
    %barrier3A = arith.constant 0 : index
    tpu.barrier barrier_id(%barrier3A)
    %mul3A_28 = arith.constant 20480 : i32
    %mul3A_29 = arith.muli %arg1, %mul3A_28 : i32
    %scan3A_30 = arith.constant 0 : i32
    %scan3A_31 = arith.constant 0 : i32
    %scan3A_32 = arith.constant 160 : i32
    %scan3A_33 = arith.addi %scan3A_31, %scan3A_32 : i32
    %scan3A_34 = arith.constant 1 : i32
    %scan3A_35 = scf.for %scan3A_77 = %scan3A_31 to %scan3A_33 step %scan3A_34 iter_args(%scan3A_78 = %scan3A_30) -> (i32)  : i32 {
      %mul3A_79 = arith.constant 128 : i32
      %mul3A_80 = arith.muli %scan3A_77, %mul3A_79 : i32
      %add3A_81 = arith.addi %mul3A_29, %mul3A_80 : i32
      %multiple_of3A_82 = tpu.assume_multiple %add3A_81, 128 : i32
      %mul3A_83 = arith.constant 327680 : i32
      %mul3A_84 = arith.muli %arg0, %mul3A_83 : i32
      %add3A_85 = arith.addi %mul3A_84, %multiple_of3A_82 : i32
      %multiple_of3A_86 = tpu.assume_multiple %add3A_85, 128 : i32
      "tpu.region"() ({
        %run_scoped3A = tpu.sem_alloc : memref<!tpu.dma_semaphore, #tpu.memory_space<semaphore_mem>>
        %dma_start3A = tpu.memref_slice %arg3[%multiple_of3A_86] : memref<655360xi32, #tpu.memory_space<hbm>> -> memref<128xi32, #tpu.memory_space<hbm>>
        %dma_start3A_88 = tpu.memref_slice %arg3[%multiple_of3A_86] : memref<655360xi32, #tpu.memory_space<hbm>> -> memref<128xi32, #tpu.memory_space<hbm>>
        tpu.enqueue_dma source(%dma_start3A_88 : memref<128xi32, #tpu.memory_space<hbm>>) target(%arg5 : memref<128xi32, #tpu.memory_space<vmem>>) target_semaphore(%run_scoped3A : memref<!tpu.dma_semaphore, #tpu.memory_space<semaphore_mem>>)
        %dma_wait3A = tpu.memref_slice %arg3[%multiple_of3A_86] : memref<655360xi32, #tpu.memory_space<hbm>> -> memref<128xi32, #tpu.memory_space<hbm>>
        %dma_wait3A_89 = tpu.memref_slice %arg3[%multiple_of3A_86] : memref<655360xi32, #tpu.memory_space<hbm>> -> memref<128xi32, #tpu.memory_space<hbm>>
        tpu.wait_dma2 semaphore(%run_scoped3A : memref<!tpu.dma_semaphore, #tpu.memory_space<semaphore_mem>>) src(%dma_wait3A_89 : memref<128xi32, #tpu.memory_space<hbm>>) dst(%arg5 : memref<128xi32, #tpu.memory_space<vmem>>)
        tpu.yield
      }) : () -> ()
      "tpu.region"() ({
        %run_scoped3A = tpu.sem_alloc : memref<!tpu.dma_semaphore, #tpu.memory_space<semaphore_mem>>
        %dma_start3A = arith.constant 0 : i32
        %dma_start3A_88 = tpu.memref_slice %arg2[%multiple_of3A_82, %dma_start3A] : memref<327680x128xf32, #tpu.memory_space<hbm>> -> memref<128x128xf32, #tpu.memory_space<hbm>>
        %dma_start3A_89 = arith.constant 0 : i32
        %dma_start3A_90 = tpu.memref_slice %arg2[%multiple_of3A_82, %dma_start3A_89] : memref<327680x128xf32, #tpu.memory_space<hbm>> -> memref<128x128xf32, #tpu.memory_space<hbm>>
        tpu.enqueue_dma source(%dma_start3A_90 : memref<128x128xf32, #tpu.memory_space<hbm>>) target(%arg6 : memref<128x128xf32, #tpu.memory_space<vmem>>) target_semaphore(%run_scoped3A : memref<!tpu.dma_semaphore, #tpu.memory_space<semaphore_mem>>)
        %dma_wait3A = arith.constant 0 : i32
        %dma_wait3A_91 = tpu.memref_slice %arg2[%multiple_of3A_82, %dma_wait3A] : memref<327680x128xf32, #tpu.memory_space<hbm>> -> memref<128x128xf32, #tpu.memory_space<hbm>>
        %dma_wait3A_92 = arith.constant 0 : i32
        %dma_wait3A_93 = tpu.memref_slice %arg2[%multiple_of3A_82, %dma_wait3A_92] : memref<327680x128xf32, #tpu.memory_space<hbm>> -> memref<128x128xf32, #tpu.memory_space<hbm>>
        tpu.wait_dma2 semaphore(%run_scoped3A : memref<!tpu.dma_semaphore, #tpu.memory_space<semaphore_mem>>) src(%dma_wait3A_93 : memref<128x128xf32, #tpu.memory_space<hbm>>) dst(%arg6 : memref<128x128xf32, #tpu.memory_space<vmem>>)
        tpu.yield
      }) : () -> ()
      "tpu.region"() ({
        %run_scoped3A = tpu.sem_alloc : memref<!tpu.dma_semaphore, #tpu.memory_space<semaphore_mem>>
        %dma_start3A = arith.constant 0 : i32
        %dma_start3A_88 = arith.constant 0 : i32
        %dma_start3A_89 = tpu.memref_slice %arg8[%dma_start3A, %dma_start3A_88] : memref<6144x128xf32, #tpu.memory_space<vmem_shared>> -> memref<6144x128xf32, #tpu.memory_space<vmem_shared>>
        tpu.enqueue_indirect_dma source(%arg6 : memref<128x128xf32, #tpu.memory_space<vmem>>) target(%dma_start3A_89 : memref<6144x128xf32, #tpu.memory_space<vmem_shared>>) offsets(%arg5 : memref<128xi32, #tpu.memory_space<vmem>>) semaphore(%run_scoped3A : memref<!tpu.dma_semaphore, #tpu.memory_space<semaphore_mem>>) {add = true}
        %dma_wait3A = arith.constant 0 : i32
        %dma_wait3A_90 = arith.constant 0 : i32
        %dma_wait3A_91 = tpu.memref_slice %arg8[%dma_wait3A, %dma_wait3A_90] : memref<6144x128xf32, #tpu.memory_space<vmem_shared>> -> memref<6144x128xf32, #tpu.memory_space<vmem_shared>>
        tpu.wait_indirect_dma semaphore(%run_scoped3A : memref<!tpu.dma_semaphore, #tpu.memory_space<semaphore_mem>>) src(%arg6 : memref<128x128xf32, #tpu.memory_space<vmem>>) dst(%dma_wait3A_91 : memref<6144x128xf32, #tpu.memory_space<vmem_shared>>)
        tpu.yield
      }) : () -> ()
      %scan3A_87 = arith.constant 0 : i32
      scf.yield %scan3A_87 : i32
    }
    %scan3A_36 = arith.constant 160 : i32
    %barrier3A_37 = arith.constant 0 : index
    tpu.barrier barrier_id(%barrier3A_37)
    %mul3A_38 = arith.constant 320 : i32
    %mul3A_39 = arith.muli %arg1, %mul3A_38 : i32
    %add3A_40 = arith.constant 0 : i32
    %add3A_41 = arith.addi %mul3A_39, %add3A_40 : i32
    "tpu.region"() ({
      %run_scoped3A = tpu.sem_alloc : memref<!tpu.dma_semaphore, #tpu.memory_space<semaphore_mem>>
      %dma_start3A = arith.constant 0 : i32
      %dma_start3A_77 = tpu.memref_slice %arg8[%add3A_41, %dma_start3A] : memref<6144x128xf32, #tpu.memory_space<vmem_shared>> -> memref<64x128xf32, #tpu.memory_space<vmem_shared>>
      %dma_start3A_78 = arith.constant 0 : i32
      %dma_start3A_79 = tpu.memref_slice %arg8[%add3A_41, %dma_start3A_78] : memref<6144x128xf32, #tpu.memory_space<vmem_shared>> -> memref<64x128xf32, #tpu.memory_space<vmem_shared>>
      tpu.enqueue_dma source(%dma_start3A_79 : memref<64x128xf32, #tpu.memory_space<vmem_shared>>) target(%arg7 : memref<64x128xf32, #tpu.memory_space<vmem>>) target_semaphore(%run_scoped3A : memref<!tpu.dma_semaphore, #tpu.memory_space<semaphore_mem>>)
      %dma_wait3A = arith.constant 0 : i32
      %dma_wait3A_80 = tpu.memref_slice %arg8[%add3A_41, %dma_wait3A] : memref<6144x128xf32, #tpu.memory_space<vmem_shared>> -> memref<64x128xf32, #tpu.memory_space<vmem_shared>>
      %dma_wait3A_81 = arith.constant 0 : i32
      %dma_wait3A_82 = tpu.memref_slice %arg8[%add3A_41, %dma_wait3A_81] : memref<6144x128xf32, #tpu.memory_space<vmem_shared>> -> memref<64x128xf32, #tpu.memory_space<vmem_shared>>
      tpu.wait_dma2 semaphore(%run_scoped3A : memref<!tpu.dma_semaphore, #tpu.memory_space<semaphore_mem>>) src(%dma_wait3A_82 : memref<64x128xf32, #tpu.memory_space<vmem_shared>>) dst(%arg7 : memref<64x128xf32, #tpu.memory_space<vmem>>)
      tpu.yield
    }) : () -> ()
    %mul3A_42 = arith.constant 5120 : i32
    %mul3A_43 = arith.muli %arg0, %mul3A_42 : i32
    %add3A_44 = arith.addi %mul3A_43, %add3A_41 : i32
    %multiple_of3A = tpu.assume_multiple %add3A_44, 64 : i32
    "tpu.region"() ({
      %run_scoped3A = tpu.sem_alloc : memref<!tpu.dma_semaphore, #tpu.memory_space<semaphore_mem>>
      %dma_start3A = arith.constant 0 : i32
      %dma_start3A_77 = tpu.memref_slice %arg4[%multiple_of3A, %dma_start3A] : memref<10240x128xf32, #tpu.memory_space<hbm>> -> memref<64x128xf32, #tpu.memory_space<hbm>>
      %dma_start3A_78 = arith.constant 0 : i32
      %dma_start3A_79 = tpu.memref_slice %arg4[%multiple_of3A, %dma_start3A_78] : memref<10240x128xf32, #tpu.memory_space<hbm>> -> memref<64x128xf32, #tpu.memory_space<hbm>>
      tpu.enqueue_dma source(%arg7 : memref<64x128xf32, #tpu.memory_space<vmem>>) target(%dma_start3A_79 : memref<64x128xf32, #tpu.memory_space<hbm>>) target_semaphore(%run_scoped3A : memref<!tpu.dma_semaphore, #tpu.memory_space<semaphore_mem>>)
      %dma_wait3A = arith.constant 0 : i32
      %dma_wait3A_80 = tpu.memref_slice %arg4[%multiple_of3A, %dma_wait3A] : memref<10240x128xf32, #tpu.memory_space<hbm>> -> memref<64x128xf32, #tpu.memory_space<hbm>>
      %dma_wait3A_81 = arith.constant 0 : i32
      %dma_wait3A_82 = tpu.memref_slice %arg4[%multiple_of3A, %dma_wait3A_81] : memref<10240x128xf32, #tpu.memory_space<hbm>> -> memref<64x128xf32, #tpu.memory_space<hbm>>
      tpu.wait_dma2 semaphore(%run_scoped3A : memref<!tpu.dma_semaphore, #tpu.memory_space<semaphore_mem>>) src(%arg7 : memref<64x128xf32, #tpu.memory_space<vmem>>) dst(%dma_wait3A_82 : memref<64x128xf32, #tpu.memory_space<hbm>>)
      tpu.yield
    }) : () -> ()
    %mul3A_45 = arith.constant 320 : i32
    %mul3A_46 = arith.muli %arg1, %mul3A_45 : i32
    %add3A_47 = arith.constant 64 : i32
    %add3A_48 = arith.addi %mul3A_46, %add3A_47 : i32
    "tpu.region"() ({
      %run_scoped3A = tpu.sem_alloc : memref<!tpu.dma_semaphore, #tpu.memory_space<semaphore_mem>>
      %dma_start3A = arith.constant 0 : i32
      %dma_start3A_77 = tpu.memref_slice %arg8[%add3A_48, %dma_start3A] : memref<6144x128xf32, #tpu.memory_space<vmem_shared>> -> memref<64x128xf32, #tpu.memory_space<vmem_shared>>
      %dma_start3A_78 = arith.constant 0 : i32
      %dma_start3A_79 = tpu.memref_slice %arg8[%add3A_48, %dma_start3A_78] : memref<6144x128xf32, #tpu.memory_space<vmem_shared>> -> memref<64x128xf32, #tpu.memory_space<vmem_shared>>
      tpu.enqueue_dma source(%dma_start3A_79 : memref<64x128xf32, #tpu.memory_space<vmem_shared>>) target(%arg7 : memref<64x128xf32, #tpu.memory_space<vmem>>) target_semaphore(%run_scoped3A : memref<!tpu.dma_semaphore, #tpu.memory_space<semaphore_mem>>)
      %dma_wait3A = arith.constant 0 : i32
      %dma_wait3A_80 = tpu.memref_slice %arg8[%add3A_48, %dma_wait3A] : memref<6144x128xf32, #tpu.memory_space<vmem_shared>> -> memref<64x128xf32, #tpu.memory_space<vmem_shared>>
      %dma_wait3A_81 = arith.constant 0 : i32
      %dma_wait3A_82 = tpu.memref_slice %arg8[%add3A_48, %dma_wait3A_81] : memref<6144x128xf32, #tpu.memory_space<vmem_shared>> -> memref<64x128xf32, #tpu.memory_space<vmem_shared>>
      tpu.wait_dma2 semaphore(%run_scoped3A : memref<!tpu.dma_semaphore, #tpu.memory_space<semaphore_mem>>) src(%dma_wait3A_82 : memref<64x128xf32, #tpu.memory_space<vmem_shared>>) dst(%arg7 : memref<64x128xf32, #tpu.memory_space<vmem>>)
      tpu.yield
    }) : () -> ()
    %mul3A_49 = arith.constant 5120 : i32
    %mul3A_50 = arith.muli %arg0, %mul3A_49 : i32
    %add3A_51 = arith.addi %mul3A_50, %add3A_48 : i32
    %multiple_of3A_52 = tpu.assume_multiple %add3A_51, 64 : i32
    "tpu.region"() ({
      %run_scoped3A = tpu.sem_alloc : memref<!tpu.dma_semaphore, #tpu.memory_space<semaphore_mem>>
      %dma_start3A = arith.constant 0 : i32
      %dma_start3A_77 = tpu.memref_slice %arg4[%multiple_of3A_52, %dma_start3A] : memref<10240x128xf32, #tpu.memory_space<hbm>> -> memref<64x128xf32, #tpu.memory_space<hbm>>
      %dma_start3A_78 = arith.constant 0 : i32
      %dma_start3A_79 = tpu.memref_slice %arg4[%multiple_of3A_52, %dma_start3A_78] : memref<10240x128xf32, #tpu.memory_space<hbm>> -> memref<64x128xf32, #tpu.memory_space<hbm>>
      tpu.enqueue_dma source(%arg7 : memref<64x128xf32, #tpu.memory_space<vmem>>) target(%dma_start3A_79 : memref<64x128xf32, #tpu.memory_space<hbm>>) target_semaphore(%run_scoped3A : memref<!tpu.dma_semaphore, #tpu.memory_space<semaphore_mem>>)
      %dma_wait3A = arith.constant 0 : i32
      %dma_wait3A_80 = tpu.memref_slice %arg4[%multiple_of3A_52, %dma_wait3A] : memref<10240x128xf32, #tpu.memory_space<hbm>> -> memref<64x128xf32, #tpu.memory_space<hbm>>
      %dma_wait3A_81 = arith.constant 0 : i32
      %dma_wait3A_82 = tpu.memref_slice %arg4[%multiple_of3A_52, %dma_wait3A_81] : memref<10240x128xf32, #tpu.memory_space<hbm>> -> memref<64x128xf32, #tpu.memory_space<hbm>>
      tpu.wait_dma2 semaphore(%run_scoped3A : memref<!tpu.dma_semaphore, #tpu.memory_space<semaphore_mem>>) src(%arg7 : memref<64x128xf32, #tpu.memory_space<vmem>>) dst(%dma_wait3A_82 : memref<64x128xf32, #tpu.memory_space<hbm>>)
      tpu.yield
    }) : () -> ()
    %mul3A_53 = arith.constant 320 : i32
    %mul3A_54 = arith.muli %arg1, %mul3A_53 : i32
    %add3A_55 = arith.constant 128 : i32
    %add3A_56 = arith.addi %mul3A_54, %add3A_55 : i32
    "tpu.region"() ({
      %run_scoped3A = tpu.sem_alloc : memref<!tpu.dma_semaphore, #tpu.memory_space<semaphore_mem>>
      %dma_start3A = arith.constant 0 : i32
      %dma_start3A_77 = tpu.memref_slice %arg8[%add3A_56, %dma_start3A] : memref<6144x128xf32, #tpu.memory_space<vmem_shared>> -> memref<64x128xf32, #tpu.memory_space<vmem_shared>>
      %dma_start3A_78 = arith.constant 0 : i32
      %dma_start3A_79 = tpu.memref_slice %arg8[%add3A_56, %dma_start3A_78] : memref<6144x128xf32, #tpu.memory_space<vmem_shared>> -> memref<64x128xf32, #tpu.memory_space<vmem_shared>>
      tpu.enqueue_dma source(%dma_start3A_79 : memref<64x128xf32, #tpu.memory_space<vmem_shared>>) target(%arg7 : memref<64x128xf32, #tpu.memory_space<vmem>>) target_semaphore(%run_scoped3A : memref<!tpu.dma_semaphore, #tpu.memory_space<semaphore_mem>>)
      %dma_wait3A = arith.constant 0 : i32
      %dma_wait3A_80 = tpu.memref_slice %arg8[%add3A_56, %dma_wait3A] : memref<6144x128xf32, #tpu.memory_space<vmem_shared>> -> memref<64x128xf32, #tpu.memory_space<vmem_shared>>
      %dma_wait3A_81 = arith.constant 0 : i32
      %dma_wait3A_82 = tpu.memref_slice %arg8[%add3A_56, %dma_wait3A_81] : memref<6144x128xf32, #tpu.memory_space<vmem_shared>> -> memref<64x128xf32, #tpu.memory_space<vmem_shared>>
      tpu.wait_dma2 semaphore(%run_scoped3A : memref<!tpu.dma_semaphore, #tpu.memory_space<semaphore_mem>>) src(%dma_wait3A_82 : memref<64x128xf32, #tpu.memory_space<vmem_shared>>) dst(%arg7 : memref<64x128xf32, #tpu.memory_space<vmem>>)
      tpu.yield
    }) : () -> ()
    %mul3A_57 = arith.constant 5120 : i32
    %mul3A_58 = arith.muli %arg0, %mul3A_57 : i32
    %add3A_59 = arith.addi %mul3A_58, %add3A_56 : i32
    %multiple_of3A_60 = tpu.assume_multiple %add3A_59, 64 : i32
    "tpu.region"() ({
      %run_scoped3A = tpu.sem_alloc : memref<!tpu.dma_semaphore, #tpu.memory_space<semaphore_mem>>
      %dma_start3A = arith.constant 0 : i32
      %dma_start3A_77 = tpu.memref_slice %arg4[%multiple_of3A_60, %dma_start3A] : memref<10240x128xf32, #tpu.memory_space<hbm>> -> memref<64x128xf32, #tpu.memory_space<hbm>>
      %dma_start3A_78 = arith.constant 0 : i32
      %dma_start3A_79 = tpu.memref_slice %arg4[%multiple_of3A_60, %dma_start3A_78] : memref<10240x128xf32, #tpu.memory_space<hbm>> -> memref<64x128xf32, #tpu.memory_space<hbm>>
      tpu.enqueue_dma source(%arg7 : memref<64x128xf32, #tpu.memory_space<vmem>>) target(%dma_start3A_79 : memref<64x128xf32, #tpu.memory_space<hbm>>) target_semaphore(%run_scoped3A : memref<!tpu.dma_semaphore, #tpu.memory_space<semaphore_mem>>)
      %dma_wait3A = arith.constant 0 : i32
      %dma_wait3A_80 = tpu.memref_slice %arg4[%multiple_of3A_60, %dma_wait3A] : memref<10240x128xf32, #tpu.memory_space<hbm>> -> memref<64x128xf32, #tpu.memory_space<hbm>>
      %dma_wait3A_81 = arith.constant 0 : i32
      %dma_wait3A_82 = tpu.memref_slice %arg4[%multiple_of3A_60, %dma_wait3A_81] : memref<10240x128xf32, #tpu.memory_space<hbm>> -> memref<64x128xf32, #tpu.memory_space<hbm>>
      tpu.wait_dma2 semaphore(%run_scoped3A : memref<!tpu.dma_semaphore, #tpu.memory_space<semaphore_mem>>) src(%arg7 : memref<64x128xf32, #tpu.memory_space<vmem>>) dst(%dma_wait3A_82 : memref<64x128xf32, #tpu.memory_space<hbm>>)
      tpu.yield
    }) : () -> ()
    %mul3A_61 = arith.constant 320 : i32
    %mul3A_62 = arith.muli %arg1, %mul3A_61 : i32
    %add3A_63 = arith.constant 192 : i32
    %add3A_64 = arith.addi %mul3A_62, %add3A_63 : i32
    "tpu.region"() ({
      %run_scoped3A = tpu.sem_alloc : memref<!tpu.dma_semaphore, #tpu.memory_space<semaphore_mem>>
      %dma_start3A = arith.constant 0 : i32
      %dma_start3A_77 = tpu.memref_slice %arg8[%add3A_64, %dma_start3A] : memref<6144x128xf32, #tpu.memory_space<vmem_shared>> -> memref<64x128xf32, #tpu.memory_space<vmem_shared>>
      %dma_start3A_78 = arith.constant 0 : i32
      %dma_start3A_79 = tpu.memref_slice %arg8[%add3A_64, %dma_start3A_78] : memref<6144x128xf32, #tpu.memory_space<vmem_shared>> -> memref<64x128xf32, #tpu.memory_space<vmem_shared>>
      tpu.enqueue_dma source(%dma_start3A_79 : memref<64x128xf32, #tpu.memory_space<vmem_shared>>) target(%arg7 : memref<64x128xf32, #tpu.memory_space<vmem>>) target_semaphore(%run_scoped3A : memref<!tpu.dma_semaphore, #tpu.memory_space<semaphore_mem>>)
      %dma_wait3A = arith.constant 0 : i32
      %dma_wait3A_80 = tpu.memref_slice %arg8[%add3A_64, %dma_wait3A] : memref<6144x128xf32, #tpu.memory_space<vmem_shared>> -> memref<64x128xf32, #tpu.memory_space<vmem_shared>>
      %dma_wait3A_81 = arith.constant 0 : i32
      %dma_wait3A_82 = tpu.memref_slice %arg8[%add3A_64, %dma_wait3A_81] : memref<6144x128xf32, #tpu.memory_space<vmem_shared>> -> memref<64x128xf32, #tpu.memory_space<vmem_shared>>
      tpu.wait_dma2 semaphore(%run_scoped3A : memref<!tpu.dma_semaphore, #tpu.memory_space<semaphore_mem>>) src(%dma_wait3A_82 : memref<64x128xf32, #tpu.memory_space<vmem_shared>>) dst(%arg7 : memref<64x128xf32, #tpu.memory_space<vmem>>)
      tpu.yield
    }) : () -> ()
    %mul3A_65 = arith.constant 5120 : i32
    %mul3A_66 = arith.muli %arg0, %mul3A_65 : i32
    %add3A_67 = arith.addi %mul3A_66, %add3A_64 : i32
    %multiple_of3A_68 = tpu.assume_multiple %add3A_67, 64 : i32
    "tpu.region"() ({
      %run_scoped3A = tpu.sem_alloc : memref<!tpu.dma_semaphore, #tpu.memory_space<semaphore_mem>>
      %dma_start3A = arith.constant 0 : i32
      %dma_start3A_77 = tpu.memref_slice %arg4[%multiple_of3A_68, %dma_start3A] : memref<10240x128xf32, #tpu.memory_space<hbm>> -> memref<64x128xf32, #tpu.memory_space<hbm>>
      %dma_start3A_78 = arith.constant 0 : i32
      %dma_start3A_79 = tpu.memref_slice %arg4[%multiple_of3A_68, %dma_start3A_78] : memref<10240x128xf32, #tpu.memory_space<hbm>> -> memref<64x128xf32, #tpu.memory_space<hbm>>
      tpu.enqueue_dma source(%arg7 : memref<64x128xf32, #tpu.memory_space<vmem>>) target(%dma_start3A_79 : memref<64x128xf32, #tpu.memory_space<hbm>>) target_semaphore(%run_scoped3A : memref<!tpu.dma_semaphore, #tpu.memory_space<semaphore_mem>>)
      %dma_wait3A = arith.constant 0 : i32
      %dma_wait3A_80 = tpu.memref_slice %arg4[%multiple_of3A_68, %dma_wait3A] : memref<10240x128xf32, #tpu.memory_space<hbm>> -> memref<64x128xf32, #tpu.memory_space<hbm>>
      %dma_wait3A_81 = arith.constant 0 : i32
      %dma_wait3A_82 = tpu.memref_slice %arg4[%multiple_of3A_68, %dma_wait3A_81] : memref<10240x128xf32, #tpu.memory_space<hbm>> -> memref<64x128xf32, #tpu.memory_space<hbm>>
      tpu.wait_dma2 semaphore(%run_scoped3A : memref<!tpu.dma_semaphore, #tpu.memory_space<semaphore_mem>>) src(%arg7 : memref<64x128xf32, #tpu.memory_space<vmem>>) dst(%dma_wait3A_82 : memref<64x128xf32, #tpu.memory_space<hbm>>)
      tpu.yield
    }) : () -> ()
    %mul3A_69 = arith.constant 320 : i32
    %mul3A_70 = arith.muli %arg1, %mul3A_69 : i32
    %add3A_71 = arith.constant 256 : i32
    %add3A_72 = arith.addi %mul3A_70, %add3A_71 : i32
    "tpu.region"() ({
      %run_scoped3A = tpu.sem_alloc : memref<!tpu.dma_semaphore, #tpu.memory_space<semaphore_mem>>
      %dma_start3A = arith.constant 0 : i32
      %dma_start3A_77 = tpu.memref_slice %arg8[%add3A_72, %dma_start3A] : memref<6144x128xf32, #tpu.memory_space<vmem_shared>> -> memref<64x128xf32, #tpu.memory_space<vmem_shared>>
      %dma_start3A_78 = arith.constant 0 : i32
      %dma_start3A_79 = tpu.memref_slice %arg8[%add3A_72, %dma_start3A_78] : memref<6144x128xf32, #tpu.memory_space<vmem_shared>> -> memref<64x128xf32, #tpu.memory_space<vmem_shared>>
      tpu.enqueue_dma source(%dma_start3A_79 : memref<64x128xf32, #tpu.memory_space<vmem_shared>>) target(%arg7 : memref<64x128xf32, #tpu.memory_space<vmem>>) target_semaphore(%run_scoped3A : memref<!tpu.dma_semaphore, #tpu.memory_space<semaphore_mem>>)
      %dma_wait3A = arith.constant 0 : i32
      %dma_wait3A_80 = tpu.memref_slice %arg8[%add3A_72, %dma_wait3A] : memref<6144x128xf32, #tpu.memory_space<vmem_shared>> -> memref<64x128xf32, #tpu.memory_space<vmem_shared>>
      %dma_wait3A_81 = arith.constant 0 : i32
      %dma_wait3A_82 = tpu.memref_slice %arg8[%add3A_72, %dma_wait3A_81] : memref<6144x128xf32, #tpu.memory_space<vmem_shared>> -> memref<64x128xf32, #tpu.memory_space<vmem_shared>>
      tpu.wait_dma2 semaphore(%run_scoped3A : memref<!tpu.dma_semaphore, #tpu.memory_space<semaphore_mem>>) src(%dma_wait3A_82 : memref<64x128xf32, #tpu.memory_space<vmem_shared>>) dst(%arg7 : memref<64x128xf32, #tpu.memory_space<vmem>>)
      tpu.yield
    }) : () -> ()
    %mul3A_73 = arith.constant 5120 : i32
    %mul3A_74 = arith.muli %arg0, %mul3A_73 : i32
    %add3A_75 = arith.addi %mul3A_74, %add3A_72 : i32
    %multiple_of3A_76 = tpu.assume_multiple %add3A_75, 64 : i32
    "tpu.region"() ({
      %run_scoped3A = tpu.sem_alloc : memref<!tpu.dma_semaphore, #tpu.memory_space<semaphore_mem>>
      %dma_start3A = arith.constant 0 : i32
      %dma_start3A_77 = tpu.memref_slice %arg4[%multiple_of3A_76, %dma_start3A] : memref<10240x128xf32, #tpu.memory_space<hbm>> -> memref<64x128xf32, #tpu.memory_space<hbm>>
      %dma_start3A_78 = arith.constant 0 : i32
      %dma_start3A_79 = tpu.memref_slice %arg4[%multiple_of3A_76, %dma_start3A_78] : memref<10240x128xf32, #tpu.memory_space<hbm>> -> memref<64x128xf32, #tpu.memory_space<hbm>>
      tpu.enqueue_dma source(%arg7 : memref<64x128xf32, #tpu.memory_space<vmem>>) target(%dma_start3A_79 : memref<64x128xf32, #tpu.memory_space<hbm>>) target_semaphore(%run_scoped3A : memref<!tpu.dma_semaphore, #tpu.memory_space<semaphore_mem>>)
      %dma_wait3A = arith.constant 0 : i32
      %dma_wait3A_80 = tpu.memref_slice %arg4[%multiple_of3A_76, %dma_wait3A] : memref<10240x128xf32, #tpu.memory_space<hbm>> -> memref<64x128xf32, #tpu.memory_space<hbm>>
      %dma_wait3A_81 = arith.constant 0 : i32
      %dma_wait3A_82 = tpu.memref_slice %arg4[%multiple_of3A_76, %dma_wait3A_81] : memref<10240x128xf32, #tpu.memory_space<hbm>> -> memref<64x128xf32, #tpu.memory_space<hbm>>
      tpu.wait_dma2 semaphore(%run_scoped3A : memref<!tpu.dma_semaphore, #tpu.memory_space<semaphore_mem>>) src(%arg7 : memref<64x128xf32, #tpu.memory_space<vmem>>) dst(%dma_wait3A_82 : memref<64x128xf32, #tpu.memory_space<hbm>>)
      tpu.yield
    }) : () -> ()
    return
  }
}

#map = affine_map<(d0, d1) -> (0, 0)>
#map1 = affine_map<(d0, d1) -> (0)>
module attributes {stable_mosaic.version = 14 : i64} {
  func.func @k(%arg0: i32, %arg1: i32, %arg2: memref<10240x256xf32, #tpu.memory_space<hbm>>, %arg3: memref<327680xi32, #tpu.memory_space<hbm>>, %arg4: memref<327680x256xf32, #tpu.memory_space<hbm>>, %arg5: memref<128xi32, #tpu.memory_space<vmem>>, %arg6: memref<128x256xf32, #tpu.memory_space<vmem>>, %arg7: memref<!tpu.dma_semaphore, #tpu.memory_space<semaphore_mem>>) attributes {dimension_semantics = [#tpu.dimension_semantics<core_parallel>, #tpu.dimension_semantics<subcore_parallel>], iteration_bounds = array<i64: 2, 16>, scalar_prefetch = 0 : i64, scratch_operands = 3 : i64, tpu.core_type = #tpu.core_type<sc_vector_subcore>, window_params = [{transform_indices = #map}, {transform_indices = #map1}, {transform_indices = #map}]} {
    %mul3A = arith.constant 16 : i32
    %mul3A_0 = arith.muli %arg0, %mul3A : i32
    %add3A = arith.addi %mul3A_0, %arg1 : i32
    %mul3A_1 = arith.constant 10240 : i32
    %mul3A_2 = arith.muli %add3A, %mul3A_1 : i32
    %scan3A = arith.constant 0 : i32
    %scan3A_3 = arith.constant 0 : i32
    %scan3A_4 = arith.constant 80 : i32
    %scan3A_5 = arith.addi %scan3A_3, %scan3A_4 : i32
    %scan3A_6 = arith.constant 1 : i32
    %scan3A_7 = scf.for %scan3A_9 = %scan3A_3 to %scan3A_5 step %scan3A_6 iter_args(%scan3A_10 = %scan3A) -> (i32)  : i32 {
      %mul3A_11 = arith.constant 128 : i32
      %mul3A_12 = arith.muli %scan3A_9, %mul3A_11 : i32
      %add3A_13 = arith.addi %mul3A_2, %mul3A_12 : i32
      %multiple_of3A = tpu.assume_multiple %add3A_13, 128 : i32
      "tpu.region"() ({
        %run_scoped3A = tpu.sem_alloc : memref<!tpu.dma_semaphore, #tpu.memory_space<semaphore_mem>>
        %dma_start3A_19 = tpu.memref_slice %arg3[%multiple_of3A] : memref<327680xi32, #tpu.memory_space<hbm>> -> memref<128xi32, #tpu.memory_space<hbm>>
        %dma_start3A_20 = tpu.memref_slice %arg3[%multiple_of3A] : memref<327680xi32, #tpu.memory_space<hbm>> -> memref<128xi32, #tpu.memory_space<hbm>>
        tpu.enqueue_dma source(%dma_start3A_20 : memref<128xi32, #tpu.memory_space<hbm>>) target(%arg5 : memref<128xi32, #tpu.memory_space<vmem>>) target_semaphore(%run_scoped3A : memref<!tpu.dma_semaphore, #tpu.memory_space<semaphore_mem>>)
        %dma_wait3A_21 = tpu.memref_slice %arg3[%multiple_of3A] : memref<327680xi32, #tpu.memory_space<hbm>> -> memref<128xi32, #tpu.memory_space<hbm>>
        %dma_wait3A_22 = tpu.memref_slice %arg3[%multiple_of3A] : memref<327680xi32, #tpu.memory_space<hbm>> -> memref<128xi32, #tpu.memory_space<hbm>>
        tpu.wait_dma2 semaphore(%run_scoped3A : memref<!tpu.dma_semaphore, #tpu.memory_space<semaphore_mem>>) src(%dma_wait3A_22 : memref<128xi32, #tpu.memory_space<hbm>>) dst(%arg5 : memref<128xi32, #tpu.memory_space<vmem>>)
        tpu.yield
      }) : () -> ()
      %dma_start3A = arith.constant 0 : i32
      %dma_start3A_14 = arith.constant 0 : i32
      %dma_start3A_15 = tpu.memref_slice %arg2[%dma_start3A, %dma_start3A_14] : memref<10240x256xf32, #tpu.memory_space<hbm>> -> memref<10240x256xf32, #tpu.memory_space<hbm>>
      tpu.enqueue_indirect_dma source(%dma_start3A_15 : memref<10240x256xf32, #tpu.memory_space<hbm>>) target(%arg6 : memref<128x256xf32, #tpu.memory_space<vmem>>) offsets(%arg5 : memref<128xi32, #tpu.memory_space<vmem>>) semaphore(%arg7 : memref<!tpu.dma_semaphore, #tpu.memory_space<semaphore_mem>>)
      %dma_wait3A = arith.constant 0 : i32
      %dma_wait3A_16 = arith.constant 0 : i32
      %dma_wait3A_17 = tpu.memref_slice %arg2[%dma_wait3A, %dma_wait3A_16] : memref<10240x256xf32, #tpu.memory_space<hbm>> -> memref<10240x256xf32, #tpu.memory_space<hbm>>
      tpu.wait_indirect_dma semaphore(%arg7 : memref<!tpu.dma_semaphore, #tpu.memory_space<semaphore_mem>>) src(%dma_wait3A_17 : memref<10240x256xf32, #tpu.memory_space<hbm>>) dst(%arg6 : memref<128x256xf32, #tpu.memory_space<vmem>>)
      "tpu.region"() ({
        %run_scoped3A = tpu.sem_alloc : memref<!tpu.dma_semaphore, #tpu.memory_space<semaphore_mem>>
        %dma_start3A_19 = arith.constant 0 : i32
        %dma_start3A_20 = tpu.memref_slice %arg4[%multiple_of3A, %dma_start3A_19] : memref<327680x256xf32, #tpu.memory_space<hbm>> -> memref<128x256xf32, #tpu.memory_space<hbm>>
        %dma_start3A_21 = arith.constant 0 : i32
        %dma_start3A_22 = tpu.memref_slice %arg4[%multiple_of3A, %dma_start3A_21] : memref<327680x256xf32, #tpu.memory_space<hbm>> -> memref<128x256xf32, #tpu.memory_space<hbm>>
        tpu.enqueue_dma source(%arg6 : memref<128x256xf32, #tpu.memory_space<vmem>>) target(%dma_start3A_22 : memref<128x256xf32, #tpu.memory_space<hbm>>) target_semaphore(%run_scoped3A : memref<!tpu.dma_semaphore, #tpu.memory_space<semaphore_mem>>)
        %dma_wait3A_23 = arith.constant 0 : i32
        %dma_wait3A_24 = tpu.memref_slice %arg4[%multiple_of3A, %dma_wait3A_23] : memref<327680x256xf32, #tpu.memory_space<hbm>> -> memref<128x256xf32, #tpu.memory_space<hbm>>
        %dma_wait3A_25 = arith.constant 0 : i32
        %dma_wait3A_26 = tpu.memref_slice %arg4[%multiple_of3A, %dma_wait3A_25] : memref<327680x256xf32, #tpu.memory_space<hbm>> -> memref<128x256xf32, #tpu.memory_space<hbm>>
        tpu.wait_dma2 semaphore(%run_scoped3A : memref<!tpu.dma_semaphore, #tpu.memory_space<semaphore_mem>>) src(%arg6 : memref<128x256xf32, #tpu.memory_space<vmem>>) dst(%dma_wait3A_26 : memref<128x256xf32, #tpu.memory_space<hbm>>)
        tpu.yield
      }) : () -> ()
      %scan3A_18 = arith.constant 0 : i32
      scf.yield %scan3A_18 : i32
    }
    %scan3A_8 = arith.constant 80 : i32
    return
  }
}

#map = affine_map<(d0, d1) -> (0, 0)>
#map1 = affine_map<(d0, d1) -> (0)>
module attributes {stable_mosaic.version = 14 : i64} {
  func.func @k(%arg0: i32, %arg1: i32, %arg2: memref<327680x128xf32, #tpu.memory_space<hbm>>, %arg3: memref<655360xi32, #tpu.memory_space<hbm>>, %arg4: memref<10240x128xf32, #tpu.memory_space<hbm>>, %arg5: memref<128xi32, #tpu.memory_space<vmem>>, %arg6: memref<128x128xf32, #tpu.memory_space<vmem>>, %arg7: memref<64x128xf32, #tpu.memory_space<vmem>>, %arg8: memref<6144x128xf32, #tpu.memory_space<vmem_shared>>) attributes {dimension_semantics = [#tpu.dimension_semantics<core_parallel>, #tpu.dimension_semantics<subcore_parallel>], iteration_bounds = array<i64: 2, 16>, scalar_prefetch = 0 : i64, scratch_operands = 4 : i64, tpu.core_type = #tpu.core_type<sc_vector_subcore>, window_params = [{transform_indices = #map}, {transform_indices = #map1}, {transform_indices = #map}]} {
    %scan3A = arith.constant 0 : i32
    %scan3A_0 = arith.constant 0 : i32
    %scan3A_1 = arith.constant 64 : i32
    %scan3A_2 = arith.addi %scan3A_0, %scan3A_1 : i32
    %scan3A_3 = arith.constant 1 : i32
    %scan3A_4 = scf.for %scan3A_77 = %scan3A_0 to %scan3A_2 step %scan3A_3 iter_args(%scan3A_78 = %scan3A) -> (i32)  : i32 {
      %broadcast_in_dim3A = arith.constant 0.000000e+00 : f32
      %broadcast_in_dim3A_79 = vector.broadcast %broadcast_in_dim3A : f32 to vector<16xf32>
      %swap3A = arith.index_cast %scan3A_77 : i32 to index
      %swap3A_80 = arith.constant 0 : index
      %swap3A_81 = tpu.vector_load %arg7[%swap3A, %swap3A_80] {strides = array<i32>} : memref<64x128xf32, #tpu.memory_space<vmem>>, vector<1x16xf32>,
      %swap3A_82 = vector.shape_cast %swap3A_81 : vector<1x16xf32> to vector<16xf32>
      %swap3A_83 = vector.shape_cast %broadcast_in_dim3A_79 : vector<16xf32> to vector<1x16xf32>
      tpu.vector_store %arg7[%swap3A, %swap3A_80], %swap3A_83 {strides = array<i32>} : memref<64x128xf32, #tpu.memory_space<vmem>>, vector<1x16xf32>,
      %broadcast_in_dim3A_84 = arith.constant 0.000000e+00 : f32
      %broadcast_in_dim3A_85 = vector.broadcast %broadcast_in_dim3A_84 : f32 to vector<16xf32>
      %swap3A_86 = arith.index_cast %scan3A_77 : i32 to index
      %swap3A_87 = arith.constant 16 : index
      %swap3A_88 = tpu.vector_load %arg7[%swap3A_86, %swap3A_87] {strides = array<i32>} : memref<64x128xf32, #tpu.memory_space<vmem>>, vector<1x16xf32>,
      %swap3A_89 = vector.shape_cast %swap3A_88 : vector<1x16xf32> to vector<16xf32>
      %swap3A_90 = vector.shape_cast %broadcast_in_dim3A_85 : vector<16xf32> to vector<1x16xf32>
      tpu.vector_store %arg7[%swap3A_86, %swap3A_87], %swap3A_90 {strides = array<i32>} : memref<64x128xf32, #tpu.memory_space<vmem>>, vector<1x16xf32>,
      %broadcast_in_dim3A_91 = arith.constant 0.000000e+00 : f32
      %broadcast_in_dim3A_92 = vector.broadcast %broadcast_in_dim3A_91 : f32 to vector<16xf32>
      %swap3A_93 = arith.index_cast %scan3A_77 : i32 to index
      %swap3A_94 = arith.constant 32 : index
      %swap3A_95 = tpu.vector_load %arg7[%swap3A_93, %swap3A_94] {strides = array<i32>} : memref<64x128xf32, #tpu.memory_space<vmem>>, vector<1x16xf32>,
      %swap3A_96 = vector.shape_cast %swap3A_95 : vector<1x16xf32> to vector<16xf32>
      %swap3A_97 = vector.shape_cast %broadcast_in_dim3A_92 : vector<16xf32> to vector<1x16xf32>
      tpu.vector_store %arg7[%swap3A_93, %swap3A_94], %swap3A_97 {strides = array<i32>} : memref<64x128xf32, #tpu.memory_space<vmem>>, vector<1x16xf32>,
      %broadcast_in_dim3A_98 = arith.constant 0.000000e+00 : f32
      %broadcast_in_dim3A_99 = vector.broadcast %broadcast_in_dim3A_98 : f32 to vector<16xf32>
      %swap3A_100 = arith.index_cast %scan3A_77 : i32 to index
      %swap3A_101 = arith.constant 48 : index
      %swap3A_102 = tpu.vector_load %arg7[%swap3A_100, %swap3A_101] {strides = array<i32>} : memref<64x128xf32, #tpu.memory_space<vmem>>, vector<1x16xf32>,
      %swap3A_103 = vector.shape_cast %swap3A_102 : vector<1x16xf32> to vector<16xf32>
      %swap3A_104 = vector.shape_cast %broadcast_in_dim3A_99 : vector<16xf32> to vector<1x16xf32>
      tpu.vector_store %arg7[%swap3A_100, %swap3A_101], %swap3A_104 {strides = array<i32>} : memref<64x128xf32, #tpu.memory_space<vmem>>, vector<1x16xf32>,
      %broadcast_in_dim3A_105 = arith.constant 0.000000e+00 : f32
      %broadcast_in_dim3A_106 = vector.broadcast %broadcast_in_dim3A_105 : f32 to vector<16xf32>
      %swap3A_107 = arith.index_cast %scan3A_77 : i32 to index
      %swap3A_108 = arith.constant 64 : index
      %swap3A_109 = tpu.vector_load %arg7[%swap3A_107, %swap3A_108] {strides = array<i32>} : memref<64x128xf32, #tpu.memory_space<vmem>>, vector<1x16xf32>,
      %swap3A_110 = vector.shape_cast %swap3A_109 : vector<1x16xf32> to vector<16xf32>
      %swap3A_111 = vector.shape_cast %broadcast_in_dim3A_106 : vector<16xf32> to vector<1x16xf32>
      tpu.vector_store %arg7[%swap3A_107, %swap3A_108], %swap3A_111 {strides = array<i32>} : memref<64x128xf32, #tpu.memory_space<vmem>>, vector<1x16xf32>,
      %broadcast_in_dim3A_112 = arith.constant 0.000000e+00 : f32
      %broadcast_in_dim3A_113 = vector.broadcast %broadcast_in_dim3A_112 : f32 to vector<16xf32>
      %swap3A_114 = arith.index_cast %scan3A_77 : i32 to index
      %swap3A_115 = arith.constant 80 : index
      %swap3A_116 = tpu.vector_load %arg7[%swap3A_114, %swap3A_115] {strides = array<i32>} : memref<64x128xf32, #tpu.memory_space<vmem>>, vector<1x16xf32>,
      %swap3A_117 = vector.shape_cast %swap3A_116 : vector<1x16xf32> to vector<16xf32>
      %swap3A_118 = vector.shape_cast %broadcast_in_dim3A_113 : vector<16xf32> to vector<1x16xf32>
      tpu.vector_store %arg7[%swap3A_114, %swap3A_115], %swap3A_118 {strides = array<i32>} : memref<64x128xf32, #tpu.memory_space<vmem>>, vector<1x16xf32>,
      %broadcast_in_dim3A_119 = arith.constant 0.000000e+00 : f32
      %broadcast_in_dim3A_120 = vector.broadcast %broadcast_in_dim3A_119 : f32 to vector<16xf32>
      %swap3A_121 = arith.index_cast %scan3A_77 : i32 to index
      %swap3A_122 = arith.constant 96 : index
      %swap3A_123 = tpu.vector_load %arg7[%swap3A_121, %swap3A_122] {strides = array<i32>} : memref<64x128xf32, #tpu.memory_space<vmem>>, vector<1x16xf32>,
      %swap3A_124 = vector.shape_cast %swap3A_123 : vector<1x16xf32> to vector<16xf32>
      %swap3A_125 = vector.shape_cast %broadcast_in_dim3A_120 : vector<16xf32> to vector<1x16xf32>
      tpu.vector_store %arg7[%swap3A_121, %swap3A_122], %swap3A_125 {strides = array<i32>} : memref<64x128xf32, #tpu.memory_space<vmem>>, vector<1x16xf32>,
      %broadcast_in_dim3A_126 = arith.constant 0.000000e+00 : f32
      %broadcast_in_dim3A_127 = vector.broadcast %broadcast_in_dim3A_126 : f32 to vector<16xf32>
      %swap3A_128 = arith.index_cast %scan3A_77 : i32 to index
      %swap3A_129 = arith.constant 112 : index
      %swap3A_130 = tpu.vector_load %arg7[%swap3A_128, %swap3A_129] {strides = array<i32>} : memref<64x128xf32, #tpu.memory_space<vmem>>, vector<1x16xf32>,
      %swap3A_131 = vector.shape_cast %swap3A_130 : vector<1x16xf32> to vector<16xf32>
      %swap3A_132 = vector.shape_cast %broadcast_in_dim3A_127 : vector<16xf32> to vector<1x16xf32>
      tpu.vector_store %arg7[%swap3A_128, %swap3A_129], %swap3A_132 {strides = array<i32>} : memref<64x128xf32, #tpu.memory_space<vmem>>, vector<1x16xf32>,
      %scan3A_133 = arith.constant 0 : i32
      scf.yield %scan3A_133 : i32
    }
    %scan3A_5 = arith.constant 64 : i32
    %mul3A = arith.constant 384 : i32
    %mul3A_6 = arith.muli %arg1, %mul3A : i32
    %add3A = arith.constant 0 : i32
    %add3A_7 = arith.addi %mul3A_6, %add3A : i32
    "tpu.region"() ({
      %run_scoped3A = tpu.sem_alloc : memref<!tpu.dma_semaphore, #tpu.memory_space<semaphore_mem>>
      %dma_start3A = arith.constant 0 : i32
      %dma_start3A_77 = tpu.memref_slice %arg8[%add3A_7, %dma_start3A] : memref<6144x128xf32, #tpu.memory_space<vmem_shared>> -> memref<64x128xf32, #tpu.memory_space<vmem_shared>>
      %dma_start3A_78 = arith.constant 0 : i32
      %dma_start3A_79 = tpu.memref_slice %arg8[%add3A_7, %dma_start3A_78] : memref<6144x128xf32, #tpu.memory_space<vmem_shared>> -> memref<64x128xf32, #tpu.memory_space<vmem_shared>>
      tpu.enqueue_dma source(%arg7 : memref<64x128xf32, #tpu.memory_space<vmem>>) target(%dma_start3A_79 : memref<64x128xf32, #tpu.memory_space<vmem_shared>>) target_semaphore(%run_scoped3A : memref<!tpu.dma_semaphore, #tpu.memory_space<semaphore_mem>>)
      %dma_wait3A = arith.constant 0 : i32
      %dma_wait3A_80 = tpu.memref_slice %arg8[%add3A_7, %dma_wait3A] : memref<6144x128xf32, #tpu.memory_space<vmem_shared>> -> memref<64x128xf32, #tpu.memory_space<vmem_shared>>
      %dma_wait3A_81 = arith.constant 0 : i32
      %dma_wait3A_82 = tpu.memref_slice %arg8[%add3A_7, %dma_wait3A_81] : memref<6144x128xf32, #tpu.memory_space<vmem_shared>> -> memref<64x128xf32, #tpu.memory_space<vmem_shared>>
      tpu.wait_dma2 semaphore(%run_scoped3A : memref<!tpu.dma_semaphore, #tpu.memory_space<semaphore_mem>>) src(%arg7 : memref<64x128xf32, #tpu.memory_space<vmem>>) dst(%dma_wait3A_82 : memref<64x128xf32, #tpu.memory_space<vmem_shared>>)
      tpu.yield
    }) : () -> ()
    %mul3A_8 = arith.constant 384 : i32
    %mul3A_9 = arith.muli %arg1, %mul3A_8 : i32
    %add3A_10 = arith.constant 64 : i32
    %add3A_11 = arith.addi %mul3A_9, %add3A_10 : i32
    "tpu.region"() ({
      %run_scoped3A = tpu.sem_alloc : memref<!tpu.dma_semaphore, #tpu.memory_space<semaphore_mem>>
      %dma_start3A = arith.constant 0 : i32
      %dma_start3A_77 = tpu.memref_slice %arg8[%add3A_11, %dma_start3A] : memref<6144x128xf32, #tpu.memory_space<vmem_shared>> -> memref<64x128xf32, #tpu.memory_space<vmem_shared>>
      %dma_start3A_78 = arith.constant 0 : i32
      %dma_start3A_79 = tpu.memref_slice %arg8[%add3A_11, %dma_start3A_78] : memref<6144x128xf32, #tpu.memory_space<vmem_shared>> -> memref<64x128xf32, #tpu.memory_space<vmem_shared>>
      tpu.enqueue_dma source(%arg7 : memref<64x128xf32, #tpu.memory_space<vmem>>) target(%dma_start3A_79 : memref<64x128xf32, #tpu.memory_space<vmem_shared>>) target_semaphore(%run_scoped3A : memref<!tpu.dma_semaphore, #tpu.memory_space<semaphore_mem>>)
      %dma_wait3A = arith.constant 0 : i32
      %dma_wait3A_80 = tpu.memref_slice %arg8[%add3A_11, %dma_wait3A] : memref<6144x128xf32, #tpu.memory_space<vmem_shared>> -> memref<64x128xf32, #tpu.memory_space<vmem_shared>>
      %dma_wait3A_81 = arith.constant 0 : i32
      %dma_wait3A_82 = tpu.memref_slice %arg8[%add3A_11, %dma_wait3A_81] : memref<6144x128xf32, #tpu.memory_space<vmem_shared>> -> memref<64x128xf32, #tpu.memory_space<vmem_shared>>
      tpu.wait_dma2 semaphore(%run_scoped3A : memref<!tpu.dma_semaphore, #tpu.memory_space<semaphore_mem>>) src(%arg7 : memref<64x128xf32, #tpu.memory_space<vmem>>) dst(%dma_wait3A_82 : memref<64x128xf32, #tpu.memory_space<vmem_shared>>)
      tpu.yield
    }) : () -> ()
    %mul3A_12 = arith.constant 384 : i32
    %mul3A_13 = arith.muli %arg1, %mul3A_12 : i32
    %add3A_14 = arith.constant 128 : i32
    %add3A_15 = arith.addi %mul3A_13, %add3A_14 : i32
    "tpu.region"() ({
      %run_scoped3A = tpu.sem_alloc : memref<!tpu.dma_semaphore, #tpu.memory_space<semaphore_mem>>
      %dma_start3A = arith.constant 0 : i32
      %dma_start3A_77 = tpu.memref_slice %arg8[%add3A_15, %dma_start3A] : memref<6144x128xf32, #tpu.memory_space<vmem_shared>> -> memref<64x128xf32, #tpu.memory_space<vmem_shared>>
      %dma_start3A_78 = arith.constant 0 : i32
      %dma_start3A_79 = tpu.memref_slice %arg8[%add3A_15, %dma_start3A_78] : memref<6144x128xf32, #tpu.memory_space<vmem_shared>> -> memref<64x128xf32, #tpu.memory_space<vmem_shared>>
      tpu.enqueue_dma source(%arg7 : memref<64x128xf32, #tpu.memory_space<vmem>>) target(%dma_start3A_79 : memref<64x128xf32, #tpu.memory_space<vmem_shared>>) target_semaphore(%run_scoped3A : memref<!tpu.dma_semaphore, #tpu.memory_space<semaphore_mem>>)
      %dma_wait3A = arith.constant 0 : i32
      %dma_wait3A_80 = tpu.memref_slice %arg8[%add3A_15, %dma_wait3A] : memref<6144x128xf32, #tpu.memory_space<vmem_shared>> -> memref<64x128xf32, #tpu.memory_space<vmem_shared>>
      %dma_wait3A_81 = arith.constant 0 : i32
      %dma_wait3A_82 = tpu.memref_slice %arg8[%add3A_15, %dma_wait3A_81] : memref<6144x128xf32, #tpu.memory_space<vmem_shared>> -> memref<64x128xf32, #tpu.memory_space<vmem_shared>>
      tpu.wait_dma2 semaphore(%run_scoped3A : memref<!tpu.dma_semaphore, #tpu.memory_space<semaphore_mem>>) src(%arg7 : memref<64x128xf32, #tpu.memory_space<vmem>>) dst(%dma_wait3A_82 : memref<64x128xf32, #tpu.memory_space<vmem_shared>>)
      tpu.yield
    }) : () -> ()
    %mul3A_16 = arith.constant 384 : i32
    %mul3A_17 = arith.muli %arg1, %mul3A_16 : i32
    %add3A_18 = arith.constant 192 : i32
    %add3A_19 = arith.addi %mul3A_17, %add3A_18 : i32
    "tpu.region"() ({
      %run_scoped3A = tpu.sem_alloc : memref<!tpu.dma_semaphore, #tpu.memory_space<semaphore_mem>>
      %dma_start3A = arith.constant 0 : i32
      %dma_start3A_77 = tpu.memref_slice %arg8[%add3A_19, %dma_start3A] : memref<6144x128xf32, #tpu.memory_space<vmem_shared>> -> memref<64x128xf32, #tpu.memory_space<vmem_shared>>
      %dma_start3A_78 = arith.constant 0 : i32
      %dma_start3A_79 = tpu.memref_slice %arg8[%add3A_19, %dma_start3A_78] : memref<6144x128xf32, #tpu.memory_space<vmem_shared>> -> memref<64x128xf32, #tpu.memory_space<vmem_shared>>
      tpu.enqueue_dma source(%arg7 : memref<64x128xf32, #tpu.memory_space<vmem>>) target(%dma_start3A_79 : memref<64x128xf32, #tpu.memory_space<vmem_shared>>) target_semaphore(%run_scoped3A : memref<!tpu.dma_semaphore, #tpu.memory_space<semaphore_mem>>)
      %dma_wait3A = arith.constant 0 : i32
      %dma_wait3A_80 = tpu.memref_slice %arg8[%add3A_19, %dma_wait3A] : memref<6144x128xf32, #tpu.memory_space<vmem_shared>> -> memref<64x128xf32, #tpu.memory_space<vmem_shared>>
      %dma_wait3A_81 = arith.constant 0 : i32
      %dma_wait3A_82 = tpu.memref_slice %arg8[%add3A_19, %dma_wait3A_81] : memref<6144x128xf32, #tpu.memory_space<vmem_shared>> -> memref<64x128xf32, #tpu.memory_space<vmem_shared>>
      tpu.wait_dma2 semaphore(%run_scoped3A : memref<!tpu.dma_semaphore, #tpu.memory_space<semaphore_mem>>) src(%arg7 : memref<64x128xf32, #tpu.memory_space<vmem>>) dst(%dma_wait3A_82 : memref<64x128xf32, #tpu.memory_space<vmem_shared>>)
      tpu.yield
    }) : () -> ()
    %mul3A_20 = arith.constant 384 : i32
    %mul3A_21 = arith.muli %arg1, %mul3A_20 : i32
    %add3A_22 = arith.constant 256 : i32
    %add3A_23 = arith.addi %mul3A_21, %add3A_22 : i32
    "tpu.region"() ({
      %run_scoped3A = tpu.sem_alloc : memref<!tpu.dma_semaphore, #tpu.memory_space<semaphore_mem>>
      %dma_start3A = arith.constant 0 : i32
      %dma_start3A_77 = tpu.memref_slice %arg8[%add3A_23, %dma_start3A] : memref<6144x128xf32, #tpu.memory_space<vmem_shared>> -> memref<64x128xf32, #tpu.memory_space<vmem_shared>>
      %dma_start3A_78 = arith.constant 0 : i32
      %dma_start3A_79 = tpu.memref_slice %arg8[%add3A_23, %dma_start3A_78] : memref<6144x128xf32, #tpu.memory_space<vmem_shared>> -> memref<64x128xf32, #tpu.memory_space<vmem_shared>>
      tpu.enqueue_dma source(%arg7 : memref<64x128xf32, #tpu.memory_space<vmem>>) target(%dma_start3A_79 : memref<64x128xf32, #tpu.memory_space<vmem_shared>>) target_semaphore(%run_scoped3A : memref<!tpu.dma_semaphore, #tpu.memory_space<semaphore_mem>>)
      %dma_wait3A = arith.constant 0 : i32
      %dma_wait3A_80 = tpu.memref_slice %arg8[%add3A_23, %dma_wait3A] : memref<6144x128xf32, #tpu.memory_space<vmem_shared>> -> memref<64x128xf32, #tpu.memory_space<vmem_shared>>
      %dma_wait3A_81 = arith.constant 0 : i32
      %dma_wait3A_82 = tpu.memref_slice %arg8[%add3A_23, %dma_wait3A_81] : memref<6144x128xf32, #tpu.memory_space<vmem_shared>> -> memref<64x128xf32, #tpu.memory_space<vmem_shared>>
      tpu.wait_dma2 semaphore(%run_scoped3A : memref<!tpu.dma_semaphore, #tpu.memory_space<semaphore_mem>>) src(%arg7 : memref<64x128xf32, #tpu.memory_space<vmem>>) dst(%dma_wait3A_82 : memref<64x128xf32, #tpu.memory_space<vmem_shared>>)
      tpu.yield
    }) : () -> ()
    %mul3A_24 = arith.constant 384 : i32
    %mul3A_25 = arith.muli %arg1, %mul3A_24 : i32
    %add3A_26 = arith.constant 320 : i32
    %add3A_27 = arith.addi %mul3A_25, %add3A_26 : i32
    "tpu.region"() ({
      %run_scoped3A = tpu.sem_alloc : memref<!tpu.dma_semaphore, #tpu.memory_space<semaphore_mem>>
      %dma_start3A = arith.constant 0 : i32
      %dma_start3A_77 = tpu.memref_slice %arg8[%add3A_27, %dma_start3A] : memref<6144x128xf32, #tpu.memory_space<vmem_shared>> -> memref<64x128xf32, #tpu.memory_space<vmem_shared>>
      %dma_start3A_78 = arith.constant 0 : i32
      %dma_start3A_79 = tpu.memref_slice %arg8[%add3A_27, %dma_start3A_78] : memref<6144x128xf32, #tpu.memory_space<vmem_shared>> -> memref<64x128xf32, #tpu.memory_space<vmem_shared>>
      tpu.enqueue_dma source(%arg7 : memref<64x128xf32, #tpu.memory_space<vmem>>) target(%dma_start3A_79 : memref<64x128xf32, #tpu.memory_space<vmem_shared>>) target_semaphore(%run_scoped3A : memref<!tpu.dma_semaphore, #tpu.memory_space<semaphore_mem>>)
      %dma_wait3A = arith.constant 0 : i32
      %dma_wait3A_80 = tpu.memref_slice %arg8[%add3A_27, %dma_wait3A] : memref<6144x128xf32, #tpu.memory_space<vmem_shared>> -> memref<64x128xf32, #tpu.memory_space<vmem_shared>>
      %dma_wait3A_81 = arith.constant 0 : i32
      %dma_wait3A_82 = tpu.memref_slice %arg8[%add3A_27, %dma_wait3A_81] : memref<6144x128xf32, #tpu.memory_space<vmem_shared>> -> memref<64x128xf32, #tpu.memory_space<vmem_shared>>
      tpu.wait_dma2 semaphore(%run_scoped3A : memref<!tpu.dma_semaphore, #tpu.memory_space<semaphore_mem>>) src(%arg7 : memref<64x128xf32, #tpu.memory_space<vmem>>) dst(%dma_wait3A_82 : memref<64x128xf32, #tpu.memory_space<vmem_shared>>)
      tpu.yield
    }) : () -> ()
    %barrier3A = arith.constant 0 : index
    tpu.barrier barrier_id(%barrier3A)
    %mul3A_28 = arith.constant 20480 : i32
    %mul3A_29 = arith.muli %arg1, %mul3A_28 : i32
    %scan3A_30 = arith.constant 0 : i32
    %scan3A_31 = arith.constant 0 : i32
    %scan3A_32 = arith.constant 160 : i32
    %scan3A_33 = arith.addi %scan3A_31, %scan3A_32 : i32
    %scan3A_34 = arith.constant 1 : i32
    %scan3A_35 = scf.for %scan3A_77 = %scan3A_31 to %scan3A_33 step %scan3A_34 iter_args(%scan3A_78 = %scan3A_30) -> (i32)  : i32 {
      %mul3A_79 = arith.constant 128 : i32
      %mul3A_80 = arith.muli %scan3A_77, %mul3A_79 : i32
      %add3A_81 = arith.addi %mul3A_29, %mul3A_80 : i32
      %multiple_of3A_82 = tpu.assume_multiple %add3A_81, 128 : i32
      %mul3A_83 = arith.constant 327680 : i32
      %mul3A_84 = arith.muli %arg0, %mul3A_83 : i32
      %add3A_85 = arith.addi %mul3A_84, %multiple_of3A_82 : i32
      %multiple_of3A_86 = tpu.assume_multiple %add3A_85, 128 : i32
      "tpu.region"() ({
        %run_scoped3A = tpu.sem_alloc : memref<!tpu.dma_semaphore, #tpu.memory_space<semaphore_mem>>
        %dma_start3A = tpu.memref_slice %arg3[%multiple_of3A_86] : memref<655360xi32, #tpu.memory_space<hbm>> -> memref<128xi32, #tpu.memory_space<hbm>>
        %dma_start3A_88 = tpu.memref_slice %arg3[%multiple_of3A_86] : memref<655360xi32, #tpu.memory_space<hbm>> -> memref<128xi32, #tpu.memory_space<hbm>>
        tpu.enqueue_dma source(%dma_start3A_88 : memref<128xi32, #tpu.memory_space<hbm>>) target(%arg5 : memref<128xi32, #tpu.memory_space<vmem>>) target_semaphore(%run_scoped3A : memref<!tpu.dma_semaphore, #tpu.memory_space<semaphore_mem>>)
        %dma_wait3A = tpu.memref_slice %arg3[%multiple_of3A_86] : memref<655360xi32, #tpu.memory_space<hbm>> -> memref<128xi32, #tpu.memory_space<hbm>>
        %dma_wait3A_89 = tpu.memref_slice %arg3[%multiple_of3A_86] : memref<655360xi32, #tpu.memory_space<hbm>> -> memref<128xi32, #tpu.memory_space<hbm>>
        tpu.wait_dma2 semaphore(%run_scoped3A : memref<!tpu.dma_semaphore, #tpu.memory_space<semaphore_mem>>) src(%dma_wait3A_89 : memref<128xi32, #tpu.memory_space<hbm>>) dst(%arg5 : memref<128xi32, #tpu.memory_space<vmem>>)
        tpu.yield
      }) : () -> ()
      "tpu.region"() ({
        %run_scoped3A = tpu.sem_alloc : memref<!tpu.dma_semaphore, #tpu.memory_space<semaphore_mem>>
        %dma_start3A = arith.constant 0 : i32
        %dma_start3A_88 = tpu.memref_slice %arg2[%multiple_of3A_82, %dma_start3A] : memref<327680x128xf32, #tpu.memory_space<hbm>> -> memref<128x128xf32, #tpu.memory_space<hbm>>
        %dma_start3A_89 = arith.constant 0 : i32
        %dma_start3A_90 = tpu.memref_slice %arg2[%multiple_of3A_82, %dma_start3A_89] : memref<327680x128xf32, #tpu.memory_space<hbm>> -> memref<128x128xf32, #tpu.memory_space<hbm>>
        tpu.enqueue_dma source(%dma_start3A_90 : memref<128x128xf32, #tpu.memory_space<hbm>>) target(%arg6 : memref<128x128xf32, #tpu.memory_space<vmem>>) target_semaphore(%run_scoped3A : memref<!tpu.dma_semaphore, #tpu.memory_space<semaphore_mem>>)
        %dma_wait3A = arith.constant 0 : i32
        %dma_wait3A_91 = tpu.memref_slice %arg2[%multiple_of3A_82, %dma_wait3A] : memref<327680x128xf32, #tpu.memory_space<hbm>> -> memref<128x128xf32, #tpu.memory_space<hbm>>
        %dma_wait3A_92 = arith.constant 0 : i32
        %dma_wait3A_93 = tpu.memref_slice %arg2[%multiple_of3A_82, %dma_wait3A_92] : memref<327680x128xf32, #tpu.memory_space<hbm>> -> memref<128x128xf32, #tpu.memory_space<hbm>>
        tpu.wait_dma2 semaphore(%run_scoped3A : memref<!tpu.dma_semaphore, #tpu.memory_space<semaphore_mem>>) src(%dma_wait3A_93 : memref<128x128xf32, #tpu.memory_space<hbm>>) dst(%arg6 : memref<128x128xf32, #tpu.memory_space<vmem>>)
        tpu.yield
      }) : () -> ()
      "tpu.region"() ({
        %run_scoped3A = tpu.sem_alloc : memref<!tpu.dma_semaphore, #tpu.memory_space<semaphore_mem>>
        %dma_start3A = arith.constant 0 : i32
        %dma_start3A_88 = arith.constant 0 : i32
        %dma_start3A_89 = tpu.memref_slice %arg8[%dma_start3A, %dma_start3A_88] : memref<6144x128xf32, #tpu.memory_space<vmem_shared>> -> memref<6144x128xf32, #tpu.memory_space<vmem_shared>>
        tpu.enqueue_indirect_dma source(%arg6 : memref<128x128xf32, #tpu.memory_space<vmem>>) target(%dma_start3A_89 : memref<6144x128xf32, #tpu.memory_space<vmem_shared>>) offsets(%arg5 : memref<128xi32, #tpu.memory_space<vmem>>) semaphore(%run_scoped3A : memref<!tpu.dma_semaphore, #tpu.memory_space<semaphore_mem>>) {add = true}
        %dma_wait3A = arith.constant 0 : i32
        %dma_wait3A_90 = arith.constant 0 : i32
        %dma_wait3A_91 = tpu.memref_slice %arg8[%dma_wait3A, %dma_wait3A_90] : memref<6144x128xf32, #tpu.memory_space<vmem_shared>> -> memref<6144x128xf32, #tpu.memory_space<vmem_shared>>
        tpu.wait_indirect_dma semaphore(%run_scoped3A : memref<!tpu.dma_semaphore, #tpu.memory_space<semaphore_mem>>) src(%arg6 : memref<128x128xf32, #tpu.memory_space<vmem>>) dst(%dma_wait3A_91 : memref<6144x128xf32, #tpu.memory_space<vmem_shared>>)
        tpu.yield
      }) : () -> ()
      %scan3A_87 = arith.constant 0 : i32
      scf.yield %scan3A_87 : i32
    }
    %scan3A_36 = arith.constant 160 : i32
    %barrier3A_37 = arith.constant 0 : index
    tpu.barrier barrier_id(%barrier3A_37)
    %mul3A_38 = arith.constant 320 : i32
    %mul3A_39 = arith.muli %arg1, %mul3A_38 : i32
    %add3A_40 = arith.constant 0 : i32
    %add3A_41 = arith.addi %mul3A_39, %add3A_40 : i32
    "tpu.region"() ({
      %run_scoped3A = tpu.sem_alloc : memref<!tpu.dma_semaphore, #tpu.memory_space<semaphore_mem>>
      %dma_start3A = arith.constant 0 : i32
      %dma_start3A_77 = tpu.memref_slice %arg8[%add3A_41, %dma_start3A] : memref<6144x128xf32, #tpu.memory_space<vmem_shared>> -> memref<64x128xf32, #tpu.memory_space<vmem_shared>>
      %dma_start3A_78 = arith.constant 0 : i32
      %dma_start3A_79 = tpu.memref_slice %arg8[%add3A_41, %dma_start3A_78] : memref<6144x128xf32, #tpu.memory_space<vmem_shared>> -> memref<64x128xf32, #tpu.memory_space<vmem_shared>>
      tpu.enqueue_dma source(%dma_start3A_79 : memref<64x128xf32, #tpu.memory_space<vmem_shared>>) target(%arg7 : memref<64x128xf32, #tpu.memory_space<vmem>>) target_semaphore(%run_scoped3A : memref<!tpu.dma_semaphore, #tpu.memory_space<semaphore_mem>>)
      %dma_wait3A = arith.constant 0 : i32
      %dma_wait3A_80 = tpu.memref_slice %arg8[%add3A_41, %dma_wait3A] : memref<6144x128xf32, #tpu.memory_space<vmem_shared>> -> memref<64x128xf32, #tpu.memory_space<vmem_shared>>
      %dma_wait3A_81 = arith.constant 0 : i32
      %dma_wait3A_82 = tpu.memref_slice %arg8[%add3A_41, %dma_wait3A_81] : memref<6144x128xf32, #tpu.memory_space<vmem_shared>> -> memref<64x128xf32, #tpu.memory_space<vmem_shared>>
      tpu.wait_dma2 semaphore(%run_scoped3A : memref<!tpu.dma_semaphore, #tpu.memory_space<semaphore_mem>>) src(%dma_wait3A_82 : memref<64x128xf32, #tpu.memory_space<vmem_shared>>) dst(%arg7 : memref<64x128xf32, #tpu.memory_space<vmem>>)
      tpu.yield
    }) : () -> ()
    %mul3A_42 = arith.constant 5120 : i32
    %mul3A_43 = arith.muli %arg0, %mul3A_42 : i32
    %add3A_44 = arith.addi %mul3A_43, %add3A_41 : i32
    %multiple_of3A = tpu.assume_multiple %add3A_44, 64 : i32
    "tpu.region"() ({
      %run_scoped3A = tpu.sem_alloc : memref<!tpu.dma_semaphore, #tpu.memory_space<semaphore_mem>>
      %dma_start3A = arith.constant 0 : i32
      %dma_start3A_77 = tpu.memref_slice %arg4[%multiple_of3A, %dma_start3A] : memref<10240x128xf32, #tpu.memory_space<hbm>> -> memref<64x128xf32, #tpu.memory_space<hbm>>
      %dma_start3A_78 = arith.constant 0 : i32
      %dma_start3A_79 = tpu.memref_slice %arg4[%multiple_of3A, %dma_start3A_78] : memref<10240x128xf32, #tpu.memory_space<hbm>> -> memref<64x128xf32, #tpu.memory_space<hbm>>
      tpu.enqueue_dma source(%arg7 : memref<64x128xf32, #tpu.memory_space<vmem>>) target(%dma_start3A_79 : memref<64x128xf32, #tpu.memory_space<hbm>>) target_semaphore(%run_scoped3A : memref<!tpu.dma_semaphore, #tpu.memory_space<semaphore_mem>>)
      %dma_wait3A = arith.constant 0 : i32
      %dma_wait3A_80 = tpu.memref_slice %arg4[%multiple_of3A, %dma_wait3A] : memref<10240x128xf32, #tpu.memory_space<hbm>> -> memref<64x128xf32, #tpu.memory_space<hbm>>
      %dma_wait3A_81 = arith.constant 0 : i32
      %dma_wait3A_82 = tpu.memref_slice %arg4[%multiple_of3A, %dma_wait3A_81] : memref<10240x128xf32, #tpu.memory_space<hbm>> -> memref<64x128xf32, #tpu.memory_space<hbm>>
      tpu.wait_dma2 semaphore(%run_scoped3A : memref<!tpu.dma_semaphore, #tpu.memory_space<semaphore_mem>>) src(%arg7 : memref<64x128xf32, #tpu.memory_space<vmem>>) dst(%dma_wait3A_82 : memref<64x128xf32, #tpu.memory_space<hbm>>)
      tpu.yield
    }) : () -> ()
    %mul3A_45 = arith.constant 320 : i32
    %mul3A_46 = arith.muli %arg1, %mul3A_45 : i32
    %add3A_47 = arith.constant 64 : i32
    %add3A_48 = arith.addi %mul3A_46, %add3A_47 : i32
    "tpu.region"() ({
      %run_scoped3A = tpu.sem_alloc : memref<!tpu.dma_semaphore, #tpu.memory_space<semaphore_mem>>
      %dma_start3A = arith.constant 0 : i32
      %dma_start3A_77 = tpu.memref_slice %arg8[%add3A_48, %dma_start3A] : memref<6144x128xf32, #tpu.memory_space<vmem_shared>> -> memref<64x128xf32, #tpu.memory_space<vmem_shared>>
      %dma_start3A_78 = arith.constant 0 : i32
      %dma_start3A_79 = tpu.memref_slice %arg8[%add3A_48, %dma_start3A_78] : memref<6144x128xf32, #tpu.memory_space<vmem_shared>> -> memref<64x128xf32, #tpu.memory_space<vmem_shared>>
      tpu.enqueue_dma source(%dma_start3A_79 : memref<64x128xf32, #tpu.memory_space<vmem_shared>>) target(%arg7 : memref<64x128xf32, #tpu.memory_space<vmem>>) target_semaphore(%run_scoped3A : memref<!tpu.dma_semaphore, #tpu.memory_space<semaphore_mem>>)
      %dma_wait3A = arith.constant 0 : i32
      %dma_wait3A_80 = tpu.memref_slice %arg8[%add3A_48, %dma_wait3A] : memref<6144x128xf32, #tpu.memory_space<vmem_shared>> -> memref<64x128xf32, #tpu.memory_space<vmem_shared>>
      %dma_wait3A_81 = arith.constant 0 : i32
      %dma_wait3A_82 = tpu.memref_slice %arg8[%add3A_48, %dma_wait3A_81] : memref<6144x128xf32, #tpu.memory_space<vmem_shared>> -> memref<64x128xf32, #tpu.memory_space<vmem_shared>>
      tpu.wait_dma2 semaphore(%run_scoped3A : memref<!tpu.dma_semaphore, #tpu.memory_space<semaphore_mem>>) src(%dma_wait3A_82 : memref<64x128xf32, #tpu.memory_space<vmem_shared>>) dst(%arg7 : memref<64x128xf32, #tpu.memory_space<vmem>>)
      tpu.yield
    }) : () -> ()
    %mul3A_49 = arith.constant 5120 : i32
    %mul3A_50 = arith.muli %arg0, %mul3A_49 : i32
    %add3A_51 = arith.addi %mul3A_50, %add3A_48 : i32
    %multiple_of3A_52 = tpu.assume_multiple %add3A_51, 64 : i32
    "tpu.region"() ({
      %run_scoped3A = tpu.sem_alloc : memref<!tpu.dma_semaphore, #tpu.memory_space<semaphore_mem>>
      %dma_start3A = arith.constant 0 : i32
      %dma_start3A_77 = tpu.memref_slice %arg4[%multiple_of3A_52, %dma_start3A] : memref<10240x128xf32, #tpu.memory_space<hbm>> -> memref<64x128xf32, #tpu.memory_space<hbm>>
      %dma_start3A_78 = arith.constant 0 : i32
      %dma_start3A_79 = tpu.memref_slice %arg4[%multiple_of3A_52, %dma_start3A_78] : memref<10240x128xf32, #tpu.memory_space<hbm>> -> memref<64x128xf32, #tpu.memory_space<hbm>>
      tpu.enqueue_dma source(%arg7 : memref<64x128xf32, #tpu.memory_space<vmem>>) target(%dma_start3A_79 : memref<64x128xf32, #tpu.memory_space<hbm>>) target_semaphore(%run_scoped3A : memref<!tpu.dma_semaphore, #tpu.memory_space<semaphore_mem>>)
      %dma_wait3A = arith.constant 0 : i32
      %dma_wait3A_80 = tpu.memref_slice %arg4[%multiple_of3A_52, %dma_wait3A] : memref<10240x128xf32, #tpu.memory_space<hbm>> -> memref<64x128xf32, #tpu.memory_space<hbm>>
      %dma_wait3A_81 = arith.constant 0 : i32
      %dma_wait3A_82 = tpu.memref_slice %arg4[%multiple_of3A_52, %dma_wait3A_81] : memref<10240x128xf32, #tpu.memory_space<hbm>> -> memref<64x128xf32, #tpu.memory_space<hbm>>
      tpu.wait_dma2 semaphore(%run_scoped3A : memref<!tpu.dma_semaphore, #tpu.memory_space<semaphore_mem>>) src(%arg7 : memref<64x128xf32, #tpu.memory_space<vmem>>) dst(%dma_wait3A_82 : memref<64x128xf32, #tpu.memory_space<hbm>>)
      tpu.yield
    }) : () -> ()
    %mul3A_53 = arith.constant 320 : i32
    %mul3A_54 = arith.muli %arg1, %mul3A_53 : i32
    %add3A_55 = arith.constant 128 : i32
    %add3A_56 = arith.addi %mul3A_54, %add3A_55 : i32
    "tpu.region"() ({
      %run_scoped3A = tpu.sem_alloc : memref<!tpu.dma_semaphore, #tpu.memory_space<semaphore_mem>>
      %dma_start3A = arith.constant 0 : i32
      %dma_start3A_77 = tpu.memref_slice %arg8[%add3A_56, %dma_start3A] : memref<6144x128xf32, #tpu.memory_space<vmem_shared>> -> memref<64x128xf32, #tpu.memory_space<vmem_shared>>
      %dma_start3A_78 = arith.constant 0 : i32
      %dma_start3A_79 = tpu.memref_slice %arg8[%add3A_56, %dma_start3A_78] : memref<6144x128xf32, #tpu.memory_space<vmem_shared>> -> memref<64x128xf32, #tpu.memory_space<vmem_shared>>
      tpu.enqueue_dma source(%dma_start3A_79 : memref<64x128xf32, #tpu.memory_space<vmem_shared>>) target(%arg7 : memref<64x128xf32, #tpu.memory_space<vmem>>) target_semaphore(%run_scoped3A : memref<!tpu.dma_semaphore, #tpu.memory_space<semaphore_mem>>)
      %dma_wait3A = arith.constant 0 : i32
      %dma_wait3A_80 = tpu.memref_slice %arg8[%add3A_56, %dma_wait3A] : memref<6144x128xf32, #tpu.memory_space<vmem_shared>> -> memref<64x128xf32, #tpu.memory_space<vmem_shared>>
      %dma_wait3A_81 = arith.constant 0 : i32
      %dma_wait3A_82 = tpu.memref_slice %arg8[%add3A_56, %dma_wait3A_81] : memref<6144x128xf32, #tpu.memory_space<vmem_shared>> -> memref<64x128xf32, #tpu.memory_space<vmem_shared>>
      tpu.wait_dma2 semaphore(%run_scoped3A : memref<!tpu.dma_semaphore, #tpu.memory_space<semaphore_mem>>) src(%dma_wait3A_82 : memref<64x128xf32, #tpu.memory_space<vmem_shared>>) dst(%arg7 : memref<64x128xf32, #tpu.memory_space<vmem>>)
      tpu.yield
    }) : () -> ()
    %mul3A_57 = arith.constant 5120 : i32
    %mul3A_58 = arith.muli %arg0, %mul3A_57 : i32
    %add3A_59 = arith.addi %mul3A_58, %add3A_56 : i32
    %multiple_of3A_60 = tpu.assume_multiple %add3A_59, 64 : i32
    "tpu.region"() ({
      %run_scoped3A = tpu.sem_alloc : memref<!tpu.dma_semaphore, #tpu.memory_space<semaphore_mem>>
      %dma_start3A = arith.constant 0 : i32
      %dma_start3A_77 = tpu.memref_slice %arg4[%multiple_of3A_60, %dma_start3A] : memref<10240x128xf32, #tpu.memory_space<hbm>> -> memref<64x128xf32, #tpu.memory_space<hbm>>
      %dma_start3A_78 = arith.constant 0 : i32
      %dma_start3A_79 = tpu.memref_slice %arg4[%multiple_of3A_60, %dma_start3A_78] : memref<10240x128xf32, #tpu.memory_space<hbm>> -> memref<64x128xf32, #tpu.memory_space<hbm>>
      tpu.enqueue_dma source(%arg7 : memref<64x128xf32, #tpu.memory_space<vmem>>) target(%dma_start3A_79 : memref<64x128xf32, #tpu.memory_space<hbm>>) target_semaphore(%run_scoped3A : memref<!tpu.dma_semaphore, #tpu.memory_space<semaphore_mem>>)
      %dma_wait3A = arith.constant 0 : i32
      %dma_wait3A_80 = tpu.memref_slice %arg4[%multiple_of3A_60, %dma_wait3A] : memref<10240x128xf32, #tpu.memory_space<hbm>> -> memref<64x128xf32, #tpu.memory_space<hbm>>
      %dma_wait3A_81 = arith.constant 0 : i32
      %dma_wait3A_82 = tpu.memref_slice %arg4[%multiple_of3A_60, %dma_wait3A_81] : memref<10240x128xf32, #tpu.memory_space<hbm>> -> memref<64x128xf32, #tpu.memory_space<hbm>>
      tpu.wait_dma2 semaphore(%run_scoped3A : memref<!tpu.dma_semaphore, #tpu.memory_space<semaphore_mem>>) src(%arg7 : memref<64x128xf32, #tpu.memory_space<vmem>>) dst(%dma_wait3A_82 : memref<64x128xf32, #tpu.memory_space<hbm>>)
      tpu.yield
    }) : () -> ()
    %mul3A_61 = arith.constant 320 : i32
    %mul3A_62 = arith.muli %arg1, %mul3A_61 : i32
    %add3A_63 = arith.constant 192 : i32
    %add3A_64 = arith.addi %mul3A_62, %add3A_63 : i32
    "tpu.region"() ({
      %run_scoped3A = tpu.sem_alloc : memref<!tpu.dma_semaphore, #tpu.memory_space<semaphore_mem>>
      %dma_start3A = arith.constant 0 : i32
      %dma_start3A_77 = tpu.memref_slice %arg8[%add3A_64, %dma_start3A] : memref<6144x128xf32, #tpu.memory_space<vmem_shared>> -> memref<64x128xf32, #tpu.memory_space<vmem_shared>>
      %dma_start3A_78 = arith.constant 0 : i32
      %dma_start3A_79 = tpu.memref_slice %arg8[%add3A_64, %dma_start3A_78] : memref<6144x128xf32, #tpu.memory_space<vmem_shared>> -> memref<64x128xf32, #tpu.memory_space<vmem_shared>>
      tpu.enqueue_dma source(%dma_start3A_79 : memref<64x128xf32, #tpu.memory_space<vmem_shared>>) target(%arg7 : memref<64x128xf32, #tpu.memory_space<vmem>>) target_semaphore(%run_scoped3A : memref<!tpu.dma_semaphore, #tpu.memory_space<semaphore_mem>>)
      %dma_wait3A = arith.constant 0 : i32
      %dma_wait3A_80 = tpu.memref_slice %arg8[%add3A_64, %dma_wait3A] : memref<6144x128xf32, #tpu.memory_space<vmem_shared>> -> memref<64x128xf32, #tpu.memory_space<vmem_shared>>
      %dma_wait3A_81 = arith.constant 0 : i32
      %dma_wait3A_82 = tpu.memref_slice %arg8[%add3A_64, %dma_wait3A_81] : memref<6144x128xf32, #tpu.memory_space<vmem_shared>> -> memref<64x128xf32, #tpu.memory_space<vmem_shared>>
      tpu.wait_dma2 semaphore(%run_scoped3A : memref<!tpu.dma_semaphore, #tpu.memory_space<semaphore_mem>>) src(%dma_wait3A_82 : memref<64x128xf32, #tpu.memory_space<vmem_shared>>) dst(%arg7 : memref<64x128xf32, #tpu.memory_space<vmem>>)
      tpu.yield
    }) : () -> ()
    %mul3A_65 = arith.constant 5120 : i32
    %mul3A_66 = arith.muli %arg0, %mul3A_65 : i32
    %add3A_67 = arith.addi %mul3A_66, %add3A_64 : i32
    %multiple_of3A_68 = tpu.assume_multiple %add3A_67, 64 : i32
    "tpu.region"() ({
      %run_scoped3A = tpu.sem_alloc : memref<!tpu.dma_semaphore, #tpu.memory_space<semaphore_mem>>
      %dma_start3A = arith.constant 0 : i32
      %dma_start3A_77 = tpu.memref_slice %arg4[%multiple_of3A_68, %dma_start3A] : memref<10240x128xf32, #tpu.memory_space<hbm>> -> memref<64x128xf32, #tpu.memory_space<hbm>>
      %dma_start3A_78 = arith.constant 0 : i32
      %dma_start3A_79 = tpu.memref_slice %arg4[%multiple_of3A_68, %dma_start3A_78] : memref<10240x128xf32, #tpu.memory_space<hbm>> -> memref<64x128xf32, #tpu.memory_space<hbm>>
      tpu.enqueue_dma source(%arg7 : memref<64x128xf32, #tpu.memory_space<vmem>>) target(%dma_start3A_79 : memref<64x128xf32, #tpu.memory_space<hbm>>) target_semaphore(%run_scoped3A : memref<!tpu.dma_semaphore, #tpu.memory_space<semaphore_mem>>)
      %dma_wait3A = arith.constant 0 : i32
      %dma_wait3A_80 = tpu.memref_slice %arg4[%multiple_of3A_68, %dma_wait3A] : memref<10240x128xf32, #tpu.memory_space<hbm>> -> memref<64x128xf32, #tpu.memory_space<hbm>>
      %dma_wait3A_81 = arith.constant 0 : i32
      %dma_wait3A_82 = tpu.memref_slice %arg4[%multiple_of3A_68, %dma_wait3A_81] : memref<10240x128xf32, #tpu.memory_space<hbm>> -> memref<64x128xf32, #tpu.memory_space<hbm>>
      tpu.wait_dma2 semaphore(%run_scoped3A : memref<!tpu.dma_semaphore, #tpu.memory_space<semaphore_mem>>) src(%arg7 : memref<64x128xf32, #tpu.memory_space<vmem>>) dst(%dma_wait3A_82 : memref<64x128xf32, #tpu.memory_space<hbm>>)
      tpu.yield
    }) : () -> ()
    %mul3A_69 = arith.constant 320 : i32
    %mul3A_70 = arith.muli %arg1, %mul3A_69 : i32
    %add3A_71 = arith.constant 256 : i32
    %add3A_72 = arith.addi %mul3A_70, %add3A_71 : i32
    "tpu.region"() ({
      %run_scoped3A = tpu.sem_alloc : memref<!tpu.dma_semaphore, #tpu.memory_space<semaphore_mem>>
      %dma_start3A = arith.constant 0 : i32
      %dma_start3A_77 = tpu.memref_slice %arg8[%add3A_72, %dma_start3A] : memref<6144x128xf32, #tpu.memory_space<vmem_shared>> -> memref<64x128xf32, #tpu.memory_space<vmem_shared>>
      %dma_start3A_78 = arith.constant 0 : i32
      %dma_start3A_79 = tpu.memref_slice %arg8[%add3A_72, %dma_start3A_78] : memref<6144x128xf32, #tpu.memory_space<vmem_shared>> -> memref<64x128xf32, #tpu.memory_space<vmem_shared>>
      tpu.enqueue_dma source(%dma_start3A_79 : memref<64x128xf32, #tpu.memory_space<vmem_shared>>) target(%arg7 : memref<64x128xf32, #tpu.memory_space<vmem>>) target_semaphore(%run_scoped3A : memref<!tpu.dma_semaphore, #tpu.memory_space<semaphore_mem>>)
      %dma_wait3A = arith.constant 0 : i32
      %dma_wait3A_80 = tpu.memref_slice %arg8[%add3A_72, %dma_wait3A] : memref<6144x128xf32, #tpu.memory_space<vmem_shared>> -> memref<64x128xf32, #tpu.memory_space<vmem_shared>>
      %dma_wait3A_81 = arith.constant 0 : i32
      %dma_wait3A_82 = tpu.memref_slice %arg8[%add3A_72, %dma_wait3A_81] : memref<6144x128xf32, #tpu.memory_space<vmem_shared>> -> memref<64x128xf32, #tpu.memory_space<vmem_shared>>
      tpu.wait_dma2 semaphore(%run_scoped3A : memref<!tpu.dma_semaphore, #tpu.memory_space<semaphore_mem>>) src(%dma_wait3A_82 : memref<64x128xf32, #tpu.memory_space<vmem_shared>>) dst(%arg7 : memref<64x128xf32, #tpu.memory_space<vmem>>)
      tpu.yield
    }) : () -> ()
    %mul3A_73 = arith.constant 5120 : i32
    %mul3A_74 = arith.muli %arg0, %mul3A_73 : i32
    %add3A_75 = arith.addi %mul3A_74, %add3A_72 : i32
    %multiple_of3A_76 = tpu.assume_multiple %add3A_75, 64 : i32
    "tpu.region"() ({
      %run_scoped3A = tpu.sem_alloc : memref<!tpu.dma_semaphore, #tpu.memory_space<semaphore_mem>>
      %dma_start3A = arith.constant 0 : i32
      %dma_start3A_77 = tpu.memref_slice %arg4[%multiple_of3A_76, %dma_start3A] : memref<10240x128xf32, #tpu.memory_space<hbm>> -> memref<64x128xf32, #tpu.memory_space<hbm>>
      %dma_start3A_78 = arith.constant 0 : i32
      %dma_start3A_79 = tpu.memref_slice %arg4[%multiple_of3A_76, %dma_start3A_78] : memref<10240x128xf32, #tpu.memory_space<hbm>> -> memref<64x128xf32, #tpu.memory_space<hbm>>
      tpu.enqueue_dma source(%arg7 : memref<64x128xf32, #tpu.memory_space<vmem>>) target(%dma_start3A_79 : memref<64x128xf32, #tpu.memory_space<hbm>>) target_semaphore(%run_scoped3A : memref<!tpu.dma_semaphore, #tpu.memory_space<semaphore_mem>>)
      %dma_wait3A = arith.constant 0 : i32
      %dma_wait3A_80 = tpu.memref_slice %arg4[%multiple_of3A_76, %dma_wait3A] : memref<10240x128xf32, #tpu.memory_space<hbm>> -> memref<64x128xf32, #tpu.memory_space<hbm>>
      %dma_wait3A_81 = arith.constant 0 : i32
      %dma_wait3A_82 = tpu.memref_slice %arg4[%multiple_of3A_76, %dma_wait3A_81] : memref<10240x128xf32, #tpu.memory_space<hbm>> -> memref<64x128xf32, #tpu.memory_space<hbm>>
      tpu.wait_dma2 semaphore(%run_scoped3A : memref<!tpu.dma_semaphore, #tpu.memory_space<semaphore_mem>>) src(%arg7 : memref<64x128xf32, #tpu.memory_space<vmem>>) dst(%dma_wait3A_82 : memref<64x128xf32, #tpu.memory_space<hbm>>)
      tpu.yield
    }) : () -> ()
    return
  }
}

#map = affine_map<(d0, d1) -> (0, 0)>
#map1 = affine_map<(d0, d1) -> (0)>
module attributes {stable_mosaic.version = 14 : i64} {
  func.func @k(%arg0: i32, %arg1: i32, %arg2: memref<10240x128xf32, #tpu.memory_space<hbm>>, %arg3: memref<327680xi32, #tpu.memory_space<hbm>>, %arg4: memref<327680x128xf32, #tpu.memory_space<hbm>>, %arg5: memref<128xi32, #tpu.memory_space<vmem>>, %arg6: memref<128x128xf32, #tpu.memory_space<vmem>>, %arg7: memref<!tpu.dma_semaphore, #tpu.memory_space<semaphore_mem>>) attributes {dimension_semantics = [#tpu.dimension_semantics<core_parallel>, #tpu.dimension_semantics<subcore_parallel>], iteration_bounds = array<i64: 2, 16>, scalar_prefetch = 0 : i64, scratch_operands = 3 : i64, tpu.core_type = #tpu.core_type<sc_vector_subcore>, window_params = [{transform_indices = #map}, {transform_indices = #map1}, {transform_indices = #map}]} {
    %mul3A = arith.constant 16 : i32
    %mul3A_0 = arith.muli %arg0, %mul3A : i32
    %add3A = arith.addi %mul3A_0, %arg1 : i32
    %mul3A_1 = arith.constant 10240 : i32
    %mul3A_2 = arith.muli %add3A, %mul3A_1 : i32
    %scan3A = arith.constant 0 : i32
    %scan3A_3 = arith.constant 0 : i32
    %scan3A_4 = arith.constant 80 : i32
    %scan3A_5 = arith.addi %scan3A_3, %scan3A_4 : i32
    %scan3A_6 = arith.constant 1 : i32
    %scan3A_7 = scf.for %scan3A_9 = %scan3A_3 to %scan3A_5 step %scan3A_6 iter_args(%scan3A_10 = %scan3A) -> (i32)  : i32 {
      %mul3A_11 = arith.constant 128 : i32
      %mul3A_12 = arith.muli %scan3A_9, %mul3A_11 : i32
      %add3A_13 = arith.addi %mul3A_2, %mul3A_12 : i32
      %multiple_of3A = tpu.assume_multiple %add3A_13, 128 : i32
      "tpu.region"() ({
        %run_scoped3A = tpu.sem_alloc : memref<!tpu.dma_semaphore, #tpu.memory_space<semaphore_mem>>
        %dma_start3A_19 = tpu.memref_slice %arg3[%multiple_of3A] : memref<327680xi32, #tpu.memory_space<hbm>> -> memref<128xi32, #tpu.memory_space<hbm>>
        %dma_start3A_20 = tpu.memref_slice %arg3[%multiple_of3A] : memref<327680xi32, #tpu.memory_space<hbm>> -> memref<128xi32, #tpu.memory_space<hbm>>
        tpu.enqueue_dma source(%dma_start3A_20 : memref<128xi32, #tpu.memory_space<hbm>>) target(%arg5 : memref<128xi32, #tpu.memory_space<vmem>>) target_semaphore(%run_scoped3A : memref<!tpu.dma_semaphore, #tpu.memory_space<semaphore_mem>>)
        %dma_wait3A_21 = tpu.memref_slice %arg3[%multiple_of3A] : memref<327680xi32, #tpu.memory_space<hbm>> -> memref<128xi32, #tpu.memory_space<hbm>>
        %dma_wait3A_22 = tpu.memref_slice %arg3[%multiple_of3A] : memref<327680xi32, #tpu.memory_space<hbm>> -> memref<128xi32, #tpu.memory_space<hbm>>
        tpu.wait_dma2 semaphore(%run_scoped3A : memref<!tpu.dma_semaphore, #tpu.memory_space<semaphore_mem>>) src(%dma_wait3A_22 : memref<128xi32, #tpu.memory_space<hbm>>) dst(%arg5 : memref<128xi32, #tpu.memory_space<vmem>>)
        tpu.yield
      }) : () -> ()
      %dma_start3A = arith.constant 0 : i32
      %dma_start3A_14 = arith.constant 0 : i32
      %dma_start3A_15 = tpu.memref_slice %arg2[%dma_start3A, %dma_start3A_14] : memref<10240x128xf32, #tpu.memory_space<hbm>> -> memref<10240x128xf32, #tpu.memory_space<hbm>>
      tpu.enqueue_indirect_dma source(%dma_start3A_15 : memref<10240x128xf32, #tpu.memory_space<hbm>>) target(%arg6 : memref<128x128xf32, #tpu.memory_space<vmem>>) offsets(%arg5 : memref<128xi32, #tpu.memory_space<vmem>>) semaphore(%arg7 : memref<!tpu.dma_semaphore, #tpu.memory_space<semaphore_mem>>)
      %dma_wait3A = arith.constant 0 : i32
      %dma_wait3A_16 = arith.constant 0 : i32
      %dma_wait3A_17 = tpu.memref_slice %arg2[%dma_wait3A, %dma_wait3A_16] : memref<10240x128xf32, #tpu.memory_space<hbm>> -> memref<10240x128xf32, #tpu.memory_space<hbm>>
      tpu.wait_indirect_dma semaphore(%arg7 : memref<!tpu.dma_semaphore, #tpu.memory_space<semaphore_mem>>) src(%dma_wait3A_17 : memref<10240x128xf32, #tpu.memory_space<hbm>>) dst(%arg6 : memref<128x128xf32, #tpu.memory_space<vmem>>)
      "tpu.region"() ({
        %run_scoped3A = tpu.sem_alloc : memref<!tpu.dma_semaphore, #tpu.memory_space<semaphore_mem>>
        %dma_start3A_19 = arith.constant 0 : i32
        %dma_start3A_20 = tpu.memref_slice %arg4[%multiple_of3A, %dma_start3A_19] : memref<327680x128xf32, #tpu.memory_space<hbm>> -> memref<128x128xf32, #tpu.memory_space<hbm>>
        %dma_start3A_21 = arith.constant 0 : i32
        %dma_start3A_22 = tpu.memref_slice %arg4[%multiple_of3A, %dma_start3A_21] : memref<327680x128xf32, #tpu.memory_space<hbm>> -> memref<128x128xf32, #tpu.memory_space<hbm>>
        tpu.enqueue_dma source(%arg6 : memref<128x128xf32, #tpu.memory_space<vmem>>) target(%dma_start3A_22 : memref<128x128xf32, #tpu.memory_space<hbm>>) target_semaphore(%run_scoped3A : memref<!tpu.dma_semaphore, #tpu.memory_space<semaphore_mem>>)
        %dma_wait3A_23 = arith.constant 0 : i32
        %dma_wait3A_24 = tpu.memref_slice %arg4[%multiple_of3A, %dma_wait3A_23] : memref<327680x128xf32, #tpu.memory_space<hbm>> -> memref<128x128xf32, #tpu.memory_space<hbm>>
        %dma_wait3A_25 = arith.constant 0 : i32
        %dma_wait3A_26 = tpu.memref_slice %arg4[%multiple_of3A, %dma_wait3A_25] : memref<327680x128xf32, #tpu.memory_space<hbm>> -> memref<128x128xf32, #tpu.memory_space<hbm>>
        tpu.wait_dma2 semaphore(%run_scoped3A : memref<!tpu.dma_semaphore, #tpu.memory_space<semaphore_mem>>) src(%arg6 : memref<128x128xf32, #tpu.memory_space<vmem>>) dst(%dma_wait3A_26 : memref<128x128xf32, #tpu.memory_space<hbm>>)
        tpu.yield
      }) : () -> ()
      %scan3A_18 = arith.constant 0 : i32
      scf.yield %scan3A_18 : i32
    }
    %scan3A_8 = arith.constant 80 : i32
    return
  }
}

#map = affine_map<(d0, d1) -> (0, 0)>
#map1 = affine_map<(d0, d1) -> (0)>
module attributes {stable_mosaic.version = 14 : i64} {
  func.func @k(%arg0: i32, %arg1: i32, %arg2: memref<327680x128xf32, #tpu.memory_space<hbm>>, %arg3: memref<655360xi32, #tpu.memory_space<hbm>>, %arg4: memref<10240x128xf32, #tpu.memory_space<hbm>>, %arg5: memref<128xi32, #tpu.memory_space<vmem>>, %arg6: memref<128x128xf32, #tpu.memory_space<vmem>>, %arg7: memref<64x128xf32, #tpu.memory_space<vmem>>, %arg8: memref<6144x128xf32, #tpu.memory_space<vmem_shared>>) attributes {dimension_semantics = [#tpu.dimension_semantics<core_parallel>, #tpu.dimension_semantics<subcore_parallel>], iteration_bounds = array<i64: 2, 16>, scalar_prefetch = 0 : i64, scratch_operands = 4 : i64, tpu.core_type = #tpu.core_type<sc_vector_subcore>, window_params = [{transform_indices = #map}, {transform_indices = #map1}, {transform_indices = #map}]} {
    %scan3A = arith.constant 0 : i32
    %scan3A_0 = arith.constant 0 : i32
    %scan3A_1 = arith.constant 64 : i32
    %scan3A_2 = arith.addi %scan3A_0, %scan3A_1 : i32
    %scan3A_3 = arith.constant 1 : i32
    %scan3A_4 = scf.for %scan3A_77 = %scan3A_0 to %scan3A_2 step %scan3A_3 iter_args(%scan3A_78 = %scan3A) -> (i32)  : i32 {
      %broadcast_in_dim3A = arith.constant 0.000000e+00 : f32
      %broadcast_in_dim3A_79 = vector.broadcast %broadcast_in_dim3A : f32 to vector<16xf32>
      %swap3A = arith.index_cast %scan3A_77 : i32 to index
      %swap3A_80 = arith.constant 0 : index
      %swap3A_81 = tpu.vector_load %arg7[%swap3A, %swap3A_80] {strides = array<i32>} : memref<64x128xf32, #tpu.memory_space<vmem>>, vector<1x16xf32>,
      %swap3A_82 = vector.shape_cast %swap3A_81 : vector<1x16xf32> to vector<16xf32>
      %swap3A_83 = vector.shape_cast %broadcast_in_dim3A_79 : vector<16xf32> to vector<1x16xf32>
      tpu.vector_store %arg7[%swap3A, %swap3A_80], %swap3A_83 {strides = array<i32>} : memref<64x128xf32, #tpu.memory_space<vmem>>, vector<1x16xf32>,
      %broadcast_in_dim3A_84 = arith.constant 0.000000e+00 : f32
      %broadcast_in_dim3A_85 = vector.broadcast %broadcast_in_dim3A_84 : f32 to vector<16xf32>
      %swap3A_86 = arith.index_cast %scan3A_77 : i32 to index
      %swap3A_87 = arith.constant 16 : index
      %swap3A_88 = tpu.vector_load %arg7[%swap3A_86, %swap3A_87] {strides = array<i32>} : memref<64x128xf32, #tpu.memory_space<vmem>>, vector<1x16xf32>,
      %swap3A_89 = vector.shape_cast %swap3A_88 : vector<1x16xf32> to vector<16xf32>
      %swap3A_90 = vector.shape_cast %broadcast_in_dim3A_85 : vector<16xf32> to vector<1x16xf32>
      tpu.vector_store %arg7[%swap3A_86, %swap3A_87], %swap3A_90 {strides = array<i32>} : memref<64x128xf32, #tpu.memory_space<vmem>>, vector<1x16xf32>,
      %broadcast_in_dim3A_91 = arith.constant 0.000000e+00 : f32
      %broadcast_in_dim3A_92 = vector.broadcast %broadcast_in_dim3A_91 : f32 to vector<16xf32>
      %swap3A_93 = arith.index_cast %scan3A_77 : i32 to index
      %swap3A_94 = arith.constant 32 : index
      %swap3A_95 = tpu.vector_load %arg7[%swap3A_93, %swap3A_94] {strides = array<i32>} : memref<64x128xf32, #tpu.memory_space<vmem>>, vector<1x16xf32>,
      %swap3A_96 = vector.shape_cast %swap3A_95 : vector<1x16xf32> to vector<16xf32>
      %swap3A_97 = vector.shape_cast %broadcast_in_dim3A_92 : vector<16xf32> to vector<1x16xf32>
      tpu.vector_store %arg7[%swap3A_93, %swap3A_94], %swap3A_97 {strides = array<i32>} : memref<64x128xf32, #tpu.memory_space<vmem>>, vector<1x16xf32>,
      %broadcast_in_dim3A_98 = arith.constant 0.000000e+00 : f32
      %broadcast_in_dim3A_99 = vector.broadcast %broadcast_in_dim3A_98 : f32 to vector<16xf32>
      %swap3A_100 = arith.index_cast %scan3A_77 : i32 to index
      %swap3A_101 = arith.constant 48 : index
      %swap3A_102 = tpu.vector_load %arg7[%swap3A_100, %swap3A_101] {strides = array<i32>} : memref<64x128xf32, #tpu.memory_space<vmem>>, vector<1x16xf32>,
      %swap3A_103 = vector.shape_cast %swap3A_102 : vector<1x16xf32> to vector<16xf32>
      %swap3A_104 = vector.shape_cast %broadcast_in_dim3A_99 : vector<16xf32> to vector<1x16xf32>
      tpu.vector_store %arg7[%swap3A_100, %swap3A_101], %swap3A_104 {strides = array<i32>} : memref<64x128xf32, #tpu.memory_space<vmem>>, vector<1x16xf32>,
      %broadcast_in_dim3A_105 = arith.constant 0.000000e+00 : f32
      %broadcast_in_dim3A_106 = vector.broadcast %broadcast_in_dim3A_105 : f32 to vector<16xf32>
      %swap3A_107 = arith.index_cast %scan3A_77 : i32 to index
      %swap3A_108 = arith.constant 64 : index
      %swap3A_109 = tpu.vector_load %arg7[%swap3A_107, %swap3A_108] {strides = array<i32>} : memref<64x128xf32, #tpu.memory_space<vmem>>, vector<1x16xf32>,
      %swap3A_110 = vector.shape_cast %swap3A_109 : vector<1x16xf32> to vector<16xf32>
      %swap3A_111 = vector.shape_cast %broadcast_in_dim3A_106 : vector<16xf32> to vector<1x16xf32>
      tpu.vector_store %arg7[%swap3A_107, %swap3A_108], %swap3A_111 {strides = array<i32>} : memref<64x128xf32, #tpu.memory_space<vmem>>, vector<1x16xf32>,
      %broadcast_in_dim3A_112 = arith.constant 0.000000e+00 : f32
      %broadcast_in_dim3A_113 = vector.broadcast %broadcast_in_dim3A_112 : f32 to vector<16xf32>
      %swap3A_114 = arith.index_cast %scan3A_77 : i32 to index
      %swap3A_115 = arith.constant 80 : index
      %swap3A_116 = tpu.vector_load %arg7[%swap3A_114, %swap3A_115] {strides = array<i32>} : memref<64x128xf32, #tpu.memory_space<vmem>>, vector<1x16xf32>,
      %swap3A_117 = vector.shape_cast %swap3A_116 : vector<1x16xf32> to vector<16xf32>
      %swap3A_118 = vector.shape_cast %broadcast_in_dim3A_113 : vector<16xf32> to vector<1x16xf32>
      tpu.vector_store %arg7[%swap3A_114, %swap3A_115], %swap3A_118 {strides = array<i32>} : memref<64x128xf32, #tpu.memory_space<vmem>>, vector<1x16xf32>,
      %broadcast_in_dim3A_119 = arith.constant 0.000000e+00 : f32
      %broadcast_in_dim3A_120 = vector.broadcast %broadcast_in_dim3A_119 : f32 to vector<16xf32>
      %swap3A_121 = arith.index_cast %scan3A_77 : i32 to index
      %swap3A_122 = arith.constant 96 : index
      %swap3A_123 = tpu.vector_load %arg7[%swap3A_121, %swap3A_122] {strides = array<i32>} : memref<64x128xf32, #tpu.memory_space<vmem>>, vector<1x16xf32>,
      %swap3A_124 = vector.shape_cast %swap3A_123 : vector<1x16xf32> to vector<16xf32>
      %swap3A_125 = vector.shape_cast %broadcast_in_dim3A_120 : vector<16xf32> to vector<1x16xf32>
      tpu.vector_store %arg7[%swap3A_121, %swap3A_122], %swap3A_125 {strides = array<i32>} : memref<64x128xf32, #tpu.memory_space<vmem>>, vector<1x16xf32>,
      %broadcast_in_dim3A_126 = arith.constant 0.000000e+00 : f32
      %broadcast_in_dim3A_127 = vector.broadcast %broadcast_in_dim3A_126 : f32 to vector<16xf32>
      %swap3A_128 = arith.index_cast %scan3A_77 : i32 to index
      %swap3A_129 = arith.constant 112 : index
      %swap3A_130 = tpu.vector_load %arg7[%swap3A_128, %swap3A_129] {strides = array<i32>} : memref<64x128xf32, #tpu.memory_space<vmem>>, vector<1x16xf32>,
      %swap3A_131 = vector.shape_cast %swap3A_130 : vector<1x16xf32> to vector<16xf32>
      %swap3A_132 = vector.shape_cast %broadcast_in_dim3A_127 : vector<16xf32> to vector<1x16xf32>
      tpu.vector_store %arg7[%swap3A_128, %swap3A_129], %swap3A_132 {strides = array<i32>} : memref<64x128xf32, #tpu.memory_space<vmem>>, vector<1x16xf32>,
      %scan3A_133 = arith.constant 0 : i32
      scf.yield %scan3A_133 : i32
    }
    %scan3A_5 = arith.constant 64 : i32
    %mul3A = arith.constant 384 : i32
    %mul3A_6 = arith.muli %arg1, %mul3A : i32
    %add3A = arith.constant 0 : i32
    %add3A_7 = arith.addi %mul3A_6, %add3A : i32
    "tpu.region"() ({
      %run_scoped3A = tpu.sem_alloc : memref<!tpu.dma_semaphore, #tpu.memory_space<semaphore_mem>>
      %dma_start3A = arith.constant 0 : i32
      %dma_start3A_77 = tpu.memref_slice %arg8[%add3A_7, %dma_start3A] : memref<6144x128xf32, #tpu.memory_space<vmem_shared>> -> memref<64x128xf32, #tpu.memory_space<vmem_shared>>
      %dma_start3A_78 = arith.constant 0 : i32
      %dma_start3A_79 = tpu.memref_slice %arg8[%add3A_7, %dma_start3A_78] : memref<6144x128xf32, #tpu.memory_space<vmem_shared>> -> memref<64x128xf32, #tpu.memory_space<vmem_shared>>
      tpu.enqueue_dma source(%arg7 : memref<64x128xf32, #tpu.memory_space<vmem>>) target(%dma_start3A_79 : memref<64x128xf32, #tpu.memory_space<vmem_shared>>) target_semaphore(%run_scoped3A : memref<!tpu.dma_semaphore, #tpu.memory_space<semaphore_mem>>)
      %dma_wait3A = arith.constant 0 : i32
      %dma_wait3A_80 = tpu.memref_slice %arg8[%add3A_7, %dma_wait3A] : memref<6144x128xf32, #tpu.memory_space<vmem_shared>> -> memref<64x128xf32, #tpu.memory_space<vmem_shared>>
      %dma_wait3A_81 = arith.constant 0 : i32
      %dma_wait3A_82 = tpu.memref_slice %arg8[%add3A_7, %dma_wait3A_81] : memref<6144x128xf32, #tpu.memory_space<vmem_shared>> -> memref<64x128xf32, #tpu.memory_space<vmem_shared>>
      tpu.wait_dma2 semaphore(%run_scoped3A : memref<!tpu.dma_semaphore, #tpu.memory_space<semaphore_mem>>) src(%arg7 : memref<64x128xf32, #tpu.memory_space<vmem>>) dst(%dma_wait3A_82 : memref<64x128xf32, #tpu.memory_space<vmem_shared>>)
      tpu.yield
    }) : () -> ()
    %mul3A_8 = arith.constant 384 : i32
    %mul3A_9 = arith.muli %arg1, %mul3A_8 : i32
    %add3A_10 = arith.constant 64 : i32
    %add3A_11 = arith.addi %mul3A_9, %add3A_10 : i32
    "tpu.region"() ({
      %run_scoped3A = tpu.sem_alloc : memref<!tpu.dma_semaphore, #tpu.memory_space<semaphore_mem>>
      %dma_start3A = arith.constant 0 : i32
      %dma_start3A_77 = tpu.memref_slice %arg8[%add3A_11, %dma_start3A] : memref<6144x128xf32, #tpu.memory_space<vmem_shared>> -> memref<64x128xf32, #tpu.memory_space<vmem_shared>>
      %dma_start3A_78 = arith.constant 0 : i32
      %dma_start3A_79 = tpu.memref_slice %arg8[%add3A_11, %dma_start3A_78] : memref<6144x128xf32, #tpu.memory_space<vmem_shared>> -> memref<64x128xf32, #tpu.memory_space<vmem_shared>>
      tpu.enqueue_dma source(%arg7 : memref<64x128xf32, #tpu.memory_space<vmem>>) target(%dma_start3A_79 : memref<64x128xf32, #tpu.memory_space<vmem_shared>>) target_semaphore(%run_scoped3A : memref<!tpu.dma_semaphore, #tpu.memory_space<semaphore_mem>>)
      %dma_wait3A = arith.constant 0 : i32
      %dma_wait3A_80 = tpu.memref_slice %arg8[%add3A_11, %dma_wait3A] : memref<6144x128xf32, #tpu.memory_space<vmem_shared>> -> memref<64x128xf32, #tpu.memory_space<vmem_shared>>
      %dma_wait3A_81 = arith.constant 0 : i32
      %dma_wait3A_82 = tpu.memref_slice %arg8[%add3A_11, %dma_wait3A_81] : memref<6144x128xf32, #tpu.memory_space<vmem_shared>> -> memref<64x128xf32, #tpu.memory_space<vmem_shared>>
      tpu.wait_dma2 semaphore(%run_scoped3A : memref<!tpu.dma_semaphore, #tpu.memory_space<semaphore_mem>>) src(%arg7 : memref<64x128xf32, #tpu.memory_space<vmem>>) dst(%dma_wait3A_82 : memref<64x128xf32, #tpu.memory_space<vmem_shared>>)
      tpu.yield
    }) : () -> ()
    %mul3A_12 = arith.constant 384 : i32
    %mul3A_13 = arith.muli %arg1, %mul3A_12 : i32
    %add3A_14 = arith.constant 128 : i32
    %add3A_15 = arith.addi %mul3A_13, %add3A_14 : i32
    "tpu.region"() ({
      %run_scoped3A = tpu.sem_alloc : memref<!tpu.dma_semaphore, #tpu.memory_space<semaphore_mem>>
      %dma_start3A = arith.constant 0 : i32
      %dma_start3A_77 = tpu.memref_slice %arg8[%add3A_15, %dma_start3A] : memref<6144x128xf32, #tpu.memory_space<vmem_shared>> -> memref<64x128xf32, #tpu.memory_space<vmem_shared>>
      %dma_start3A_78 = arith.constant 0 : i32
      %dma_start3A_79 = tpu.memref_slice %arg8[%add3A_15, %dma_start3A_78] : memref<6144x128xf32, #tpu.memory_space<vmem_shared>> -> memref<64x128xf32, #tpu.memory_space<vmem_shared>>
      tpu.enqueue_dma source(%arg7 : memref<64x128xf32, #tpu.memory_space<vmem>>) target(%dma_start3A_79 : memref<64x128xf32, #tpu.memory_space<vmem_shared>>) target_semaphore(%run_scoped3A : memref<!tpu.dma_semaphore, #tpu.memory_space<semaphore_mem>>)
      %dma_wait3A = arith.constant 0 : i32
      %dma_wait3A_80 = tpu.memref_slice %arg8[%add3A_15, %dma_wait3A] : memref<6144x128xf32, #tpu.memory_space<vmem_shared>> -> memref<64x128xf32, #tpu.memory_space<vmem_shared>>
      %dma_wait3A_81 = arith.constant 0 : i32
      %dma_wait3A_82 = tpu.memref_slice %arg8[%add3A_15, %dma_wait3A_81] : memref<6144x128xf32, #tpu.memory_space<vmem_shared>> -> memref<64x128xf32, #tpu.memory_space<vmem_shared>>
      tpu.wait_dma2 semaphore(%run_scoped3A : memref<!tpu.dma_semaphore, #tpu.memory_space<semaphore_mem>>) src(%arg7 : memref<64x128xf32, #tpu.memory_space<vmem>>) dst(%dma_wait3A_82 : memref<64x128xf32, #tpu.memory_space<vmem_shared>>)
      tpu.yield
    }) : () -> ()
    %mul3A_16 = arith.constant 384 : i32
    %mul3A_17 = arith.muli %arg1, %mul3A_16 : i32
    %add3A_18 = arith.constant 192 : i32
    %add3A_19 = arith.addi %mul3A_17, %add3A_18 : i32
    "tpu.region"() ({
      %run_scoped3A = tpu.sem_alloc : memref<!tpu.dma_semaphore, #tpu.memory_space<semaphore_mem>>
      %dma_start3A = arith.constant 0 : i32
      %dma_start3A_77 = tpu.memref_slice %arg8[%add3A_19, %dma_start3A] : memref<6144x128xf32, #tpu.memory_space<vmem_shared>> -> memref<64x128xf32, #tpu.memory_space<vmem_shared>>
      %dma_start3A_78 = arith.constant 0 : i32
      %dma_start3A_79 = tpu.memref_slice %arg8[%add3A_19, %dma_start3A_78] : memref<6144x128xf32, #tpu.memory_space<vmem_shared>> -> memref<64x128xf32, #tpu.memory_space<vmem_shared>>
      tpu.enqueue_dma source(%arg7 : memref<64x128xf32, #tpu.memory_space<vmem>>) target(%dma_start3A_79 : memref<64x128xf32, #tpu.memory_space<vmem_shared>>) target_semaphore(%run_scoped3A : memref<!tpu.dma_semaphore, #tpu.memory_space<semaphore_mem>>)
      %dma_wait3A = arith.constant 0 : i32
      %dma_wait3A_80 = tpu.memref_slice %arg8[%add3A_19, %dma_wait3A] : memref<6144x128xf32, #tpu.memory_space<vmem_shared>> -> memref<64x128xf32, #tpu.memory_space<vmem_shared>>
      %dma_wait3A_81 = arith.constant 0 : i32
      %dma_wait3A_82 = tpu.memref_slice %arg8[%add3A_19, %dma_wait3A_81] : memref<6144x128xf32, #tpu.memory_space<vmem_shared>> -> memref<64x128xf32, #tpu.memory_space<vmem_shared>>
      tpu.wait_dma2 semaphore(%run_scoped3A : memref<!tpu.dma_semaphore, #tpu.memory_space<semaphore_mem>>) src(%arg7 : memref<64x128xf32, #tpu.memory_space<vmem>>) dst(%dma_wait3A_82 : memref<64x128xf32, #tpu.memory_space<vmem_shared>>)
      tpu.yield
    }) : () -> ()
    %mul3A_20 = arith.constant 384 : i32
    %mul3A_21 = arith.muli %arg1, %mul3A_20 : i32
    %add3A_22 = arith.constant 256 : i32
    %add3A_23 = arith.addi %mul3A_21, %add3A_22 : i32
    "tpu.region"() ({
      %run_scoped3A = tpu.sem_alloc : memref<!tpu.dma_semaphore, #tpu.memory_space<semaphore_mem>>
      %dma_start3A = arith.constant 0 : i32
      %dma_start3A_77 = tpu.memref_slice %arg8[%add3A_23, %dma_start3A] : memref<6144x128xf32, #tpu.memory_space<vmem_shared>> -> memref<64x128xf32, #tpu.memory_space<vmem_shared>>
      %dma_start3A_78 = arith.constant 0 : i32
      %dma_start3A_79 = tpu.memref_slice %arg8[%add3A_23, %dma_start3A_78] : memref<6144x128xf32, #tpu.memory_space<vmem_shared>> -> memref<64x128xf32, #tpu.memory_space<vmem_shared>>
      tpu.enqueue_dma source(%arg7 : memref<64x128xf32, #tpu.memory_space<vmem>>) target(%dma_start3A_79 : memref<64x128xf32, #tpu.memory_space<vmem_shared>>) target_semaphore(%run_scoped3A : memref<!tpu.dma_semaphore, #tpu.memory_space<semaphore_mem>>)
      %dma_wait3A = arith.constant 0 : i32
      %dma_wait3A_80 = tpu.memref_slice %arg8[%add3A_23, %dma_wait3A] : memref<6144x128xf32, #tpu.memory_space<vmem_shared>> -> memref<64x128xf32, #tpu.memory_space<vmem_shared>>
      %dma_wait3A_81 = arith.constant 0 : i32
      %dma_wait3A_82 = tpu.memref_slice %arg8[%add3A_23, %dma_wait3A_81] : memref<6144x128xf32, #tpu.memory_space<vmem_shared>> -> memref<64x128xf32, #tpu.memory_space<vmem_shared>>
      tpu.wait_dma2 semaphore(%run_scoped3A : memref<!tpu.dma_semaphore, #tpu.memory_space<semaphore_mem>>) src(%arg7 : memref<64x128xf32, #tpu.memory_space<vmem>>) dst(%dma_wait3A_82 : memref<64x128xf32, #tpu.memory_space<vmem_shared>>)
      tpu.yield
    }) : () -> ()
    %mul3A_24 = arith.constant 384 : i32
    %mul3A_25 = arith.muli %arg1, %mul3A_24 : i32
    %add3A_26 = arith.constant 320 : i32
    %add3A_27 = arith.addi %mul3A_25, %add3A_26 : i32
    "tpu.region"() ({
      %run_scoped3A = tpu.sem_alloc : memref<!tpu.dma_semaphore, #tpu.memory_space<semaphore_mem>>
      %dma_start3A = arith.constant 0 : i32
      %dma_start3A_77 = tpu.memref_slice %arg8[%add3A_27, %dma_start3A] : memref<6144x128xf32, #tpu.memory_space<vmem_shared>> -> memref<64x128xf32, #tpu.memory_space<vmem_shared>>
      %dma_start3A_78 = arith.constant 0 : i32
      %dma_start3A_79 = tpu.memref_slice %arg8[%add3A_27, %dma_start3A_78] : memref<6144x128xf32, #tpu.memory_space<vmem_shared>> -> memref<64x128xf32, #tpu.memory_space<vmem_shared>>
      tpu.enqueue_dma source(%arg7 : memref<64x128xf32, #tpu.memory_space<vmem>>) target(%dma_start3A_79 : memref<64x128xf32, #tpu.memory_space<vmem_shared>>) target_semaphore(%run_scoped3A : memref<!tpu.dma_semaphore, #tpu.memory_space<semaphore_mem>>)
      %dma_wait3A = arith.constant 0 : i32
      %dma_wait3A_80 = tpu.memref_slice %arg8[%add3A_27, %dma_wait3A] : memref<6144x128xf32, #tpu.memory_space<vmem_shared>> -> memref<64x128xf32, #tpu.memory_space<vmem_shared>>
      %dma_wait3A_81 = arith.constant 0 : i32
      %dma_wait3A_82 = tpu.memref_slice %arg8[%add3A_27, %dma_wait3A_81] : memref<6144x128xf32, #tpu.memory_space<vmem_shared>> -> memref<64x128xf32, #tpu.memory_space<vmem_shared>>
      tpu.wait_dma2 semaphore(%run_scoped3A : memref<!tpu.dma_semaphore, #tpu.memory_space<semaphore_mem>>) src(%arg7 : memref<64x128xf32, #tpu.memory_space<vmem>>) dst(%dma_wait3A_82 : memref<64x128xf32, #tpu.memory_space<vmem_shared>>)
      tpu.yield
    }) : () -> ()
    %barrier3A = arith.constant 0 : index
    tpu.barrier barrier_id(%barrier3A)
    %mul3A_28 = arith.constant 20480 : i32
    %mul3A_29 = arith.muli %arg1, %mul3A_28 : i32
    %scan3A_30 = arith.constant 0 : i32
    %scan3A_31 = arith.constant 0 : i32
    %scan3A_32 = arith.constant 160 : i32
    %scan3A_33 = arith.addi %scan3A_31, %scan3A_32 : i32
    %scan3A_34 = arith.constant 1 : i32
    %scan3A_35 = scf.for %scan3A_77 = %scan3A_31 to %scan3A_33 step %scan3A_34 iter_args(%scan3A_78 = %scan3A_30) -> (i32)  : i32 {
      %mul3A_79 = arith.constant 128 : i32
      %mul3A_80 = arith.muli %scan3A_77, %mul3A_79 : i32
      %add3A_81 = arith.addi %mul3A_29, %mul3A_80 : i32
      %multiple_of3A_82 = tpu.assume_multiple %add3A_81, 128 : i32
      %mul3A_83 = arith.constant 327680 : i32
      %mul3A_84 = arith.muli %arg0, %mul3A_83 : i32
      %add3A_85 = arith.addi %mul3A_84, %multiple_of3A_82 : i32
      %multiple_of3A_86 = tpu.assume_multiple %add3A_85, 128 : i32
      "tpu.region"() ({
        %run_scoped3A = tpu.sem_alloc : memref<!tpu.dma_semaphore, #tpu.memory_space<semaphore_mem>>
        %dma_start3A = tpu.memref_slice %arg3[%multiple_of3A_86] : memref<655360xi32, #tpu.memory_space<hbm>> -> memref<128xi32, #tpu.memory_space<hbm>>
        %dma_start3A_88 = tpu.memref_slice %arg3[%multiple_of3A_86] : memref<655360xi32, #tpu.memory_space<hbm>> -> memref<128xi32, #tpu.memory_space<hbm>>
        tpu.enqueue_dma source(%dma_start3A_88 : memref<128xi32, #tpu.memory_space<hbm>>) target(%arg5 : memref<128xi32, #tpu.memory_space<vmem>>) target_semaphore(%run_scoped3A : memref<!tpu.dma_semaphore, #tpu.memory_space<semaphore_mem>>)
        %dma_wait3A = tpu.memref_slice %arg3[%multiple_of3A_86] : memref<655360xi32, #tpu.memory_space<hbm>> -> memref<128xi32, #tpu.memory_space<hbm>>
        %dma_wait3A_89 = tpu.memref_slice %arg3[%multiple_of3A_86] : memref<655360xi32, #tpu.memory_space<hbm>> -> memref<128xi32, #tpu.memory_space<hbm>>
        tpu.wait_dma2 semaphore(%run_scoped3A : memref<!tpu.dma_semaphore, #tpu.memory_space<semaphore_mem>>) src(%dma_wait3A_89 : memref<128xi32, #tpu.memory_space<hbm>>) dst(%arg5 : memref<128xi32, #tpu.memory_space<vmem>>)
        tpu.yield
      }) : () -> ()
      "tpu.region"() ({
        %run_scoped3A = tpu.sem_alloc : memref<!tpu.dma_semaphore, #tpu.memory_space<semaphore_mem>>
        %dma_start3A = arith.constant 0 : i32
        %dma_start3A_88 = tpu.memref_slice %arg2[%multiple_of3A_82, %dma_start3A] : memref<327680x128xf32, #tpu.memory_space<hbm>> -> memref<128x128xf32, #tpu.memory_space<hbm>>
        %dma_start3A_89 = arith.constant 0 : i32
        %dma_start3A_90 = tpu.memref_slice %arg2[%multiple_of3A_82, %dma_start3A_89] : memref<327680x128xf32, #tpu.memory_space<hbm>> -> memref<128x128xf32, #tpu.memory_space<hbm>>
        tpu.enqueue_dma source(%dma_start3A_90 : memref<128x128xf32, #tpu.memory_space<hbm>>) target(%arg6 : memref<128x128xf32, #tpu.memory_space<vmem>>) target_semaphore(%run_scoped3A : memref<!tpu.dma_semaphore, #tpu.memory_space<semaphore_mem>>)
        %dma_wait3A = arith.constant 0 : i32
        %dma_wait3A_91 = tpu.memref_slice %arg2[%multiple_of3A_82, %dma_wait3A] : memref<327680x128xf32, #tpu.memory_space<hbm>> -> memref<128x128xf32, #tpu.memory_space<hbm>>
        %dma_wait3A_92 = arith.constant 0 : i32
        %dma_wait3A_93 = tpu.memref_slice %arg2[%multiple_of3A_82, %dma_wait3A_92] : memref<327680x128xf32, #tpu.memory_space<hbm>> -> memref<128x128xf32, #tpu.memory_space<hbm>>
        tpu.wait_dma2 semaphore(%run_scoped3A : memref<!tpu.dma_semaphore, #tpu.memory_space<semaphore_mem>>) src(%dma_wait3A_93 : memref<128x128xf32, #tpu.memory_space<hbm>>) dst(%arg6 : memref<128x128xf32, #tpu.memory_space<vmem>>)
        tpu.yield
      }) : () -> ()
      "tpu.region"() ({
        %run_scoped3A = tpu.sem_alloc : memref<!tpu.dma_semaphore, #tpu.memory_space<semaphore_mem>>
        %dma_start3A = arith.constant 0 : i32
        %dma_start3A_88 = arith.constant 0 : i32
        %dma_start3A_89 = tpu.memref_slice %arg8[%dma_start3A, %dma_start3A_88] : memref<6144x128xf32, #tpu.memory_space<vmem_shared>> -> memref<6144x128xf32, #tpu.memory_space<vmem_shared>>
        tpu.enqueue_indirect_dma source(%arg6 : memref<128x128xf32, #tpu.memory_space<vmem>>) target(%dma_start3A_89 : memref<6144x128xf32, #tpu.memory_space<vmem_shared>>) offsets(%arg5 : memref<128xi32, #tpu.memory_space<vmem>>) semaphore(%run_scoped3A : memref<!tpu.dma_semaphore, #tpu.memory_space<semaphore_mem>>) {add = true}
        %dma_wait3A = arith.constant 0 : i32
        %dma_wait3A_90 = arith.constant 0 : i32
        %dma_wait3A_91 = tpu.memref_slice %arg8[%dma_wait3A, %dma_wait3A_90] : memref<6144x128xf32, #tpu.memory_space<vmem_shared>> -> memref<6144x128xf32, #tpu.memory_space<vmem_shared>>
        tpu.wait_indirect_dma semaphore(%run_scoped3A : memref<!tpu.dma_semaphore, #tpu.memory_space<semaphore_mem>>) src(%arg6 : memref<128x128xf32, #tpu.memory_space<vmem>>) dst(%dma_wait3A_91 : memref<6144x128xf32, #tpu.memory_space<vmem_shared>>)
        tpu.yield
      }) : () -> ()
      %scan3A_87 = arith.constant 0 : i32
      scf.yield %scan3A_87 : i32
    }
    %scan3A_36 = arith.constant 160 : i32
    %barrier3A_37 = arith.constant 0 : index
    tpu.barrier barrier_id(%barrier3A_37)
    %mul3A_38 = arith.constant 320 : i32
    %mul3A_39 = arith.muli %arg1, %mul3A_38 : i32
    %add3A_40 = arith.constant 0 : i32
    %add3A_41 = arith.addi %mul3A_39, %add3A_40 : i32
    "tpu.region"() ({
      %run_scoped3A = tpu.sem_alloc : memref<!tpu.dma_semaphore, #tpu.memory_space<semaphore_mem>>
      %dma_start3A = arith.constant 0 : i32
      %dma_start3A_77 = tpu.memref_slice %arg8[%add3A_41, %dma_start3A] : memref<6144x128xf32, #tpu.memory_space<vmem_shared>> -> memref<64x128xf32, #tpu.memory_space<vmem_shared>>
      %dma_start3A_78 = arith.constant 0 : i32
      %dma_start3A_79 = tpu.memref_slice %arg8[%add3A_41, %dma_start3A_78] : memref<6144x128xf32, #tpu.memory_space<vmem_shared>> -> memref<64x128xf32, #tpu.memory_space<vmem_shared>>
      tpu.enqueue_dma source(%dma_start3A_79 : memref<64x128xf32, #tpu.memory_space<vmem_shared>>) target(%arg7 : memref<64x128xf32, #tpu.memory_space<vmem>>) target_semaphore(%run_scoped3A : memref<!tpu.dma_semaphore, #tpu.memory_space<semaphore_mem>>)
      %dma_wait3A = arith.constant 0 : i32
      %dma_wait3A_80 = tpu.memref_slice %arg8[%add3A_41, %dma_wait3A] : memref<6144x128xf32, #tpu.memory_space<vmem_shared>> -> memref<64x128xf32, #tpu.memory_space<vmem_shared>>
      %dma_wait3A_81 = arith.constant 0 : i32
      %dma_wait3A_82 = tpu.memref_slice %arg8[%add3A_41, %dma_wait3A_81] : memref<6144x128xf32, #tpu.memory_space<vmem_shared>> -> memref<64x128xf32, #tpu.memory_space<vmem_shared>>
      tpu.wait_dma2 semaphore(%run_scoped3A : memref<!tpu.dma_semaphore, #tpu.memory_space<semaphore_mem>>) src(%dma_wait3A_82 : memref<64x128xf32, #tpu.memory_space<vmem_shared>>) dst(%arg7 : memref<64x128xf32, #tpu.memory_space<vmem>>)
      tpu.yield
    }) : () -> ()
    %mul3A_42 = arith.constant 5120 : i32
    %mul3A_43 = arith.muli %arg0, %mul3A_42 : i32
    %add3A_44 = arith.addi %mul3A_43, %add3A_41 : i32
    %multiple_of3A = tpu.assume_multiple %add3A_44, 64 : i32
    "tpu.region"() ({
      %run_scoped3A = tpu.sem_alloc : memref<!tpu.dma_semaphore, #tpu.memory_space<semaphore_mem>>
      %dma_start3A = arith.constant 0 : i32
      %dma_start3A_77 = tpu.memref_slice %arg4[%multiple_of3A, %dma_start3A] : memref<10240x128xf32, #tpu.memory_space<hbm>> -> memref<64x128xf32, #tpu.memory_space<hbm>>
      %dma_start3A_78 = arith.constant 0 : i32
      %dma_start3A_79 = tpu.memref_slice %arg4[%multiple_of3A, %dma_start3A_78] : memref<10240x128xf32, #tpu.memory_space<hbm>> -> memref<64x128xf32, #tpu.memory_space<hbm>>
      tpu.enqueue_dma source(%arg7 : memref<64x128xf32, #tpu.memory_space<vmem>>) target(%dma_start3A_79 : memref<64x128xf32, #tpu.memory_space<hbm>>) target_semaphore(%run_scoped3A : memref<!tpu.dma_semaphore, #tpu.memory_space<semaphore_mem>>)
      %dma_wait3A = arith.constant 0 : i32
      %dma_wait3A_80 = tpu.memref_slice %arg4[%multiple_of3A, %dma_wait3A] : memref<10240x128xf32, #tpu.memory_space<hbm>> -> memref<64x128xf32, #tpu.memory_space<hbm>>
      %dma_wait3A_81 = arith.constant 0 : i32
      %dma_wait3A_82 = tpu.memref_slice %arg4[%multiple_of3A, %dma_wait3A_81] : memref<10240x128xf32, #tpu.memory_space<hbm>> -> memref<64x128xf32, #tpu.memory_space<hbm>>
      tpu.wait_dma2 semaphore(%run_scoped3A : memref<!tpu.dma_semaphore, #tpu.memory_space<semaphore_mem>>) src(%arg7 : memref<64x128xf32, #tpu.memory_space<vmem>>) dst(%dma_wait3A_82 : memref<64x128xf32, #tpu.memory_space<hbm>>)
      tpu.yield
    }) : () -> ()
    %mul3A_45 = arith.constant 320 : i32
    %mul3A_46 = arith.muli %arg1, %mul3A_45 : i32
    %add3A_47 = arith.constant 64 : i32
    %add3A_48 = arith.addi %mul3A_46, %add3A_47 : i32
    "tpu.region"() ({
      %run_scoped3A = tpu.sem_alloc : memref<!tpu.dma_semaphore, #tpu.memory_space<semaphore_mem>>
      %dma_start3A = arith.constant 0 : i32
      %dma_start3A_77 = tpu.memref_slice %arg8[%add3A_48, %dma_start3A] : memref<6144x128xf32, #tpu.memory_space<vmem_shared>> -> memref<64x128xf32, #tpu.memory_space<vmem_shared>>
      %dma_start3A_78 = arith.constant 0 : i32
      %dma_start3A_79 = tpu.memref_slice %arg8[%add3A_48, %dma_start3A_78] : memref<6144x128xf32, #tpu.memory_space<vmem_shared>> -> memref<64x128xf32, #tpu.memory_space<vmem_shared>>
      tpu.enqueue_dma source(%dma_start3A_79 : memref<64x128xf32, #tpu.memory_space<vmem_shared>>) target(%arg7 : memref<64x128xf32, #tpu.memory_space<vmem>>) target_semaphore(%run_scoped3A : memref<!tpu.dma_semaphore, #tpu.memory_space<semaphore_mem>>)
      %dma_wait3A = arith.constant 0 : i32
      %dma_wait3A_80 = tpu.memref_slice %arg8[%add3A_48, %dma_wait3A] : memref<6144x128xf32, #tpu.memory_space<vmem_shared>> -> memref<64x128xf32, #tpu.memory_space<vmem_shared>>
      %dma_wait3A_81 = arith.constant 0 : i32
      %dma_wait3A_82 = tpu.memref_slice %arg8[%add3A_48, %dma_wait3A_81] : memref<6144x128xf32, #tpu.memory_space<vmem_shared>> -> memref<64x128xf32, #tpu.memory_space<vmem_shared>>
      tpu.wait_dma2 semaphore(%run_scoped3A : memref<!tpu.dma_semaphore, #tpu.memory_space<semaphore_mem>>) src(%dma_wait3A_82 : memref<64x128xf32, #tpu.memory_space<vmem_shared>>) dst(%arg7 : memref<64x128xf32, #tpu.memory_space<vmem>>)
      tpu.yield
    }) : () -> ()
    %mul3A_49 = arith.constant 5120 : i32
    %mul3A_50 = arith.muli %arg0, %mul3A_49 : i32
    %add3A_51 = arith.addi %mul3A_50, %add3A_48 : i32
    %multiple_of3A_52 = tpu.assume_multiple %add3A_51, 64 : i32
    "tpu.region"() ({
      %run_scoped3A = tpu.sem_alloc : memref<!tpu.dma_semaphore, #tpu.memory_space<semaphore_mem>>
      %dma_start3A = arith.constant 0 : i32
      %dma_start3A_77 = tpu.memref_slice %arg4[%multiple_of3A_52, %dma_start3A] : memref<10240x128xf32, #tpu.memory_space<hbm>> -> memref<64x128xf32, #tpu.memory_space<hbm>>
      %dma_start3A_78 = arith.constant 0 : i32
      %dma_start3A_79 = tpu.memref_slice %arg4[%multiple_of3A_52, %dma_start3A_78] : memref<10240x128xf32, #tpu.memory_space<hbm>> -> memref<64x128xf32, #tpu.memory_space<hbm>>
      tpu.enqueue_dma source(%arg7 : memref<64x128xf32, #tpu.memory_space<vmem>>) target(%dma_start3A_79 : memref<64x128xf32, #tpu.memory_space<hbm>>) target_semaphore(%run_scoped3A : memref<!tpu.dma_semaphore, #tpu.memory_space<semaphore_mem>>)
      %dma_wait3A = arith.constant 0 : i32
      %dma_wait3A_80 = tpu.memref_slice %arg4[%multiple_of3A_52, %dma_wait3A] : memref<10240x128xf32, #tpu.memory_space<hbm>> -> memref<64x128xf32, #tpu.memory_space<hbm>>
      %dma_wait3A_81 = arith.constant 0 : i32
      %dma_wait3A_82 = tpu.memref_slice %arg4[%multiple_of3A_52, %dma_wait3A_81] : memref<10240x128xf32, #tpu.memory_space<hbm>> -> memref<64x128xf32, #tpu.memory_space<hbm>>
      tpu.wait_dma2 semaphore(%run_scoped3A : memref<!tpu.dma_semaphore, #tpu.memory_space<semaphore_mem>>) src(%arg7 : memref<64x128xf32, #tpu.memory_space<vmem>>) dst(%dma_wait3A_82 : memref<64x128xf32, #tpu.memory_space<hbm>>)
      tpu.yield
    }) : () -> ()
    %mul3A_53 = arith.constant 320 : i32
    %mul3A_54 = arith.muli %arg1, %mul3A_53 : i32
    %add3A_55 = arith.constant 128 : i32
    %add3A_56 = arith.addi %mul3A_54, %add3A_55 : i32
    "tpu.region"() ({
      %run_scoped3A = tpu.sem_alloc : memref<!tpu.dma_semaphore, #tpu.memory_space<semaphore_mem>>
      %dma_start3A = arith.constant 0 : i32
      %dma_start3A_77 = tpu.memref_slice %arg8[%add3A_56, %dma_start3A] : memref<6144x128xf32, #tpu.memory_space<vmem_shared>> -> memref<64x128xf32, #tpu.memory_space<vmem_shared>>
      %dma_start3A_78 = arith.constant 0 : i32
      %dma_start3A_79 = tpu.memref_slice %arg8[%add3A_56, %dma_start3A_78] : memref<6144x128xf32, #tpu.memory_space<vmem_shared>> -> memref<64x128xf32, #tpu.memory_space<vmem_shared>>
      tpu.enqueue_dma source(%dma_start3A_79 : memref<64x128xf32, #tpu.memory_space<vmem_shared>>) target(%arg7 : memref<64x128xf32, #tpu.memory_space<vmem>>) target_semaphore(%run_scoped3A : memref<!tpu.dma_semaphore, #tpu.memory_space<semaphore_mem>>)
      %dma_wait3A = arith.constant 0 : i32
      %dma_wait3A_80 = tpu.memref_slice %arg8[%add3A_56, %dma_wait3A] : memref<6144x128xf32, #tpu.memory_space<vmem_shared>> -> memref<64x128xf32, #tpu.memory_space<vmem_shared>>
      %dma_wait3A_81 = arith.constant 0 : i32
      %dma_wait3A_82 = tpu.memref_slice %arg8[%add3A_56, %dma_wait3A_81] : memref<6144x128xf32, #tpu.memory_space<vmem_shared>> -> memref<64x128xf32, #tpu.memory_space<vmem_shared>>
      tpu.wait_dma2 semaphore(%run_scoped3A : memref<!tpu.dma_semaphore, #tpu.memory_space<semaphore_mem>>) src(%dma_wait3A_82 : memref<64x128xf32, #tpu.memory_space<vmem_shared>>) dst(%arg7 : memref<64x128xf32, #tpu.memory_space<vmem>>)
      tpu.yield
    }) : () -> ()
    %mul3A_57 = arith.constant 5120 : i32
    %mul3A_58 = arith.muli %arg0, %mul3A_57 : i32
    %add3A_59 = arith.addi %mul3A_58, %add3A_56 : i32
    %multiple_of3A_60 = tpu.assume_multiple %add3A_59, 64 : i32
    "tpu.region"() ({
      %run_scoped3A = tpu.sem_alloc : memref<!tpu.dma_semaphore, #tpu.memory_space<semaphore_mem>>
      %dma_start3A = arith.constant 0 : i32
      %dma_start3A_77 = tpu.memref_slice %arg4[%multiple_of3A_60, %dma_start3A] : memref<10240x128xf32, #tpu.memory_space<hbm>> -> memref<64x128xf32, #tpu.memory_space<hbm>>
      %dma_start3A_78 = arith.constant 0 : i32
      %dma_start3A_79 = tpu.memref_slice %arg4[%multiple_of3A_60, %dma_start3A_78] : memref<10240x128xf32, #tpu.memory_space<hbm>> -> memref<64x128xf32, #tpu.memory_space<hbm>>
      tpu.enqueue_dma source(%arg7 : memref<64x128xf32, #tpu.memory_space<vmem>>) target(%dma_start3A_79 : memref<64x128xf32, #tpu.memory_space<hbm>>) target_semaphore(%run_scoped3A : memref<!tpu.dma_semaphore, #tpu.memory_space<semaphore_mem>>)
      %dma_wait3A = arith.constant 0 : i32
      %dma_wait3A_80 = tpu.memref_slice %arg4[%multiple_of3A_60, %dma_wait3A] : memref<10240x128xf32, #tpu.memory_space<hbm>> -> memref<64x128xf32, #tpu.memory_space<hbm>>
      %dma_wait3A_81 = arith.constant 0 : i32
      %dma_wait3A_82 = tpu.memref_slice %arg4[%multiple_of3A_60, %dma_wait3A_81] : memref<10240x128xf32, #tpu.memory_space<hbm>> -> memref<64x128xf32, #tpu.memory_space<hbm>>
      tpu.wait_dma2 semaphore(%run_scoped3A : memref<!tpu.dma_semaphore, #tpu.memory_space<semaphore_mem>>) src(%arg7 : memref<64x128xf32, #tpu.memory_space<vmem>>) dst(%dma_wait3A_82 : memref<64x128xf32, #tpu.memory_space<hbm>>)
      tpu.yield
    }) : () -> ()
    %mul3A_61 = arith.constant 320 : i32
    %mul3A_62 = arith.muli %arg1, %mul3A_61 : i32
    %add3A_63 = arith.constant 192 : i32
    %add3A_64 = arith.addi %mul3A_62, %add3A_63 : i32
    "tpu.region"() ({
      %run_scoped3A = tpu.sem_alloc : memref<!tpu.dma_semaphore, #tpu.memory_space<semaphore_mem>>
      %dma_start3A = arith.constant 0 : i32
      %dma_start3A_77 = tpu.memref_slice %arg8[%add3A_64, %dma_start3A] : memref<6144x128xf32, #tpu.memory_space<vmem_shared>> -> memref<64x128xf32, #tpu.memory_space<vmem_shared>>
      %dma_start3A_78 = arith.constant 0 : i32
      %dma_start3A_79 = tpu.memref_slice %arg8[%add3A_64, %dma_start3A_78] : memref<6144x128xf32, #tpu.memory_space<vmem_shared>> -> memref<64x128xf32, #tpu.memory_space<vmem_shared>>
      tpu.enqueue_dma source(%dma_start3A_79 : memref<64x128xf32, #tpu.memory_space<vmem_shared>>) target(%arg7 : memref<64x128xf32, #tpu.memory_space<vmem>>) target_semaphore(%run_scoped3A : memref<!tpu.dma_semaphore, #tpu.memory_space<semaphore_mem>>)
      %dma_wait3A = arith.constant 0 : i32
      %dma_wait3A_80 = tpu.memref_slice %arg8[%add3A_64, %dma_wait3A] : memref<6144x128xf32, #tpu.memory_space<vmem_shared>> -> memref<64x128xf32, #tpu.memory_space<vmem_shared>>
      %dma_wait3A_81 = arith.constant 0 : i32
      %dma_wait3A_82 = tpu.memref_slice %arg8[%add3A_64, %dma_wait3A_81] : memref<6144x128xf32, #tpu.memory_space<vmem_shared>> -> memref<64x128xf32, #tpu.memory_space<vmem_shared>>
      tpu.wait_dma2 semaphore(%run_scoped3A : memref<!tpu.dma_semaphore, #tpu.memory_space<semaphore_mem>>) src(%dma_wait3A_82 : memref<64x128xf32, #tpu.memory_space<vmem_shared>>) dst(%arg7 : memref<64x128xf32, #tpu.memory_space<vmem>>)
      tpu.yield
    }) : () -> ()
    %mul3A_65 = arith.constant 5120 : i32
    %mul3A_66 = arith.muli %arg0, %mul3A_65 : i32
    %add3A_67 = arith.addi %mul3A_66, %add3A_64 : i32
    %multiple_of3A_68 = tpu.assume_multiple %add3A_67, 64 : i32
    "tpu.region"() ({
      %run_scoped3A = tpu.sem_alloc : memref<!tpu.dma_semaphore, #tpu.memory_space<semaphore_mem>>
      %dma_start3A = arith.constant 0 : i32
      %dma_start3A_77 = tpu.memref_slice %arg4[%multiple_of3A_68, %dma_start3A] : memref<10240x128xf32, #tpu.memory_space<hbm>> -> memref<64x128xf32, #tpu.memory_space<hbm>>
      %dma_start3A_78 = arith.constant 0 : i32
      %dma_start3A_79 = tpu.memref_slice %arg4[%multiple_of3A_68, %dma_start3A_78] : memref<10240x128xf32, #tpu.memory_space<hbm>> -> memref<64x128xf32, #tpu.memory_space<hbm>>
      tpu.enqueue_dma source(%arg7 : memref<64x128xf32, #tpu.memory_space<vmem>>) target(%dma_start3A_79 : memref<64x128xf32, #tpu.memory_space<hbm>>) target_semaphore(%run_scoped3A : memref<!tpu.dma_semaphore, #tpu.memory_space<semaphore_mem>>)
      %dma_wait3A = arith.constant 0 : i32
      %dma_wait3A_80 = tpu.memref_slice %arg4[%multiple_of3A_68, %dma_wait3A] : memref<10240x128xf32, #tpu.memory_space<hbm>> -> memref<64x128xf32, #tpu.memory_space<hbm>>
      %dma_wait3A_81 = arith.constant 0 : i32
      %dma_wait3A_82 = tpu.memref_slice %arg4[%multiple_of3A_68, %dma_wait3A_81] : memref<10240x128xf32, #tpu.memory_space<hbm>> -> memref<64x128xf32, #tpu.memory_space<hbm>>
      tpu.wait_dma2 semaphore(%run_scoped3A : memref<!tpu.dma_semaphore, #tpu.memory_space<semaphore_mem>>) src(%arg7 : memref<64x128xf32, #tpu.memory_space<vmem>>) dst(%dma_wait3A_82 : memref<64x128xf32, #tpu.memory_space<hbm>>)
      tpu.yield
    }) : () -> ()
    %mul3A_69 = arith.constant 320 : i32
    %mul3A_70 = arith.muli %arg1, %mul3A_69 : i32
    %add3A_71 = arith.constant 256 : i32
    %add3A_72 = arith.addi %mul3A_70, %add3A_71 : i32
    "tpu.region"() ({
      %run_scoped3A = tpu.sem_alloc : memref<!tpu.dma_semaphore, #tpu.memory_space<semaphore_mem>>
      %dma_start3A = arith.constant 0 : i32
      %dma_start3A_77 = tpu.memref_slice %arg8[%add3A_72, %dma_start3A] : memref<6144x128xf32, #tpu.memory_space<vmem_shared>> -> memref<64x128xf32, #tpu.memory_space<vmem_shared>>
      %dma_start3A_78 = arith.constant 0 : i32
      %dma_start3A_79 = tpu.memref_slice %arg8[%add3A_72, %dma_start3A_78] : memref<6144x128xf32, #tpu.memory_space<vmem_shared>> -> memref<64x128xf32, #tpu.memory_space<vmem_shared>>
      tpu.enqueue_dma source(%dma_start3A_79 : memref<64x128xf32, #tpu.memory_space<vmem_shared>>) target(%arg7 : memref<64x128xf32, #tpu.memory_space<vmem>>) target_semaphore(%run_scoped3A : memref<!tpu.dma_semaphore, #tpu.memory_space<semaphore_mem>>)
      %dma_wait3A = arith.constant 0 : i32
      %dma_wait3A_80 = tpu.memref_slice %arg8[%add3A_72, %dma_wait3A] : memref<6144x128xf32, #tpu.memory_space<vmem_shared>> -> memref<64x128xf32, #tpu.memory_space<vmem_shared>>
      %dma_wait3A_81 = arith.constant 0 : i32
      %dma_wait3A_82 = tpu.memref_slice %arg8[%add3A_72, %dma_wait3A_81] : memref<6144x128xf32, #tpu.memory_space<vmem_shared>> -> memref<64x128xf32, #tpu.memory_space<vmem_shared>>
      tpu.wait_dma2 semaphore(%run_scoped3A : memref<!tpu.dma_semaphore, #tpu.memory_space<semaphore_mem>>) src(%dma_wait3A_82 : memref<64x128xf32, #tpu.memory_space<vmem_shared>>) dst(%arg7 : memref<64x128xf32, #tpu.memory_space<vmem>>)
      tpu.yield
    }) : () -> ()
    %mul3A_73 = arith.constant 5120 : i32
    %mul3A_74 = arith.muli %arg0, %mul3A_73 : i32
    %add3A_75 = arith.addi %mul3A_74, %add3A_72 : i32
    %multiple_of3A_76 = tpu.assume_multiple %add3A_75, 64 : i32
    "tpu.region"() ({
      %run_scoped3A = tpu.sem_alloc : memref<!tpu.dma_semaphore, #tpu.memory_space<semaphore_mem>>
      %dma_start3A = arith.constant 0 : i32
      %dma_start3A_77 = tpu.memref_slice %arg4[%multiple_of3A_76, %dma_start3A] : memref<10240x128xf32, #tpu.memory_space<hbm>> -> memref<64x128xf32, #tpu.memory_space<hbm>>
      %dma_start3A_78 = arith.constant 0 : i32
      %dma_start3A_79 = tpu.memref_slice %arg4[%multiple_of3A_76, %dma_start3A_78] : memref<10240x128xf32, #tpu.memory_space<hbm>> -> memref<64x128xf32, #tpu.memory_space<hbm>>
      tpu.enqueue_dma source(%arg7 : memref<64x128xf32, #tpu.memory_space<vmem>>) target(%dma_start3A_79 : memref<64x128xf32, #tpu.memory_space<hbm>>) target_semaphore(%run_scoped3A : memref<!tpu.dma_semaphore, #tpu.memory_space<semaphore_mem>>)
      %dma_wait3A = arith.constant 0 : i32
      %dma_wait3A_80 = tpu.memref_slice %arg4[%multiple_of3A_76, %dma_wait3A] : memref<10240x128xf32, #tpu.memory_space<hbm>> -> memref<64x128xf32, #tpu.memory_space<hbm>>
      %dma_wait3A_81 = arith.constant 0 : i32
      %dma_wait3A_82 = tpu.memref_slice %arg4[%multiple_of3A_76, %dma_wait3A_81] : memref<10240x128xf32, #tpu.memory_space<hbm>> -> memref<64x128xf32, #tpu.memory_space<hbm>>
      tpu.wait_dma2 semaphore(%run_scoped3A : memref<!tpu.dma_semaphore, #tpu.memory_space<semaphore_mem>>) src(%arg7 : memref<64x128xf32, #tpu.memory_space<vmem>>) dst(%dma_wait3A_82 : memref<64x128xf32, #tpu.memory_space<hbm>>)
      tpu.yield
    }) : () -> ()
    return
  }
}

module attributes {stable_mosaic.version = 14 : i64} {
  func.func @body(%arg0: i32, %arg1: memref<512x128xf32, #tpu.memory_space<vmem>>, %arg2: memref<128x384xf32, #tpu.memory_space<vmem>>, %arg3: memref<512x384xf32, #tpu.memory_space<vmem>>) attributes {dimension_semantics = [#tpu.dimension_semantics<arbitrary>], iteration_bounds = array<i64: 20>, scalar_prefetch = 0 : i64, scratch_operands = 0 : i64, tpu.core_type = #tpu.core_type<tc>, window_params = [{transform_indices = @transform_0, window_bounds = array<i64: 512, 128>}, {pipeline_mode = #tpu.pipeline_mode<synchronous>, transform_indices = @transform_1, window_bounds = array<i64: 128, 384>}, {transform_indices = @transform_2, window_bounds = array<i64: 512, 384>}]} {
    %get3A = arith.constant 0 : index
    %get3A_0 = arith.constant 0 : index
    %get3A_1 = vector.load %arg1[%get3A, %get3A_0] : memref<512x128xf32, #tpu.memory_space<vmem>>, vector<512x128xf32>
    %get3A_2 = arith.constant 0 : index
    %get3A_3 = arith.constant 0 : index
    %get3A_4 = vector.load %arg2[%get3A_2, %get3A_3] : memref<128x384xf32, #tpu.memory_space<vmem>>, vector<128x384xf32>
    %dot_general3A = arith.constant dense<0.000000e+00> : vector<512x384xf32>
    %dot_general3A_5 = tpu.matmul %get3A_1, %get3A_4, %dot_general3A {dimension_numbers = #tpu.dot_dimension_numbers<[1], [0], [0], [1], [0, 0, 1, 1], [], []>, transpose_lhs_hint = false} : vector<512x128xf32>, vector<128x384xf32>, vector<512x384xf32> -> vector<512x384xf32>
    %swap3A = arith.constant 0 : index
    %swap3A_6 = arith.constant 0 : index
    %swap3A_7 = vector.load %arg3[%swap3A, %swap3A_6] : memref<512x384xf32, #tpu.memory_space<vmem>>, vector<512x384xf32>
    tpu.vector_store %arg3[%swap3A, %swap3A_6], %dot_general3A_5 {strides = array<i32>} : memref<512x384xf32, #tpu.memory_space<vmem>>, vector<512x384xf32>,
    return
  }
  func.func @transform_0(%arg0: i32) -> (i32, i32) {
    %c0_i32 = arith.constant 0 : i32
    %c0_i32_0 = arith.constant 0 : i32
    return %arg0, %c0_i32 : i32, i32
  }
  func.func @transform_1(%arg0: i32) -> (i32, i32) {
    %c0_i32 = arith.constant 0 : i32
    %c0_i32_0 = arith.constant 0 : i32
    %c0_i32_1 = arith.constant 0 : i32
    return %c0_i32, %c0_i32_0 : i32, i32
  }
  func.func @transform_2(%arg0: i32) -> (i32, i32) {
    %c0_i32 = arith.constant 0 : i32
    %c0_i32_0 = arith.constant 0 : i32
    return %arg0, %c0_i32 : i32, i32
  }
}

module attributes {stable_mosaic.version = 14 : i64} {
  func.func @body(%arg0: i32, %arg1: memref<512x128xf32, #tpu.memory_space<vmem>>, %arg2: memref<128x128xf32, #tpu.memory_space<vmem>>, %arg3: memref<512x128xf32, #tpu.memory_space<vmem>>) attributes {dimension_semantics = [#tpu.dimension_semantics<arbitrary>], iteration_bounds = array<i64: 20>, scalar_prefetch = 0 : i64, scratch_operands = 0 : i64, tpu.core_type = #tpu.core_type<tc>, window_params = [{transform_indices = @transform_0, window_bounds = array<i64: 512, 128>}, {pipeline_mode = #tpu.pipeline_mode<synchronous>, transform_indices = @transform_1, window_bounds = array<i64: 128, 128>}, {transform_indices = @transform_2, window_bounds = array<i64: 512, 128>}]} {
    %get3A = arith.constant 0 : index
    %get3A_0 = arith.constant 0 : index
    %get3A_1 = vector.load %arg1[%get3A, %get3A_0] : memref<512x128xf32, #tpu.memory_space<vmem>>, vector<512x128xf32>
    %get3A_2 = arith.constant 0 : index
    %get3A_3 = arith.constant 0 : index
    %get3A_4 = vector.load %arg2[%get3A_2, %get3A_3] : memref<128x128xf32, #tpu.memory_space<vmem>>, vector<128x128xf32>
    %dot_general3A = arith.constant dense<0.000000e+00> : vector<512x128xf32>
    %dot_general3A_5 = tpu.matmul %get3A_1, %get3A_4, %dot_general3A {dimension_numbers = #tpu.dot_dimension_numbers<[1], [0], [0], [1], [0, 0, 1, 1], [], []>, transpose_lhs_hint = false} : vector<512x128xf32>, vector<128x128xf32>, vector<512x128xf32> -> vector<512x128xf32>
    %swap3A = arith.constant 0 : index
    %swap3A_6 = arith.constant 0 : index
    %swap3A_7 = vector.load %arg3[%swap3A, %swap3A_6] : memref<512x128xf32, #tpu.memory_space<vmem>>, vector<512x128xf32>
    tpu.vector_store %arg3[%swap3A, %swap3A_6], %dot_general3A_5 {strides = array<i32>} : memref<512x128xf32, #tpu.memory_space<vmem>>, vector<512x128xf32>,
    return
  }
  func.func @transform_0(%arg0: i32) -> (i32, i32) {
    %c0_i32 = arith.constant 0 : i32
    %c0_i32_0 = arith.constant 0 : i32
    return %arg0, %c0_i32 : i32, i32
  }
  func.func @transform_1(%arg0: i32) -> (i32, i32) {
    %c0_i32 = arith.constant 0 : i32
    %c0_i32_0 = arith.constant 0 : i32
    %c0_i32_1 = arith.constant 0 : i32
    return %c0_i32, %c0_i32_0 : i32, i32
  }
  func.func @transform_2(%arg0: i32) -> (i32, i32) {
    %c0_i32 = arith.constant 0 : i32
    %c0_i32_0 = arith.constant 0 : i32
    return %arg0, %c0_i32 : i32, i32
  }
}

</mosaic_0001>

<sc_bundles>
// kernel: kernel.11.cloned.1.call-start
scs
__scs_entry_jumppad:
0x0: {  	(pc) =	sbr.rel $0x88, $3  }
0x1: {  	(tag) =	ssettag $0x0;
	lr =	simm.s32 $0x1  }
0x2: {  	[smem:$0x3F92] =	sst lr;
	_ =	strace $0xD0000000  }
0x3: {  	_ = 	snop  }
0x4: {  	_ = 	snop  }
0x5: {  	_ = 	snop  }
0x6: {  	_ = 	snop  }
0x7: {  	_ = 	snop  }
__scs_overlays_trampoline_lowered:
0x8: {  	[smem:$0x3FA1] =	sst s0  }
0x9: {  	[smem:$0x3FA2] =	sst s1  }
0xa: {  	[smem:$0x3FA3] =	sst s2  }
0xb: {  	[smem:$0x3FA4] =	sst s3  }
0xc: {  	[smem:$0x3FA5] =	sst s4  }
0xd: {  	[smem:$0x3FA6] =	sst s5  }
0xe: {  	[smem:$0x3FA7] =	sst s6  }
0xf: {  	[smem:$0x3FA8] =	sst s7  }
0x10: {  	[smem:$0x3FA9] =	sst s8  }
0x11: {  	[smem:$0x3FAA] =	sst s9;
	s0 =	simm.s32 @!p0 $0x0  }
0x12: {  	s1 =	sld [smem:$0x3F90];
	s0 =	simm.s32 @p0 $0x1  }
0x13: {  	[smem:$0x3FAB] =	sst s0;
	s0 =	simm.s32 @!p1 $0x0  }
0x14: {  	s2 =	sld [smem:$0x3F8F];
	s0 =	simm.s32 @p1 $0x1  }
0x15: {  	[smem:$0x3FAC] =	sst s0;
	s0 =	simm.s32 @!p2 $0x0  }
0x16: {  	s3 =	sld [smem:$0x3FDB];
	s0 =	simm.s32 @p2 $0x1  }
0x17: {  	s4 =	simm.s32 $0x1BF5;
	[smem:$0x3FAE] =	sst s0  }
0x18: {  	s0 =	sld [smem:$0x3F91];
	_ =	swait.ge [sflag:s4], $0x0  }
0x19: {  	s7 =	sld [smem:$0x3F92]  }
0x1a: {  	s8 =	sadd.s32 $0xFFFFE003, lr  }
0x1b: {  	s9 =	sadd.s32 $0xFFFFFEF7, lr;
	s5 =	simm.s32 $0xFFFFFFFF;
	p2 =	slt.u32 s8, $0xFFFFF086  }
0x1c: {  	p1 =	slt.u32 s9, $0xF7A;
	s5 =	simm.s32 @!p2 $0x0  }
0x1d: {  	s5 =	simm.s32 @p1 $0x1;
	p0 =	seq.s32 s7, s2  }
0x1e: {  	s7 =	smul.u32 @!p0 $0xF7A, s2;
	p2 =	seq.s32 @!p0 s5, $0x0  }
0x1f: {  	s9 =	smul.u32 $0xF7A, s1;
	s8 =	simm.s32 @!p0 $0x1BF5;
	p2 =	por !p2, p0  }
0x20: {  	[sflag:s8] =	ssyncset.s32 @!p0 $0xFFFFF086;
	s6 =	sadd.s32 @!p0 s3, s7;
	s7 =	simm.s32 @!p0 $0x108  }
0x21: {  	s3 =	sadd.s32 s3, s9;
	s6 =	sadd.s32 @!p0 $0x88, s6;
	s7 =	simm.s32 @p2 $0x1082  }
0x22: {  	[simem:s7], [sflag:s8] =	dma.local @!p0 [hbm:s6], $0xF7A  }
0x23: {  	s9 =	sor.u32 $0xD0000000, s2;
	s6 =	simm.s32 $0x108;
	_ =	swait.ge @!p0 [sflag:s8], $0x0  }
0x24: {  	s3 =	sadd.s32 $0x88, s3;
	s6 =	simm.s32 @!p1 $0x1082;
	[sflag:s4] =	ssyncset.s32 $0xFFFFF086  }
0x25: {  	[simem:s6], [sflag:s4] =	dma.local [hbm:s3], $0xF7A  }
0x26: {  	[smem:$0x3F92] =	sst s1;
	(tag) =	ssettag s2;
	_ =	strace s9  }
0x27: {  	s1 =	sld [smem:$0x3FA2]  }
0x28: {  	s2 =	sld [smem:$0x3FA3]  }
0x29: {  	s4 =	sld [smem:$0x3FA5]  }
0x2a: {  	p0 =	seq.s32 s5, $0x0;
	s5 =	sld [smem:$0x3FA6]  }
0x2b: {  	s6 =	sld [smem:$0x3FA7]  }
0x2c: {  	s7 =	sld [smem:$0x3FA8]  }
0x2d: {  	s3 =	simm.s32 $0x108;
	s8 =	sld [smem:$0x3FA9]  }
0x2e: {  	s3 =	simm.s32 @!p0 $0x1082;
	s9 =	sld [smem:$0x3FAA]  }
0x2f: {  	lr =	sadd.s32 s0, s3;
	s0 =	sld [smem:$0x3FA1]  }
0x30: {  	s3 =	sld [smem:$0x3FA4]  }
0x31: {  	[smem:$0x3FAD] =	sst s10  }
0x32: {  	s10 =	sld [smem:$0x3FAB];
	_ =	sdelay $0x3  }
0x33: {  	p0 =	seq.s32 s10, $0x1;
	s10 =	sld [smem:$0x3FAD];
	_ =	sdelay $0x3  }
0x34: {  	[smem:$0x3FAD] =	sst s10  }
0x35: {  	s10 =	sld [smem:$0x3FAC];
	_ =	sdelay $0x3  }
0x36: {  	p1 =	seq.s32 s10, $0x1;
	s10 =	sld [smem:$0x3FAD];
	_ =	sdelay $0x3  }
0x37: {  	[smem:$0x3FAD] =	sst s10  }
0x38: {  	s10 =	sld [smem:$0x3FAE]  }
0x39: {  	_ = 	snop;
	(pc) =	sbr.ind lr, $3  }
0x3a: {  	_ = 	snop  }
0x3b: {  	_ = 	snop  }
0x3c: {  	p2 =	seq.s32 s10, $0x1;
	s10 =	sld [smem:$0x3FAD]  }
0x3d: {  	_ =	shalt  }
0x3e: {  	_ =	shalt  }
0x3f: {  	_ =	shalt  }
0x40: {  	_ =	shalt  }
0x41: {  	_ =	shalt  }
0x42: {  	_ =	shalt  }
0x43: {  	_ =	shalt  }
0x44: {  	_ =	shalt  }
0x45: {  	_ =	shalt  }
0x46: {  	_ =	shalt  }
0x47: {  	_ =	shalt  }
0x48: {  	_ =	shalt  }
0x49: {  	_ =	shalt  }
0x4a: {  	_ =	shalt  }
0x4b: {  	_ =	shalt  }
0x4c: {  	_ =	shalt  }
0x4d: {  	_ =	shalt  }
0x4e: {  	_ =	shalt  }
0x4f: {  	_ =	shalt  }
0x50: {  	_ =	shalt  }
0x51: {  	_ =	shalt  }
0x52: {  	_ =	shalt  }
0x53: {  	_ =	shalt  }
0x54: {  	_ =	shalt  }
0x55: {  	_ =	shalt  }
0x56: {  	_ =	shalt  }
0x57: {  	_ =	shalt  }
0x58: {  	_ =	shalt  }
0x59: {  	_ =	shalt  }
0x5a: {  	_ =	shalt  }
0x5b: {  	_ =	shalt  }
0x5c: {  	_ =	shalt  }
0x5d: {  	_ =	shalt  }
0x5e: {  	_ =	shalt  }
0x5f: {  	_ =	shalt  }
0x60: {  	_ =	shalt  }
0x61: {  	_ =	shalt  }
0x62: {  	_ =	shalt  }
0x63: {  	_ =	shalt  }
0x64: {  	_ =	shalt  }
0x65: {  	_ =	shalt  }
0x66: {  	_ =	shalt  }
0x67: {  	_ =	shalt  }
0x68: {  	_ =	shalt  }
0x69: {  	_ =	shalt  }
0x6a: {  	_ =	shalt  }
0x6b: {  	_ =	shalt  }
0x6c: {  	_ =	shalt  }
0x6d: {  	_ =	shalt  }
0x6e: {  	_ =	shalt  }
0x6f: {  	_ =	shalt  }
0x70: {  	_ =	shalt  }
0x71: {  	_ =	shalt  }
0x72: {  	_ =	shalt  }
0x73: {  	_ =	shalt  }
0x74: {  	_ =	shalt  }
0x75: {  	_ =	shalt  }
0x76: {  	_ =	shalt  }
0x77: {  	_ =	shalt  }
0x78: {  	_ =	shalt  }
0x79: {  	_ =	shalt  }
0x7a: {  	_ =	shalt  }
0x7b: {  	_ =	shalt  }
0x7c: {  	_ =	shalt  }
0x7d: {  	_ =	shalt  }
0x7e: {  	_ =	shalt  }
0x7f: {  	_ =	shalt  }
0x80: {  	_ =	shalt  }
0x81: {  	_ =	shalt  }
0x82: {  	_ =	shalt  }
0x83: {  	_ =	shalt  }
0x84: {  	_ =	shalt  }
0x85: {  	_ =	shalt  }
0x86: {  	_ =	shalt  }
0x87: {  	_ =	shalt  }
.Lfunc_end0:
.L_simem_size_0:
called_computation.1_lowered:
.L_overlay_start_0:
0x88: {  	s2 =	sld [smem:$0x3FD9]  }
0x89: {  	s3 =	sld [smem:$0x3FFE];
	_ =	sdelay $0x1  }
0x8a: {  	s1 =	srdreg.scid  }
0x8b: {  	s0 =	sand.u32 $0x1, s1  }
0x8c: {  	s17 =	sshll.u32 s0, $0xA;
	s2 =	sadd.s32 s3, s2  }
0x8d: {  	s2 =	sadd.s32 s2, s17  }
0x8e: {  	[smem:$0x3FB9] =	sst s2  }
0x8f: {  	_ = 	snop  }
0x90: {  	(tm) =	ssettm $0x1  }
0x91: {  	s18 =	sld [smem:$0x3FFB];
	_ =	sdelay $0x3  }
0x92: {  	_ =	strace s18  }
0x93: {  	s2 =	sld [smem:$0x3FFC];
	_ =	sdelay $0x3  }
0x94: {  	_ =	strace s2  }
0x95: {  	s2 =	sld [smem:$0x3FFD];
	_ =	sdelay $0x3  }
0x96: {  	_ =	strace s2  }
0x97: {  	_ =	strace $0x8FFFFFFF  }
0x98: {  	s19 =	sld [smem:$0x3FDB];
	_ =	sdelay $0x1  }
0x99: {  	s20 =	simm.s32 $_scs_section_size  }
0x9a: {  	s4 =	simm.s32 $_size__tile_overlayer_lowered;
	s5 =	simm.s32 $_tile_overlayer_lowered  }
0x9b: {  	s6 =	simm.s32 $0x1BFF;
	s21 =	sshll.u32 s5, $0x1;
	s3 =	sadd.s32 s20, s19  }
0x9c: {  	s22 =	simm.s32 $0x0;
	s4 =	sshll.u32 s4, $0x1;
	s5 =	sadd.s32 s21, s3  }
0x9d: {  	[timem:s22], [sflag:s6] =	dma.local [hbm:s5], s4  }
0x9e: {  	_ =	swait.ge [sflag:s6], s4  }
0x9f: {  	s4 =	ssub.s32 $0x0, s4;
	[sflag:s6] =	ssyncset.done $0x0  }
0xa0: {  	[sflag:s6] =	ssyncadd.s32 s4;
	_ =	sdelay $0x1  }
0xa1: {  	s23 =	simm.s32 $0x1B8B  }
0xa2: {  	_ =	swait.ge [sflag:s23], $0x1  }
0xa3: {  	[sflag:s23] =	ssyncset.done $0x0  }
0xa4: {  	[sflag:s23] =	ssyncadd.s32 $0xFFFFFFFF  }
0xa5: {  	s4 =	sld [smem:$0x0]  }
0xa6: {  	s5 =	sand.u32 $0xFFFFFFFE, s1  }
0xa7: {  	p0 =	sne.s32 s1, s5  }
0xa8: {  	s5 =	sshll.u32 @p0 s5, $0xE  }
0xa9: {  	s5 =	sadd.s32 @p0 $0x11B8D, s5;
	s6 =	sshll.u32 @p0 s4, $0x11  }
0xaa: {  	s5 =	sor.u32 @p0 s6, s5  }
0xab: {  	[sflag:s5] =	ssyncadd.remote.s32 @p0 $0x1;
	_ =	sdelay $0x1  }
0xac: {  	s5 =	simm.s32 @p0 $0x1B8D  }
0xad: {  	_ =	swait.eq @p0 [sflag:s5], $0x1  }
0xae: {  	[sflag:s5] =	ssyncadd.s32 @p0 $0xFFFFFFFF  }
0xaf: {  	s6 =	sshll.u32 @!p0 s1, $0xE  }
0xb0: {  	s6 =	sor.u32 @!p0 $0x4000, s6;
	s5 =	simm.s32 @!p0 $0x1B8D  }
0xb1: {  	s4 =	sshll.u32 @!p0 s4, $0x11;
	s6 =	sadd.s32 @!p0 $0x11B8D, s6;
	_ =	swait.eq @!p0 [sflag:s5], $0x1  }
0xb2: {  	s4 =	sor.u32 @!p0 s4, s6;
	[sflag:s5] =	ssyncadd.s32 @!p0 $0xFFFFFFFF  }
0xb3: {  	s25 =	simm.s32 $0x1B8E;
	s24 =	sld [smem:$0x3FFE];
	[sflag:s4] =	ssyncadd.remote.s32 @!p0 $0x1  }
0xb4: {  	s26 =	simm.s32 $execute0_lowered;
	[smem:$0x3FD2] =	sst s25  }
0xb5: {  	s5 =	sshll.u32 s26, $0x1;
	_ =	strace $0x80000049;
	[dreg:$0x1] =	wrdreg $0xFFFFFFFF  }
0xb6: {  	s28 =	simm.s32 $_size_execute0_lowered;
	s3 =	sadd.s32 s3, s5;
	[dreg:$0x0] =	wrdreg $0x0  }
0xb7: {  	s5 =	sshll.u32 s28, $0x1;
	[dreg:$0x2] =	wrdreg s3  }
0xb8: {  	[dreg:$0x3] =	wrdreg s5  }
0xb9: {  	[dreg:$0x4] =	wrdreg $0xC0  }
0xba: {  	_ =	task [dreg:s22], $0x5FFFF  }
0xbb: {  	[dreg:$0x1] =	wrdreg $0xFFFFFFFF  }
0xbc: {  	[dreg:$0x0] =	wrdreg $0x60  }
0xbd: {  	[dreg:$0x2] =	wrdreg s24  }
0xbe: {  	[dreg:$0x3] =	wrdreg $0xA  }
0xbf: {  	_ =	task.clear_ibuf [dreg:s22], $0x4FFFF;
	_ =	strace $0x90000049  }
0xc0: {  	s29 =	simm.s32 $0xA;
	_ =	strace $0x8000004B  }
0xc1: {  	_ =	swait.ge [sflag:s29], $0x1  }
0xc2: {  	[sflag:s29] =	ssyncadd.s32 $0xFFFFFFFF  }
0xc3: {  	_ =	strace $0x9000004B  }
0xc4: {  	_ =	sfence  }
0xc5: {  	s30 =	sld [smem:$0x0];
	_ =	sdelay $0x2  }
0xc6: {  	s31 =	sshll.u32 s1, $0xD;
	s1 =	sshrl.u32 s1, $0x2  }
0xc7: {  	s4 =	sand.u32 $0x4000, s31;
	s1 =	sadd.s32 s1, s30  }
0xc8: {  	s0 =	sor.u32 s4, s0;
	s1 =	sshll.u32 s1, $0x11  }
0xc9: {  	s0 =	sor.u32 s1, s0  }
0xca: {  	s0 =	sadd.s32 $0x8F2B, s0  }
0xcb: {  	[sflag:s0] =	ssyncadd.remote.s32 $0x1  }
0xcc: {  	_ =	sfence.sel $0xFFFF  }
0xcd: {  	[dreg:$0x0] =	wrdreg $0xFFFFFFFF;
	(pc) =	sbr.abs _section_cstart, $3  }
0xce: {  	[dreg:$0x1] =	wrdreg $0xFFFFFFFF  }
0xcf: {  	_ =	task.clear_ibuf [dreg:s22], $0x2FFFF;
	_ =	strace $0x9FFFFFFF  }
0xd0: {  	(tm) =	ssettm $0x7FFFFFFF  }
0xd1: {  	_ =	shalt  }
tec
execute0_lowered:
.L_overlay_start_1:
0x0: {  	(tag) =	ssettag $0x1  }
0x1: {  	s4 =	rddreg [dreg:$0x0]  }
0x2: {  	s0 =	rddreg [dreg:$0x1];
	s2 =	simm.s32 $0x0;
	s1 =	srdreg.scid  }
0x3: {  	s10 =	simm.s32 $0x1080;
	s11 =	simm.s32 $0x1880;
	s12 =	simm.s32 $0x2080  }
0x4: {  	s13 =	simm.s32 $0x2880;
	s14 =	simm.s32 $0x3080;
	s15 =	simm.s32 $0x3880  }
0x5: {  	s16 =	simm.s32 $0x4080;
	s17 =	simm.s32 $0x4880;
	s18 =	simm.s32 $0x5080  }
0x6: {  	s19 =	simm.s32 $0x5880;
	s20 =	simm.s32 $0x6080;
	s21 =	simm.s32 $0x6880  }
0x7: {  	s22 =	simm.s32 $0x7080;
	s23 =	simm.s32 $0x7880;
	s5 =	sand.u32 $0x1, s1  }
0x8: {  	s24 =	simm.s32 $0x1;
	s1 =	stileid.u32;
	s6 =	smul.u32 $0x28000, s5  }
0x9: {  	s25 =	simm.s32 $0x0;
	[smem:$0x7FF] =	sst s2;
	s7 =	smul.u32 $0x2800, s1  }
0xa: {  	s3 =	sadd.s32 $0x8EA00, s4;
	s8 =	smul.u32 $0x500000, s5;
	s5 =	ssub.s32 $0x2, s5  }
0xb: {  	_ =	strace $0x8000004A;
	s9 =	smul.u32 $0x50000, s1;
	s30 =	sshrl.u32 s5, $0x1  }
0xc: {  	s6 =	sadd.s32 s7, s6;
	s8 =	sadd.s32 s8, s4;
	s5 =	ssub.s32 s5, s30  }
0xd: {  	v2 =	vlaneseq.u32;
	s7 =	simm.s32 $0x2;
	s6 =	sshrl.u32 s6, $0x3;
	s31 =	sadd.s32 s9, s8  }
0xe: {  	vm0 =	vmmov $0xffff;
	v1 =	vshrl.u32 v2, $0x3;
	s8 =	simm.s32 $0x80;
	s9 =	simm.s32 $0x880;
	s6 =	sadd.s32 s6, s4  }
0xf: {  	v0 =	vand.u32 $0x7, v2;
	v2 =	vor.u32 $0x8, v2;
	v1 =	vmul.u32 $0x8, v1;
	s4 =	smax.u32 s5, $0x1;
	s5 =	sadd.s32 $0x112A00, s31;
	s6 =	sadd.s32 $0x108A00, s6  }
.LBB2_1:
0x10: {  	s26 =	smov.u32 s5;
	s28 =	simm.s32 $0x0  }
.LBB2_2:
0x11: {  	s29 =	sadd.s32 s28, s6  }
0x12: {  	[tilespmem:s2], [sflag:$0x2] =	stream.linear.gather [hbm4b:s29+s2], $0x80, $0x38;
	[tilespmem:$0x8080] =	vst v63  }
0x13: {  	_ =	swait.ge [sflag:s7], $0x80  }
0x14: {  	[sflag:s7] =	ssyncset.done $0x0  }
0x15: {  	[sflag:s7] =	ssyncadd.s32 $0xFFFFFF80  }
0x16: {  	v3 =	vld [tilespmem:$0x0];
	_ =	sdelay $0x4  }
0x17: {  	v4 =	vshll.u32 v3, $0x1  }
0x18: {  	v3 =	vand.u32 $0x7, v3;
	v4 =	vand.u32 $0xFFFFFFF0, v4  }
0x19: {  	v3 =	vor.u32 v3, v4  }
0x1a: {  	v4 =	vperm.xlane v3, v0;
	_ =	sdelay $0x1  }
0x1b: {  	v3 =	vperm.xlane v3, v2;
	v4 =	vadd.s32 v1, v4;
	_ =	sdelay $0x1  }
0x1c: {  	v3 =	vadd.s32 v1, v3;
	_ =	sdelay $0x2  }
0x1d: {  	[tilespmem:s8], [sflag:$0x1] =	stream.indirect_vreg.gather [hbm4b:s3+s2], $0x80, v4, vm0, $0xb8;
	[tilespmem:$0x8080] =	vst v63  }
0x1e: {  	_ = 	snop  }
0x1f: {  	[tilespmem:s9], [sflag:$0x1] =	stream.indirect_vreg.gather [hbm4b:s3+s2], $0x80, v3, vm0, $0xb8;
	[tilespmem:$0x8080] =	vst v63  }
0x20: {  	v3 =	vld [tilespmem:$0x10];
	_ =	sdelay $0x4  }
0x21: {  	v57 =	vshll.u32 v3, $0x1  }
0x22: {  	v3 =	vand.u32 $0x7, v3;
	v4 =	vand.u32 $0xFFFFFFF0, v57  }
0x23: {  	v3 =	vor.u32 v3, v4  }
0x24: {  	v4 =	vperm.xlane v3, v0;
	_ =	sdelay $0x1  }
0x25: {  	v3 =	vperm.xlane v3, v2;
	v4 =	vadd.s32 v1, v4;
	_ =	sdelay $0x1  }
0x26: {  	v3 =	vadd.s32 v1, v3;
	_ =	sdelay $0x2  }
0x27: {  	[tilespmem:s10], [sflag:$0x1] =	stream.indirect_vreg.gather [hbm4b:s3+s2], $0x80, v4, vm0, $0xb8;
	[tilespmem:$0x8080] =	vst v63  }
0x28: {  	_ = 	snop  }
0x29: {  	[tilespmem:s11], [sflag:$0x1] =	stream.indirect_vreg.gather [hbm4b:s3+s2], $0x80, v3, vm0, $0xb8;
	[tilespmem:$0x8080] =	vst v63  }
0x2a: {  	v3 =	vld [tilespmem:$0x20];
	_ =	sdelay $0x4  }
0x2b: {  	v58 =	vshll.u32 v3, $0x1  }
0x2c: {  	v3 =	vand.u32 $0x7, v3;
	v4 =	vand.u32 $0xFFFFFFF0, v58  }
0x2d: {  	v3 =	vor.u32 v3, v4  }
0x2e: {  	v4 =	vperm.xlane v3, v0;
	_ =	sdelay $0x1  }
0x2f: {  	v3 =	vperm.xlane v3, v2;
	v4 =	vadd.s32 v1, v4;
	_ =	sdelay $0x1  }
0x30: {  	v3 =	vadd.s32 v1, v3;
	_ =	sdelay $0x2  }
0x31: {  	[tilespmem:s12], [sflag:$0x1] =	stream.indirect_vreg.gather [hbm4b:s3+s2], $0x80, v4, vm0, $0xb8;
	[tilespmem:$0x8080] =	vst v63  }
0x32: {  	_ = 	snop  }
0x33: {  	[tilespmem:s13], [sflag:$0x1] =	stream.indirect_vreg.gather [hbm4b:s3+s2], $0x80, v3, vm0, $0xb8;
	[tilespmem:$0x8080] =	vst v63  }
0x34: {  	v3 =	vld [tilespmem:$0x30];
	_ =	sdelay $0x4  }
0x35: {  	v59 =	vshll.u32 v3, $0x1  }
0x36: {  	v3 =	vand.u32 $0x7, v3;
	v4 =	vand.u32 $0xFFFFFFF0, v59  }
0x37: {  	v3 =	vor.u32 v3, v4  }
0x38: {  	v4 =	vperm.xlane v3, v0;
	_ =	sdelay $0x1  }
0x39: {  	v3 =	vperm.xlane v3, v2;
	v4 =	vadd.s32 v1, v4;
	_ =	sdelay $0x1  }
0x3a: {  	v3 =	vadd.s32 v1, v3;
	_ =	sdelay $0x2  }
0x3b: {  	[tilespmem:s14], [sflag:$0x1] =	stream.indirect_vreg.gather [hbm4b:s3+s2], $0x80, v4, vm0, $0xb8;
	[tilespmem:$0x8080] =	vst v63  }
0x3c: {  	_ = 	snop  }
0x3d: {  	[tilespmem:s15], [sflag:$0x1] =	stream.indirect_vreg.gather [hbm4b:s3+s2], $0x80, v3, vm0, $0xb8;
	[tilespmem:$0x8080] =	vst v63  }
0x3e: {  	v3 =	vld [tilespmem:$0x40];
	_ =	sdelay $0x4  }
0x3f: {  	v60 =	vshll.u32 v3, $0x1  }
0x40: {  	v3 =	vand.u32 $0x7, v3;
	v4 =	vand.u32 $0xFFFFFFF0, v60  }
0x41: {  	v3 =	vor.u32 v3, v4  }
0x42: {  	v4 =	vperm.xlane v3, v0;
	_ =	sdelay $0x1  }
0x43: {  	v3 =	vperm.xlane v3, v2;
	v4 =	vadd.s32 v1, v4;
	_ =	sdelay $0x1  }
0x44: {  	v3 =	vadd.s32 v1, v3;
	_ =	sdelay $0x2  }
0x45: {  	[tilespmem:s16], [sflag:$0x1] =	stream.indirect_vreg.gather [hbm4b:s3+s2], $0x80, v4, vm0, $0xb8;
	[tilespmem:$0x8080] =	vst v63  }
0x46: {  	_ = 	snop  }
0x47: {  	[tilespmem:s17], [sflag:$0x1] =	stream.indirect_vreg.gather [hbm4b:s3+s2], $0x80, v3, vm0, $0xb8;
	[tilespmem:$0x8080] =	vst v63  }
0x48: {  	v3 =	vld [tilespmem:$0x50];
	_ =	sdelay $0x4  }
0x49: {  	v61 =	vshll.u32 v3, $0x1  }
0x4a: {  	v3 =	vand.u32 $0x7, v3;
	v4 =	vand.u32 $0xFFFFFFF0, v61  }
0x4b: {  	v3 =	vor.u32 v3, v4  }
0x4c: {  	v4 =	vperm.xlane v3, v0;
	_ =	sdelay $0x1  }
0x4d: {  	v3 =	vperm.xlane v3, v2;
	v4 =	vadd.s32 v1, v4;
	_ =	sdelay $0x1  }
0x4e: {  	v3 =	vadd.s32 v1, v3;
	_ =	sdelay $0x2  }
0x4f: {  	[tilespmem:s18], [sflag:$0x1] =	stream.indirect_vreg.gather [hbm4b:s3+s2], $0x80, v4, vm0, $0xb8;
	[tilespmem:$0x8080] =	vst v63  }
0x50: {  	_ = 	snop  }
0x51: {  	[tilespmem:s19], [sflag:$0x1] =	stream.indirect_vreg.gather [hbm4b:s3+s2], $0x80, v3, vm0, $0xb8;
	[tilespmem:$0x8080] =	vst v63  }
0x52: {  	v3 =	vld [tilespmem:$0x60];
	_ =	sdelay $0x4  }
0x53: {  	v62 =	vshll.u32 v3, $0x1  }
0x54: {  	v3 =	vand.u32 $0x7, v3;
	v4 =	vand.u32 $0xFFFFFFF0, v62  }
0x55: {  	v3 =	vor.u32 v3, v4  }
0x56: {  	v4 =	vperm.xlane v3, v0;
	_ =	sdelay $0x1  }
0x57: {  	v3 =	vperm.xlane v3, v2;
	v4 =	vadd.s32 v1, v4;
	_ =	sdelay $0x1  }
0x58: {  	v3 =	vadd.s32 v1, v3;
	_ =	sdelay $0x2  }
0x59: {  	[tilespmem:s20], [sflag:$0x1] =	stream.indirect_vreg.gather [hbm4b:s3+s2], $0x80, v4, vm0, $0xb8;
	[tilespmem:$0x8080] =	vst v63  }
0x5a: {  	_ = 	snop  }
0x5b: {  	[tilespmem:s21], [sflag:$0x1] =	stream.indirect_vreg.gather [hbm4b:s3+s2], $0x80, v3, vm0, $0xb8;
	[tilespmem:$0x8080] =	vst v63  }
0x5c: {  	v3 =	vld [tilespmem:$0x70];
	_ =	sdelay $0x4  }
0x5d: {  	v63 =	vshll.u32 v3, $0x1  }
0x5e: {  	v3 =	vand.u32 $0x7, v3;
	v4 =	vand.u32 $0xFFFFFFF0, v63  }
0x5f: {  	v3 =	vor.u32 v3, v4  }
0x60: {  	v4 =	vperm.xlane v3, v0;
	_ =	sdelay $0x1  }
0x61: {  	v3 =	vperm.xlane v3, v2;
	v4 =	vadd.s32 v1, v4;
	_ =	sdelay $0x1  }
0x62: {  	v3 =	vadd.s32 v1, v3;
	_ =	sdelay $0x2  }
0x63: {  	[tilespmem:s22], [sflag:$0x1] =	stream.indirect_vreg.gather [hbm4b:s3+s2], $0x80, v4, vm0, $0xb8;
	[tilespmem:$0x8080] =	vst v63  }
0x64: {  	_ = 	snop  }
0x65: {  	[tilespmem:s23], [sflag:$0x1] =	stream.indirect_vreg.gather [hbm4b:s3+s2], $0x80, v3, vm0, $0xb8;
	[tilespmem:$0x8080] =	vst v63  }
0x66: {  	_ =	swait.ge [sflag:s24], $0x8000  }
0x67: {  	p0 =	sne.s32 s28, $0x4F0;
	[sflag:s24] =	ssyncset.done $0x0  }
.Ltmp0:
0x68: {  	[sflag:s24] =	ssyncadd.s32 $0xFFFF8000;
	(pc) =	sbr.rel @p0 .LBB2_2-.Ltmp0, $4  }
0x69: {  	[hbm4b:s26+s2] =	stream.linear.scatter [tilespmem:s8], [sflag:$0x2], $0x8000, $0x38;
	[tilespmem:$0x8080] =	vst v63  }
0x6a: {  	_ =	swait.ge [sflag:s7], $0x8000  }
0x6b: {  	[sflag:s7] =	ssyncset.done $0x0  }
0x6c: {  	s28 =	sadd.s32 $0x10, s28;
	s26 =	sadd.s32 $0x1000, s26;
	[sflag:s7] =	ssyncadd.s32 $0xFFFF8000  }
0x6d: {  	s25 =	sadd.s32 $0x1, s25  }
0x6e: {  	p0 =	sne.s32 s25, s4  }
.Ltmp1:
0x6f: {  	_ = 	snop;
	(pc) =	sbr.rel @p0 .LBB2_1-.Ltmp1, $1  }
0x70: {  	_ =	sdelay $0x3  }
0x71: {  	_ =	sfence.sel $0x180000  }
0x72: {  	[bflag:$0x0] =	sbarrier.arrive $0xFFFF  }
0x73: {  	p0 =	sne.s32 s1, $0x0;
	_ =	strace $0x9000004A  }
0x74: {  	s0 =	sadd.s32 @!p0 $0x100000, s0;
	[bflag:$0x2] =	sbarrier.arrive $0xFFFF  }
0x75: {  	[sflag:s0] =	ssyncadd.tile.s32 @!p0 $0x1;
	_ =	shalt  }
.Lfunc_end2:
_tile_overlayer_lowered:
.L_overlay_start_2:
0x76: {  	(tag) =	ssettag $0x2  }
0x77: {  	s0 =	rddreg [dreg:$0x0];
	s2 =	stileid.u32  }
0x78: {  	s1 =	rddreg [dreg:$0x1];
	p0 =	sne.s32 s2, $0x0  }
0x79: {  	s3 =	rddreg [dreg:$0x2];
	[bflag:$0x3] =	sbarrier.arrive $0xFFFF;
	s2 =	simm.s32 @!p0 $0x1C02  }
0x7a: {  	[timem:s3], [sflag:s2] =	dma.local @!p0 [hbm:s0], s1  }
0x7b: {  	s0 =	simm.s32 @!p0 $0x2  }
0x7c: {  	_ =	swait.ge @!p0 [sflag:s0], s1  }
0x7d: {  	s1 =	ssub.s32 @!p0 $0x0, s1;
	[sflag:s0] =	ssyncset.done @!p0 $0x0  }
0x7e: {  	[sflag:s0] =	ssyncadd.s32 @!p0 s1  }
0x7f: {  	[bflag:$0x3] =	sbarrier.arrive $0xFFFF  }
0x80: {  	_ =	shalt  }

// kernel: kernel.14.cloned.1.call-start
scs
__scs_entry_jumppad:
0x0: {  	(pc) =	sbr.rel $0x88, $3  }
0x1: {  	(tag) =	ssettag $0x0;
	lr =	simm.s32 $0x1  }
0x2: {  	[smem:$0x3F92] =	sst lr;
	_ =	strace $0xD0000000  }
0x3: {  	_ = 	snop  }
0x4: {  	_ = 	snop  }
0x5: {  	_ = 	snop  }
0x6: {  	_ = 	snop  }
0x7: {  	_ = 	snop  }
__scs_overlays_trampoline_lowered:
0x8: {  	[smem:$0x3FA1] =	sst s0  }
0x9: {  	[smem:$0x3FA2] =	sst s1  }
0xa: {  	[smem:$0x3FA3] =	sst s2  }
0xb: {  	[smem:$0x3FA4] =	sst s3  }
0xc: {  	[smem:$0x3FA5] =	sst s4  }
0xd: {  	[smem:$0x3FA6] =	sst s5  }
0xe: {  	[smem:$0x3FA7] =	sst s6  }
0xf: {  	[smem:$0x3FA8] =	sst s7  }
0x10: {  	[smem:$0x3FA9] =	sst s8  }
0x11: {  	[smem:$0x3FAA] =	sst s9;
	s0 =	simm.s32 @!p0 $0x0  }
0x12: {  	s1 =	sld [smem:$0x3F90];
	s0 =	simm.s32 @p0 $0x1  }
0x13: {  	[smem:$0x3FAB] =	sst s0;
	s0 =	simm.s32 @!p1 $0x0  }
0x14: {  	s2 =	sld [smem:$0x3F8F];
	s0 =	simm.s32 @p1 $0x1  }
0x15: {  	[smem:$0x3FAC] =	sst s0;
	s0 =	simm.s32 @!p2 $0x0  }
0x16: {  	s3 =	sld [smem:$0x3FDB];
	s0 =	simm.s32 @p2 $0x1  }
0x17: {  	s4 =	simm.s32 $0x1BF5;
	[smem:$0x3FAE] =	sst s0  }
0x18: {  	s0 =	sld [smem:$0x3F91];
	_ =	swait.ge [sflag:s4], $0x0  }
0x19: {  	s7 =	sld [smem:$0x3F92]  }
0x1a: {  	s8 =	sadd.s32 $0xFFFFE003, lr  }
0x1b: {  	s9 =	sadd.s32 $0xFFFFFEF7, lr;
	s5 =	simm.s32 $0xFFFFFFFF;
	p2 =	slt.u32 s8, $0xFFFFF086  }
0x1c: {  	p1 =	slt.u32 s9, $0xF7A;
	s5 =	simm.s32 @!p2 $0x0  }
0x1d: {  	s5 =	simm.s32 @p1 $0x1;
	p0 =	seq.s32 s7, s2  }
0x1e: {  	s7 =	smul.u32 @!p0 $0xF7A, s2;
	p2 =	seq.s32 @!p0 s5, $0x0  }
0x1f: {  	s9 =	smul.u32 $0xF7A, s1;
	s8 =	simm.s32 @!p0 $0x1BF5;
	p2 =	por !p2, p0  }
0x20: {  	[sflag:s8] =	ssyncset.s32 @!p0 $0xFFFFF086;
	s6 =	sadd.s32 @!p0 s3, s7;
	s7 =	simm.s32 @!p0 $0x108  }
0x21: {  	s3 =	sadd.s32 s3, s9;
	s6 =	sadd.s32 @!p0 $0x88, s6;
	s7 =	simm.s32 @p2 $0x1082  }
0x22: {  	[simem:s7], [sflag:s8] =	dma.local @!p0 [hbm:s6], $0xF7A  }
0x23: {  	s9 =	sor.u32 $0xD0000000, s2;
	s6 =	simm.s32 $0x108;
	_ =	swait.ge @!p0 [sflag:s8], $0x0  }
0x24: {  	s3 =	sadd.s32 $0x88, s3;
	s6 =	simm.s32 @!p1 $0x1082;
	[sflag:s4] =	ssyncset.s32 $0xFFFFF086  }
0x25: {  	[simem:s6], [sflag:s4] =	dma.local [hbm:s3], $0xF7A  }
0x26: {  	[smem:$0x3F92] =	sst s1;
	(tag) =	ssettag s2;
	_ =	strace s9  }
0x27: {  	s1 =	sld [smem:$0x3FA2]  }
0x28: {  	s2 =	sld [smem:$0x3FA3]  }
0x29: {  	s4 =	sld [smem:$0x3FA5]  }
0x2a: {  	p0 =	seq.s32 s5, $0x0;
	s5 =	sld [smem:$0x3FA6]  }
0x2b: {  	s6 =	sld [smem:$0x3FA7]  }
0x2c: {  	s7 =	sld [smem:$0x3FA8]  }
0x2d: {  	s3 =	simm.s32 $0x108;
	s8 =	sld [smem:$0x3FA9]  }
0x2e: {  	s3 =	simm.s32 @!p0 $0x1082;
	s9 =	sld [smem:$0x3FAA]  }
0x2f: {  	lr =	sadd.s32 s0, s3;
	s0 =	sld [smem:$0x3FA1]  }
0x30: {  	s3 =	sld [smem:$0x3FA4]  }
0x31: {  	[smem:$0x3FAD] =	sst s10  }
0x32: {  	s10 =	sld [smem:$0x3FAB];
	_ =	sdelay $0x3  }
0x33: {  	p0 =	seq.s32 s10, $0x1;
	s10 =	sld [smem:$0x3FAD];
	_ =	sdelay $0x3  }
0x34: {  	[smem:$0x3FAD] =	sst s10  }
0x35: {  	s10 =	sld [smem:$0x3FAC];
	_ =	sdelay $0x3  }
0x36: {  	p1 =	seq.s32 s10, $0x1;
	s10 =	sld [smem:$0x3FAD];
	_ =	sdelay $0x3  }
0x37: {  	[smem:$0x3FAD] =	sst s10  }
0x38: {  	s10 =	sld [smem:$0x3FAE]  }
0x39: {  	_ = 	snop;
	(pc) =	sbr.ind lr, $3  }
0x3a: {  	_ = 	snop  }
0x3b: {  	_ = 	snop  }
0x3c: {  	p2 =	seq.s32 s10, $0x1;
	s10 =	sld [smem:$0x3FAD]  }
0x3d: {  	_ =	shalt  }
0x3e: {  	_ =	shalt  }
0x3f: {  	_ =	shalt  }
0x40: {  	_ =	shalt  }
0x41: {  	_ =	shalt  }
0x42: {  	_ =	shalt  }
0x43: {  	_ =	shalt  }
0x44: {  	_ =	shalt  }
0x45: {  	_ =	shalt  }
0x46: {  	_ =	shalt  }
0x47: {  	_ =	shalt  }
0x48: {  	_ =	shalt  }
0x49: {  	_ =	shalt  }
0x4a: {  	_ =	shalt  }
0x4b: {  	_ =	shalt  }
0x4c: {  	_ =	shalt  }
0x4d: {  	_ =	shalt  }
0x4e: {  	_ =	shalt  }
0x4f: {  	_ =	shalt  }
0x50: {  	_ =	shalt  }
0x51: {  	_ =	shalt  }
0x52: {  	_ =	shalt  }
0x53: {  	_ =	shalt  }
0x54: {  	_ =	shalt  }
0x55: {  	_ =	shalt  }
0x56: {  	_ =	shalt  }
0x57: {  	_ =	shalt  }
0x58: {  	_ =	shalt  }
0x59: {  	_ =	shalt  }
0x5a: {  	_ =	shalt  }
0x5b: {  	_ =	shalt  }
0x5c: {  	_ =	shalt  }
0x5d: {  	_ =	shalt  }
0x5e: {  	_ =	shalt  }
0x5f: {  	_ =	shalt  }
0x60: {  	_ =	shalt  }
0x61: {  	_ =	shalt  }
0x62: {  	_ =	shalt  }
0x63: {  	_ =	shalt  }
0x64: {  	_ =	shalt  }
0x65: {  	_ =	shalt  }
0x66: {  	_ =	shalt  }
0x67: {  	_ =	shalt  }
0x68: {  	_ =	shalt  }
0x69: {  	_ =	shalt  }
0x6a: {  	_ =	shalt  }
0x6b: {  	_ =	shalt  }
0x6c: {  	_ =	shalt  }
0x6d: {  	_ =	shalt  }
0x6e: {  	_ =	shalt  }
0x6f: {  	_ =	shalt  }
0x70: {  	_ =	shalt  }
0x71: {  	_ =	shalt  }
0x72: {  	_ =	shalt  }
0x73: {  	_ =	shalt  }
0x74: {  	_ =	shalt  }
0x75: {  	_ =	shalt  }
0x76: {  	_ =	shalt  }
0x77: {  	_ =	shalt  }
0x78: {  	_ =	shalt  }
0x79: {  	_ =	shalt  }
0x7a: {  	_ =	shalt  }
0x7b: {  	_ =	shalt  }
0x7c: {  	_ =	shalt  }
0x7d: {  	_ =	shalt  }
0x7e: {  	_ =	shalt  }
0x7f: {  	_ =	shalt  }
0x80: {  	_ =	shalt  }
0x81: {  	_ =	shalt  }
0x82: {  	_ =	shalt  }
0x83: {  	_ =	shalt  }
0x84: {  	_ =	shalt  }
0x85: {  	_ =	shalt  }
0x86: {  	_ =	shalt  }
0x87: {  	_ =	shalt  }
.Lfunc_end0:
.L_simem_size_0:
called_computation.2_lowered:
.L_overlay_start_0:
0x88: {  	s2 =	sld [smem:$0x3FD9]  }
0x89: {  	s3 =	sld [smem:$0x3FFE];
	_ =	sdelay $0x1  }
0x8a: {  	s1 =	srdreg.scid  }
0x8b: {  	s0 =	sand.u32 $0x1, s1  }
0x8c: {  	s16 =	sshll.u32 s0, $0xA;
	s2 =	sadd.s32 s3, s2  }
0x8d: {  	s2 =	sadd.s32 s2, s16  }
0x8e: {  	[smem:$0x3FB9] =	sst s2  }
0x8f: {  	_ = 	snop  }
0x90: {  	(tm) =	ssettm $0x1  }
0x91: {  	s17 =	sld [smem:$0x3FFB];
	_ =	sdelay $0x3  }
0x92: {  	_ =	strace s17  }
0x93: {  	s2 =	sld [smem:$0x3FFC];
	_ =	sdelay $0x3  }
0x94: {  	_ =	strace s2  }
0x95: {  	s2 =	sld [smem:$0x3FFD];
	_ =	sdelay $0x3  }
0x96: {  	_ =	strace s2  }
0x97: {  	_ =	strace $0x8FFFFFFF  }
0x98: {  	s18 =	sld [smem:$0x3FDB];
	_ =	sdelay $0x1  }
0x99: {  	s19 =	simm.s32 $_scs_section_size  }
0x9a: {  	s4 =	simm.s32 $_size__tile_overlayer_lowered;
	s5 =	simm.s32 $_tile_overlayer_lowered  }
0x9b: {  	s22 =	simm.s32 $0x1BFF;
	s21 =	sshll.u32 s5, $0x1;
	s2 =	sadd.s32 s19, s18  }
0x9c: {  	s6 =	simm.s32 $0x0;
	s20 =	sshll.u32 s4, $0x1;
	s4 =	sadd.s32 s21, s2  }
0x9d: {  	[timem:s6], [sflag:s22] =	dma.local [hbm:s4], s20  }
0x9e: {  	_ =	swait.ge [sflag:s22], s20  }
0x9f: {  	s3 =	ssub.s32 $0x0, s20;
	[sflag:s22] =	ssyncset.done $0x0  }
0xa0: {  	[sflag:s22] =	ssyncadd.s32 s3;
	_ =	sdelay $0x1  }
0xa1: {  	s23 =	simm.s32 $0x1B8B  }
0xa2: {  	_ =	swait.ge [sflag:s23], $0x1  }
0xa3: {  	[sflag:s23] =	ssyncset.done $0x0  }
0xa4: {  	s25 =	simm.s32 $0x1B8E;
	s24 =	sld [smem:$0x3FFE];
	[sflag:s23] =	ssyncadd.s32 $0xFFFFFFFF  }
0xa5: {  	s26 =	simm.s32 $execute0_lowered;
	[smem:$0x3FD2] =	sst s25  }
0xa6: {  	s4 =	sshll.u32 s26, $0x1;
	_ =	strace $0x8000004C;
	[dreg:$0x1] =	wrdreg $0xFFFFFFFF  }
0xa7: {  	s28 =	simm.s32 $_size_execute0_lowered;
	s2 =	sadd.s32 s2, s4;
	[dreg:$0x0] =	wrdreg $0x0  }
0xa8: {  	s4 =	sshll.u32 s28, $0x1;
	[dreg:$0x2] =	wrdreg s2  }
0xa9: {  	[dreg:$0x3] =	wrdreg s4  }
0xaa: {  	[dreg:$0x4] =	wrdreg $0xC0  }
0xab: {  	_ =	task [dreg:s6], $0x5FFFF  }
0xac: {  	[dreg:$0x1] =	wrdreg $0xFFFFFFFF  }
0xad: {  	[dreg:$0x0] =	wrdreg $0x60  }
0xae: {  	[dreg:$0x2] =	wrdreg s24  }
0xaf: {  	[dreg:$0x3] =	wrdreg $0x60800  }
0xb0: {  	[dreg:$0x4] =	wrdreg $0x9  }
0xb1: {  	_ =	task.clear_ibuf [dreg:s6], $0x5FFFF;
	_ =	strace $0x9000004C  }
0xb2: {  	s29 =	simm.s32 $0x9;
	_ =	strace $0x8000004E  }
0xb3: {  	_ =	swait.ge [sflag:s29], $0x1  }
0xb4: {  	[sflag:s29] =	ssyncadd.s32 $0xFFFFFFFF  }
0xb5: {  	_ =	strace $0x9000004E  }
0xb6: {  	_ =	sfence  }
0xb7: {  	s30 =	sld [smem:$0x0];
	_ =	sdelay $0x2  }
0xb8: {  	s31 =	sshll.u32 s1, $0xD;
	s1 =	sshrl.u32 s1, $0x2  }
0xb9: {  	s3 =	sand.u32 $0x4000, s31;
	s1 =	sadd.s32 s1, s30  }
0xba: {  	s0 =	sor.u32 s3, s0;
	s1 =	sshll.u32 s1, $0x11  }
0xbb: {  	s0 =	sor.u32 s1, s0  }
0xbc: {  	s0 =	sadd.s32 $0x8F2B, s0  }
0xbd: {  	[sflag:s0] =	ssyncadd.remote.s32 $0x1  }
0xbe: {  	_ =	sfence.sel $0xFFFF  }
0xbf: {  	[dreg:$0x0] =	wrdreg $0xFFFFFFFF;
	(pc) =	sbr.abs _section_cstart, $3  }
0xc0: {  	[dreg:$0x1] =	wrdreg $0xFFFFFFFF  }
0xc1: {  	_ =	task.clear_ibuf [dreg:s6], $0x2FFFF;
	_ =	strace $0x9FFFFFFF  }
0xc2: {  	(tm) =	ssettm $0x7FFFFFFF  }
0xc3: {  	_ =	shalt  }
tec
execute0_lowered:
.L_overlay_start_1:
0x0: {  	(tag) =	ssettag $0x1  }
0x1: {  	s0 =	stileid.u32  }
0x2: {  	s6 =	smul.u32 $0x5000, s0  }
0x3: {  	s4 =	rddreg [dreg:$0x0];
	s8 =	smul.u32 $0x50000, s0  }
0x4: {  	s1 =	srdreg.scid;
	s23 =	smul.u32 $0x30000, s0  }
0x5: {  	s2 =	rddreg [dreg:$0x1];
	s3 =	simm.s32 $0x0;
	s16 =	smul.u32 $0x140, s0  }
0x6: {  	s5 =	sand.u32 $0x1, s1;
	[smem:$0x7FF] =	sst s3;
	s10 =	smul.u32 $0x28000, s0  }
0x7: {  	s19 =	sadd.s32 $0x8EA00, s4;
	s7 =	smul.u32 $0x50000, s5;
	_ =	strace $0x8000004D  }
0x8: {  	s24 =	ssub.s32 $0x2, s5;
	s17 =	smul.u32 $0x1400, s5;
	s20 =	sadd.s32 s8, s4  }
0x9: {  	s25 =	sshrl.u32 s24, $0x1;
	s10 =	sshrl.u32 s10, $0x2;
	s12 =	sadd.s32 $0x40, s16  }
0xa: {  	s15 =	sadd.s32 $0x80, s16;
	s29 =	sadd.s32 $0xC0, s16;
	s6 =	sadd.s32 s6, s7  }
0xb: {  	s7 =	sshrl.u32 s23, $0x2;
	s21 =	ssub.s32 s24, s25;
	s11 =	sadd.s32 s16, s17  }
0xc: {  	s10 =	sadd.s32 s10, s2;
	s13 =	sshll.u32 s12, $0x7;
	s14 =	sadd.s32 s17, s12  }
0xd: {  	s28 =	sadd.s32 s17, s15;
	s15 =	sshll.u32 s15, $0x7;
	s23 =	sshll.u32 s29, $0x7  }
0xe: {  	s24 =	sadd.s32 $0x100, s16;
	s20 =	sadd.s32 $0x19CCA00, s20;
	s25 =	simm.s32 $0x80  }
0xf: {  	s6 =	sshrl.u32 s6, $0x3;
	s11 =	sshll.u32 s11, $0x4;
	s12 =	sadd.s32 s13, s2  }
0x10: {  	s26 =	sshll.u32 s14, $0x4;
	s18 =	sshll.u32 s28, $0x4;
	s14 =	sadd.s32 s15, s2  }
0x11: {  	s16 =	sadd.s32 s23, s2;
	s30 =	sadd.s32 s17, s24;
	s31 =	sshll.u32 s24, $0x7  }
0x12: {  	s21 =	smax.u32 s21, $0x1;
	s24 =	simm.s32 $0x1;
	s22 =	sadd.s32 s6, s4  }
0x13: {  	s4 =	sadd.s32 s7, s2;
	s11 =	sadd.s32 s19, s11;
	s13 =	sadd.s32 s19, s26  }
0x14: {  	s15 =	sadd.s32 s19, s18;
	s18 =	sadd.s32 s17, s29;
	s23 =	sshll.u32 s30, $0x4  }
0x15: {  	s26 =	simm.s32 $0x0;
	s5 =	sadd.s32 $0x2000, s4;
	s6 =	sadd.s32 $0x4000, s4  }
0x16: {  	s7 =	sadd.s32 $0x6000, s4;
	s8 =	sadd.s32 $0x8000, s4;
	s18 =	sshll.u32 s18, $0x4  }
0x17: {  	s9 =	sadd.s32 $0xA000, s4;
	s22 =	sadd.s32 $0x19B8A00, s22;
	s17 =	sadd.s32 s19, s18  }
0x18: {  	v0 =	vimm.f32 $0.0e+00;
	s18 =	sadd.s32 s31, s2;
	s19 =	sadd.s32 s19, s23;
	s23 =	simm.s32 $0x4080  }
.LBB2_1:
0x19: {  	s28 =	simm.s32 $0x0;
	s29 =	simm.s32 $0x200  }
.LBB2_2:
0x1a: {  	p0 =	sne.s32 s29, $0x7E00;
	[tilespmem:s28+$0x40F0] =	vst v0  }
0x1b: {  	[tilespmem:s28+$0x4080] =	vst v0  }
0x1c: {  	[tilespmem:s28+$0x4090] =	vst v0  }
.Ltmp0:
0x1d: {  	[tilespmem:s28+$0x40A0] =	vst v0;
	(pc) =	sbr.rel @p0 .LBB2_2-.Ltmp0, $4  }
0x1e: {  	[tilespmem:s28+$0x40B0] =	vst v0  }
0x1f: {  	[tilespmem:s28+$0x40C0] =	vst v0  }
0x20: {  	[tilespmem:s28+$0x40D0] =	vst v0  }
0x21: {  	[tilespmem:s28+$0x40E0] =	vst v0;
	s28 =	sshra.s32 s29, $0x2;
	s29 =	sadd.s32 $0x200, s29  }
0x22: {  	[tilespmem:s28+$0x40F0] =	vst v0  }
0x23: {  	[tilespmem:s28+$0x4080] =	vst v0  }
0x24: {  	[tilespmem:s28+$0x4090] =	vst v0  }
0x25: {  	[tilespmem:s28+$0x40A0] =	vst v0  }
0x26: {  	[tilespmem:s28+$0x40B0] =	vst v0  }
0x27: {  	[tilespmem:s28+$0x40C0] =	vst v0  }
0x28: {  	[tilespmem:s28+$0x40D0] =	vst v0  }
0x29: {  	[tilespmem:s28+$0x40E0] =	vst v0  }
0x2a: {  	[spmem:s4] =	stream.linear.scatter [tilespmem:s23], [sflag:$0x1], $0x2000, $0x38;
	[tilespmem:$0x12080] =	vst v63  }
0x2b: {  	_ =	swait.ge [sflag:s24], $0x2000  }
0x2c: {  	[sflag:s24] =	ssyncset.done $0x0  }
0x2d: {  	[sflag:s24] =	ssyncadd.s32 $0xFFFFE000  }
0x2e: {  	[spmem:s5] =	stream.linear.scatter [tilespmem:s23], [sflag:$0x1], $0x2000, $0x38;
	[tilespmem:$0x12080] =	vst v63  }
0x2f: {  	_ =	swait.ge [sflag:s24], $0x2000  }
0x30: {  	[sflag:s24] =	ssyncset.done $0x0  }
0x31: {  	[sflag:s24] =	ssyncadd.s32 $0xFFFFE000  }
0x32: {  	[spmem:s6] =	stream.linear.scatter [tilespmem:s23], [sflag:$0x1], $0x2000, $0x38;
	[tilespmem:$0x12080] =	vst v63  }
0x33: {  	_ =	swait.ge [sflag:s24], $0x2000  }
0x34: {  	[sflag:s24] =	ssyncset.done $0x0  }
0x35: {  	[sflag:s24] =	ssyncadd.s32 $0xFFFFE000  }
0x36: {  	[spmem:s7] =	stream.linear.scatter [tilespmem:s23], [sflag:$0x1], $0x2000, $0x38;
	[tilespmem:$0x12080] =	vst v63  }
0x37: {  	_ =	swait.ge [sflag:s24], $0x2000  }
0x38: {  	[sflag:s24] =	ssyncset.done $0x0  }
0x39: {  	[sflag:s24] =	ssyncadd.s32 $0xFFFFE000  }
0x3a: {  	[spmem:s8] =	stream.linear.scatter [tilespmem:s23], [sflag:$0x1], $0x2000, $0x38;
	[tilespmem:$0x12080] =	vst v63  }
0x3b: {  	_ =	swait.ge [sflag:s24], $0x2000  }
0x3c: {  	[sflag:s24] =	ssyncset.done $0x0  }
0x3d: {  	[sflag:s24] =	ssyncadd.s32 $0xFFFFE000  }
0x3e: {  	[spmem:s9] =	stream.linear.scatter [tilespmem:s23], [sflag:$0x1], $0x2000, $0x38;
	[tilespmem:$0x12080] =	vst v63  }
0x3f: {  	_ =	swait.ge [sflag:s24], $0x2000  }
0x40: {  	[sflag:s24] =	ssyncset.done $0x0  }
0x41: {  	[sflag:s24] =	ssyncadd.s32 $0xFFFFE000  }
0x42: {  	s28 =	sadd.s32 $0x0, s22;
	[bflag:$0x0] =	sbarrier.arrive $0xFFFF  }
0x43: {  	[tilespmem:s3], [sflag:$0x1] =	stream.linear.gather [hbm4b:s28+s3], $0x80, $0x38;
	[tilespmem:$0x12080] =	vst v63  }
0x44: {  	_ =	swait.ge [sflag:s24], $0x80  }
0x45: {  	[sflag:s24] =	ssyncset.done $0x0  }
0x46: {  	[sflag:s24] =	ssyncadd.s32 $0xFFFFFF80  }
0x47: {  	[tilespmem:s25], [sflag:$0x1] =	stream.linear.gather [hbm4b:s20+s3], $0x4000, $0x38;
	[tilespmem:$0x12080] =	vst v63  }
0x48: {  	_ =	swait.ge [sflag:s24], $0x4000  }
0x49: {  	[sflag:s24] =	ssyncset.done $0x0  }
0x4a: {  	[sflag:s24] =	ssyncadd.s32 $0xFFFFC000  }
0x4b: {  	[spmem:s2] =	stream.indirect.scatter.add.f32 [tilespmem:s25], [sflag:$0x1], $0x80, s3, s25, $0xb8;
	[tilespmem:$0x12080] =	vst v63  }
0x4c: {  	s29 =	simm.s32 $0x10;
	_ =	swait.ge [sflag:s24], $0x4000  }
0x4d: {  	s30 =	simm.s32 $0x20;
	s28 =	sadd.s32 $0x800, s20;
	[sflag:s24] =	ssyncset.done $0x0  }
.LBB2_4:
0x4e: {  	s31 =	sadd.s32 s29, s22  }
0x4f: {  	[sflag:s24] =	ssyncadd.s32 $0xFFFFC000;
	s29 =	smov.u32 s30;
	s1 =	sadd.s32 $0x10, s30  }
0x50: {  	[tilespmem:s3], [sflag:$0x1] =	stream.linear.gather [hbm4b:s31+s3], $0x80, $0x38;
	[tilespmem:$0x12080] =	vst v63  }
0x51: {  	p0 =	sne.s32 s30, $0x9F0;
	_ =	swait.ge [sflag:s24], $0x80  }
0x52: {  	[sflag:s24] =	ssyncset.done $0x0  }
0x53: {  	[sflag:s24] =	ssyncadd.s32 $0xFFFFFF80  }
0x54: {  	[tilespmem:s25], [sflag:$0x1] =	stream.linear.gather [hbm4b:s28+s3], $0x4000, $0x38;
	[tilespmem:$0x12080] =	vst v63  }
0x55: {  	_ =	swait.ge [sflag:s24], $0x4000  }
.Ltmp1:
0x56: {  	[sflag:s24] =	ssyncset.done $0x0;
	(pc) =	sbr.rel @p0 .LBB2_4-.Ltmp1, $4  }
0x57: {  	[sflag:s24] =	ssyncadd.s32 $0xFFFFC000  }
0x58: {  	[spmem:s2] =	stream.indirect.scatter.add.f32 [tilespmem:s25], [sflag:$0x1], $0x80, s3, s25, $0xb8;
	[tilespmem:$0x12080] =	vst v63  }
0x59: {  	_ =	swait.ge [sflag:s24], $0x4000  }
0x5a: {  	s30 =	smov.u32 s1;
	s28 =	sadd.s32 $0x800, s28;
	[sflag:s24] =	ssyncset.done $0x0  }
0x5b: {  	s1 =	sadd.s32 s29, s22;
	[sflag:s24] =	ssyncadd.s32 $0xFFFFC000  }
0x5c: {  	[tilespmem:s3], [sflag:$0x1] =	stream.linear.gather [hbm4b:s1+s3], $0x80, $0x38;
	[tilespmem:$0x12080] =	vst v63  }
0x5d: {  	_ =	swait.ge [sflag:s24], $0x80  }
0x5e: {  	[sflag:s24] =	ssyncset.done $0x0  }
0x5f: {  	[sflag:s24] =	ssyncadd.s32 $0xFFFFFF80  }
0x60: {  	[tilespmem:s25], [sflag:$0x1] =	stream.linear.gather [hbm4b:s28+s3], $0x4000, $0x38;
	[tilespmem:$0x12080] =	vst v63  }
0x61: {  	_ =	swait.ge [sflag:s24], $0x4000  }
0x62: {  	[sflag:s24] =	ssyncset.done $0x0  }
0x63: {  	[sflag:s24] =	ssyncadd.s32 $0xFFFFC000  }
0x64: {  	[spmem:s2] =	stream.indirect.scatter.add.f32 [tilespmem:s25], [sflag:$0x1], $0x80, s3, s25, $0xb8;
	[tilespmem:$0x12080] =	vst v63  }
0x65: {  	_ =	swait.ge [sflag:s24], $0x4000  }
0x66: {  	[sflag:s24] =	ssyncset.done $0x0  }
0x67: {  	[sflag:s24] =	ssyncadd.s32 $0xFFFFC000  }
0x68: {  	[bflag:$0x0] =	sbarrier.arrive $0xFFFF  }
0x69: {  	[tilespmem:s23], [sflag:$0x1] =	stream.linear.gather [spmem:s10], $0x2000, $0x38;
	[tilespmem:$0x12080] =	vst v63  }
0x6a: {  	_ =	swait.ge [sflag:s24], $0x2000  }
0x6b: {  	[sflag:s24] =	ssyncset.done $0x0  }
0x6c: {  	[sflag:s24] =	ssyncadd.s32 $0xFFFFE000  }
0x6d: {  	[hbm4b:s11+s3] =	stream.linear.scatter [tilespmem:s23], [sflag:$0x1], $0x2000, $0x38;
	[tilespmem:$0x12080] =	vst v63  }
0x6e: {  	_ =	swait.ge [sflag:s24], $0x2000  }
0x6f: {  	[sflag:s24] =	ssyncset.done $0x0  }
0x70: {  	[sflag:s24] =	ssyncadd.s32 $0xFFFFE000  }
0x71: {  	[tilespmem:s23], [sflag:$0x1] =	stream.linear.gather [spmem:s12], $0x2000, $0x38;
	[tilespmem:$0x12080] =	vst v63  }
0x72: {  	_ =	swait.ge [sflag:s24], $0x2000  }
0x73: {  	[sflag:s24] =	ssyncset.done $0x0  }
0x74: {  	[sflag:s24] =	ssyncadd.s32 $0xFFFFE000  }
0x75: {  	[hbm4b:s13+s3] =	stream.linear.scatter [tilespmem:s23], [sflag:$0x1], $0x2000, $0x38;
	[tilespmem:$0x12080] =	vst v63  }
0x76: {  	_ =	swait.ge [sflag:s24], $0x2000  }
0x77: {  	[sflag:s24] =	ssyncset.done $0x0  }
0x78: {  	[sflag:s24] =	ssyncadd.s32 $0xFFFFE000  }
0x79: {  	[tilespmem:s23], [sflag:$0x1] =	stream.linear.gather [spmem:s14], $0x2000, $0x38;
	[tilespmem:$0x12080] =	vst v63  }
0x7a: {  	_ =	swait.ge [sflag:s24], $0x2000  }
0x7b: {  	[sflag:s24] =	ssyncset.done $0x0  }
0x7c: {  	[sflag:s24] =	ssyncadd.s32 $0xFFFFE000  }
0x7d: {  	[hbm4b:s15+s3] =	stream.linear.scatter [tilespmem:s23], [sflag:$0x1], $0x2000, $0x38;
	[tilespmem:$0x12080] =	vst v63  }
0x7e: {  	_ =	swait.ge [sflag:s24], $0x2000  }
0x7f: {  	[sflag:s24] =	ssyncset.done $0x0  }
0x80: {  	[sflag:s24] =	ssyncadd.s32 $0xFFFFE000  }
0x81: {  	[tilespmem:s23], [sflag:$0x1] =	stream.linear.gather [spmem:s16], $0x2000, $0x38;
	[tilespmem:$0x12080] =	vst v63  }
0x82: {  	_ =	swait.ge [sflag:s24], $0x2000  }
0x83: {  	[sflag:s24] =	ssyncset.done $0x0  }
0x84: {  	[sflag:s24] =	ssyncadd.s32 $0xFFFFE000  }
0x85: {  	[hbm4b:s17+s3] =	stream.linear.scatter [tilespmem:s23], [sflag:$0x1], $0x2000, $0x38;
	[tilespmem:$0x12080] =	vst v63  }
0x86: {  	_ =	swait.ge [sflag:s24], $0x2000  }
0x87: {  	[sflag:s24] =	ssyncset.done $0x0  }
0x88: {  	[sflag:s24] =	ssyncadd.s32 $0xFFFFE000  }
0x89: {  	[tilespmem:s23], [sflag:$0x1] =	stream.linear.gather [spmem:s18], $0x2000, $0x38;
	[tilespmem:$0x12080] =	vst v63  }
0x8a: {  	s26 =	sadd.s32 $0x1, s26;
	_ =	swait.ge [sflag:s24], $0x2000  }
0x8b: {  	p0 =	sne.s32 s26, s21;
	[sflag:s24] =	ssyncset.done $0x0  }
.Ltmp2:
0x8c: {  	[sflag:s24] =	ssyncadd.s32 $0xFFFFE000;
	(pc) =	sbr.rel @p0 .LBB2_1-.Ltmp2, $4  }
0x8d: {  	[hbm4b:s19+s3] =	stream.linear.scatter [tilespmem:s23], [sflag:$0x1], $0x2000, $0x38;
	[tilespmem:$0x12080] =	vst v63  }
0x8e: {  	_ =	swait.ge [sflag:s24], $0x2000  }
0x8f: {  	[sflag:s24] =	ssyncset.done $0x0  }
0x90: {  	[sflag:s24] =	ssyncadd.s32 $0xFFFFE000  }
0x91: {  	_ =	sfence.sel $0x180000  }
0x92: {  	[bflag:$0x0] =	sbarrier.arrive $0xFFFF  }
0x93: {  	_ =	strace $0x9000004D  }
0x94: {  	[bflag:$0x2] =	sbarrier.arrive $0xFFFF  }
0x95: {  	p0 =	sne.s32 s0, $0x0;
	s0 =	rddreg [dreg:$0x2]  }
0x96: {  	s0 =	sadd.s32 @!p0 $0x100000, s0  }
0x97: {  	[sflag:s0] =	ssyncadd.tile.s32 @!p0 $0x1;
	_ =	shalt  }
.Lfunc_end2:
_tile_overlayer_lowered:
.L_overlay_start_2:
0x98: {  	(tag) =	ssettag $0x2  }
0x99: {  	s0 =	rddreg [dreg:$0x0];
	s2 =	stileid.u32  }
0x9a: {  	s1 =	rddreg [dreg:$0x1];
	p0 =	sne.s32 s2, $0x0  }
0x9b: {  	s3 =	rddreg [dreg:$0x2];
	[bflag:$0x3] =	sbarrier.arrive $0xFFFF;
	s2 =	simm.s32 @!p0 $0x1C01  }
0x9c: {  	[timem:s3], [sflag:s2] =	dma.local @!p0 [hbm:s0], s1  }
0x9d: {  	s0 =	simm.s32 @!p0 $0x1  }
0x9e: {  	_ =	swait.ge @!p0 [sflag:s0], s1  }
0x9f: {  	s1 =	ssub.s32 @!p0 $0x0, s1;
	[sflag:s0] =	ssyncset.done @!p0 $0x0  }
0xa0: {  	[sflag:s0] =	ssyncadd.s32 @!p0 s1  }
0xa1: {  	[bflag:$0x3] =	sbarrier.arrive $0xFFFF  }
0xa2: {  	_ =	shalt  }

// kernel: kernel.17.cloned.1.call-start
scs
__scs_entry_jumppad:
0x0: {  	(pc) =	sbr.rel $0x88, $3  }
0x1: {  	(tag) =	ssettag $0x0;
	lr =	simm.s32 $0x1  }
0x2: {  	[smem:$0x3F92] =	sst lr;
	_ =	strace $0xD0000000  }
0x3: {  	_ = 	snop  }
0x4: {  	_ = 	snop  }
0x5: {  	_ = 	snop  }
0x6: {  	_ = 	snop  }
0x7: {  	_ = 	snop  }
__scs_overlays_trampoline_lowered:
0x8: {  	[smem:$0x3FA1] =	sst s0  }
0x9: {  	[smem:$0x3FA2] =	sst s1  }
0xa: {  	[smem:$0x3FA3] =	sst s2  }
0xb: {  	[smem:$0x3FA4] =	sst s3  }
0xc: {  	[smem:$0x3FA5] =	sst s4  }
0xd: {  	[smem:$0x3FA6] =	sst s5  }
0xe: {  	[smem:$0x3FA7] =	sst s6  }
0xf: {  	[smem:$0x3FA8] =	sst s7  }
0x10: {  	[smem:$0x3FA9] =	sst s8  }
0x11: {  	[smem:$0x3FAA] =	sst s9;
	s0 =	simm.s32 @!p0 $0x0  }
0x12: {  	s1 =	sld [smem:$0x3F90];
	s0 =	simm.s32 @p0 $0x1  }
0x13: {  	[smem:$0x3FAB] =	sst s0;
	s0 =	simm.s32 @!p1 $0x0  }
0x14: {  	s2 =	sld [smem:$0x3F8F];
	s0 =	simm.s32 @p1 $0x1  }
0x15: {  	[smem:$0x3FAC] =	sst s0;
	s0 =	simm.s32 @!p2 $0x0  }
0x16: {  	s3 =	sld [smem:$0x3FDB];
	s0 =	simm.s32 @p2 $0x1  }
0x17: {  	s4 =	simm.s32 $0x1BF5;
	[smem:$0x3FAE] =	sst s0  }
0x18: {  	s0 =	sld [smem:$0x3F91];
	_ =	swait.ge [sflag:s4], $0x0  }
0x19: {  	s7 =	sld [smem:$0x3F92]  }
0x1a: {  	s8 =	sadd.s32 $0xFFFFE003, lr  }
0x1b: {  	s9 =	sadd.s32 $0xFFFFFEF7, lr;
	s5 =	simm.s32 $0xFFFFFFFF;
	p2 =	slt.u32 s8, $0xFFFFF086  }
0x1c: {  	p1 =	slt.u32 s9, $0xF7A;
	s5 =	simm.s32 @!p2 $0x0  }
0x1d: {  	s5 =	simm.s32 @p1 $0x1;
	p0 =	seq.s32 s7, s2  }
0x1e: {  	s7 =	smul.u32 @!p0 $0xF7A, s2;
	p2 =	seq.s32 @!p0 s5, $0x0  }
0x1f: {  	s9 =	smul.u32 $0xF7A, s1;
	s8 =	simm.s32 @!p0 $0x1BF5;
	p2 =	por !p2, p0  }
0x20: {  	[sflag:s8] =	ssyncset.s32 @!p0 $0xFFFFF086;
	s6 =	sadd.s32 @!p0 s3, s7;
	s7 =	simm.s32 @!p0 $0x108  }
0x21: {  	s3 =	sadd.s32 s3, s9;
	s6 =	sadd.s32 @!p0 $0x88, s6;
	s7 =	simm.s32 @p2 $0x1082  }
0x22: {  	[simem:s7], [sflag:s8] =	dma.local @!p0 [hbm:s6], $0xF7A  }
0x23: {  	s9 =	sor.u32 $0xD0000000, s2;
	s6 =	simm.s32 $0x108;
	_ =	swait.ge @!p0 [sflag:s8], $0x0  }
0x24: {  	s3 =	sadd.s32 $0x88, s3;
	s6 =	simm.s32 @!p1 $0x1082;
	[sflag:s4] =	ssyncset.s32 $0xFFFFF086  }
0x25: {  	[simem:s6], [sflag:s4] =	dma.local [hbm:s3], $0xF7A  }
0x26: {  	[smem:$0x3F92] =	sst s1;
	(tag) =	ssettag s2;
	_ =	strace s9  }
0x27: {  	s1 =	sld [smem:$0x3FA2]  }
0x28: {  	s2 =	sld [smem:$0x3FA3]  }
0x29: {  	s4 =	sld [smem:$0x3FA5]  }
0x2a: {  	p0 =	seq.s32 s5, $0x0;
	s5 =	sld [smem:$0x3FA6]  }
0x2b: {  	s6 =	sld [smem:$0x3FA7]  }
0x2c: {  	s7 =	sld [smem:$0x3FA8]  }
0x2d: {  	s3 =	simm.s32 $0x108;
	s8 =	sld [smem:$0x3FA9]  }
0x2e: {  	s3 =	simm.s32 @!p0 $0x1082;
	s9 =	sld [smem:$0x3FAA]  }
0x2f: {  	lr =	sadd.s32 s0, s3;
	s0 =	sld [smem:$0x3FA1]  }
0x30: {  	s3 =	sld [smem:$0x3FA4]  }
0x31: {  	[smem:$0x3FAD] =	sst s10  }
0x32: {  	s10 =	sld [smem:$0x3FAB];
	_ =	sdelay $0x3  }
0x33: {  	p0 =	seq.s32 s10, $0x1;
	s10 =	sld [smem:$0x3FAD];
	_ =	sdelay $0x3  }
0x34: {  	[smem:$0x3FAD] =	sst s10  }
0x35: {  	s10 =	sld [smem:$0x3FAC];
	_ =	sdelay $0x3  }
0x36: {  	p1 =	seq.s32 s10, $0x1;
	s10 =	sld [smem:$0x3FAD];
	_ =	sdelay $0x3  }
0x37: {  	[smem:$0x3FAD] =	sst s10  }
0x38: {  	s10 =	sld [smem:$0x3FAE]  }
0x39: {  	_ = 	snop;
	(pc) =	sbr.ind lr, $3  }
0x3a: {  	_ = 	snop  }
0x3b: {  	_ = 	snop  }
0x3c: {  	p2 =	seq.s32 s10, $0x1;
	s10 =	sld [smem:$0x3FAD]  }
0x3d: {  	_ =	shalt  }
0x3e: {  	_ =	shalt  }
0x3f: {  	_ =	shalt  }
0x40: {  	_ =	shalt  }
0x41: {  	_ =	shalt  }
0x42: {  	_ =	shalt  }
0x43: {  	_ =	shalt  }
0x44: {  	_ =	shalt  }
0x45: {  	_ =	shalt  }
0x46: {  	_ =	shalt  }
0x47: {  	_ =	shalt  }
0x48: {  	_ =	shalt  }
0x49: {  	_ =	shalt  }
0x4a: {  	_ =	shalt  }
0x4b: {  	_ =	shalt  }
0x4c: {  	_ =	shalt  }
0x4d: {  	_ =	shalt  }
0x4e: {  	_ =	shalt  }
0x4f: {  	_ =	shalt  }
0x50: {  	_ =	shalt  }
0x51: {  	_ =	shalt  }
0x52: {  	_ =	shalt  }
0x53: {  	_ =	shalt  }
0x54: {  	_ =	shalt  }
0x55: {  	_ =	shalt  }
0x56: {  	_ =	shalt  }
0x57: {  	_ =	shalt  }
0x58: {  	_ =	shalt  }
0x59: {  	_ =	shalt  }
0x5a: {  	_ =	shalt  }
0x5b: {  	_ =	shalt  }
0x5c: {  	_ =	shalt  }
0x5d: {  	_ =	shalt  }
0x5e: {  	_ =	shalt  }
0x5f: {  	_ =	shalt  }
0x60: {  	_ =	shalt  }
0x61: {  	_ =	shalt  }
0x62: {  	_ =	shalt  }
0x63: {  	_ =	shalt  }
0x64: {  	_ =	shalt  }
0x65: {  	_ =	shalt  }
0x66: {  	_ =	shalt  }
0x67: {  	_ =	shalt  }
0x68: {  	_ =	shalt  }
0x69: {  	_ =	shalt  }
0x6a: {  	_ =	shalt  }
0x6b: {  	_ =	shalt  }
0x6c: {  	_ =	shalt  }
0x6d: {  	_ =	shalt  }
0x6e: {  	_ =	shalt  }
0x6f: {  	_ =	shalt  }
0x70: {  	_ =	shalt  }
0x71: {  	_ =	shalt  }
0x72: {  	_ =	shalt  }
0x73: {  	_ =	shalt  }
0x74: {  	_ =	shalt  }
0x75: {  	_ =	shalt  }
0x76: {  	_ =	shalt  }
0x77: {  	_ =	shalt  }
0x78: {  	_ =	shalt  }
0x79: {  	_ =	shalt  }
0x7a: {  	_ =	shalt  }
0x7b: {  	_ =	shalt  }
0x7c: {  	_ =	shalt  }
0x7d: {  	_ =	shalt  }
0x7e: {  	_ =	shalt  }
0x7f: {  	_ =	shalt  }
0x80: {  	_ =	shalt  }
0x81: {  	_ =	shalt  }
0x82: {  	_ =	shalt  }
0x83: {  	_ =	shalt  }
0x84: {  	_ =	shalt  }
0x85: {  	_ =	shalt  }
0x86: {  	_ =	shalt  }
0x87: {  	_ =	shalt  }
.Lfunc_end0:
.L_simem_size_0:
called_computation.3_lowered:
.L_overlay_start_0:
0x88: {  	s2 =	sld [smem:$0x3FD9]  }
0x89: {  	s3 =	sld [smem:$0x3FFE];
	_ =	sdelay $0x1  }
0x8a: {  	s1 =	srdreg.scid  }
0x8b: {  	s0 =	sand.u32 $0x1, s1  }
0x8c: {  	s16 =	sshll.u32 s0, $0xA;
	s2 =	sadd.s32 s3, s2  }
0x8d: {  	s2 =	sadd.s32 s2, s16  }
0x8e: {  	[smem:$0x3FB9] =	sst s2  }
0x8f: {  	_ = 	snop  }
0x90: {  	(tm) =	ssettm $0x1  }
0x91: {  	s17 =	sld [smem:$0x3FFB];
	_ =	sdelay $0x3  }
0x92: {  	_ =	strace s17  }
0x93: {  	s2 =	sld [smem:$0x3FFC];
	_ =	sdelay $0x3  }
0x94: {  	_ =	strace s2  }
0x95: {  	s2 =	sld [smem:$0x3FFD];
	_ =	sdelay $0x3  }
0x96: {  	_ =	strace s2  }
0x97: {  	_ =	strace $0x8FFFFFFF  }
0x98: {  	s18 =	sld [smem:$0x3FDB];
	_ =	sdelay $0x1  }
0x99: {  	s19 =	simm.s32 $_scs_section_size  }
0x9a: {  	s4 =	simm.s32 $_size__tile_overlayer_lowered;
	s5 =	simm.s32 $_tile_overlayer_lowered  }
0x9b: {  	s22 =	simm.s32 $0x1BFF;
	s21 =	sshll.u32 s5, $0x1;
	s2 =	sadd.s32 s19, s18  }
0x9c: {  	s6 =	simm.s32 $0x0;
	s20 =	sshll.u32 s4, $0x1;
	s4 =	sadd.s32 s21, s2  }
0x9d: {  	[timem:s6], [sflag:s22] =	dma.local [hbm:s4], s20  }
0x9e: {  	_ =	swait.ge [sflag:s22], s20  }
0x9f: {  	s3 =	ssub.s32 $0x0, s20;
	[sflag:s22] =	ssyncset.done $0x0  }
0xa0: {  	[sflag:s22] =	ssyncadd.s32 s3;
	_ =	sdelay $0x1  }
0xa1: {  	s23 =	simm.s32 $0x1B8B  }
0xa2: {  	_ =	swait.ge [sflag:s23], $0x1  }
0xa3: {  	[sflag:s23] =	ssyncset.done $0x0  }
0xa4: {  	s25 =	simm.s32 $0x1B8E;
	s24 =	sld [smem:$0x3FFE];
	[sflag:s23] =	ssyncadd.s32 $0xFFFFFFFF  }
0xa5: {  	s26 =	simm.s32 $execute0_lowered;
	[smem:$0x3FD2] =	sst s25  }
0xa6: {  	s4 =	sshll.u32 s26, $0x1;
	_ =	strace $0x8000004F;
	[dreg:$0x1] =	wrdreg $0xFFFFFFFF  }
0xa7: {  	s28 =	simm.s32 $_size_execute0_lowered;
	s2 =	sadd.s32 s2, s4;
	[dreg:$0x0] =	wrdreg $0x0  }
0xa8: {  	s4 =	sshll.u32 s28, $0x1;
	[dreg:$0x2] =	wrdreg s2  }
0xa9: {  	[dreg:$0x3] =	wrdreg s4  }
0xaa: {  	[dreg:$0x4] =	wrdreg $0xC0  }
0xab: {  	_ =	task [dreg:s6], $0x5FFFF  }
0xac: {  	[dreg:$0x1] =	wrdreg $0xFFFFFFFF  }
0xad: {  	[dreg:$0x0] =	wrdreg $0x60  }
0xae: {  	[dreg:$0x2] =	wrdreg s24  }
0xaf: {  	[dreg:$0x3] =	wrdreg $0x9  }
0xb0: {  	_ =	task.clear_ibuf [dreg:s6], $0x4FFFF;
	_ =	strace $0x9000004F  }
0xb1: {  	s29 =	simm.s32 $0x9;
	_ =	strace $0x80000051  }
0xb2: {  	_ =	swait.ge [sflag:s29], $0x1  }
0xb3: {  	[sflag:s29] =	ssyncadd.s32 $0xFFFFFFFF  }
0xb4: {  	_ =	strace $0x90000051  }
0xb5: {  	_ =	sfence  }
0xb6: {  	s30 =	sld [smem:$0x0];
	_ =	sdelay $0x2  }
0xb7: {  	s31 =	sshll.u32 s1, $0xD;
	s1 =	sshrl.u32 s1, $0x2  }
0xb8: {  	s3 =	sand.u32 $0x4000, s31;
	s1 =	sadd.s32 s1, s30  }
0xb9: {  	s0 =	sor.u32 s3, s0;
	s1 =	sshll.u32 s1, $0x11  }
0xba: {  	s0 =	sor.u32 s1, s0  }
0xbb: {  	s0 =	sadd.s32 $0x8F2B, s0  }
0xbc: {  	[sflag:s0] =	ssyncadd.remote.s32 $0x1  }
0xbd: {  	_ =	sfence.sel $0xFFFF  }
0xbe: {  	[dreg:$0x0] =	wrdreg $0xFFFFFFFF;
	(pc) =	sbr.abs _section_cstart, $3  }
0xbf: {  	[dreg:$0x1] =	wrdreg $0xFFFFFFFF  }
0xc0: {  	_ =	task.clear_ibuf [dreg:s6], $0x2FFFF;
	_ =	strace $0x9FFFFFFF  }
0xc1: {  	(tm) =	ssettm $0x7FFFFFFF  }
tec
execute0_lowered:
.L_overlay_start_1:
0x0: {  	(tag) =	ssettag $0x1  }
0x1: {  	s4 =	rddreg [dreg:$0x0]  }
0x2: {  	s0 =	rddreg [dreg:$0x1];
	s2 =	simm.s32 $0x0;
	s1 =	srdreg.scid  }
0x3: {  	s10 =	simm.s32 $0x1080;
	s11 =	simm.s32 $0x1880;
	s12 =	simm.s32 $0x2080  }
0x4: {  	s13 =	simm.s32 $0x2880;
	s14 =	simm.s32 $0x3080;
	s15 =	simm.s32 $0x3880  }
0x5: {  	s16 =	simm.s32 $0x4080;
	s17 =	simm.s32 $0x4880;
	s18 =	simm.s32 $0x5080  }
0x6: {  	s19 =	simm.s32 $0x5880;
	s20 =	simm.s32 $0x6080;
	s21 =	simm.s32 $0x6880  }
0x7: {  	s22 =	simm.s32 $0x7080;
	s23 =	simm.s32 $0x7880;
	s5 =	sand.u32 $0x1, s1  }
0x8: {  	s24 =	simm.s32 $0x1;
	s1 =	stileid.u32;
	s6 =	smul.u32 $0x28000, s5  }
0x9: {  	s25 =	simm.s32 $0x0;
	[smem:$0x7FF] =	sst s2;
	s7 =	smul.u32 $0x2800, s1  }
0xa: {  	s3 =	sadd.s32 $0x7AE00, s4;
	s8 =	smul.u32 $0x500000, s5;
	s5 =	ssub.s32 $0x2, s5  }
0xb: {  	_ =	strace $0x80000050;
	s9 =	smul.u32 $0x50000, s1;
	s30 =	sshrl.u32 s5, $0x1  }
0xc: {  	s6 =	sadd.s32 s7, s6;
	s8 =	sadd.s32 s8, s4;
	s5 =	ssub.s32 s5, s30  }
0xd: {  	v2 =	vlaneseq.u32;
	s7 =	simm.s32 $0x2;
	s6 =	sshrl.u32 s6, $0x3;
	s31 =	sadd.s32 s9, s8  }
0xe: {  	vm0 =	vmmov $0xffff;
	v1 =	vshrl.u32 v2, $0x3;
	s8 =	simm.s32 $0x80;
	s9 =	simm.s32 $0x880;
	s6 =	sadd.s32 s6, s4  }
0xf: {  	v0 =	vand.u32 $0x7, v2;
	v2 =	vor.u32 $0x8, v2;
	v1 =	vmul.u32 $0x8, v1;
	s4 =	smax.u32 s5, $0x1;
	s5 =	sadd.s32 $0x112A00, s31;
	s6 =	sadd.s32 $0x108A00, s6  }
.LBB2_1:
0x10: {  	s26 =	smov.u32 s5;
	s28 =	simm.s32 $0x0  }
.LBB2_2:
0x11: {  	s29 =	sadd.s32 s28, s6  }
0x12: {  	[tilespmem:s2], [sflag:$0x2] =	stream.linear.gather [hbm4b:s29+s2], $0x80, $0x38;
	[tilespmem:$0x8080] =	vst v63  }
0x13: {  	_ =	swait.ge [sflag:s7], $0x80  }
0x14: {  	[sflag:s7] =	ssyncset.done $0x0  }
0x15: {  	[sflag:s7] =	ssyncadd.s32 $0xFFFFFF80  }
0x16: {  	v3 =	vld [tilespmem:$0x0];
	_ =	sdelay $0x4  }
0x17: {  	v4 =	vshll.u32 v3, $0x1  }
0x18: {  	v3 =	vand.u32 $0x7, v3;
	v4 =	vand.u32 $0xFFFFFFF0, v4  }
0x19: {  	v3 =	vor.u32 v3, v4  }
0x1a: {  	v4 =	vperm.xlane v3, v0;
	_ =	sdelay $0x1  }
0x1b: {  	v3 =	vperm.xlane v3, v2;
	v4 =	vadd.s32 v1, v4;
	_ =	sdelay $0x1  }
0x1c: {  	v3 =	vadd.s32 v1, v3;
	_ =	sdelay $0x2  }
0x1d: {  	[tilespmem:s8], [sflag:$0x1] =	stream.indirect_vreg.gather [hbm4b:s3+s2], $0x80, v4, vm0, $0xb8;
	[tilespmem:$0x8080] =	vst v63  }
0x1e: {  	_ = 	snop  }
0x1f: {  	[tilespmem:s9], [sflag:$0x1] =	stream.indirect_vreg.gather [hbm4b:s3+s2], $0x80, v3, vm0, $0xb8;
	[tilespmem:$0x8080] =	vst v63  }
0x20: {  	v3 =	vld [tilespmem:$0x10];
	_ =	sdelay $0x4  }
0x21: {  	v57 =	vshll.u32 v3, $0x1  }
0x22: {  	v3 =	vand.u32 $0x7, v3;
	v4 =	vand.u32 $0xFFFFFFF0, v57  }
0x23: {  	v3 =	vor.u32 v3, v4  }
0x24: {  	v4 =	vperm.xlane v3, v0;
	_ =	sdelay $0x1  }
0x25: {  	v3 =	vperm.xlane v3, v2;
	v4 =	vadd.s32 v1, v4;
	_ =	sdelay $0x1  }
0x26: {  	v3 =	vadd.s32 v1, v3;
	_ =	sdelay $0x2  }
0x27: {  	[tilespmem:s10], [sflag:$0x1] =	stream.indirect_vreg.gather [hbm4b:s3+s2], $0x80, v4, vm0, $0xb8;
	[tilespmem:$0x8080] =	vst v63  }
0x28: {  	_ = 	snop  }
0x29: {  	[tilespmem:s11], [sflag:$0x1] =	stream.indirect_vreg.gather [hbm4b:s3+s2], $0x80, v3, vm0, $0xb8;
	[tilespmem:$0x8080] =	vst v63  }
0x2a: {  	v3 =	vld [tilespmem:$0x20];
	_ =	sdelay $0x4  }
0x2b: {  	v58 =	vshll.u32 v3, $0x1  }
0x2c: {  	v3 =	vand.u32 $0x7, v3;
	v4 =	vand.u32 $0xFFFFFFF0, v58  }
0x2d: {  	v3 =	vor.u32 v3, v4  }
0x2e: {  	v4 =	vperm.xlane v3, v0;
	_ =	sdelay $0x1  }
0x2f: {  	v3 =	vperm.xlane v3, v2;
	v4 =	vadd.s32 v1, v4;
	_ =	sdelay $0x1  }
0x30: {  	v3 =	vadd.s32 v1, v3;
	_ =	sdelay $0x2  }
0x31: {  	[tilespmem:s12], [sflag:$0x1] =	stream.indirect_vreg.gather [hbm4b:s3+s2], $0x80, v4, vm0, $0xb8;
	[tilespmem:$0x8080] =	vst v63  }
0x32: {  	_ = 	snop  }
0x33: {  	[tilespmem:s13], [sflag:$0x1] =	stream.indirect_vreg.gather [hbm4b:s3+s2], $0x80, v3, vm0, $0xb8;
	[tilespmem:$0x8080] =	vst v63  }
0x34: {  	v3 =	vld [tilespmem:$0x30];
	_ =	sdelay $0x4  }
0x35: {  	v59 =	vshll.u32 v3, $0x1  }
0x36: {  	v3 =	vand.u32 $0x7, v3;
	v4 =	vand.u32 $0xFFFFFFF0, v59  }
0x37: {  	v3 =	vor.u32 v3, v4  }
0x38: {  	v4 =	vperm.xlane v3, v0;
	_ =	sdelay $0x1  }
0x39: {  	v3 =	vperm.xlane v3, v2;
	v4 =	vadd.s32 v1, v4;
	_ =	sdelay $0x1  }
0x3a: {  	v3 =	vadd.s32 v1, v3;
	_ =	sdelay $0x2  }
0x3b: {  	[tilespmem:s14], [sflag:$0x1] =	stream.indirect_vreg.gather [hbm4b:s3+s2], $0x80, v4, vm0, $0xb8;
	[tilespmem:$0x8080] =	vst v63  }
0x3c: {  	_ = 	snop  }
0x3d: {  	[tilespmem:s15], [sflag:$0x1] =	stream.indirect_vreg.gather [hbm4b:s3+s2], $0x80, v3, vm0, $0xb8;
	[tilespmem:$0x8080] =	vst v63  }
0x3e: {  	v3 =	vld [tilespmem:$0x40];
	_ =	sdelay $0x4  }
0x3f: {  	v60 =	vshll.u32 v3, $0x1  }
0x40: {  	v3 =	vand.u32 $0x7, v3;
	v4 =	vand.u32 $0xFFFFFFF0, v60  }
0x41: {  	v3 =	vor.u32 v3, v4  }
0x42: {  	v4 =	vperm.xlane v3, v0;
	_ =	sdelay $0x1  }
0x43: {  	v3 =	vperm.xlane v3, v2;
	v4 =	vadd.s32 v1, v4;
	_ =	sdelay $0x1  }
0x44: {  	v3 =	vadd.s32 v1, v3;
	_ =	sdelay $0x2  }
0x45: {  	[tilespmem:s16], [sflag:$0x1] =	stream.indirect_vreg.gather [hbm4b:s3+s2], $0x80, v4, vm0, $0xb8;
	[tilespmem:$0x8080] =	vst v63  }
0x46: {  	_ = 	snop  }
0x47: {  	[tilespmem:s17], [sflag:$0x1] =	stream.indirect_vreg.gather [hbm4b:s3+s2], $0x80, v3, vm0, $0xb8;
	[tilespmem:$0x8080] =	vst v63  }
0x48: {  	v3 =	vld [tilespmem:$0x50];
	_ =	sdelay $0x4  }
0x49: {  	v61 =	vshll.u32 v3, $0x1  }
0x4a: {  	v3 =	vand.u32 $0x7, v3;
	v4 =	vand.u32 $0xFFFFFFF0, v61  }
0x4b: {  	v3 =	vor.u32 v3, v4  }
0x4c: {  	v4 =	vperm.xlane v3, v0;
	_ =	sdelay $0x1  }
0x4d: {  	v3 =	vperm.xlane v3, v2;
	v4 =	vadd.s32 v1, v4;
	_ =	sdelay $0x1  }
0x4e: {  	v3 =	vadd.s32 v1, v3;
	_ =	sdelay $0x2  }
0x4f: {  	[tilespmem:s18], [sflag:$0x1] =	stream.indirect_vreg.gather [hbm4b:s3+s2], $0x80, v4, vm0, $0xb8;
	[tilespmem:$0x8080] =	vst v63  }
0x50: {  	_ = 	snop  }
0x51: {  	[tilespmem:s19], [sflag:$0x1] =	stream.indirect_vreg.gather [hbm4b:s3+s2], $0x80, v3, vm0, $0xb8;
	[tilespmem:$0x8080] =	vst v63  }
0x52: {  	v3 =	vld [tilespmem:$0x60];
	_ =	sdelay $0x4  }
0x53: {  	v62 =	vshll.u32 v3, $0x1  }
0x54: {  	v3 =	vand.u32 $0x7, v3;
	v4 =	vand.u32 $0xFFFFFFF0, v62  }
0x55: {  	v3 =	vor.u32 v3, v4  }
0x56: {  	v4 =	vperm.xlane v3, v0;
	_ =	sdelay $0x1  }
0x57: {  	v3 =	vperm.xlane v3, v2;
	v4 =	vadd.s32 v1, v4;
	_ =	sdelay $0x1  }
0x58: {  	v3 =	vadd.s32 v1, v3;
	_ =	sdelay $0x2  }
0x59: {  	[tilespmem:s20], [sflag:$0x1] =	stream.indirect_vreg.gather [hbm4b:s3+s2], $0x80, v4, vm0, $0xb8;
	[tilespmem:$0x8080] =	vst v63  }
0x5a: {  	_ = 	snop  }
0x5b: {  	[tilespmem:s21], [sflag:$0x1] =	stream.indirect_vreg.gather [hbm4b:s3+s2], $0x80, v3, vm0, $0xb8;
	[tilespmem:$0x8080] =	vst v63  }
0x5c: {  	v3 =	vld [tilespmem:$0x70];
	_ =	sdelay $0x4  }
0x5d: {  	v63 =	vshll.u32 v3, $0x1  }
0x5e: {  	v3 =	vand.u32 $0x7, v3;
	v4 =	vand.u32 $0xFFFFFFF0, v63  }
0x5f: {  	v3 =	vor.u32 v3, v4  }
0x60: {  	v4 =	vperm.xlane v3, v0;
	_ =	sdelay $0x1  }
0x61: {  	v3 =	vperm.xlane v3, v2;
	v4 =	vadd.s32 v1, v4;
	_ =	sdelay $0x1  }
0x62: {  	v3 =	vadd.s32 v1, v3;
	_ =	sdelay $0x2  }
0x63: {  	[tilespmem:s22], [sflag:$0x1] =	stream.indirect_vreg.gather [hbm4b:s3+s2], $0x80, v4, vm0, $0xb8;
	[tilespmem:$0x8080] =	vst v63  }
0x64: {  	_ = 	snop  }
0x65: {  	[tilespmem:s23], [sflag:$0x1] =	stream.indirect_vreg.gather [hbm4b:s3+s2], $0x80, v3, vm0, $0xb8;
	[tilespmem:$0x8080] =	vst v63  }
0x66: {  	_ =	swait.ge [sflag:s24], $0x8000  }
0x67: {  	p0 =	sne.s32 s28, $0x4F0;
	[sflag:s24] =	ssyncset.done $0x0  }
.Ltmp0:
0x68: {  	[sflag:s24] =	ssyncadd.s32 $0xFFFF8000;
	(pc) =	sbr.rel @p0 .LBB2_2-.Ltmp0, $4  }
0x69: {  	[hbm4b:s26+s2] =	stream.linear.scatter [tilespmem:s8], [sflag:$0x2], $0x8000, $0x38;
	[tilespmem:$0x8080] =	vst v63  }
0x6a: {  	_ =	swait.ge [sflag:s7], $0x8000  }
0x6b: {  	[sflag:s7] =	ssyncset.done $0x0  }
0x6c: {  	s28 =	sadd.s32 $0x10, s28;
	s26 =	sadd.s32 $0x1000, s26;
	[sflag:s7] =	ssyncadd.s32 $0xFFFF8000  }
0x6d: {  	s25 =	sadd.s32 $0x1, s25  }
0x6e: {  	p0 =	sne.s32 s25, s4  }
.Ltmp1:
0x6f: {  	_ = 	snop;
	(pc) =	sbr.rel @p0 .LBB2_1-.Ltmp1, $1  }
0x70: {  	_ =	sdelay $0x3  }
0x71: {  	_ =	sfence.sel $0x180000  }
0x72: {  	[bflag:$0x0] =	sbarrier.arrive $0xFFFF  }
0x73: {  	p0 =	sne.s32 s1, $0x0;
	_ =	strace $0x90000050  }
0x74: {  	s0 =	sadd.s32 @!p0 $0x100000, s0;
	[bflag:$0x2] =	sbarrier.arrive $0xFFFF  }
0x75: {  	[sflag:s0] =	ssyncadd.tile.s32 @!p0 $0x1;
	_ =	shalt  }
.Lfunc_end2:
_tile_overlayer_lowered:
.L_overlay_start_2:
0x76: {  	(tag) =	ssettag $0x2  }
0x77: {  	s0 =	rddreg [dreg:$0x0];
	s2 =	stileid.u32  }
0x78: {  	s1 =	rddreg [dreg:$0x1];
	p0 =	sne.s32 s2, $0x0  }
0x79: {  	s3 =	rddreg [dreg:$0x2];
	[bflag:$0x3] =	sbarrier.arrive $0xFFFF;
	s2 =	simm.s32 @!p0 $0x1C02  }
0x7a: {  	[timem:s3], [sflag:s2] =	dma.local @!p0 [hbm:s0], s1  }
0x7b: {  	s0 =	simm.s32 @!p0 $0x2  }
0x7c: {  	_ =	swait.ge @!p0 [sflag:s0], s1  }
0x7d: {  	s1 =	ssub.s32 @!p0 $0x0, s1;
	[sflag:s0] =	ssyncset.done @!p0 $0x0  }
0x7e: {  	[sflag:s0] =	ssyncadd.s32 @!p0 s1  }
0x7f: {  	[bflag:$0x3] =	sbarrier.arrive $0xFFFF  }
0x80: {  	_ =	shalt  }

// kernel: kernel.20.cloned.1.call-start
scs
__scs_entry_jumppad:
0x0: {  	(pc) =	sbr.rel $0x88, $3  }
0x1: {  	(tag) =	ssettag $0x0;
	lr =	simm.s32 $0x1  }
0x2: {  	[smem:$0x3F92] =	sst lr;
	_ =	strace $0xD0000000  }
0x3: {  	_ = 	snop  }
0x4: {  	_ = 	snop  }
0x5: {  	_ = 	snop  }
0x6: {  	_ = 	snop  }
0x7: {  	_ = 	snop  }
__scs_overlays_trampoline_lowered:
0x8: {  	[smem:$0x3FA1] =	sst s0  }
0x9: {  	[smem:$0x3FA2] =	sst s1  }
0xa: {  	[smem:$0x3FA3] =	sst s2  }
0xb: {  	[smem:$0x3FA4] =	sst s3  }
0xc: {  	[smem:$0x3FA5] =	sst s4  }
0xd: {  	[smem:$0x3FA6] =	sst s5  }
0xe: {  	[smem:$0x3FA7] =	sst s6  }
0xf: {  	[smem:$0x3FA8] =	sst s7  }
0x10: {  	[smem:$0x3FA9] =	sst s8  }
0x11: {  	[smem:$0x3FAA] =	sst s9;
	s0 =	simm.s32 @!p0 $0x0  }
0x12: {  	s1 =	sld [smem:$0x3F90];
	s0 =	simm.s32 @p0 $0x1  }
0x13: {  	[smem:$0x3FAB] =	sst s0;
	s0 =	simm.s32 @!p1 $0x0  }
0x14: {  	s2 =	sld [smem:$0x3F8F];
	s0 =	simm.s32 @p1 $0x1  }
0x15: {  	[smem:$0x3FAC] =	sst s0;
	s0 =	simm.s32 @!p2 $0x0  }
0x16: {  	s3 =	sld [smem:$0x3FDB];
	s0 =	simm.s32 @p2 $0x1  }
0x17: {  	s4 =	simm.s32 $0x1BF5;
	[smem:$0x3FAE] =	sst s0  }
0x18: {  	s0 =	sld [smem:$0x3F91];
	_ =	swait.ge [sflag:s4], $0x0  }
0x19: {  	s7 =	sld [smem:$0x3F92]  }
0x1a: {  	s8 =	sadd.s32 $0xFFFFE003, lr  }
0x1b: {  	s9 =	sadd.s32 $0xFFFFFEF7, lr;
	s5 =	simm.s32 $0xFFFFFFFF;
	p2 =	slt.u32 s8, $0xFFFFF086  }
0x1c: {  	p1 =	slt.u32 s9, $0xF7A;
	s5 =	simm.s32 @!p2 $0x0  }
0x1d: {  	s5 =	simm.s32 @p1 $0x1;
	p0 =	seq.s32 s7, s2  }
0x1e: {  	s7 =	smul.u32 @!p0 $0xF7A, s2;
	p2 =	seq.s32 @!p0 s5, $0x0  }
0x1f: {  	s9 =	smul.u32 $0xF7A, s1;
	s8 =	simm.s32 @!p0 $0x1BF5;
	p2 =	por !p2, p0  }
0x20: {  	[sflag:s8] =	ssyncset.s32 @!p0 $0xFFFFF086;
	s6 =	sadd.s32 @!p0 s3, s7;
	s7 =	simm.s32 @!p0 $0x108  }
0x21: {  	s3 =	sadd.s32 s3, s9;
	s6 =	sadd.s32 @!p0 $0x88, s6;
	s7 =	simm.s32 @p2 $0x1082  }
0x22: {  	[simem:s7], [sflag:s8] =	dma.local @!p0 [hbm:s6], $0xF7A  }
0x23: {  	s9 =	sor.u32 $0xD0000000, s2;
	s6 =	simm.s32 $0x108;
	_ =	swait.ge @!p0 [sflag:s8], $0x0  }
0x24: {  	s3 =	sadd.s32 $0x88, s3;
	s6 =	simm.s32 @!p1 $0x1082;
	[sflag:s4] =	ssyncset.s32 $0xFFFFF086  }
0x25: {  	[simem:s6], [sflag:s4] =	dma.local [hbm:s3], $0xF7A  }
0x26: {  	[smem:$0x3F92] =	sst s1;
	(tag) =	ssettag s2;
	_ =	strace s9  }
0x27: {  	s1 =	sld [smem:$0x3FA2]  }
0x28: {  	s2 =	sld [smem:$0x3FA3]  }
0x29: {  	s4 =	sld [smem:$0x3FA5]  }
0x2a: {  	p0 =	seq.s32 s5, $0x0;
	s5 =	sld [smem:$0x3FA6]  }
0x2b: {  	s6 =	sld [smem:$0x3FA7]  }
0x2c: {  	s7 =	sld [smem:$0x3FA8]  }
0x2d: {  	s3 =	simm.s32 $0x108;
	s8 =	sld [smem:$0x3FA9]  }
0x2e: {  	s3 =	simm.s32 @!p0 $0x1082;
	s9 =	sld [smem:$0x3FAA]  }
0x2f: {  	lr =	sadd.s32 s0, s3;
	s0 =	sld [smem:$0x3FA1]  }
0x30: {  	s3 =	sld [smem:$0x3FA4]  }
0x31: {  	[smem:$0x3FAD] =	sst s10  }
0x32: {  	s10 =	sld [smem:$0x3FAB];
	_ =	sdelay $0x3  }
0x33: {  	p0 =	seq.s32 s10, $0x1;
	s10 =	sld [smem:$0x3FAD];
	_ =	sdelay $0x3  }
0x34: {  	[smem:$0x3FAD] =	sst s10  }
0x35: {  	s10 =	sld [smem:$0x3FAC];
	_ =	sdelay $0x3  }
0x36: {  	p1 =	seq.s32 s10, $0x1;
	s10 =	sld [smem:$0x3FAD];
	_ =	sdelay $0x3  }
0x37: {  	[smem:$0x3FAD] =	sst s10  }
0x38: {  	s10 =	sld [smem:$0x3FAE]  }
0x39: {  	_ = 	snop;
	(pc) =	sbr.ind lr, $3  }
0x3a: {  	_ = 	snop  }
0x3b: {  	_ = 	snop  }
0x3c: {  	p2 =	seq.s32 s10, $0x1;
	s10 =	sld [smem:$0x3FAD]  }
0x3d: {  	_ =	shalt  }
0x3e: {  	_ =	shalt  }
0x3f: {  	_ =	shalt  }
0x40: {  	_ =	shalt  }
0x41: {  	_ =	shalt  }
0x42: {  	_ =	shalt  }
0x43: {  	_ =	shalt  }
0x44: {  	_ =	shalt  }
0x45: {  	_ =	shalt  }
0x46: {  	_ =	shalt  }
0x47: {  	_ =	shalt  }
0x48: {  	_ =	shalt  }
0x49: {  	_ =	shalt  }
0x4a: {  	_ =	shalt  }
0x4b: {  	_ =	shalt  }
0x4c: {  	_ =	shalt  }
0x4d: {  	_ =	shalt  }
0x4e: {  	_ =	shalt  }
0x4f: {  	_ =	shalt  }
0x50: {  	_ =	shalt  }
0x51: {  	_ =	shalt  }
0x52: {  	_ =	shalt  }
0x53: {  	_ =	shalt  }
0x54: {  	_ =	shalt  }
0x55: {  	_ =	shalt  }
0x56: {  	_ =	shalt  }
0x57: {  	_ =	shalt  }
0x58: {  	_ =	shalt  }
0x59: {  	_ =	shalt  }
0x5a: {  	_ =	shalt  }
0x5b: {  	_ =	shalt  }
0x5c: {  	_ =	shalt  }
0x5d: {  	_ =	shalt  }
0x5e: {  	_ =	shalt  }
0x5f: {  	_ =	shalt  }
0x60: {  	_ =	shalt  }
0x61: {  	_ =	shalt  }
0x62: {  	_ =	shalt  }
0x63: {  	_ =	shalt  }
0x64: {  	_ =	shalt  }
0x65: {  	_ =	shalt  }
0x66: {  	_ =	shalt  }
0x67: {  	_ =	shalt  }
0x68: {  	_ =	shalt  }
0x69: {  	_ =	shalt  }
0x6a: {  	_ =	shalt  }
0x6b: {  	_ =	shalt  }
0x6c: {  	_ =	shalt  }
0x6d: {  	_ =	shalt  }
0x6e: {  	_ =	shalt  }
0x6f: {  	_ =	shalt  }
0x70: {  	_ =	shalt  }
0x71: {  	_ =	shalt  }
0x72: {  	_ =	shalt  }
0x73: {  	_ =	shalt  }
0x74: {  	_ =	shalt  }
0x75: {  	_ =	shalt  }
0x76: {  	_ =	shalt  }
0x77: {  	_ =	shalt  }
0x78: {  	_ =	shalt  }
0x79: {  	_ =	shalt  }
0x7a: {  	_ =	shalt  }
0x7b: {  	_ =	shalt  }
0x7c: {  	_ =	shalt  }
0x7d: {  	_ =	shalt  }
0x7e: {  	_ =	shalt  }
0x7f: {  	_ =	shalt  }
0x80: {  	_ =	shalt  }
0x81: {  	_ =	shalt  }
0x82: {  	_ =	shalt  }
0x83: {  	_ =	shalt  }
0x84: {  	_ =	shalt  }
0x85: {  	_ =	shalt  }
0x86: {  	_ =	shalt  }
0x87: {  	_ =	shalt  }
.Lfunc_end0:
.L_simem_size_0:
called_computation.4_lowered:
.L_overlay_start_0:
0x88: {  	s2 =	sld [smem:$0x3FD9]  }
0x89: {  	s3 =	sld [smem:$0x3FFE];
	_ =	sdelay $0x1  }
0x8a: {  	s1 =	srdreg.scid  }
0x8b: {  	s0 =	sand.u32 $0x1, s1  }
0x8c: {  	s16 =	sshll.u32 s0, $0xA;
	s2 =	sadd.s32 s3, s2  }
0x8d: {  	s2 =	sadd.s32 s2, s16  }
0x8e: {  	[smem:$0x3FB9] =	sst s2  }
0x8f: {  	_ = 	snop  }
0x90: {  	(tm) =	ssettm $0x1  }
0x91: {  	s17 =	sld [smem:$0x3FFB];
	_ =	sdelay $0x3  }
0x92: {  	_ =	strace s17  }
0x93: {  	s2 =	sld [smem:$0x3FFC];
	_ =	sdelay $0x3  }
0x94: {  	_ =	strace s2  }
0x95: {  	s2 =	sld [smem:$0x3FFD];
	_ =	sdelay $0x3  }
0x96: {  	_ =	strace s2  }
0x97: {  	_ =	strace $0x8FFFFFFF  }
0x98: {  	s18 =	sld [smem:$0x3FDB];
	_ =	sdelay $0x1  }
0x99: {  	s19 =	simm.s32 $_scs_section_size  }
0x9a: {  	s4 =	simm.s32 $_size__tile_overlayer_lowered;
	s5 =	simm.s32 $_tile_overlayer_lowered  }
0x9b: {  	s22 =	simm.s32 $0x1BFF;
	s21 =	sshll.u32 s5, $0x1;
	s2 =	sadd.s32 s19, s18  }
0x9c: {  	s6 =	simm.s32 $0x0;
	s20 =	sshll.u32 s4, $0x1;
	s4 =	sadd.s32 s21, s2  }
0x9d: {  	[timem:s6], [sflag:s22] =	dma.local [hbm:s4], s20  }
0x9e: {  	_ =	swait.ge [sflag:s22], s20  }
0x9f: {  	s3 =	ssub.s32 $0x0, s20;
	[sflag:s22] =	ssyncset.done $0x0  }
0xa0: {  	[sflag:s22] =	ssyncadd.s32 s3;
	_ =	sdelay $0x1  }
0xa1: {  	s23 =	simm.s32 $0x1B8B  }
0xa2: {  	_ =	swait.ge [sflag:s23], $0x1  }
0xa3: {  	[sflag:s23] =	ssyncset.done $0x0  }
0xa4: {  	s25 =	simm.s32 $0x1B8E;
	s24 =	sld [smem:$0x3FFE];
	[sflag:s23] =	ssyncadd.s32 $0xFFFFFFFF  }
0xa5: {  	s26 =	simm.s32 $execute0_lowered;
	[smem:$0x3FD2] =	sst s25  }
0xa6: {  	s4 =	sshll.u32 s26, $0x1;
	_ =	strace $0x80000052;
	[dreg:$0x1] =	wrdreg $0xFFFFFFFF  }
0xa7: {  	s28 =	simm.s32 $_size_execute0_lowered;
	s2 =	sadd.s32 s2, s4;
	[dreg:$0x0] =	wrdreg $0x0  }
0xa8: {  	s4 =	sshll.u32 s28, $0x1;
	[dreg:$0x2] =	wrdreg s2  }
0xa9: {  	[dreg:$0x3] =	wrdreg s4  }
0xaa: {  	[dreg:$0x4] =	wrdreg $0xC0  }
0xab: {  	_ =	task [dreg:s6], $0x5FFFF  }
0xac: {  	[dreg:$0x1] =	wrdreg $0xFFFFFFFF  }
0xad: {  	[dreg:$0x0] =	wrdreg $0x60  }
0xae: {  	[dreg:$0x2] =	wrdreg s24  }
0xaf: {  	[dreg:$0x3] =	wrdreg $0x60800  }
0xb0: {  	[dreg:$0x4] =	wrdreg $0x9  }
0xb1: {  	_ =	task.clear_ibuf [dreg:s6], $0x5FFFF;
	_ =	strace $0x90000052  }
0xb2: {  	s29 =	simm.s32 $0x9;
	_ =	strace $0x80000054  }
0xb3: {  	_ =	swait.ge [sflag:s29], $0x1  }
0xb4: {  	[sflag:s29] =	ssyncadd.s32 $0xFFFFFFFF  }
0xb5: {  	_ =	strace $0x90000054  }
0xb6: {  	_ =	sfence  }
0xb7: {  	s30 =	sld [smem:$0x0];
	_ =	sdelay $0x2  }
0xb8: {  	s31 =	sshll.u32 s1, $0xD;
	s1 =	sshrl.u32 s1, $0x2  }
0xb9: {  	s3 =	sand.u32 $0x4000, s31;
	s1 =	sadd.s32 s1, s30  }
0xba: {  	s0 =	sor.u32 s3, s0;
	s1 =	sshll.u32 s1, $0x11  }
0xbb: {  	s0 =	sor.u32 s1, s0  }
0xbc: {  	s0 =	sadd.s32 $0x8F2B, s0  }
0xbd: {  	[sflag:s0] =	ssyncadd.remote.s32 $0x1  }
0xbe: {  	_ =	sfence.sel $0xFFFF  }
0xbf: {  	[dreg:$0x0] =	wrdreg $0xFFFFFFFF;
	(pc) =	sbr.abs _section_cstart, $3  }
0xc0: {  	[dreg:$0x1] =	wrdreg $0xFFFFFFFF  }
0xc1: {  	_ =	task.clear_ibuf [dreg:s6], $0x2FFFF;
	_ =	strace $0x9FFFFFFF  }
0xc2: {  	(tm) =	ssettm $0x7FFFFFFF  }
0xc3: {  	_ =	shalt  }
tec
execute0_lowered:
.L_overlay_start_1:
0x0: {  	(tag) =	ssettag $0x1  }
0x1: {  	s0 =	stileid.u32  }
0x2: {  	s6 =	smul.u32 $0x5000, s0  }
0x3: {  	s4 =	rddreg [dreg:$0x0];
	s8 =	smul.u32 $0x50000, s0  }
0x4: {  	s1 =	srdreg.scid;
	s23 =	smul.u32 $0x30000, s0  }
0x5: {  	s2 =	rddreg [dreg:$0x1];
	s3 =	simm.s32 $0x0;
	s16 =	smul.u32 $0x140, s0  }
0x6: {  	s5 =	sand.u32 $0x1, s1;
	[smem:$0x7FF] =	sst s3;
	s10 =	smul.u32 $0x28000, s0  }
0x7: {  	s19 =	sadd.s32 $0x7AE00, s4;
	s7 =	smul.u32 $0x50000, s5;
	_ =	strace $0x80000053  }
0x8: {  	s24 =	ssub.s32 $0x2, s5;
	s17 =	smul.u32 $0x1400, s5;
	s20 =	sadd.s32 s8, s4  }
0x9: {  	s25 =	sshrl.u32 s24, $0x1;
	s10 =	sshrl.u32 s10, $0x2;
	s12 =	sadd.s32 $0x40, s16  }
0xa: {  	s15 =	sadd.s32 $0x80, s16;
	s29 =	sadd.s32 $0xC0, s16;
	s6 =	sadd.s32 s6, s7  }
0xb: {  	s7 =	sshrl.u32 s23, $0x2;
	s21 =	ssub.s32 s24, s25;
	s11 =	sadd.s32 s16, s17  }
0xc: {  	s10 =	sadd.s32 s10, s2;
	s13 =	sshll.u32 s12, $0x7;
	s14 =	sadd.s32 s17, s12  }
0xd: {  	s28 =	sadd.s32 s17, s15;
	s15 =	sshll.u32 s15, $0x7;
	s23 =	sshll.u32 s29, $0x7  }
0xe: {  	s24 =	sadd.s32 $0x100, s16;
	s20 =	sadd.s32 $0xB12A00, s20;
	s25 =	simm.s32 $0x80  }
0xf: {  	s6 =	sshrl.u32 s6, $0x3;
	s11 =	sshll.u32 s11, $0x4;
	s12 =	sadd.s32 s13, s2  }
0x10: {  	s26 =	sshll.u32 s14, $0x4;
	s18 =	sshll.u32 s28, $0x4;
	s14 =	sadd.s32 s15, s2  }
0x11: {  	s16 =	sadd.s32 s23, s2;
	s30 =	sadd.s32 s17, s24;
	s31 =	sshll.u32 s24, $0x7  }
0x12: {  	s21 =	smax.u32 s21, $0x1;
	s24 =	simm.s32 $0x1;
	s22 =	sadd.s32 s6, s4  }
0x13: {  	s4 =	sadd.s32 s7, s2;
	s11 =	sadd.s32 s19, s11;
	s13 =	sadd.s32 s19, s26  }
0x14: {  	s15 =	sadd.s32 s19, s18;
	s18 =	sadd.s32 s17, s29;
	s23 =	sshll.u32 s30, $0x4  }
0x15: {  	s26 =	simm.s32 $0x0;
	s5 =	sadd.s32 $0x2000, s4;
	s6 =	sadd.s32 $0x4000, s4  }
0x16: {  	s7 =	sadd.s32 $0x6000, s4;
	s8 =	sadd.s32 $0x8000, s4;
	s18 =	sshll.u32 s18, $0x4  }
0x17: {  	s9 =	sadd.s32 $0xA000, s4;
	s22 =	sadd.s32 $0x19B8A00, s22;
	s17 =	sadd.s32 s19, s18  }
0x18: {  	v0 =	vimm.f32 $0.0e+00;
	s18 =	sadd.s32 s31, s2;
	s19 =	sadd.s32 s19, s23;
	s23 =	simm.s32 $0x4080  }
.LBB2_1:
0x19: {  	s28 =	simm.s32 $0x0;
	s29 =	simm.s32 $0x200  }
.LBB2_2:
0x1a: {  	p0 =	sne.s32 s29, $0x7E00;
	[tilespmem:s28+$0x40F0] =	vst v0  }
0x1b: {  	[tilespmem:s28+$0x4080] =	vst v0  }
0x1c: {  	[tilespmem:s28+$0x4090] =	vst v0  }
.Ltmp0:
0x1d: {  	[tilespmem:s28+$0x40A0] =	vst v0;
	(pc) =	sbr.rel @p0 .LBB2_2-.Ltmp0, $4  }
0x1e: {  	[tilespmem:s28+$0x40B0] =	vst v0  }
0x1f: {  	[tilespmem:s28+$0x40C0] =	vst v0  }
0x20: {  	[tilespmem:s28+$0x40D0] =	vst v0  }
0x21: {  	[tilespmem:s28+$0x40E0] =	vst v0;
	s28 =	sshra.s32 s29, $0x2;
	s29 =	sadd.s32 $0x200, s29  }
0x22: {  	[tilespmem:s28+$0x40F0] =	vst v0  }
0x23: {  	[tilespmem:s28+$0x4080] =	vst v0  }
0x24: {  	[tilespmem:s28+$0x4090] =	vst v0  }
0x25: {  	[tilespmem:s28+$0x40A0] =	vst v0  }
0x26: {  	[tilespmem:s28+$0x40B0] =	vst v0  }
0x27: {  	[tilespmem:s28+$0x40C0] =	vst v0  }
0x28: {  	[tilespmem:s28+$0x40D0] =	vst v0  }
0x29: {  	[tilespmem:s28+$0x40E0] =	vst v0  }
0x2a: {  	[spmem:s4] =	stream.linear.scatter [tilespmem:s23], [sflag:$0x1], $0x2000, $0x38;
	[tilespmem:$0x12080] =	vst v63  }
0x2b: {  	_ =	swait.ge [sflag:s24], $0x2000  }
0x2c: {  	[sflag:s24] =	ssyncset.done $0x0  }
0x2d: {  	[sflag:s24] =	ssyncadd.s32 $0xFFFFE000  }
0x2e: {  	[spmem:s5] =	stream.linear.scatter [tilespmem:s23], [sflag:$0x1], $0x2000, $0x38;
	[tilespmem:$0x12080] =	vst v63  }
0x2f: {  	_ =	swait.ge [sflag:s24], $0x2000  }
0x30: {  	[sflag:s24] =	ssyncset.done $0x0  }
0x31: {  	[sflag:s24] =	ssyncadd.s32 $0xFFFFE000  }
0x32: {  	[spmem:s6] =	stream.linear.scatter [tilespmem:s23], [sflag:$0x1], $0x2000, $0x38;
	[tilespmem:$0x12080] =	vst v63  }
0x33: {  	_ =	swait.ge [sflag:s24], $0x2000  }
0x34: {  	[sflag:s24] =	ssyncset.done $0x0  }
0x35: {  	[sflag:s24] =	ssyncadd.s32 $0xFFFFE000  }
0x36: {  	[spmem:s7] =	stream.linear.scatter [tilespmem:s23], [sflag:$0x1], $0x2000, $0x38;
	[tilespmem:$0x12080] =	vst v63  }
0x37: {  	_ =	swait.ge [sflag:s24], $0x2000  }
0x38: {  	[sflag:s24] =	ssyncset.done $0x0  }
0x39: {  	[sflag:s24] =	ssyncadd.s32 $0xFFFFE000  }
0x3a: {  	[spmem:s8] =	stream.linear.scatter [tilespmem:s23], [sflag:$0x1], $0x2000, $0x38;
	[tilespmem:$0x12080] =	vst v63  }
0x3b: {  	_ =	swait.ge [sflag:s24], $0x2000  }
0x3c: {  	[sflag:s24] =	ssyncset.done $0x0  }
0x3d: {  	[sflag:s24] =	ssyncadd.s32 $0xFFFFE000  }
0x3e: {  	[spmem:s9] =	stream.linear.scatter [tilespmem:s23], [sflag:$0x1], $0x2000, $0x38;
	[tilespmem:$0x12080] =	vst v63  }
0x3f: {  	_ =	swait.ge [sflag:s24], $0x2000  }
0x40: {  	[sflag:s24] =	ssyncset.done $0x0  }
0x41: {  	[sflag:s24] =	ssyncadd.s32 $0xFFFFE000  }
0x42: {  	s28 =	sadd.s32 $0x0, s22;
	[bflag:$0x0] =	sbarrier.arrive $0xFFFF  }
0x43: {  	[tilespmem:s3], [sflag:$0x1] =	stream.linear.gather [hbm4b:s28+s3], $0x80, $0x38;
	[tilespmem:$0x12080] =	vst v63  }
0x44: {  	_ =	swait.ge [sflag:s24], $0x80  }
0x45: {  	[sflag:s24] =	ssyncset.done $0x0  }
0x46: {  	[sflag:s24] =	ssyncadd.s32 $0xFFFFFF80  }
0x47: {  	[tilespmem:s25], [sflag:$0x1] =	stream.linear.gather [hbm4b:s20+s3], $0x4000, $0x38;
	[tilespmem:$0x12080] =	vst v63  }
0x48: {  	_ =	swait.ge [sflag:s24], $0x4000  }
0x49: {  	[sflag:s24] =	ssyncset.done $0x0  }
0x4a: {  	[sflag:s24] =	ssyncadd.s32 $0xFFFFC000  }
0x4b: {  	[spmem:s2] =	stream.indirect.scatter.add.f32 [tilespmem:s25], [sflag:$0x1], $0x80, s3, s25, $0xb8;
	[tilespmem:$0x12080] =	vst v63  }
0x4c: {  	s29 =	simm.s32 $0x10;
	_ =	swait.ge [sflag:s24], $0x4000  }
0x4d: {  	s30 =	simm.s32 $0x20;
	s28 =	sadd.s32 $0x800, s20;
	[sflag:s24] =	ssyncset.done $0x0  }
.LBB2_4:
0x4e: {  	s31 =	sadd.s32 s29, s22  }
0x4f: {  	[sflag:s24] =	ssyncadd.s32 $0xFFFFC000;
	s29 =	smov.u32 s30;
	s1 =	sadd.s32 $0x10, s30  }
0x50: {  	[tilespmem:s3], [sflag:$0x1] =	stream.linear.gather [hbm4b:s31+s3], $0x80, $0x38;
	[tilespmem:$0x12080] =	vst v63  }
0x51: {  	p0 =	sne.s32 s30, $0x9F0;
	_ =	swait.ge [sflag:s24], $0x80  }
0x52: {  	[sflag:s24] =	ssyncset.done $0x0  }
0x53: {  	[sflag:s24] =	ssyncadd.s32 $0xFFFFFF80  }
0x54: {  	[tilespmem:s25], [sflag:$0x1] =	stream.linear.gather [hbm4b:s28+s3], $0x4000, $0x38;
	[tilespmem:$0x12080] =	vst v63  }
0x55: {  	_ =	swait.ge [sflag:s24], $0x4000  }
.Ltmp1:
0x56: {  	[sflag:s24] =	ssyncset.done $0x0;
	(pc) =	sbr.rel @p0 .LBB2_4-.Ltmp1, $4  }
0x57: {  	[sflag:s24] =	ssyncadd.s32 $0xFFFFC000  }
0x58: {  	[spmem:s2] =	stream.indirect.scatter.add.f32 [tilespmem:s25], [sflag:$0x1], $0x80, s3, s25, $0xb8;
	[tilespmem:$0x12080] =	vst v63  }
0x59: {  	_ =	swait.ge [sflag:s24], $0x4000  }
0x5a: {  	s30 =	smov.u32 s1;
	s28 =	sadd.s32 $0x800, s28;
	[sflag:s24] =	ssyncset.done $0x0  }
0x5b: {  	s1 =	sadd.s32 s29, s22;
	[sflag:s24] =	ssyncadd.s32 $0xFFFFC000  }
0x5c: {  	[tilespmem:s3], [sflag:$0x1] =	stream.linear.gather [hbm4b:s1+s3], $0x80, $0x38;
	[tilespmem:$0x12080] =	vst v63  }
0x5d: {  	_ =	swait.ge [sflag:s24], $0x80  }
0x5e: {  	[sflag:s24] =	ssyncset.done $0x0  }
0x5f: {  	[sflag:s24] =	ssyncadd.s32 $0xFFFFFF80  }
0x60: {  	[tilespmem:s25], [sflag:$0x1] =	stream.linear.gather [hbm4b:s28+s3], $0x4000, $0x38;
	[tilespmem:$0x12080] =	vst v63  }
0x61: {  	_ =	swait.ge [sflag:s24], $0x4000  }
0x62: {  	[sflag:s24] =	ssyncset.done $0x0  }
0x63: {  	[sflag:s24] =	ssyncadd.s32 $0xFFFFC000  }
0x64: {  	[spmem:s2] =	stream.indirect.scatter.add.f32 [tilespmem:s25], [sflag:$0x1], $0x80, s3, s25, $0xb8;
	[tilespmem:$0x12080] =	vst v63  }
0x65: {  	_ =	swait.ge [sflag:s24], $0x4000  }
0x66: {  	[sflag:s24] =	ssyncset.done $0x0  }
0x67: {  	[sflag:s24] =	ssyncadd.s32 $0xFFFFC000  }
0x68: {  	[bflag:$0x0] =	sbarrier.arrive $0xFFFF  }
0x69: {  	[tilespmem:s23], [sflag:$0x1] =	stream.linear.gather [spmem:s10], $0x2000, $0x38;
	[tilespmem:$0x12080] =	vst v63  }
0x6a: {  	_ =	swait.ge [sflag:s24], $0x2000  }
0x6b: {  	[sflag:s24] =	ssyncset.done $0x0  }
0x6c: {  	[sflag:s24] =	ssyncadd.s32 $0xFFFFE000  }
0x6d: {  	[hbm4b:s11+s3] =	stream.linear.scatter [tilespmem:s23], [sflag:$0x1], $0x2000, $0x38;
	[tilespmem:$0x12080] =	vst v63  }
0x6e: {  	_ =	swait.ge [sflag:s24], $0x2000  }
0x6f: {  	[sflag:s24] =	ssyncset.done $0x0  }
0x70: {  	[sflag:s24] =	ssyncadd.s32 $0xFFFFE000  }
0x71: {  	[tilespmem:s23], [sflag:$0x1] =	stream.linear.gather [spmem:s12], $0x2000, $0x38;
	[tilespmem:$0x12080] =	vst v63  }
0x72: {  	_ =	swait.ge [sflag:s24], $0x2000  }
0x73: {  	[sflag:s24] =	ssyncset.done $0x0  }
0x74: {  	[sflag:s24] =	ssyncadd.s32 $0xFFFFE000  }
0x75: {  	[hbm4b:s13+s3] =	stream.linear.scatter [tilespmem:s23], [sflag:$0x1], $0x2000, $0x38;
	[tilespmem:$0x12080] =	vst v63  }
0x76: {  	_ =	swait.ge [sflag:s24], $0x2000  }
0x77: {  	[sflag:s24] =	ssyncset.done $0x0  }
0x78: {  	[sflag:s24] =	ssyncadd.s32 $0xFFFFE000  }
0x79: {  	[tilespmem:s23], [sflag:$0x1] =	stream.linear.gather [spmem:s14], $0x2000, $0x38;
	[tilespmem:$0x12080] =	vst v63  }
0x7a: {  	_ =	swait.ge [sflag:s24], $0x2000  }
0x7b: {  	[sflag:s24] =	ssyncset.done $0x0  }
0x7c: {  	[sflag:s24] =	ssyncadd.s32 $0xFFFFE000  }
0x7d: {  	[hbm4b:s15+s3] =	stream.linear.scatter [tilespmem:s23], [sflag:$0x1], $0x2000, $0x38;
	[tilespmem:$0x12080] =	vst v63  }
0x7e: {  	_ =	swait.ge [sflag:s24], $0x2000  }
0x7f: {  	[sflag:s24] =	ssyncset.done $0x0  }
0x80: {  	[sflag:s24] =	ssyncadd.s32 $0xFFFFE000  }
0x81: {  	[tilespmem:s23], [sflag:$0x1] =	stream.linear.gather [spmem:s16], $0x2000, $0x38;
	[tilespmem:$0x12080] =	vst v63  }
0x82: {  	_ =	swait.ge [sflag:s24], $0x2000  }
0x83: {  	[sflag:s24] =	ssyncset.done $0x0  }
0x84: {  	[sflag:s24] =	ssyncadd.s32 $0xFFFFE000  }
0x85: {  	[hbm4b:s17+s3] =	stream.linear.scatter [tilespmem:s23], [sflag:$0x1], $0x2000, $0x38;
	[tilespmem:$0x12080] =	vst v63  }
0x86: {  	_ =	swait.ge [sflag:s24], $0x2000  }
0x87: {  	[sflag:s24] =	ssyncset.done $0x0  }
0x88: {  	[sflag:s24] =	ssyncadd.s32 $0xFFFFE000  }
0x89: {  	[tilespmem:s23], [sflag:$0x1] =	stream.linear.gather [spmem:s18], $0x2000, $0x38;
	[tilespmem:$0x12080] =	vst v63  }
0x8a: {  	s26 =	sadd.s32 $0x1, s26;
	_ =	swait.ge [sflag:s24], $0x2000  }
0x8b: {  	p0 =	sne.s32 s26, s21;
	[sflag:s24] =	ssyncset.done $0x0  }
.Ltmp2:
0x8c: {  	[sflag:s24] =	ssyncadd.s32 $0xFFFFE000;
	(pc) =	sbr.rel @p0 .LBB2_1-.Ltmp2, $4  }
0x8d: {  	[hbm4b:s19+s3] =	stream.linear.scatter [tilespmem:s23], [sflag:$0x1], $0x2000, $0x38;
	[tilespmem:$0x12080] =	vst v63  }
0x8e: {  	_ =	swait.ge [sflag:s24], $0x2000  }
0x8f: {  	[sflag:s24] =	ssyncset.done $0x0  }
0x90: {  	[sflag:s24] =	ssyncadd.s32 $0xFFFFE000  }
0x91: {  	_ =	sfence.sel $0x180000  }
0x92: {  	[bflag:$0x0] =	sbarrier.arrive $0xFFFF  }
0x93: {  	_ =	strace $0x90000053  }
0x94: {  	[bflag:$0x2] =	sbarrier.arrive $0xFFFF  }
0x95: {  	p0 =	sne.s32 s0, $0x0;
	s0 =	rddreg [dreg:$0x2]  }
0x96: {  	s0 =	sadd.s32 @!p0 $0x100000, s0  }
0x97: {  	[sflag:s0] =	ssyncadd.tile.s32 @!p0 $0x1;
	_ =	shalt  }
.Lfunc_end2:
_tile_overlayer_lowered:
.L_overlay_start_2:
0x98: {  	(tag) =	ssettag $0x2  }
0x99: {  	s0 =	rddreg [dreg:$0x0];
	s2 =	stileid.u32  }
0x9a: {  	s1 =	rddreg [dreg:$0x1];
	p0 =	sne.s32 s2, $0x0  }
0x9b: {  	s3 =	rddreg [dreg:$0x2];
	[bflag:$0x3] =	sbarrier.arrive $0xFFFF;
	s2 =	simm.s32 @!p0 $0x1C01  }
0x9c: {  	[timem:s3], [sflag:s2] =	dma.local @!p0 [hbm:s0], s1  }
0x9d: {  	s0 =	simm.s32 @!p0 $0x1  }
0x9e: {  	_ =	swait.ge @!p0 [sflag:s0], s1  }
0x9f: {  	s1 =	ssub.s32 @!p0 $0x0, s1;
	[sflag:s0] =	ssyncset.done @!p0 $0x0  }
0xa0: {  	[sflag:s0] =	ssyncadd.s32 @!p0 s1  }
0xa1: {  	[bflag:$0x3] =	sbarrier.arrive $0xFFFF  }
0xa2: {  	_ =	shalt  }

// kernel: kernel.23.cloned.1.call-start
scs
__scs_entry_jumppad:
0x0: {  	(pc) =	sbr.rel $0x88, $3  }
0x1: {  	(tag) =	ssettag $0x0;
	lr =	simm.s32 $0x1  }
0x2: {  	[smem:$0x3F92] =	sst lr;
	_ =	strace $0xD0000000  }
0x3: {  	_ = 	snop  }
0x4: {  	_ = 	snop  }
0x5: {  	_ = 	snop  }
0x6: {  	_ = 	snop  }
0x7: {  	_ = 	snop  }
__scs_overlays_trampoline_lowered:
0x8: {  	[smem:$0x3FA1] =	sst s0  }
0x9: {  	[smem:$0x3FA2] =	sst s1  }
0xa: {  	[smem:$0x3FA3] =	sst s2  }
0xb: {  	[smem:$0x3FA4] =	sst s3  }
0xc: {  	[smem:$0x3FA5] =	sst s4  }
0xd: {  	[smem:$0x3FA6] =	sst s5  }
0xe: {  	[smem:$0x3FA7] =	sst s6  }
0xf: {  	[smem:$0x3FA8] =	sst s7  }
0x10: {  	[smem:$0x3FA9] =	sst s8  }
0x11: {  	[smem:$0x3FAA] =	sst s9;
	s0 =	simm.s32 @!p0 $0x0  }
0x12: {  	s1 =	sld [smem:$0x3F90];
	s0 =	simm.s32 @p0 $0x1  }
0x13: {  	[smem:$0x3FAB] =	sst s0;
	s0 =	simm.s32 @!p1 $0x0  }
0x14: {  	s2 =	sld [smem:$0x3F8F];
	s0 =	simm.s32 @p1 $0x1  }
0x15: {  	[smem:$0x3FAC] =	sst s0;
	s0 =	simm.s32 @!p2 $0x0  }
0x16: {  	s3 =	sld [smem:$0x3FDB];
	s0 =	simm.s32 @p2 $0x1  }
0x17: {  	s4 =	simm.s32 $0x1BF5;
	[smem:$0x3FAE] =	sst s0  }
0x18: {  	s0 =	sld [smem:$0x3F91];
	_ =	swait.ge [sflag:s4], $0x0  }
0x19: {  	s7 =	sld [smem:$0x3F92]  }
0x1a: {  	s8 =	sadd.s32 $0xFFFFE003, lr  }
0x1b: {  	s9 =	sadd.s32 $0xFFFFFEF7, lr;
	s5 =	simm.s32 $0xFFFFFFFF;
	p2 =	slt.u32 s8, $0xFFFFF086  }
0x1c: {  	p1 =	slt.u32 s9, $0xF7A;
	s5 =	simm.s32 @!p2 $0x0  }
0x1d: {  	s5 =	simm.s32 @p1 $0x1;
	p0 =	seq.s32 s7, s2  }
0x1e: {  	s7 =	smul.u32 @!p0 $0xF7A, s2;
	p2 =	seq.s32 @!p0 s5, $0x0  }
0x1f: {  	s9 =	smul.u32 $0xF7A, s1;
	s8 =	simm.s32 @!p0 $0x1BF5;
	p2 =	por !p2, p0  }
0x20: {  	[sflag:s8] =	ssyncset.s32 @!p0 $0xFFFFF086;
	s6 =	sadd.s32 @!p0 s3, s7;
	s7 =	simm.s32 @!p0 $0x108  }
0x21: {  	s3 =	sadd.s32 s3, s9;
	s6 =	sadd.s32 @!p0 $0x88, s6;
	s7 =	simm.s32 @p2 $0x1082  }
0x22: {  	[simem:s7], [sflag:s8] =	dma.local @!p0 [hbm:s6], $0xF7A  }
0x23: {  	s9 =	sor.u32 $0xD0000000, s2;
	s6 =	simm.s32 $0x108;
	_ =	swait.ge @!p0 [sflag:s8], $0x0  }
0x24: {  	s3 =	sadd.s32 $0x88, s3;
	s6 =	simm.s32 @!p1 $0x1082;
	[sflag:s4] =	ssyncset.s32 $0xFFFFF086  }
0x25: {  	[simem:s6], [sflag:s4] =	dma.local [hbm:s3], $0xF7A  }
0x26: {  	[smem:$0x3F92] =	sst s1;
	(tag) =	ssettag s2;
	_ =	strace s9  }
0x27: {  	s1 =	sld [smem:$0x3FA2]  }
0x28: {  	s2 =	sld [smem:$0x3FA3]  }
0x29: {  	s4 =	sld [smem:$0x3FA5]  }
0x2a: {  	p0 =	seq.s32 s5, $0x0;
	s5 =	sld [smem:$0x3FA6]  }
0x2b: {  	s6 =	sld [smem:$0x3FA7]  }
0x2c: {  	s7 =	sld [smem:$0x3FA8]  }
0x2d: {  	s3 =	simm.s32 $0x108;
	s8 =	sld [smem:$0x3FA9]  }
0x2e: {  	s3 =	simm.s32 @!p0 $0x1082;
	s9 =	sld [smem:$0x3FAA]  }
0x2f: {  	lr =	sadd.s32 s0, s3;
	s0 =	sld [smem:$0x3FA1]  }
0x30: {  	s3 =	sld [smem:$0x3FA4]  }
0x31: {  	[smem:$0x3FAD] =	sst s10  }
0x32: {  	s10 =	sld [smem:$0x3FAB];
	_ =	sdelay $0x3  }
0x33: {  	p0 =	seq.s32 s10, $0x1;
	s10 =	sld [smem:$0x3FAD];
	_ =	sdelay $0x3  }
0x34: {  	[smem:$0x3FAD] =	sst s10  }
0x35: {  	s10 =	sld [smem:$0x3FAC];
	_ =	sdelay $0x3  }
0x36: {  	p1 =	seq.s32 s10, $0x1;
	s10 =	sld [smem:$0x3FAD];
	_ =	sdelay $0x3  }
0x37: {  	[smem:$0x3FAD] =	sst s10  }
0x38: {  	s10 =	sld [smem:$0x3FAE]  }
0x39: {  	_ = 	snop;
	(pc) =	sbr.ind lr, $3  }
0x3a: {  	_ = 	snop  }
0x3b: {  	_ = 	snop  }
0x3c: {  	p2 =	seq.s32 s10, $0x1;
	s10 =	sld [smem:$0x3FAD]  }
0x3d: {  	_ =	shalt  }
0x3e: {  	_ =	shalt  }
0x3f: {  	_ =	shalt  }
0x40: {  	_ =	shalt  }
0x41: {  	_ =	shalt  }
0x42: {  	_ =	shalt  }
0x43: {  	_ =	shalt  }
0x44: {  	_ =	shalt  }
0x45: {  	_ =	shalt  }
0x46: {  	_ =	shalt  }
0x47: {  	_ =	shalt  }
0x48: {  	_ =	shalt  }
0x49: {  	_ =	shalt  }
0x4a: {  	_ =	shalt  }
0x4b: {  	_ =	shalt  }
0x4c: {  	_ =	shalt  }
0x4d: {  	_ =	shalt  }
0x4e: {  	_ =	shalt  }
0x4f: {  	_ =	shalt  }
0x50: {  	_ =	shalt  }
0x51: {  	_ =	shalt  }
0x52: {  	_ =	shalt  }
0x53: {  	_ =	shalt  }
0x54: {  	_ =	shalt  }
0x55: {  	_ =	shalt  }
0x56: {  	_ =	shalt  }
0x57: {  	_ =	shalt  }
0x58: {  	_ =	shalt  }
0x59: {  	_ =	shalt  }
0x5a: {  	_ =	shalt  }
0x5b: {  	_ =	shalt  }
0x5c: {  	_ =	shalt  }
0x5d: {  	_ =	shalt  }
0x5e: {  	_ =	shalt  }
0x5f: {  	_ =	shalt  }
0x60: {  	_ =	shalt  }
0x61: {  	_ =	shalt  }
0x62: {  	_ =	shalt  }
0x63: {  	_ =	shalt  }
0x64: {  	_ =	shalt  }
0x65: {  	_ =	shalt  }
0x66: {  	_ =	shalt  }
0x67: {  	_ =	shalt  }
0x68: {  	_ =	shalt  }
0x69: {  	_ =	shalt  }
0x6a: {  	_ =	shalt  }
0x6b: {  	_ =	shalt  }
0x6c: {  	_ =	shalt  }
0x6d: {  	_ =	shalt  }
0x6e: {  	_ =	shalt  }
0x6f: {  	_ =	shalt  }
0x70: {  	_ =	shalt  }
0x71: {  	_ =	shalt  }
0x72: {  	_ =	shalt  }
0x73: {  	_ =	shalt  }
0x74: {  	_ =	shalt  }
0x75: {  	_ =	shalt  }
0x76: {  	_ =	shalt  }
0x77: {  	_ =	shalt  }
0x78: {  	_ =	shalt  }
0x79: {  	_ =	shalt  }
0x7a: {  	_ =	shalt  }
0x7b: {  	_ =	shalt  }
0x7c: {  	_ =	shalt  }
0x7d: {  	_ =	shalt  }
0x7e: {  	_ =	shalt  }
0x7f: {  	_ =	shalt  }
0x80: {  	_ =	shalt  }
0x81: {  	_ =	shalt  }
0x82: {  	_ =	shalt  }
0x83: {  	_ =	shalt  }
0x84: {  	_ =	shalt  }
0x85: {  	_ =	shalt  }
0x86: {  	_ =	shalt  }
0x87: {  	_ =	shalt  }
.Lfunc_end0:
.L_simem_size_0:
called_computation.5_lowered:
.L_overlay_start_0:
0x88: {  	s2 =	sld [smem:$0x3FD9]  }
0x89: {  	s3 =	sld [smem:$0x3FFE];
	_ =	sdelay $0x1  }
0x8a: {  	s1 =	srdreg.scid  }
0x8b: {  	s0 =	sand.u32 $0x1, s1  }
0x8c: {  	s16 =	sshll.u32 s0, $0xA;
	s2 =	sadd.s32 s3, s2  }
0x8d: {  	s2 =	sadd.s32 s2, s16  }
0x8e: {  	[smem:$0x3FB9] =	sst s2  }
0x8f: {  	_ = 	snop  }
0x90: {  	(tm) =	ssettm $0x1  }
0x91: {  	s17 =	sld [smem:$0x3FFB];
	_ =	sdelay $0x3  }
0x92: {  	_ =	strace s17  }
0x93: {  	s2 =	sld [smem:$0x3FFC];
	_ =	sdelay $0x3  }
0x94: {  	_ =	strace s2  }
0x95: {  	s2 =	sld [smem:$0x3FFD];
	_ =	sdelay $0x3  }
0x96: {  	_ =	strace s2  }
0x97: {  	_ =	strace $0x8FFFFFFF  }
0x98: {  	s18 =	sld [smem:$0x3FDB];
	_ =	sdelay $0x1  }
0x99: {  	s19 =	simm.s32 $_scs_section_size  }
0x9a: {  	s4 =	simm.s32 $_size__tile_overlayer_lowered;
	s5 =	simm.s32 $_tile_overlayer_lowered  }
0x9b: {  	s22 =	simm.s32 $0x1BFF;
	s21 =	sshll.u32 s5, $0x1;
	s2 =	sadd.s32 s19, s18  }
0x9c: {  	s6 =	simm.s32 $0x0;
	s20 =	sshll.u32 s4, $0x1;
	s4 =	sadd.s32 s21, s2  }
0x9d: {  	[timem:s6], [sflag:s22] =	dma.local [hbm:s4], s20  }
0x9e: {  	_ =	swait.ge [sflag:s22], s20  }
0x9f: {  	s3 =	ssub.s32 $0x0, s20;
	[sflag:s22] =	ssyncset.done $0x0  }
0xa0: {  	[sflag:s22] =	ssyncadd.s32 s3;
	_ =	sdelay $0x1  }
0xa1: {  	s23 =	simm.s32 $0x1B8B  }
0xa2: {  	_ =	swait.ge [sflag:s23], $0x1  }
0xa3: {  	[sflag:s23] =	ssyncset.done $0x0  }
0xa4: {  	s25 =	simm.s32 $0x1B8E;
	s24 =	sld [smem:$0x3FFE];
	[sflag:s23] =	ssyncadd.s32 $0xFFFFFFFF  }
0xa5: {  	s26 =	simm.s32 $execute0_lowered;
	[smem:$0x3FD2] =	sst s25  }
0xa6: {  	s4 =	sshll.u32 s26, $0x1;
	_ =	strace $0x80000055;
	[dreg:$0x1] =	wrdreg $0xFFFFFFFF  }
0xa7: {  	s28 =	simm.s32 $_size_execute0_lowered;
	s2 =	sadd.s32 s2, s4;
	[dreg:$0x0] =	wrdreg $0x0  }
0xa8: {  	s4 =	sshll.u32 s28, $0x1;
	[dreg:$0x2] =	wrdreg s2  }
0xa9: {  	[dreg:$0x3] =	wrdreg s4  }
0xaa: {  	[dreg:$0x4] =	wrdreg $0xC0  }
0xab: {  	_ =	task [dreg:s6], $0x5FFFF  }
0xac: {  	[dreg:$0x1] =	wrdreg $0xFFFFFFFF  }
0xad: {  	[dreg:$0x0] =	wrdreg $0x60  }
0xae: {  	[dreg:$0x2] =	wrdreg s24  }
0xaf: {  	[dreg:$0x3] =	wrdreg $0x9  }
0xb0: {  	_ =	task.clear_ibuf [dreg:s6], $0x4FFFF;
	_ =	strace $0x90000055  }
0xb1: {  	s29 =	simm.s32 $0x9;
	_ =	strace $0x80000057  }
0xb2: {  	_ =	swait.ge [sflag:s29], $0x1  }
0xb3: {  	[sflag:s29] =	ssyncadd.s32 $0xFFFFFFFF  }
0xb4: {  	_ =	strace $0x90000057  }
0xb5: {  	_ =	sfence  }
0xb6: {  	s30 =	sld [smem:$0x0];
	_ =	sdelay $0x2  }
0xb7: {  	s31 =	sshll.u32 s1, $0xD;
	s1 =	sshrl.u32 s1, $0x2  }
0xb8: {  	s3 =	sand.u32 $0x4000, s31;
	s1 =	sadd.s32 s1, s30  }
0xb9: {  	s0 =	sor.u32 s3, s0;
	s1 =	sshll.u32 s1, $0x11  }
0xba: {  	s0 =	sor.u32 s1, s0  }
0xbb: {  	s0 =	sadd.s32 $0x8F2B, s0  }
0xbc: {  	[sflag:s0] =	ssyncadd.remote.s32 $0x1  }
0xbd: {  	_ =	sfence.sel $0xFFFF  }
0xbe: {  	[dreg:$0x0] =	wrdreg $0xFFFFFFFF;
	(pc) =	sbr.abs _section_cstart, $3  }
0xbf: {  	[dreg:$0x1] =	wrdreg $0xFFFFFFFF  }
0xc0: {  	_ =	task.clear_ibuf [dreg:s6], $0x2FFFF;
	_ =	strace $0x9FFFFFFF  }
0xc1: {  	(tm) =	ssettm $0x7FFFFFFF  }
tec
execute0_lowered:
.L_overlay_start_1:
0x0: {  	(tag) =	ssettag $0x1  }
0x1: {  	s4 =	rddreg [dreg:$0x0];
	s1 =	srdreg.scid  }
0x2: {  	s0 =	rddreg [dreg:$0x1];
	s5 =	sand.u32 $0x1, s1  }
0x3: {  	s2 =	simm.s32 $0x0;
	s1 =	stileid.u32;
	s6 =	smul.u32 $0x28000, s5  }
0x4: {  	s10 =	simm.s32 $0x0;
	[smem:$0x7FF] =	sst s2;
	s7 =	smul.u32 $0x2800, s1  }
0x5: {  	s3 =	sadd.s32 $0x2E00, s4;
	s8 =	smul.u32 $0x280000, s5;
	s5 =	ssub.s32 $0x2, s5  }
0x6: {  	_ =	strace $0x80000056;
	s9 =	smul.u32 $0x28000, s1;
	s30 =	sshrl.u32 s5, $0x1  }
0x7: {  	s6 =	sadd.s32 s7, s6;
	s8 =	sadd.s32 s8, s4;
	s5 =	ssub.s32 s5, s30  }
0x8: {  	s7 =	simm.s32 $0x2;
	s6 =	sshrl.u32 s6, $0x3;
	s31 =	sadd.s32 s9, s8  }
0x9: {  	s8 =	simm.s32 $0x80;
	s9 =	simm.s32 $0x1;
	s6 =	sadd.s32 s6, s4  }
0xa: {  	s4 =	smax.u32 s5, $0x1;
	s5 =	sadd.s32 $0x112A00, s31;
	s6 =	sadd.s32 $0x108A00, s6  }
.LBB2_1:
0xb: {  	s11 =	sadd.s32 $0x0, s6  }
0xc: {  	[tilespmem:s2], [sflag:$0x2] =	stream.linear.gather [hbm4b:s11+s2], $0x80, $0x38;
	[tilespmem:$0x4080] =	vst v63  }
0xd: {  	_ =	swait.ge [sflag:s7], $0x80  }
0xe: {  	[sflag:s7] =	ssyncset.done $0x0  }
0xf: {  	[sflag:s7] =	ssyncadd.s32 $0xFFFFFF80  }
0x10: {  	[tilespmem:s8], [sflag:$0x1] =	stream.indirect.gather [hbm4b:s3+s8], $0x80, s2, s8, $0xb8;
	[tilespmem:$0x4080] =	vst v63  }
0x11: {  	_ =	swait.ge [sflag:s9], $0x4000  }
0x12: {  	[sflag:s9] =	ssyncset.done $0x0  }
0x13: {  	[sflag:s9] =	ssyncadd.s32 $0xFFFFC000  }
0x14: {  	[hbm4b:s5+s2] =	stream.linear.scatter [tilespmem:s8], [sflag:$0x2], $0x4000, $0x38;
	[tilespmem:$0x4080] =	vst v63  }
0x15: {  	s12 =	simm.s32 $0x10;
	_ =	swait.ge [sflag:s7], $0x4000  }
0x16: {  	s13 =	simm.s32 $0x20;
	s11 =	sadd.s32 $0x800, s5;
	[sflag:s7] =	ssyncset.done $0x0  }
.LBB2_2:
0x17: {  	s14 =	sadd.s32 s12, s6  }
0x18: {  	[sflag:s7] =	ssyncadd.s32 $0xFFFFC000;
	s12 =	smov.u32 s13;
	s15 =	sadd.s32 $0x10, s13  }
0x19: {  	[tilespmem:s2], [sflag:$0x2] =	stream.linear.gather [hbm4b:s14+s2], $0x80, $0x38;
	[tilespmem:$0x4080] =	vst v63  }
0x1a: {  	p0 =	sne.s32 s13, $0x4F0;
	_ =	swait.ge [sflag:s7], $0x80  }
0x1b: {  	[sflag:s7] =	ssyncset.done $0x0  }
0x1c: {  	[sflag:s7] =	ssyncadd.s32 $0xFFFFFF80  }
0x1d: {  	[tilespmem:s8], [sflag:$0x1] =	stream.indirect.gather [hbm4b:s3+s8], $0x80, s2, s8, $0xb8;
	[tilespmem:$0x4080] =	vst v63  }
0x1e: {  	_ =	swait.ge [sflag:s9], $0x4000  }
.Ltmp0:
0x1f: {  	[sflag:s9] =	ssyncset.done $0x0;
	(pc) =	sbr.rel @p0 .LBB2_2-.Ltmp0, $4  }
0x20: {  	[sflag:s9] =	ssyncadd.s32 $0xFFFFC000  }
0x21: {  	[hbm4b:s11+s2] =	stream.linear.scatter [tilespmem:s8], [sflag:$0x2], $0x4000, $0x38;
	[tilespmem:$0x4080] =	vst v63  }
0x22: {  	_ =	swait.ge [sflag:s7], $0x4000  }
0x23: {  	s13 =	smov.u32 s15;
	s11 =	sadd.s32 $0x800, s11;
	[sflag:s7] =	ssyncset.done $0x0  }
0x24: {  	s12 =	sadd.s32 s12, s6;
	[sflag:s7] =	ssyncadd.s32 $0xFFFFC000  }
0x25: {  	[tilespmem:s2], [sflag:$0x2] =	stream.linear.gather [hbm4b:s12+s2], $0x80, $0x38;
	[tilespmem:$0x4080] =	vst v63  }
0x26: {  	_ =	swait.ge [sflag:s7], $0x80  }
0x27: {  	[sflag:s7] =	ssyncset.done $0x0  }
0x28: {  	[sflag:s7] =	ssyncadd.s32 $0xFFFFFF80  }
0x29: {  	[tilespmem:s8], [sflag:$0x1] =	stream.indirect.gather [hbm4b:s3+s8], $0x80, s2, s8, $0xb8;
	[tilespmem:$0x4080] =	vst v63  }
0x2a: {  	s10 =	sadd.s32 $0x1, s10;
	_ =	swait.ge [sflag:s9], $0x4000  }
0x2b: {  	p0 =	sne.s32 s10, s4;
	[sflag:s9] =	ssyncset.done $0x0  }
.Ltmp1:
0x2c: {  	[sflag:s9] =	ssyncadd.s32 $0xFFFFC000;
	(pc) =	sbr.rel @p0 .LBB2_1-.Ltmp1, $4  }
0x2d: {  	[hbm4b:s11+s2] =	stream.linear.scatter [tilespmem:s8], [sflag:$0x2], $0x4000, $0x38;
	[tilespmem:$0x4080] =	vst v63  }
0x2e: {  	_ =	swait.ge [sflag:s7], $0x4000  }
0x2f: {  	[sflag:s7] =	ssyncset.done $0x0  }
0x30: {  	[sflag:s7] =	ssyncadd.s32 $0xFFFFC000  }
0x31: {  	_ =	sfence.sel $0x180000  }
0x32: {  	[bflag:$0x0] =	sbarrier.arrive $0xFFFF  }
0x33: {  	p0 =	sne.s32 s1, $0x0;
	_ =	strace $0x90000056  }
0x34: {  	s0 =	sadd.s32 @!p0 $0x100000, s0;
	[bflag:$0x2] =	sbarrier.arrive $0xFFFF  }
0x35: {  	[sflag:s0] =	ssyncadd.tile.s32 @!p0 $0x1;
	_ =	shalt  }
.Lfunc_end2:
_tile_overlayer_lowered:
.L_overlay_start_2:
0x36: {  	(tag) =	ssettag $0x2  }
0x37: {  	s0 =	rddreg [dreg:$0x0];
	s2 =	stileid.u32  }
0x38: {  	s1 =	rddreg [dreg:$0x1];
	p0 =	sne.s32 s2, $0x0  }
0x39: {  	s3 =	rddreg [dreg:$0x2];
	[bflag:$0x3] =	sbarrier.arrive $0xFFFF;
	s2 =	simm.s32 @!p0 $0x1C02  }
0x3a: {  	[timem:s3], [sflag:s2] =	dma.local @!p0 [hbm:s0], s1  }
0x3b: {  	s0 =	simm.s32 @!p0 $0x2  }
0x3c: {  	_ =	swait.ge @!p0 [sflag:s0], s1  }
0x3d: {  	s1 =	ssub.s32 @!p0 $0x0, s1;
	[sflag:s0] =	ssyncset.done @!p0 $0x0  }
0x3e: {  	[sflag:s0] =	ssyncadd.s32 @!p0 s1  }
0x3f: {  	[bflag:$0x3] =	sbarrier.arrive $0xFFFF  }
0x40: {  	_ =	shalt  }

// kernel: kernel.26.cloned.1.call-start
scs
__scs_entry_jumppad:
0x0: {  	(pc) =	sbr.rel $0x88, $3  }
0x1: {  	(tag) =	ssettag $0x0;
	lr =	simm.s32 $0x1  }
0x2: {  	[smem:$0x3F92] =	sst lr;
	_ =	strace $0xD0000000  }
0x3: {  	_ = 	snop  }
0x4: {  	_ = 	snop  }
0x5: {  	_ = 	snop  }
0x6: {  	_ = 	snop  }
0x7: {  	_ = 	snop  }
__scs_overlays_trampoline_lowered:
0x8: {  	[smem:$0x3FA1] =	sst s0  }
0x9: {  	[smem:$0x3FA2] =	sst s1  }
0xa: {  	[smem:$0x3FA3] =	sst s2  }
0xb: {  	[smem:$0x3FA4] =	sst s3  }
0xc: {  	[smem:$0x3FA5] =	sst s4  }
0xd: {  	[smem:$0x3FA6] =	sst s5  }
0xe: {  	[smem:$0x3FA7] =	sst s6  }
0xf: {  	[smem:$0x3FA8] =	sst s7  }
0x10: {  	[smem:$0x3FA9] =	sst s8  }
0x11: {  	[smem:$0x3FAA] =	sst s9;
	s0 =	simm.s32 @!p0 $0x0  }
0x12: {  	s1 =	sld [smem:$0x3F90];
	s0 =	simm.s32 @p0 $0x1  }
0x13: {  	[smem:$0x3FAB] =	sst s0;
	s0 =	simm.s32 @!p1 $0x0  }
0x14: {  	s2 =	sld [smem:$0x3F8F];
	s0 =	simm.s32 @p1 $0x1  }
0x15: {  	[smem:$0x3FAC] =	sst s0;
	s0 =	simm.s32 @!p2 $0x0  }
0x16: {  	s3 =	sld [smem:$0x3FDB];
	s0 =	simm.s32 @p2 $0x1  }
0x17: {  	s4 =	simm.s32 $0x1BF5;
	[smem:$0x3FAE] =	sst s0  }
0x18: {  	s0 =	sld [smem:$0x3F91];
	_ =	swait.ge [sflag:s4], $0x0  }
0x19: {  	s7 =	sld [smem:$0x3F92]  }
0x1a: {  	s8 =	sadd.s32 $0xFFFFE003, lr  }
0x1b: {  	s9 =	sadd.s32 $0xFFFFFEF7, lr;
	s5 =	simm.s32 $0xFFFFFFFF;
	p2 =	slt.u32 s8, $0xFFFFF086  }
0x1c: {  	p1 =	slt.u32 s9, $0xF7A;
	s5 =	simm.s32 @!p2 $0x0  }
0x1d: {  	s5 =	simm.s32 @p1 $0x1;
	p0 =	seq.s32 s7, s2  }
0x1e: {  	s7 =	smul.u32 @!p0 $0xF7A, s2;
	p2 =	seq.s32 @!p0 s5, $0x0  }
0x1f: {  	s9 =	smul.u32 $0xF7A, s1;
	s8 =	simm.s32 @!p0 $0x1BF5;
	p2 =	por !p2, p0  }
0x20: {  	[sflag:s8] =	ssyncset.s32 @!p0 $0xFFFFF086;
	s6 =	sadd.s32 @!p0 s3, s7;
	s7 =	simm.s32 @!p0 $0x108  }
0x21: {  	s3 =	sadd.s32 s3, s9;
	s6 =	sadd.s32 @!p0 $0x88, s6;
	s7 =	simm.s32 @p2 $0x1082  }
0x22: {  	[simem:s7], [sflag:s8] =	dma.local @!p0 [hbm:s6], $0xF7A  }
0x23: {  	s9 =	sor.u32 $0xD0000000, s2;
	s6 =	simm.s32 $0x108;
	_ =	swait.ge @!p0 [sflag:s8], $0x0  }
0x24: {  	s3 =	sadd.s32 $0x88, s3;
	s6 =	simm.s32 @!p1 $0x1082;
	[sflag:s4] =	ssyncset.s32 $0xFFFFF086  }
0x25: {  	[simem:s6], [sflag:s4] =	dma.local [hbm:s3], $0xF7A  }
0x26: {  	[smem:$0x3F92] =	sst s1;
	(tag) =	ssettag s2;
	_ =	strace s9  }
0x27: {  	s1 =	sld [smem:$0x3FA2]  }
0x28: {  	s2 =	sld [smem:$0x3FA3]  }
0x29: {  	s4 =	sld [smem:$0x3FA5]  }
0x2a: {  	p0 =	seq.s32 s5, $0x0;
	s5 =	sld [smem:$0x3FA6]  }
0x2b: {  	s6 =	sld [smem:$0x3FA7]  }
0x2c: {  	s7 =	sld [smem:$0x3FA8]  }
0x2d: {  	s3 =	simm.s32 $0x108;
	s8 =	sld [smem:$0x3FA9]  }
0x2e: {  	s3 =	simm.s32 @!p0 $0x1082;
	s9 =	sld [smem:$0x3FAA]  }
0x2f: {  	lr =	sadd.s32 s0, s3;
	s0 =	sld [smem:$0x3FA1]  }
0x30: {  	s3 =	sld [smem:$0x3FA4]  }
0x31: {  	[smem:$0x3FAD] =	sst s10  }
0x32: {  	s10 =	sld [smem:$0x3FAB];
	_ =	sdelay $0x3  }
0x33: {  	p0 =	seq.s32 s10, $0x1;
	s10 =	sld [smem:$0x3FAD];
	_ =	sdelay $0x3  }
0x34: {  	[smem:$0x3FAD] =	sst s10  }
0x35: {  	s10 =	sld [smem:$0x3FAC];
	_ =	sdelay $0x3  }
0x36: {  	p1 =	seq.s32 s10, $0x1;
	s10 =	sld [smem:$0x3FAD];
	_ =	sdelay $0x3  }
0x37: {  	[smem:$0x3FAD] =	sst s10  }
0x38: {  	s10 =	sld [smem:$0x3FAE]  }
0x39: {  	_ = 	snop;
	(pc) =	sbr.ind lr, $3  }
0x3a: {  	_ = 	snop  }
0x3b: {  	_ = 	snop  }
0x3c: {  	p2 =	seq.s32 s10, $0x1;
	s10 =	sld [smem:$0x3FAD]  }
0x3d: {  	_ =	shalt  }
0x3e: {  	_ =	shalt  }
0x3f: {  	_ =	shalt  }
0x40: {  	_ =	shalt  }
0x41: {  	_ =	shalt  }
0x42: {  	_ =	shalt  }
0x43: {  	_ =	shalt  }
0x44: {  	_ =	shalt  }
0x45: {  	_ =	shalt  }
0x46: {  	_ =	shalt  }
0x47: {  	_ =	shalt  }
0x48: {  	_ =	shalt  }
0x49: {  	_ =	shalt  }
0x4a: {  	_ =	shalt  }
0x4b: {  	_ =	shalt  }
0x4c: {  	_ =	shalt  }
0x4d: {  	_ =	shalt  }
0x4e: {  	_ =	shalt  }
0x4f: {  	_ =	shalt  }
0x50: {  	_ =	shalt  }
0x51: {  	_ =	shalt  }
0x52: {  	_ =	shalt  }
0x53: {  	_ =	shalt  }
0x54: {  	_ =	shalt  }
0x55: {  	_ =	shalt  }
0x56: {  	_ =	shalt  }
0x57: {  	_ =	shalt  }
0x58: {  	_ =	shalt  }
0x59: {  	_ =	shalt  }
0x5a: {  	_ =	shalt  }
0x5b: {  	_ =	shalt  }
0x5c: {  	_ =	shalt  }
0x5d: {  	_ =	shalt  }
0x5e: {  	_ =	shalt  }
0x5f: {  	_ =	shalt  }
0x60: {  	_ =	shalt  }
0x61: {  	_ =	shalt  }
0x62: {  	_ =	shalt  }
0x63: {  	_ =	shalt  }
0x64: {  	_ =	shalt  }
0x65: {  	_ =	shalt  }
0x66: {  	_ =	shalt  }
0x67: {  	_ =	shalt  }
0x68: {  	_ =	shalt  }
0x69: {  	_ =	shalt  }
0x6a: {  	_ =	shalt  }
0x6b: {  	_ =	shalt  }
0x6c: {  	_ =	shalt  }
0x6d: {  	_ =	shalt  }
0x6e: {  	_ =	shalt  }
0x6f: {  	_ =	shalt  }
0x70: {  	_ =	shalt  }
0x71: {  	_ =	shalt  }
0x72: {  	_ =	shalt  }
0x73: {  	_ =	shalt  }
0x74: {  	_ =	shalt  }
0x75: {  	_ =	shalt  }
0x76: {  	_ =	shalt  }
0x77: {  	_ =	shalt  }
0x78: {  	_ =	shalt  }
0x79: {  	_ =	shalt  }
0x7a: {  	_ =	shalt  }
0x7b: {  	_ =	shalt  }
0x7c: {  	_ =	shalt  }
0x7d: {  	_ =	shalt  }
0x7e: {  	_ =	shalt  }
0x7f: {  	_ =	shalt  }
0x80: {  	_ =	shalt  }
0x81: {  	_ =	shalt  }
0x82: {  	_ =	shalt  }
0x83: {  	_ =	shalt  }
0x84: {  	_ =	shalt  }
0x85: {  	_ =	shalt  }
0x86: {  	_ =	shalt  }
0x87: {  	_ =	shalt  }
.Lfunc_end0:
.L_simem_size_0:
called_computation.6_lowered:
.L_overlay_start_0:
0x88: {  	s2 =	sld [smem:$0x3FD9]  }
0x89: {  	s3 =	sld [smem:$0x3FFE];
	_ =	sdelay $0x1  }
0x8a: {  	s1 =	srdreg.scid  }
0x8b: {  	s0 =	sand.u32 $0x1, s1  }
0x8c: {  	s16 =	sshll.u32 s0, $0xA;
	s2 =	sadd.s32 s3, s2  }
0x8d: {  	s2 =	sadd.s32 s2, s16  }
0x8e: {  	[smem:$0x3FB9] =	sst s2  }
0x8f: {  	_ = 	snop  }
0x90: {  	(tm) =	ssettm $0x1  }
0x91: {  	s17 =	sld [smem:$0x3FFB];
	_ =	sdelay $0x3  }
0x92: {  	_ =	strace s17  }
0x93: {  	s2 =	sld [smem:$0x3FFC];
	_ =	sdelay $0x3  }
0x94: {  	_ =	strace s2  }
0x95: {  	s2 =	sld [smem:$0x3FFD];
	_ =	sdelay $0x3  }
0x96: {  	_ =	strace s2  }
0x97: {  	_ =	strace $0x8FFFFFFF  }
0x98: {  	s18 =	sld [smem:$0x3FDB];
	_ =	sdelay $0x1  }
0x99: {  	s19 =	simm.s32 $_scs_section_size  }
0x9a: {  	s4 =	simm.s32 $_size__tile_overlayer_lowered;
	s5 =	simm.s32 $_tile_overlayer_lowered  }
0x9b: {  	s22 =	simm.s32 $0x1BFF;
	s21 =	sshll.u32 s5, $0x1;
	s2 =	sadd.s32 s19, s18  }
0x9c: {  	s6 =	simm.s32 $0x0;
	s20 =	sshll.u32 s4, $0x1;
	s4 =	sadd.s32 s21, s2  }
0x9d: {  	[timem:s6], [sflag:s22] =	dma.local [hbm:s4], s20  }
0x9e: {  	_ =	swait.ge [sflag:s22], s20  }
0x9f: {  	s3 =	ssub.s32 $0x0, s20;
	[sflag:s22] =	ssyncset.done $0x0  }
0xa0: {  	[sflag:s22] =	ssyncadd.s32 s3;
	_ =	sdelay $0x1  }
0xa1: {  	s23 =	simm.s32 $0x1B8B  }
0xa2: {  	_ =	swait.ge [sflag:s23], $0x1  }
0xa3: {  	[sflag:s23] =	ssyncset.done $0x0  }
0xa4: {  	s25 =	simm.s32 $0x1B8E;
	s24 =	sld [smem:$0x3FFE];
	[sflag:s23] =	ssyncadd.s32 $0xFFFFFFFF  }
0xa5: {  	s26 =	simm.s32 $execute0_lowered;
	[smem:$0x3FD2] =	sst s25  }
0xa6: {  	s4 =	sshll.u32 s26, $0x1;
	_ =	strace $0x80000058;
	[dreg:$0x1] =	wrdreg $0xFFFFFFFF  }
0xa7: {  	s28 =	simm.s32 $_size_execute0_lowered;
	s2 =	sadd.s32 s2, s4;
	[dreg:$0x0] =	wrdreg $0x0  }
0xa8: {  	s4 =	sshll.u32 s28, $0x1;
	[dreg:$0x2] =	wrdreg s2  }
0xa9: {  	[dreg:$0x3] =	wrdreg s4  }
0xaa: {  	[dreg:$0x4] =	wrdreg $0xC0  }
0xab: {  	_ =	task [dreg:s6], $0x5FFFF  }
0xac: {  	[dreg:$0x1] =	wrdreg $0xFFFFFFFF  }
0xad: {  	[dreg:$0x0] =	wrdreg $0x60  }
0xae: {  	[dreg:$0x2] =	wrdreg s24  }
0xaf: {  	[dreg:$0x3] =	wrdreg $0x60800  }
0xb0: {  	[dreg:$0x4] =	wrdreg $0x9  }
0xb1: {  	_ =	task.clear_ibuf [dreg:s6], $0x5FFFF;
	_ =	strace $0x90000058  }
0xb2: {  	s29 =	simm.s32 $0x9;
	_ =	strace $0x8000005A  }
0xb3: {  	_ =	swait.ge [sflag:s29], $0x1  }
0xb4: {  	[sflag:s29] =	ssyncadd.s32 $0xFFFFFFFF  }
0xb5: {  	_ =	strace $0x9000005A  }
0xb6: {  	_ =	sfence  }
0xb7: {  	s30 =	sld [smem:$0x0];
	_ =	sdelay $0x2  }
0xb8: {  	s31 =	sshll.u32 s1, $0xD;
	s1 =	sshrl.u32 s1, $0x2  }
0xb9: {  	s3 =	sand.u32 $0x4000, s31;
	s1 =	sadd.s32 s1, s30  }
0xba: {  	s0 =	sor.u32 s3, s0;
	s1 =	sshll.u32 s1, $0x11  }
0xbb: {  	s0 =	sor.u32 s1, s0  }
0xbc: {  	s0 =	sadd.s32 $0x8F2B, s0  }
0xbd: {  	[sflag:s0] =	ssyncadd.remote.s32 $0x1  }
0xbe: {  	_ =	sfence.sel $0xFFFF  }
0xbf: {  	[dreg:$0x0] =	wrdreg $0xFFFFFFFF;
	(pc) =	sbr.abs _section_cstart, $3  }
0xc0: {  	[dreg:$0x1] =	wrdreg $0xFFFFFFFF  }
0xc1: {  	_ =	task.clear_ibuf [dreg:s6], $0x2FFFF;
	_ =	strace $0x9FFFFFFF  }
0xc2: {  	(tm) =	ssettm $0x7FFFFFFF  }
0xc3: {  	_ =	shalt  }
tec
execute0_lowered:
.L_overlay_start_1:
0x0: {  	(tag) =	ssettag $0x1  }
0x1: {  	s0 =	stileid.u32  }
0x2: {  	s6 =	smul.u32 $0x5000, s0  }
0x3: {  	s4 =	rddreg [dreg:$0x0];
	s8 =	smul.u32 $0x50000, s0  }
0x4: {  	s1 =	srdreg.scid;
	s23 =	smul.u32 $0x30000, s0  }
0x5: {  	s3 =	simm.s32 $0x0;
	s5 =	sand.u32 $0x1, s1;
	s16 =	smul.u32 $0x140, s0  }
0x6: {  	[smem:$0x7FF] =	sst s3;
	s19 =	sadd.s32 $0x52AE00, s4;
	s10 =	smul.u32 $0x28000, s0  }
0x7: {  	s2 =	rddreg [dreg:$0x1];
	s7 =	smul.u32 $0x50000, s5;
	_ =	strace $0x80000059  }
0x8: {  	s24 =	ssub.s32 $0x2, s5;
	s17 =	smul.u32 $0x1400, s5;
	s21 =	sadd.s32 s8, s4  }
0x9: {  	s25 =	sshrl.u32 s24, $0x1;
	s10 =	sshrl.u32 s10, $0x2;
	s12 =	sadd.s32 $0x40, s16  }
0xa: {  	s15 =	sadd.s32 $0x80, s16;
	s29 =	sadd.s32 $0xC0, s16;
	s6 =	sadd.s32 s6, s7  }
0xb: {  	s7 =	sshrl.u32 s23, $0x2;
	s20 =	ssub.s32 s24, s25;
	s11 =	sadd.s32 s16, s17  }
0xc: {  	s10 =	sadd.s32 s10, s2;
	s13 =	sshll.u32 s12, $0x7;
	s14 =	sadd.s32 s17, s12  }
0xd: {  	s28 =	sadd.s32 s17, s15;
	s15 =	sshll.u32 s15, $0x7;
	s23 =	sshll.u32 s29, $0x7  }
0xe: {  	s24 =	sadd.s32 $0x100, s16;
	s21 =	sadd.s32 $0x2AE00, s21;
	s25 =	simm.s32 $0x80  }
0xf: {  	s6 =	sshrl.u32 s6, $0x3;
	s11 =	sshll.u32 s11, $0x4;
	s12 =	sadd.s32 s13, s2  }
0x10: {  	s26 =	sshll.u32 s14, $0x4;
	s18 =	sshll.u32 s28, $0x4;
	s14 =	sadd.s32 s15, s2  }
0x11: {  	s16 =	sadd.s32 s23, s2;
	s30 =	sadd.s32 s17, s24;
	s31 =	sshll.u32 s24, $0x7  }
0x12: {  	s20 =	smax.u32 s20, $0x1;
	s24 =	simm.s32 $0x1;
	s22 =	sadd.s32 s6, s4  }
0x13: {  	s4 =	sadd.s32 s7, s2;
	s11 =	sadd.s32 s19, s11;
	s13 =	sadd.s32 s19, s26  }
0x14: {  	s15 =	sadd.s32 s19, s18;
	s18 =	sadd.s32 s17, s29;
	s23 =	sshll.u32 s30, $0x4  }
0x15: {  	s26 =	simm.s32 $0x0;
	s5 =	sadd.s32 $0x2000, s4;
	s6 =	sadd.s32 $0x4000, s4  }
0x16: {  	s7 =	sadd.s32 $0x6000, s4;
	s8 =	sadd.s32 $0x8000, s4;
	s18 =	sshll.u32 s18, $0x4  }
0x17: {  	s9 =	sadd.s32 $0xA000, s4;
	s22 =	sadd.s32 $0x19B8A00, s22;
	s17 =	sadd.s32 s19, s18  }
0x18: {  	v0 =	vimm.f32 $0.0e+00;
	s18 =	sadd.s32 s31, s2;
	s19 =	sadd.s32 s19, s23;
	s23 =	simm.s32 $0x4080  }
.LBB2_1:
0x19: {  	s28 =	simm.s32 $0x0;
	s29 =	simm.s32 $0x200  }
.LBB2_2:
0x1a: {  	p0 =	sne.s32 s29, $0x7E00;
	[tilespmem:s28+$0x40F0] =	vst v0  }
0x1b: {  	[tilespmem:s28+$0x4080] =	vst v0  }
0x1c: {  	[tilespmem:s28+$0x4090] =	vst v0  }
.Ltmp0:
0x1d: {  	[tilespmem:s28+$0x40A0] =	vst v0;
	(pc) =	sbr.rel @p0 .LBB2_2-.Ltmp0, $4  }
0x1e: {  	[tilespmem:s28+$0x40B0] =	vst v0  }
0x1f: {  	[tilespmem:s28+$0x40C0] =	vst v0  }
0x20: {  	[tilespmem:s28+$0x40D0] =	vst v0  }
0x21: {  	[tilespmem:s28+$0x40E0] =	vst v0;
	s28 =	sshra.s32 s29, $0x2;
	s29 =	sadd.s32 $0x200, s29  }
0x22: {  	[tilespmem:s28+$0x40F0] =	vst v0  }
0x23: {  	[tilespmem:s28+$0x4080] =	vst v0  }
0x24: {  	[tilespmem:s28+$0x4090] =	vst v0  }
0x25: {  	[tilespmem:s28+$0x40A0] =	vst v0  }
0x26: {  	[tilespmem:s28+$0x40B0] =	vst v0  }
0x27: {  	[tilespmem:s28+$0x40C0] =	vst v0  }
0x28: {  	[tilespmem:s28+$0x40D0] =	vst v0  }
0x29: {  	[tilespmem:s28+$0x40E0] =	vst v0  }
0x2a: {  	[spmem:s4] =	stream.linear.scatter [tilespmem:s23], [sflag:$0x1], $0x2000, $0x38;
	[tilespmem:$0x12080] =	vst v63  }
0x2b: {  	_ =	swait.ge [sflag:s24], $0x2000  }
0x2c: {  	[sflag:s24] =	ssyncset.done $0x0  }
0x2d: {  	[sflag:s24] =	ssyncadd.s32 $0xFFFFE000  }
0x2e: {  	[spmem:s5] =	stream.linear.scatter [tilespmem:s23], [sflag:$0x1], $0x2000, $0x38;
	[tilespmem:$0x12080] =	vst v63  }
0x2f: {  	_ =	swait.ge [sflag:s24], $0x2000  }
0x30: {  	[sflag:s24] =	ssyncset.done $0x0  }
0x31: {  	[sflag:s24] =	ssyncadd.s32 $0xFFFFE000  }
0x32: {  	[spmem:s6] =	stream.linear.scatter [tilespmem:s23], [sflag:$0x1], $0x2000, $0x38;
	[tilespmem:$0x12080] =	vst v63  }
0x33: {  	_ =	swait.ge [sflag:s24], $0x2000  }
0x34: {  	[sflag:s24] =	ssyncset.done $0x0  }
0x35: {  	[sflag:s24] =	ssyncadd.s32 $0xFFFFE000  }
0x36: {  	[spmem:s7] =	stream.linear.scatter [tilespmem:s23], [sflag:$0x1], $0x2000, $0x38;
	[tilespmem:$0x12080] =	vst v63  }
0x37: {  	_ =	swait.ge [sflag:s24], $0x2000  }
0x38: {  	[sflag:s24] =	ssyncset.done $0x0  }
0x39: {  	[sflag:s24] =	ssyncadd.s32 $0xFFFFE000  }
0x3a: {  	[spmem:s8] =	stream.linear.scatter [tilespmem:s23], [sflag:$0x1], $0x2000, $0x38;
	[tilespmem:$0x12080] =	vst v63  }
0x3b: {  	_ =	swait.ge [sflag:s24], $0x2000  }
0x3c: {  	[sflag:s24] =	ssyncset.done $0x0  }
0x3d: {  	[sflag:s24] =	ssyncadd.s32 $0xFFFFE000  }
0x3e: {  	[spmem:s9] =	stream.linear.scatter [tilespmem:s23], [sflag:$0x1], $0x2000, $0x38;
	[tilespmem:$0x12080] =	vst v63  }
0x3f: {  	_ =	swait.ge [sflag:s24], $0x2000  }
0x40: {  	[sflag:s24] =	ssyncset.done $0x0  }
0x41: {  	[sflag:s24] =	ssyncadd.s32 $0xFFFFE000  }
0x42: {  	s28 =	sadd.s32 $0x0, s22;
	[bflag:$0x0] =	sbarrier.arrive $0xFFFF  }
0x43: {  	[tilespmem:s3], [sflag:$0x1] =	stream.linear.gather [hbm4b:s28+s3], $0x80, $0x38;
	[tilespmem:$0x12080] =	vst v63  }
0x44: {  	_ =	swait.ge [sflag:s24], $0x80  }
0x45: {  	[sflag:s24] =	ssyncset.done $0x0  }
0x46: {  	[sflag:s24] =	ssyncadd.s32 $0xFFFFFF80  }
0x47: {  	[tilespmem:s25], [sflag:$0x1] =	stream.linear.gather [hbm4b:s21+s3], $0x4000, $0x38;
	[tilespmem:$0x12080] =	vst v63  }
0x48: {  	_ =	swait.ge [sflag:s24], $0x4000  }
0x49: {  	[sflag:s24] =	ssyncset.done $0x0  }
0x4a: {  	[sflag:s24] =	ssyncadd.s32 $0xFFFFC000  }
0x4b: {  	[spmem:s2] =	stream.indirect.scatter.add.f32 [tilespmem:s25], [sflag:$0x1], $0x80, s3, s25, $0xb8;
	[tilespmem:$0x12080] =	vst v63  }
0x4c: {  	s29 =	simm.s32 $0x10;
	_ =	swait.ge [sflag:s24], $0x4000  }
0x4d: {  	s30 =	simm.s32 $0x20;
	s28 =	sadd.s32 $0x800, s21;
	[sflag:s24] =	ssyncset.done $0x0  }
.LBB2_4:
0x4e: {  	s31 =	sadd.s32 s29, s22  }
0x4f: {  	[sflag:s24] =	ssyncadd.s32 $0xFFFFC000;
	s29 =	smov.u32 s30;
	s1 =	sadd.s32 $0x10, s30  }
0x50: {  	[tilespmem:s3], [sflag:$0x1] =	stream.linear.gather [hbm4b:s31+s3], $0x80, $0x38;
	[tilespmem:$0x12080] =	vst v63  }
0x51: {  	p0 =	sne.s32 s30, $0x9F0;
	_ =	swait.ge [sflag:s24], $0x80  }
0x52: {  	[sflag:s24] =	ssyncset.done $0x0  }
0x53: {  	[sflag:s24] =	ssyncadd.s32 $0xFFFFFF80  }
0x54: {  	[tilespmem:s25], [sflag:$0x1] =	stream.linear.gather [hbm4b:s28+s3], $0x4000, $0x38;
	[tilespmem:$0x12080] =	vst v63  }
0x55: {  	_ =	swait.ge [sflag:s24], $0x4000  }
.Ltmp1:
0x56: {  	[sflag:s24] =	ssyncset.done $0x0;
	(pc) =	sbr.rel @p0 .LBB2_4-.Ltmp1, $4  }
0x57: {  	[sflag:s24] =	ssyncadd.s32 $0xFFFFC000  }
0x58: {  	[spmem:s2] =	stream.indirect.scatter.add.f32 [tilespmem:s25], [sflag:$0x1], $0x80, s3, s25, $0xb8;
	[tilespmem:$0x12080] =	vst v63  }
0x59: {  	_ =	swait.ge [sflag:s24], $0x4000  }
0x5a: {  	s30 =	smov.u32 s1;
	s28 =	sadd.s32 $0x800, s28;
	[sflag:s24] =	ssyncset.done $0x0  }
0x5b: {  	s1 =	sadd.s32 s29, s22;
	[sflag:s24] =	ssyncadd.s32 $0xFFFFC000  }
0x5c: {  	[tilespmem:s3], [sflag:$0x1] =	stream.linear.gather [hbm4b:s1+s3], $0x80, $0x38;
	[tilespmem:$0x12080] =	vst v63  }
0x5d: {  	_ =	swait.ge [sflag:s24], $0x80  }
0x5e: {  	[sflag:s24] =	ssyncset.done $0x0  }
0x5f: {  	[sflag:s24] =	ssyncadd.s32 $0xFFFFFF80  }
0x60: {  	[tilespmem:s25], [sflag:$0x1] =	stream.linear.gather [hbm4b:s28+s3], $0x4000, $0x38;
	[tilespmem:$0x12080] =	vst v63  }
0x61: {  	_ =	swait.ge [sflag:s24], $0x4000  }
0x62: {  	[sflag:s24] =	ssyncset.done $0x0  }
0x63: {  	[sflag:s24] =	ssyncadd.s32 $0xFFFFC000  }
0x64: {  	[spmem:s2] =	stream.indirect.scatter.add.f32 [tilespmem:s25], [sflag:$0x1], $0x80, s3, s25, $0xb8;
	[tilespmem:$0x12080] =	vst v63  }
0x65: {  	_ =	swait.ge [sflag:s24], $0x4000  }
0x66: {  	[sflag:s24] =	ssyncset.done $0x0  }
0x67: {  	[sflag:s24] =	ssyncadd.s32 $0xFFFFC000  }
0x68: {  	[bflag:$0x0] =	sbarrier.arrive $0xFFFF  }
0x69: {  	[tilespmem:s23], [sflag:$0x1] =	stream.linear.gather [spmem:s10], $0x2000, $0x38;
	[tilespmem:$0x12080] =	vst v63  }
0x6a: {  	_ =	swait.ge [sflag:s24], $0x2000  }
0x6b: {  	[sflag:s24] =	ssyncset.done $0x0  }
0x6c: {  	[sflag:s24] =	ssyncadd.s32 $0xFFFFE000  }
0x6d: {  	[hbm4b:s11+s3] =	stream.linear.scatter [tilespmem:s23], [sflag:$0x1], $0x2000, $0x38;
	[tilespmem:$0x12080] =	vst v63  }
0x6e: {  	_ =	swait.ge [sflag:s24], $0x2000  }
0x6f: {  	[sflag:s24] =	ssyncset.done $0x0  }
0x70: {  	[sflag:s24] =	ssyncadd.s32 $0xFFFFE000  }
0x71: {  	[tilespmem:s23], [sflag:$0x1] =	stream.linear.gather [spmem:s12], $0x2000, $0x38;
	[tilespmem:$0x12080] =	vst v63  }
0x72: {  	_ =	swait.ge [sflag:s24], $0x2000  }
0x73: {  	[sflag:s24] =	ssyncset.done $0x0  }
0x74: {  	[sflag:s24] =	ssyncadd.s32 $0xFFFFE000  }
0x75: {  	[hbm4b:s13+s3] =	stream.linear.scatter [tilespmem:s23], [sflag:$0x1], $0x2000, $0x38;
	[tilespmem:$0x12080] =	vst v63  }
0x76: {  	_ =	swait.ge [sflag:s24], $0x2000  }
0x77: {  	[sflag:s24] =	ssyncset.done $0x0  }
0x78: {  	[sflag:s24] =	ssyncadd.s32 $0xFFFFE000  }
0x79: {  	[tilespmem:s23], [sflag:$0x1] =	stream.linear.gather [spmem:s14], $0x2000, $0x38;
	[tilespmem:$0x12080] =	vst v63  }
0x7a: {  	_ =	swait.ge [sflag:s24], $0x2000  }
0x7b: {  	[sflag:s24] =	ssyncset.done $0x0  }
0x7c: {  	[sflag:s24] =	ssyncadd.s32 $0xFFFFE000  }
0x7d: {  	[hbm4b:s15+s3] =	stream.linear.scatter [tilespmem:s23], [sflag:$0x1], $0x2000, $0x38;
	[tilespmem:$0x12080] =	vst v63  }
0x7e: {  	_ =	swait.ge [sflag:s24], $0x2000  }
0x7f: {  	[sflag:s24] =	ssyncset.done $0x0  }
0x80: {  	[sflag:s24] =	ssyncadd.s32 $0xFFFFE000  }
0x81: {  	[tilespmem:s23], [sflag:$0x1] =	stream.linear.gather [spmem:s16], $0x2000, $0x38;
	[tilespmem:$0x12080] =	vst v63  }
0x82: {  	_ =	swait.ge [sflag:s24], $0x2000  }
0x83: {  	[sflag:s24] =	ssyncset.done $0x0  }
0x84: {  	[sflag:s24] =	ssyncadd.s32 $0xFFFFE000  }
0x85: {  	[hbm4b:s17+s3] =	stream.linear.scatter [tilespmem:s23], [sflag:$0x1], $0x2000, $0x38;
	[tilespmem:$0x12080] =	vst v63  }
0x86: {  	_ =	swait.ge [sflag:s24], $0x2000  }
0x87: {  	[sflag:s24] =	ssyncset.done $0x0  }
0x88: {  	[sflag:s24] =	ssyncadd.s32 $0xFFFFE000  }
0x89: {  	[tilespmem:s23], [sflag:$0x1] =	stream.linear.gather [spmem:s18], $0x2000, $0x38;
	[tilespmem:$0x12080] =	vst v63  }
0x8a: {  	s26 =	sadd.s32 $0x1, s26;
	_ =	swait.ge [sflag:s24], $0x2000  }
0x8b: {  	p0 =	sne.s32 s26, s20;
	[sflag:s24] =	ssyncset.done $0x0  }
.Ltmp2:
0x8c: {  	[sflag:s24] =	ssyncadd.s32 $0xFFFFE000;
	(pc) =	sbr.rel @p0 .LBB2_1-.Ltmp2, $4  }
0x8d: {  	[hbm4b:s19+s3] =	stream.linear.scatter [tilespmem:s23], [sflag:$0x1], $0x2000, $0x38;
	[tilespmem:$0x12080] =	vst v63  }
0x8e: {  	_ =	swait.ge [sflag:s24], $0x2000  }
0x8f: {  	[sflag:s24] =	ssyncset.done $0x0  }
0x90: {  	[sflag:s24] =	ssyncadd.s32 $0xFFFFE000  }
0x91: {  	_ =	sfence.sel $0x180000  }
0x92: {  	[bflag:$0x0] =	sbarrier.arrive $0xFFFF  }
0x93: {  	_ =	strace $0x90000059  }
0x94: {  	[bflag:$0x2] =	sbarrier.arrive $0xFFFF  }
0x95: {  	p0 =	sne.s32 s0, $0x0;
	s0 =	rddreg [dreg:$0x2]  }
0x96: {  	s0 =	sadd.s32 @!p0 $0x100000, s0  }
0x97: {  	[sflag:s0] =	ssyncadd.tile.s32 @!p0 $0x1;
	_ =	shalt  }
.Lfunc_end2:
_tile_overlayer_lowered:
.L_overlay_start_2:
0x98: {  	(tag) =	ssettag $0x2  }
0x99: {  	s0 =	rddreg [dreg:$0x0];
	s2 =	stileid.u32  }
0x9a: {  	s1 =	rddreg [dreg:$0x1];
	p0 =	sne.s32 s2, $0x0  }
0x9b: {  	s3 =	rddreg [dreg:$0x2];
	[bflag:$0x3] =	sbarrier.arrive $0xFFFF;
	s2 =	simm.s32 @!p0 $0x1C01  }
0x9c: {  	[timem:s3], [sflag:s2] =	dma.local @!p0 [hbm:s0], s1  }
0x9d: {  	s0 =	simm.s32 @!p0 $0x1  }
0x9e: {  	_ =	swait.ge @!p0 [sflag:s0], s1  }
0x9f: {  	s1 =	ssub.s32 @!p0 $0x0, s1;
	[sflag:s0] =	ssyncset.done @!p0 $0x0  }
0xa0: {  	[sflag:s0] =	ssyncadd.s32 @!p0 s1  }
0xa1: {  	[bflag:$0x3] =	sbarrier.arrive $0xFFFF  }
0xa2: {  	_ =	shalt  }

// kernel: scatter_offload_async_start
scs
__scs_entry_jumppad:
0x0: {  	(pc) =	sbr.rel $0x88, $3  }
0x1: {  	(tag) =	ssettag $0x0;
	lr =	simm.s32 $0x1  }
0x2: {  	[smem:$0x3F92] =	sst lr;
	_ =	strace $0xD0000000  }
0x3: {  	_ = 	snop  }
0x4: {  	_ = 	snop  }
0x5: {  	_ = 	snop  }
0x6: {  	_ = 	snop  }
0x7: {  	_ = 	snop  }
__scs_overlays_trampoline_lowered:
0x8: {  	[smem:$0x3FA1] =	sst s0  }
0x9: {  	[smem:$0x3FA2] =	sst s1  }
0xa: {  	[smem:$0x3FA3] =	sst s2  }
0xb: {  	[smem:$0x3FA4] =	sst s3  }
0xc: {  	[smem:$0x3FA5] =	sst s4  }
0xd: {  	[smem:$0x3FA6] =	sst s5  }
0xe: {  	[smem:$0x3FA7] =	sst s6  }
0xf: {  	[smem:$0x3FA8] =	sst s7  }
0x10: {  	[smem:$0x3FA9] =	sst s8  }
0x11: {  	[smem:$0x3FAA] =	sst s9;
	s0 =	simm.s32 @!p0 $0x0  }
0x12: {  	s1 =	sld [smem:$0x3F90];
	s0 =	simm.s32 @p0 $0x1  }
0x13: {  	[smem:$0x3FAB] =	sst s0;
	s0 =	simm.s32 @!p1 $0x0  }
0x14: {  	s2 =	sld [smem:$0x3F8F];
	s0 =	simm.s32 @p1 $0x1  }
0x15: {  	[smem:$0x3FAC] =	sst s0;
	s0 =	simm.s32 @!p2 $0x0  }
0x16: {  	s3 =	sld [smem:$0x3FDB];
	s0 =	simm.s32 @p2 $0x1  }
0x17: {  	s4 =	simm.s32 $0x1BF5;
	[smem:$0x3FAE] =	sst s0  }
0x18: {  	s0 =	sld [smem:$0x3F91];
	_ =	swait.ge [sflag:s4], $0x0  }
0x19: {  	s7 =	sld [smem:$0x3F92]  }
0x1a: {  	s8 =	sadd.s32 $0xFFFFE003, lr  }
0x1b: {  	s9 =	sadd.s32 $0xFFFFFEF7, lr;
	s5 =	simm.s32 $0xFFFFFFFF;
	p2 =	slt.u32 s8, $0xFFFFF086  }
0x1c: {  	p1 =	slt.u32 s9, $0xF7A;
	s5 =	simm.s32 @!p2 $0x0  }
0x1d: {  	s5 =	simm.s32 @p1 $0x1;
	p0 =	seq.s32 s7, s2  }
0x1e: {  	s7 =	smul.u32 @!p0 $0xF7A, s2;
	p2 =	seq.s32 @!p0 s5, $0x0  }
0x1f: {  	s9 =	smul.u32 $0xF7A, s1;
	s8 =	simm.s32 @!p0 $0x1BF5;
	p2 =	por !p2, p0  }
0x20: {  	[sflag:s8] =	ssyncset.s32 @!p0 $0xFFFFF086;
	s6 =	sadd.s32 @!p0 s3, s7;
	s7 =	simm.s32 @!p0 $0x108  }
0x21: {  	s3 =	sadd.s32 s3, s9;
	s6 =	sadd.s32 @!p0 $0x88, s6;
	s7 =	simm.s32 @p2 $0x1082  }
0x22: {  	[simem:s7], [sflag:s8] =	dma.local @!p0 [hbm:s6], $0xF7A  }
0x23: {  	s9 =	sor.u32 $0xD0000000, s2;
	s6 =	simm.s32 $0x108;
	_ =	swait.ge @!p0 [sflag:s8], $0x0  }
0x24: {  	s3 =	sadd.s32 $0x88, s3;
	s6 =	simm.s32 @!p1 $0x1082;
	[sflag:s4] =	ssyncset.s32 $0xFFFFF086  }
0x25: {  	[simem:s6], [sflag:s4] =	dma.local [hbm:s3], $0xF7A  }
0x26: {  	[smem:$0x3F92] =	sst s1;
	(tag) =	ssettag s2;
	_ =	strace s9  }
0x27: {  	s1 =	sld [smem:$0x3FA2]  }
0x28: {  	s2 =	sld [smem:$0x3FA3]  }
0x29: {  	s4 =	sld [smem:$0x3FA5]  }
0x2a: {  	p0 =	seq.s32 s5, $0x0;
	s5 =	sld [smem:$0x3FA6]  }
0x2b: {  	s6 =	sld [smem:$0x3FA7]  }
0x2c: {  	s7 =	sld [smem:$0x3FA8]  }
0x2d: {  	s3 =	simm.s32 $0x108;
	s8 =	sld [smem:$0x3FA9]  }
0x2e: {  	s3 =	simm.s32 @!p0 $0x1082;
	s9 =	sld [smem:$0x3FAA]  }
0x2f: {  	lr =	sadd.s32 s0, s3;
	s0 =	sld [smem:$0x3FA1]  }
0x30: {  	s3 =	sld [smem:$0x3FA4]  }
0x31: {  	[smem:$0x3FAD] =	sst s10  }
0x32: {  	s10 =	sld [smem:$0x3FAB];
	_ =	sdelay $0x3  }
0x33: {  	p0 =	seq.s32 s10, $0x1;
	s10 =	sld [smem:$0x3FAD];
	_ =	sdelay $0x3  }
0x34: {  	[smem:$0x3FAD] =	sst s10  }
0x35: {  	s10 =	sld [smem:$0x3FAC];
	_ =	sdelay $0x3  }
0x36: {  	p1 =	seq.s32 s10, $0x1;
	s10 =	sld [smem:$0x3FAD];
	_ =	sdelay $0x3  }
0x37: {  	[smem:$0x3FAD] =	sst s10  }
0x38: {  	s10 =	sld [smem:$0x3FAE]  }
0x39: {  	_ = 	snop;
	(pc) =	sbr.ind lr, $3  }
0x3a: {  	_ = 	snop  }
0x3b: {  	_ = 	snop  }
0x3c: {  	p2 =	seq.s32 s10, $0x1;
	s10 =	sld [smem:$0x3FAD]  }
0x3d: {  	_ =	shalt  }
0x3e: {  	_ =	shalt  }
0x3f: {  	_ =	shalt  }
0x40: {  	_ =	shalt  }
0x41: {  	_ =	shalt  }
0x42: {  	_ =	shalt  }
0x43: {  	_ =	shalt  }
0x44: {  	_ =	shalt  }
0x45: {  	_ =	shalt  }
0x46: {  	_ =	shalt  }
0x47: {  	_ =	shalt  }
0x48: {  	_ =	shalt  }
0x49: {  	_ =	shalt  }
0x4a: {  	_ =	shalt  }
0x4b: {  	_ =	shalt  }
0x4c: {  	_ =	shalt  }
0x4d: {  	_ =	shalt  }
0x4e: {  	_ =	shalt  }
0x4f: {  	_ =	shalt  }
0x50: {  	_ =	shalt  }
0x51: {  	_ =	shalt  }
0x52: {  	_ =	shalt  }
0x53: {  	_ =	shalt  }
0x54: {  	_ =	shalt  }
0x55: {  	_ =	shalt  }
0x56: {  	_ =	shalt  }
0x57: {  	_ =	shalt  }
0x58: {  	_ =	shalt  }
0x59: {  	_ =	shalt  }
0x5a: {  	_ =	shalt  }
0x5b: {  	_ =	shalt  }
0x5c: {  	_ =	shalt  }
0x5d: {  	_ =	shalt  }
0x5e: {  	_ =	shalt  }
0x5f: {  	_ =	shalt  }
0x60: {  	_ =	shalt  }
0x61: {  	_ =	shalt  }
0x62: {  	_ =	shalt  }
0x63: {  	_ =	shalt  }
0x64: {  	_ =	shalt  }
0x65: {  	_ =	shalt  }
0x66: {  	_ =	shalt  }
0x67: {  	_ =	shalt  }
0x68: {  	_ =	shalt  }
0x69: {  	_ =	shalt  }
0x6a: {  	_ =	shalt  }
0x6b: {  	_ =	shalt  }
0x6c: {  	_ =	shalt  }
0x6d: {  	_ =	shalt  }
0x6e: {  	_ =	shalt  }
0x6f: {  	_ =	shalt  }
0x70: {  	_ =	shalt  }
0x71: {  	_ =	shalt  }
0x72: {  	_ =	shalt  }
0x73: {  	_ =	shalt  }
0x74: {  	_ =	shalt  }
0x75: {  	_ =	shalt  }
0x76: {  	_ =	shalt  }
0x77: {  	_ =	shalt  }
0x78: {  	_ =	shalt  }
0x79: {  	_ =	shalt  }
0x7a: {  	_ =	shalt  }
0x7b: {  	_ =	shalt  }
0x7c: {  	_ =	shalt  }
0x7d: {  	_ =	shalt  }
0x7e: {  	_ =	shalt  }
0x7f: {  	_ =	shalt  }
0x80: {  	_ =	shalt  }
0x81: {  	_ =	shalt  }
0x82: {  	_ =	shalt  }
0x83: {  	_ =	shalt  }
0x84: {  	_ =	shalt  }
0x85: {  	_ =	shalt  }
0x86: {  	_ =	shalt  }
0x87: {  	_ =	shalt  }
.Lfunc_end0:
.L_simem_size_0:
called_computation_lowered:
.L_overlay_start_0:
0x88: {  	s0 =	sld [smem:$0x3FD9]  }
0x89: {  	s1 =	sld [smem:$0x3FFE];
	_ =	sdelay $0x3  }
0x8a: {  	s0 =	sadd.s32 s1, s0  }
0x8b: {  	[smem:$0x3FB9] =	sst s0  }
0x8c: {  	_ = 	snop  }
0x8d: {  	(tm) =	ssettm $0x1  }
0x8e: {  	s15 =	sld [smem:$0x3FFB];
	_ =	sdelay $0x3  }
0x8f: {  	_ =	strace s15  }
0x90: {  	s0 =	sld [smem:$0x3FFC];
	_ =	sdelay $0x3  }
0x91: {  	_ =	strace s0  }
0x92: {  	s0 =	sld [smem:$0x3FFD];
	_ =	sdelay $0x3  }
0x93: {  	_ =	strace s0  }
0x94: {  	_ =	strace $0x8FFFFFFF  }
0x95: {  	s16 =	sld [smem:$0x3FDB];
	_ =	sdelay $0x1  }
0x96: {  	s17 =	simm.s32 $_scs_section_size  }
0x97: {  	s2 =	simm.s32 $_size__tile_overlayer_lowered;
	s3 =	simm.s32 $_tile_overlayer_lowered  }
0x98: {  	s20 =	simm.s32 $0x1BFF;
	s19 =	sshll.u32 s3, $0x1;
	s0 =	sadd.s32 s17, s16  }
0x99: {  	s4 =	simm.s32 $0x0;
	s18 =	sshll.u32 s2, $0x1;
	s2 =	sadd.s32 s19, s0  }
0x9a: {  	[timem:s4], [sflag:s20] =	dma.local [hbm:s2], s18  }
0x9b: {  	_ =	swait.ge [sflag:s20], s18  }
0x9c: {  	s1 =	ssub.s32 $0x0, s18;
	[sflag:s20] =	ssyncset.done $0x0  }
0x9d: {  	[sflag:s20] =	ssyncadd.s32 s1;
	_ =	sdelay $0x1  }
0x9e: {  	s21 =	simm.s32 $0x1B8B  }
0x9f: {  	_ =	swait.ge [sflag:s21], $0x1  }
0xa0: {  	[sflag:s21] =	ssyncset.done $0x0  }
0xa1: {  	s23 =	simm.s32 $0x1B8E;
	s22 =	sld [smem:$0x3FFE];
	[sflag:s21] =	ssyncadd.s32 $0xFFFFFFFF  }
0xa2: {  	s24 =	simm.s32 $execute0_lowered;
	[smem:$0x3FD2] =	sst s23  }
0xa3: {  	s2 =	sshll.u32 s24, $0x1;
	_ =	strace $0x80000046;
	[dreg:$0x1] =	wrdreg $0xFFFFFFFF  }
0xa4: {  	s25 =	simm.s32 $_size_execute0_lowered;
	s0 =	sadd.s32 s0, s2;
	[dreg:$0x0] =	wrdreg $0x0  }
0xa5: {  	s2 =	sshll.u32 s25, $0x1;
	[dreg:$0x2] =	wrdreg s0  }
0xa6: {  	[dreg:$0x3] =	wrdreg s2  }
0xa7: {  	[dreg:$0x4] =	wrdreg $0xC0  }
0xa8: {  	_ =	task [dreg:s4], $0x5FFFF  }
0xa9: {  	[dreg:$0x1] =	wrdreg $0xFFFFFFFF  }
0xaa: {  	[dreg:$0x0] =	wrdreg $0x60  }
0xab: {  	[dreg:$0x2] =	wrdreg s22  }
0xac: {  	[dreg:$0x3] =	wrdreg $0x9  }
0xad: {  	_ =	task.clear_ibuf [dreg:s4], $0x4FFFF;
	_ =	strace $0x90000046  }
0xae: {  	s26 =	simm.s32 $0x9;
	_ =	strace $0x80000048  }
0xaf: {  	_ =	swait.ge [sflag:s26], $0x1  }
0xb0: {  	[sflag:s26] =	ssyncadd.s32 $0xFFFFFFFF  }
0xb1: {  	_ =	strace $0x90000048  }
0xb2: {  	_ =	sfence  }
0xb3: {  	s28 =	sld [smem:$0x0];
	_ =	sdelay $0x1  }
0xb4: {  	s29 =	srdreg.scid  }
0xb5: {  	s30 =	sshll.u32 s29, $0xD;
	s31 =	sshrl.u32 s29, $0x2  }
0xb6: {  	s1 =	sand.u32 $0x1, s29;
	s2 =	sand.u32 $0x4000, s30;
	s0 =	sadd.s32 s31, s28  }
0xb7: {  	s1 =	sor.u32 s2, s1;
	s0 =	sshll.u32 s0, $0x11  }
0xb8: {  	s0 =	sor.u32 s0, s1  }
0xb9: {  	s0 =	sadd.s32 $0x8F2B, s0  }
0xba: {  	[sflag:s0] =	ssyncadd.remote.s32 $0x1  }
0xbb: {  	_ =	sfence.sel $0xFFFF  }
0xbc: {  	[dreg:$0x0] =	wrdreg $0xFFFFFFFF;
	(pc) =	sbr.abs _section_cstart, $3  }
0xbd: {  	[dreg:$0x1] =	wrdreg $0xFFFFFFFF  }
0xbe: {  	_ =	task.clear_ibuf [dreg:s4], $0x2FFFF;
	_ =	strace $0x9FFFFFFF  }
0xbf: {  	(tm) =	ssettm $0x7FFFFFFF  }
tec
execute0_lowered:
.L_overlay_start_1:
0x0: {  	(tag) =	ssettag $0x1  }
0x1: {  	s0 =	rddreg [dreg:$0x0];
	_ =	strace $0x80000047;
	s15 =	stileid.u32  }
0x2: {  	s2 =	simm.s32 $0x1;
	s1 =	smin.u32 s15, $0x8;
	s3 =	sshll.u32 s15, $0x1  }
0x3: {  	v1 =	vimm.s32 $0xFFFFFFFF;
	[sflag:s2] =	ssyncpa.u1 $0x0;
	s1 =	sadd.s32 s1, s3  }
0x4: {  	p0 =	slt.u32 s15, $0x8;
	[tilespmem:$0x10] =	vst v1;
	s4 =	smul.u32 $0x1F40, s1;
	s1 =	simm.s32 $0x5DC0  }
0x5: {  	v0 =	vimm.f32 $0.0e+00;
	[tilespmem:$0x20] =	vst v1;
	s1 =	simm.s32 @!p0 $0x3E80  }
0x6: {  	[tilespmem:$0x30] =	vst v0;
	s1 =	sadd.s32 s1, s4  }
0x7: {  	[tilespmem:$0x40] =	vst v0;
	s5 =	smin.u32 s1, $0x4E200  }
0x8: {  	s7 =	simm.s32 $0x2;
	s8 =	simm.s32 $0x8;
	[tilespmem:$0x50] =	vst v0;
	s9 =	ssub.s32 s5, s4  }
0x9: {  	s31 =	simm.s32 $0x9;
	s16 =	simm.s32 $0x0;
	[tilespmem:$0x60] =	vst v1;
	p0 =	sgt.s32 s9, $0x0  }
0xa: {  	s17 =	simm.s32 $0xF0;
	s18 =	simm.s32 $0xFFFFFFFF;
	[tilespmem:$0x70] =	vst v1;
	s9 =	simm.s32 @!p0 $0x0  }
0xb: {  	s19 =	simm.s32 $0xFFFFC280;
	s20 =	simm.s32 $0xFFFFFFFE;
	[tilespmem:$0x80] =	vst v1;
	s30 =	smulhi.u32 $0x10624DD3, s9  }
0xc: {  	s21 =	simm.s32 $0xF;
	s25 =	simm.s32 $0x0;
	s24 =	simm.s32 $0x0;
	v1 =	vimm.s32 $0x0;
	[tilespmem:$0xB0] =	vst v0  }
0xd: {  	s6 =	sadd.s32 $0xF2600, s0;
	s15 =	sshllo.u32 s15, $0x1;
	[tilespmem:$0x90] =	vst v1;
	s10 =	sshrl.u32 s30, $0x9  }
0xe: {  	[tilespmem:$0xA0] =	vst v1;
	[sflag:s7] =	ssyncpa.u1 $0x0;
	s7 =	simm.s32 $0x7;
	s11 =	smul.u32 $0x1F40, s10  }
.Ltmp0:
0xf: {  	s13 =	sor.u32 $0x80, s3;
	[sflag:s7] =	ssyncpa.u1 $0x0;
	(pc) =	sbr.rel .LBB2_1-.Ltmp0, $4  }
0x10: {  	s14 =	sor.u32 $0x81, s3;
	[sflag:s8] =	ssyncpa.u1 $0x0;
	p0 =	sne.s32 s9, s11  }
0x11: {  	s23 =	smov.u32 s4;
	s1 =	sadd.s32 $0x106200, s0;
	s2 =	simm.s32 @!p0 $0x0  }
0x12: {  	vm0 =	vmmov $0xffff;
	v2 =	vlaneseq.u32;
	[sflag:s31] =	ssyncpa.u1 $0x0;
	s9 =	sadd.s32 $0xFC400, s0;
	s10 =	sadd.s32 s2, s10  }
0x13: {  	vm1 =	vmxor vm1, vm1;
	vm2 =	vmmov $0x1;
	vm3 =	vcmask $0x3F3C;
	p0 =	por $0x0, $0x0;
	s11 =	sadd.s32 $0x1, s10;
	s12 =	sadd.s32 $0x2, s10  }
.LBB2_9:
0x14: {  	p1 =	slt.u32 s24, $0x3  }
0x15: {  	s0 =	simm.s32 @!p1 $0x2  }
0x16: {  	_ =	swait.ge @!p1 [sflag:s0], $0x1F40  }
0x17: {  	[sflag:s0] =	ssyncset.done @!p1 $0x0  }
0x18: {  	[sflag:s0] =	ssyncadd.s32 @!p1 $0xFFFFE0C0;
	s0 =	simm.s32 @!p1 $0x9  }
0x19: {  	_ =	swait.ge @!p1 [sflag:s0], $0x10  }
0x1a: {  	[sflag:s0] =	ssyncset.done @!p1 $0x0  }
0x1b: {  	[sflag:s0] =	ssyncadd.s32 @!p1 $0xFFFFFFF0;
	p1 =	sne.s32 s24, s12  }
.Ltmp1:
0x1c: {  	s2 =	sadd.s32 $0x1F40, s23;
	(pc) =	sbr.rel @!p1 .LBB2_10-.Ltmp1, $4  }
0x1d: {  	s22 =	smov.u32 s4;
	s31 =	sadd.s32 $0x1, s24;
	s17 =	sadd.s32 $0x1F40, s17  }
0x1e: {  	s18 =	sadd.s32 $0x1, s18;
	s25 =	smov.u32 s23;
	p2 =	slt.s32 s2, s5  }
0x1f: {  	p0 =	por !p0, !p0;
	s19 =	sadd.s32 $0x1F40, s19;
	s22 =	smov.u32 @p2 s2  }
0x20: {  	s20 =	sadd.s32 $0x1, s20;
	s23 =	smov.u32 s22;
	s24 =	smov.u32 s31  }
.LBB2_1:
0x21: {  	p1 =	sge.u32 s24, s10  }
0x22: {  	s0 =	smulhi.u32 @!p1 $0xAAAAAAAB, s24;
	_ =	sdelay $0x1  }
0x23: {  	s0 =	sshrl.u32 @!p1 s0, $0x1  }
0x24: {  	s0 =	smul.u32 @!p1 $0x3, s0;
	_ =	sdelay $0x1  }
0x25: {  	s0 =	ssub.s32 @!p1 s24, s0  }
0x26: {  	s0 =	smul.u32 @!p1 $0x7D00, s0;
	_ =	sdelay $0x1  }
0x27: {  	s2 =	sshrl.u32 @!p1 s23, $0x3;
	s0 =	sshrl.u32 @!p1 s0, $0x2  }
0x28: {  	s22 =	sand.u32 @!p1 $0x7, s23;
	s2 =	sadd.s32 @!p1 s6, s2;
	s0 =	sadd.s32 @!p1 $0x100, s0  }
0x29: {  	[tilespmem:s0], [sflag:$0x7] =	stream.linear.gather @!p1 [hbm4b:s2+s22], $0x1F40, $0x38;
	[tilespmem:$0x11A60] =	vst v63  }
0x2a: {  	s0 =	sadd.s32 $0xFFFFFFFF, s24  }
0x2b: {  	p1 =	sge.u32 s0, s10  }
.Ltmp2:
0x2c: {  	_ = 	snop;
	(pc) =	sbr.rel @p1 .LBB2_5-.Ltmp2, $1  }
0x2d: {  	_ =	sdelay $0x3  }
0x2e: {  	s2 =	smulhi.u32 $0xAAAAAAAB, s0;
	_ =	sdelay $0x1  }
0x2f: {  	s2 =	sshrl.u32 s2, $0x1  }
0x30: {  	s2 =	smul.u32 $0x3, s2;
	_ =	sdelay $0x1  }
0x31: {  	s2 =	ssub.s32 s0, s2  }
0x32: {  	s2 =	smul.u32 $0x7D00, s2  }
0x33: {  	_ =	swait.ge [sflag:s7], $0x1F40  }
0x34: {  	[sflag:s7] =	ssyncset.done $0x0;
	s2 =	sshrl.u32 s2, $0x2  }
0x35: {  	[sflag:s7] =	ssyncadd.s32 $0xFFFFE0C0;
	(ifvalue) =	ssetifvalue $0xFFFFFFFF;
	v3 =	vld.msk [tilespmem:s2+$0x100 ss:$0x1], $0xffff;
	_ =	sdelay $0x2  }
0x36: {  	s30 =	smulhi.u32 $0xAAAAAAAB, s18;
	p1 =	sne.s32 s24, $0x1  }
0x37: {  	v4 =	vimm.s32 @!p1 $0x0  }
0x38: {  	s2 =	sshrl.u32 s30, $0x1;
	v4 =	vperm.xlane @!p1 v3, v4  }
0x39: {  	s22 =	sshll.u32 s24, $0x4;
	s2 =	smul.u32 $0xFFFE8900, s2;
	vm4 =	vlt.u32 v3, $0x13C00  }
0x3a: {  	s22 =	sand.u32 $0x10, s22;
	v3 =	vnsel vm4, $0xFFFFFFFE, v3;
	vm4 =	vlt.u32 @!p1 v4, $0x13C00  }
0x3b: {  	s2 =	sshra.s32 s2, $0x2;
	[tilespmem:s22+$0x60] =	vst v3;
	v3 =	vnsel @!p1 vm4, $0xFFFFFFFE, v4  }
0x3c: {  	s28 =	sadd.s32 s2, s17;
	[tilespmem:$0x80] =	vst @!p1 v3  }
0x3d: {  	v3 =	vld.msk [tilespmem:s28+$0x0 ss:$0x1], $0xffff;
	_ =	sdelay $0x4  }
0x3e: {  	(xrf1) =	vunique.msk.u32 $0xffff, v3;
	_ =	sdelay $0xd  }
0x3f: {  	v4 =	vimm.s32 $0xFFFFFFFF;
	v5, _, _ =	vpop (xrf1)  }
0x40: {  	vm5 =	vne.s32 v3, v4;
	vm4 =	veq.s32 v5, v2  }
0x41: {  	vm6 =	vlt.u32 v3, $0x13C00;
	vm4 =	vmand vm5, vm4  }
0x42: {  	vm4 =	vmand vm6, vm4  }
0x43: {  	v4 =	vnsel vm4, $0xFFFFFFFF, v3  }
0x44: {  	s31 =	sand.u32 $0x1, s0  }
0x45: {  	s0 =	simm.s32 $0x1F40;
	p1 =	seq.s32 s31, $0x1  }
0x46: {  	s0 =	simm.s32 @!p1 $0x0  }
0x47: {  	s26 =	sadd.s32 $0x7DF0, s0;
	(ifvalue) =	ssetifvalue $0xFFFFFFFF  }
0x48: {  	v3 =	vperm.xlane v3, v1;
	[tilespmem:s26], [sflag:$0x8] =	stream.indirect_vreg.gather [hbm4b:s1+s16], $0x1, v4, vm0, $0x4038;
	v4 =	vnsel vm6, $0xFFFFFFFE, v4;
	[tilespmem:$0x11A60] =	vst v63  }
0x49: {  	s2 =	simm.s32 $0x0;
	s22 =	sadd.s32 $0xFFFFFFF0, s28;
	[tilespmem:s28+$0x0] =	vst v4  }
.LBB2_3:
0x4a: {  	v4 =	vld.msk [tilespmem:s22+$0x0 ss:$0x1], $0xffff;
	s2 =	sadd.s32 $0x10, s2;
	v5 =	vmov v3;
	s28 =	smov.u32 s22  }
0x4b: {  	p1 =	slt.u32 s2, $0x1F30;
	_ =	sdelay $0x4  }
0x4c: {  	v3 =	vperm.xlane v4, v1;
	(xrf1) =	vunique.msk.u32 $0xffff, v4;
	_ =	sdelay $0xd  }
0x4d: {  	v6, _, _ =	vpop (xrf1)  }
0x4e: {  	vm5 =	vne.s32 v4, v5;
	vm4 =	veq.s32 v6, v2  }
0x4f: {  	vm6 =	vlt.u32 v4, $0x13C00;
	vm4 =	vmand vm5, vm4  }
0x50: {  	vm4 =	vmand vm6, vm4  }
0x51: {  	v4 =	vnsel vm4, $0xFFFFFFFF, v4  }
.Ltmp3:
0x52: {  	v5 =	vnsel vm6, $0xFFFFFFFE, v4;
	(pc) =	sbr.rel @p1 .LBB2_3-.Ltmp3, $3  }
0x53: {  	_ =	sdelay $0x1  }
0x54: {  	s22 =	sadd.s32 $0xFFFFFFF0, s22;
	s26 =	sadd.s32 $0xFFFFFFF0, s26;
	(ifvalue) =	ssetifvalue $0xFFFFFFFF  }
0x55: {  	[tilespmem:s26], [sflag:$0x8] =	stream.indirect_vreg.gather [hbm4b:s1+s16], $0x1, v4, vm0, $0x4038;
	[tilespmem:s28+$0x0] =	vst v5  }
0x56: {  	s2 =	sshrl.u32 s25, $0x3  }
0x57: {  	s0 =	sadd.s32 $0x9D40, s0;
	s2 =	sadd.s32 s9, s2  }
0x58: {  	[tilespmem:s0], [sflag:$0x8] =	stream.linear.gather [hbm:s2], $0x1F40, $0x38;
	[tilespmem:$0x11A60] =	vst v63  }
.LBB2_5:
0x59: {  	p1 =	slt.u32 s24, $0x2  }
0x5a: {  	p2 =	sge.u32 @!p1 s24, s12  }
0x5b: {  	p1 =	por p1, p2  }
.Ltmp4:
0x5c: {  	_ = 	snop;
	(pc) =	sbr.rel @p1 .LBB2_9-.Ltmp4, $1  }
0x5d: {  	_ =	sdelay $0x3  }
0x5e: {  	s0 =	sadd.s32 $0xFFFFFFFE, s24  }
0x5f: {  	s2 =	smulhi.u32 $0xAAAAAAAB, s0;
	_ =	sdelay $0x1  }
0x60: {  	s2 =	sshrl.u32 s2, $0x1  }
0x61: {  	s2 =	smul.u32 $0x3, s2;
	_ =	sdelay $0x1  }
0x62: {  	s0 =	ssub.s32 s0, s2  }
0x63: {  	_ =	swait.ge [sflag:s8], $0x3E80;
	s0 =	smul.u32 $0x1F40, s0  }
0x64: {  	p1 =	sne.s32 s24, s11;
	[sflag:s8] =	ssyncset.done $0x0  }
0x65: {  	[sflag:s8] =	ssyncadd.s32 $0xFFFFC180;
	s2 =	sadd.s32 @!p1 $0x203F, s0  }
0x66: {  	[spmem:s14] =	stream.linear.scatter @!p1 [tilespmem:s2], [sflag:$0x1], $0x1, $0x38;
	[tilespmem:$0x11A60] =	vst v63  }
0x67: {  	s2 =	simm.s32 @!p1 $0x1  }
0x68: {  	_ =	swait.ge @!p1 [sflag:s2], $0x1  }
0x69: {  	s22 =	sshll.u32 s24, $0x4;
	[sflag:s2] =	ssyncset.done @!p1 $0x0  }
0x6a: {  	s25 =	sand.u32 $0x10, s22;
	[sflag:s2] =	ssyncadd.s32 @!p1 $0xFFFFFFFF  }
0x6b: {  	s2 =	sxor.u32 $0x10, s25;
	v4 =	vld [tilespmem:s25+$0x10]  }
0x6c: {  	v5 =	vld [tilespmem:s2+$0x60]  }
0x6d: {  	v3 =	vld [tilespmem:$0x80];
	_ =	sdelay $0x2  }
0x6e: {  	(v2sf) =	vpush v4, $0x0  }
0x6f: {  	(v2sf) =	vpush v5, $0x0  }
0x70: {  	(v2sf) =	vpush v3, $0x0;
	_ =	sdelay $0xc  }
0x71: {  	s22 =	spop (v2sf)  }
0x72: {  	s26 =	spop (v2sf)  }
0x73: {  	s28 =	spop (v2sf)  }
0x74: {  	p2 =	seq.s32 s22, s26;
	p3 =	seq.s32 s28, s22  }
0x75: {  	p3 =	por p2, p3  }
0x76: {  	s26 =	sand.u32 $0x1, s24;
	v4 =	vpsel p3, $0xFFFFFFFF, v4  }
0x77: {  	s29 =	smul.u32 $0x1F40, s26;
	[tilespmem:s25+$0x10] =	vst.msk $0x1, v4  }
0x78: {  	v4 =	vld [tilespmem:$0x30]  }
0x79: {  	v5 =	vld [tilespmem:s29+$0x9D40]  }
0x7a: {  	v6 =	vld [tilespmem:s25+$0x40];
	_ =	sdelay $0x3  }
0x7b: {  	vm4 =	vmmov vm1;
	v5 =	vadd.f32 v5, v4  }
0x7c: {  	vm5 =	vmmov vm2;
	vm4 =	vmmov @p2 vm2;
	s22 =	sshll.u32 s26, $0x4;
	v4 =	vadd.f32 v6, v4  }
0x7d: {  	s26 =	sor.u32 $0x11A40, s22;
	vm5 =	vmmov @p3 vm1;
	[tilespmem:s29+$0x9D40] =	vst.msk vm4, v5  }
0x7e: {  	[tilespmem:s26+$0x0] =	vst.msk vm5, v4  }
0x7f: {  	v4 =	vld [tilespmem:s29+$0x7DF0];
	_ =	sdelay $0x3  }
0x80: {  	v5 =	vimm.f32 $0.0e+00  }
0x81: {  	v4 =	vshift.insert v4, v5, s21  }
0x82: {  	s22 =	sor.u32 $0x40, s2  }
0x83: {  	[tilespmem:s22+$0x0] =	vst.msk $0x1, v4  }
0x84: {  	[tilespmem:s29+$0x7DFF] =	vst.msk $0x1, v5  }
0x85: {  	v4 =	vld [tilespmem:s0+$0x2030];
	_ =	sdelay $0x1  }
0x86: {  	s22 =	smulhi.u32 $0xAAAAAAAB, s20;
	s0 =	simm.s32 $0x1  }
0x87: {  	s0 =	simm.s32 @!p0 $0x0  }
0x88: {  	s22 =	sshrl.u32 s22, $0x1;
	s0 =	smul.u32 $0x7D00, s0  }
0x89: {  	s22 =	smul.u32 $0xFFFE8900, s22;
	v4 =	vshift.insert v4, v1, s21  }
0x8a: {  	s0 =	sshrl.u32 s0, $0x2  }
0x8b: {  	s22 =	sshra.s32 s22, $0x2;
	s30 =	sadd.s32 $0x9D40, s0;
	[tilespmem:s2+$0x10] =	vst.msk $0x1, v4  }
0x8c: {  	s22 =	sadd.s32 s22, s19;
	v6 =	vld [tilespmem:s30+$0x0]  }
0x8d: {  	v7 =	vld [tilespmem:s22+$0x0];
	_ =	sdelay $0x3  }
0x8e: {  	v5 =	vadd.f32 v6, v5  }
0x8f: {  	vm4 =	vne.s32 v7, $0xFFFFFFFF  }
0x90: {  	(xrf2) =	vadd.seg.scan.f32 vm4, v5;
	_ =	sdelay $0x3  }
0x91: {  	s31 =	sadd.s32 $0x5EC0, s0;
	v5 =	vperm.xlane v4, v1  }
0x92: {  	v6 =	vld [tilespmem:s31+$0x0]  }
0x93: {  	vm5 =	veq.s32 v7, v3;
	vm6 =	veq.s32 v7, v5  }
0x94: {  	vm7 =	vgt.u32 v7, $0xFFFFFFFD;
	vm6 =	vmor vm6, vm5  }
0x95: {  	vm6 =	vmor vm6, vm7  }
0x96: {  	v9 =	vld [tilespmem:$0xA0];
	v7 =	vsel vm6, $0xFFFFFFFF, v7  }
0x97: {  	v10 =	vld [tilespmem:$0x90];
	v6 =	vsel vm5, $0x0, v6;
	v8, _, _ =	vpop (xrf2)  }
0x98: {  	v6 =	vadd.f32 v8, v6  }
0x99: {  	s0 =	sadd.s32 $0xDBC0, s0  }
0x9a: {  	vm4 =	vmand vm4, vm3;
	[tilespmem:s0+$0x0] =	vst v6;
	(ifvalue) =	ssetifvalue $0xFFFFFFFF  }
0x9b: {  	vm6 =	veq.s32 v9, $0x1;
	[hbm4b:s1+s16] =	stream.indirect_vreg.scatter [tilespmem:s0], [sflag:$0x2], $0x1, v7, vm0, $0x4038;
	v7 =	vsel vm4, $0x0, v8;
	[tilespmem:$0x11A60] =	vst v63  }
0x9c: {  	s2 =	simm.s32 $0x0;
	s22 =	sadd.s32 $0x10, s22;
	vm4 =	vmor vm6, vm5;
	v6 =	vsel vm5, v8, v10;
	v7 =	vshift.insert v7, v0, s21  }
.LBB2_7:
0x9d: {  	v8 =	vld [tilespmem:s22+$0x0];
	s30 =	sadd.s32 $0x10, s30  }
0x9e: {  	s31 =	sadd.s32 $0x10, s31;
	v9 =	vld [tilespmem:s30+$0x0]  }
0x9f: {  	s2 =	sadd.s32 $0x10, s2;
	v10 =	vld [tilespmem:s31+$0x0]  }
0xa0: {  	p2 =	slt.u32 s2, $0x1F30;
	_ =	sdelay $0x2  }
0xa1: {  	v7 =	vadd.f32 v9, v7  }
0xa2: {  	vm5 =	vne.s32 v8, $0xFFFFFFFF  }
0xa3: {  	vm6 =	vmand vm5, vm3;
	(xrf2) =	vadd.seg.scan.f32 vm5, v7;
	_ =	sdelay $0x5  }
0xa4: {  	vm7 =	veq.s32 v8, v5;
	vm5 =	veq.s32 v8, v3  }
0xa5: {  	vm8 =	vgt.u32 v8, $0xFFFFFFFD;
	vm4 =	vmor vm4, vm5;
	vm7 =	vmor vm7, vm5  }
0xa6: {  	vm7 =	vmor vm7, vm8  }
0xa7: {  	v8 =	vsel vm7, $0xFFFFFFFF, v8  }
.Ltmp5:
0xa8: {  	v7 =	vsel vm5, $0x0, v10;
	v9, _, _ =	vpop (xrf2);
	(pc) =	sbr.rel @p2 .LBB2_7-.Ltmp5, $4  }
0xa9: {  	v6 =	vsel vm5, v9, v6;
	v10 =	vadd.f32 v9, v7;
	v7 =	vsel vm6, $0x0, v9  }
0xaa: {  	s0 =	sadd.s32 $0x10, s0;
	v7 =	vshift.insert v7, v0, s21  }
0xab: {  	s22 =	sadd.s32 $0x10, s22;
	[tilespmem:s0+$0x0] =	vst v10;
	(ifvalue) =	ssetifvalue $0xFFFFFFFF  }
0xac: {  	[hbm4b:s1+s16] =	stream.indirect_vreg.scatter [tilespmem:s0], [sflag:$0x2], $0x1, v8, vm0, $0x4038;
	[tilespmem:$0x11A60] =	vst v63  }
0xad: {  	v3 =	vld [tilespmem:s29+$0xFAF0];
	_ =	sdelay $0x4  }
0xae: {  	v3 =	vshift.insert v3, v0, s21  }
0xaf: {  	s0 =	simm.s32 $0x30  }
0xb0: {  	[tilespmem:s0+$0x0] =	vst.msk $0x1, v3  }
0xb1: {  	v3 =	vsel vm4, $0x1, v1;
	[tilespmem:$0x90] =	vst v6  }
0xb2: {  	s0 =	sadd.s32 @!p1 $0xFAFF, s29;
	[tilespmem:$0xA0] =	vst v3  }
0xb3: {  	[spmem:s15] =	stream.linear.scatter @!p1 [tilespmem:s0], [sflag:$0x1], $0x1, $0x38;
	[tilespmem:$0x11A60] =	vst v63  }
0xb4: {  	s0 =	simm.s32 @!p1 $0x1  }
0xb5: {  	v3 =	vmctz.xlane @!p1 vm4;
	_ =	swait.ge @!p1 [sflag:s0], $0x1  }
0xb6: {  	(v2sf) =	vpush @!p1 v4, $0x0  }
0xb7: {  	(v2sf) =	vpush @!p1 v3, $0x0;
	_ =	sdelay $0xd  }
0xb8: {  	s2 =	spop @!p1 (v2sf)  }
0xb9: {  	s22 =	spop @!p1 (v2sf)  }
0xba: {  	p2 =	sne.s32 @!p1 s28, s2;
	p3 =	slt.s32 @!p1 s22, $0xF  }
0xbb: {  	[sflag:s0] =	ssyncset.done @!p1 $0x0;
	p2 =	por p2, p1;
	p3 =	por !p3, p1  }
0xbc: {  	[sflag:s0] =	ssyncadd.s32 @!p1 $0xFFFFFFFF;
	v3 =	vimm.s32 @!p2 $0xFFFFFFFF;
	s22 =	simm.s32 @p3 $0xF  }
0xbd: {  	[tilespmem:$0x80] =	vst @!p2 v3;
	s2 =	sadd.s32 @!p1 $0x90, s22  }
0xbe: {  	[spmem:s3] =	stream.linear.scatter @!p1 [tilespmem:s2], [sflag:$0x1], $0x1, $0x38;
	[tilespmem:$0x11A60] =	vst v63  }
0xbf: {  	_ =	swait.ge @!p1 [sflag:s0], $0x1  }
0xc0: {  	[sflag:s0] =	ssyncset.done @!p1 $0x0  }
0xc1: {  	s2 =	simm.s32 @!p1 $0x80;
	[sflag:s0] =	ssyncadd.s32 @!p1 $0xFFFFFFFF  }
0xc2: {  	[spmem:s13] =	stream.linear.scatter @!p1 [tilespmem:s2], [sflag:$0x1], $0x1, $0x38;
	[tilespmem:$0x11A60] =	vst v63  }
0xc3: {  	_ =	swait.ge @!p1 [sflag:s0], $0x1  }
0xc4: {  	[sflag:s0] =	ssyncset.done @!p1 $0x0  }
0xc5: {  	[sflag:s0] =	ssyncadd.s32 @!p1 $0xFFFFFFFF;
	(ifvalue) =	ssetifvalue $0xFFFFFFFF;
	v3 =	vld [tilespmem:s25+$0x10];
	_ =	sdelay $0x3  }
.Ltmp6:
0xc6: {  	_ = 	snop;
	(pc) =	sbr.rel .LBB2_9-.Ltmp6, $3  }
0xc7: {  	_ =	sdelay $0x1  }
0xc8: {  	(ifvalue) =	ssetifvalue $0xFFFFFFFF  }
0xc9: {  	[hbm4b:s1+s16] =	stream.indirect_vreg.scatter [tilespmem:s26], [sflag:$0x9], $0x1, v3, vm0, $0x4038;
	[tilespmem:$0x11A60] =	vst v63  }
.LBB2_10:
0xca: {  	_ =	sfence.sel $0x180000  }
0xcb: {  	s0 =	simm.s32 $0x7;
	[bflag:$0x0] =	sbarrier.arrive $0xFFFF  }
0xcc: {  	s26 =	simm.s32 $0x8;
	[sflag:s0] =	ssyncpa.u1 $0x1  }
0xcd: {  	s28 =	simm.s32 $0x9;
	[sflag:s26] =	ssyncpa.u1 $0x1  }
0xce: {  	[sflag:s28] =	ssyncpa.u1 $0x1  }
0xcf: {  	_ =	sfence.stream.spmem  }
0xd0: {  	s29 =	simm.s32 $0x3;
	[bflag:$0x0] =	sbarrier.arrive $0xFFFF  }
0xd1: {  	s30 =	simm.s32 $0x4;
	[sflag:s29] =	ssyncpa.u1 $0x1  }
0xd2: {  	s31 =	simm.s32 $0x3C;
	s2 =	stileid.u32;
	[sflag:s30] =	ssyncpa.u1 $0x1  }
0xd3: {  	p0 =	sne.s32 s2, $0x0;
	[sflag:s31] =	ssyncpa.u1 $0x1  }
0xd4: {  	s0 =	simm.s32 @p0 $0x1;
	_ =	sfence @p0  }
0xd5: {  	[sflag:s0] =	ssyncpa.u1 @p0 $0x1;
	s0 =	simm.s32 @p0 $0x2  }
0xd6: {  	[sflag:s0] =	ssyncpa.u1 @p0 $0x1  }
0xd7: {  	_ =	strace @p0 $0x90000047  }
0xd8: {  	[bflag:$0x2] =	sbarrier.arrive @p0 $0xFFFF  }
0xd9: {  	_ =	shalt @p0  }
.LBB2_11:
0xda: {  	_ =	sfence.stream.spmem;
	s0 =	simm.s32 $0x5  }
0xdb: {  	s2 =	simm.s32 $0x80;
	s3 =	simm.s32 $0xC0;
	[sflag:s0] =	ssyncpa.u1 $0x0  }
0xdc: {  	[tilespmem:s3], [sflag:$0x5] =	stream.linear.gather [spmem:s2], $0x20, $0x38;
	[tilespmem:$0x11A60] =	vst v63  }
0xdd: {  	s2 =	simm.s32 $0x0;
	s3 =	simm.s32 $0xE0  }
0xde: {  	[tilespmem:s3], [sflag:$0x5] =	stream.linear.gather [spmem:s2], $0x20, $0x38;
	[tilespmem:$0x11A60] =	vst v63  }
.Ltmp7:
0xdf: {  	_ = 	snop;
	(pc) =	sbr.rel .LBB2_12-.Ltmp7, $4  }
0xe0: {  	_ =	swait.ge [sflag:s0], $0x40  }
0xe1: {  	[sflag:s0] =	ssyncset.done $0x0  }
0xe2: {  	s31 =	simm.s32 $0x6;
	[sflag:s0] =	ssyncadd.s32 $0xFFFFFFC0  }
0xe3: {  	s4 =	simm.s32 $0x0;
	[sflag:s31] =	ssyncpa.u1 $0x0  }
.LBB2_17:
0xe4: {  	p0 =	sgt.u32 s5, $0x13BFF  }
0xe5: {  	s0 =	sshrl.u32 @!p0 s5, $0x3  }
0xe6: {  	s5 =	sand.u32 @!p0 $0x7, s5;
	s6 =	simm.s32 @!p0 $0xB0;
	s0 =	sadd.s32 @!p0 s1, s0  }
0xe7: {  	[tilespmem:s6], [sflag:$0x6] =	stream.linear.gather @!p0 [hbm4b:s0+s5], $0x1, $0x38;
	[tilespmem:$0x11A60] =	vst v63  }
0xe8: {  	s0 =	simm.s32 @!p0 $0x6  }
0xe9: {  	_ =	swait.ge @!p0 [sflag:s0], $0x1  }
0xea: {  	[sflag:s0] =	ssyncset.done @!p0 $0x0  }
0xeb: {  	[sflag:s0] =	ssyncadd.s32 @!p0 $0xFFFFFFFF  }
0xec: {  	v2 =	vmov @!p0 s4;
	v1 =	vld.msk @!p0 [tilespmem:$0xB0], $0x1;
	_ =	sdelay $0x3  }
0xed: {  	s0 =	simm.s32 @!p0 $0xE0  }
0xee: {  	[tilespmem:v2+s0+$0x0], v1 =	vst.idx.ret.add.f32.msk @!p0 $0x1, v1  }
0xef: {  	[tilespmem:s2+$0xC0] =	vst.msk $0x1, v0  }
0xf0: {  	v0 =	vld.msk [tilespmem:s4+$0xE0], $0x1;
	_ =	sdelay $0x4  }
0xf1: {  	[tilespmem:s2+$0xE0] =	vst.msk $0x1, v0;
	s2 =	sadd.s32 $0x1, s2  }
.LBB2_19:
0xf2: {  	s4 =	sadd.s32 $0x1, s4  }
0xf3: {  	p0 =	sne.s32 s4, $0x20  }
.Ltmp8:
0xf4: {  	_ = 	snop;
	(pc) =	sbr.rel @!p0 .LBB2_20-.Ltmp8, $1  }
0xf5: {  	_ =	sdelay $0x3  }
.LBB2_12:
0xf6: {  	v0 =	vld.msk [tilespmem:s4+$0xC0], $0x1;
	_ =	sdelay $0x4  }
0xf7: {  	(v2sf) =	vpush v0, $0x0;
	_ =	sdelay $0xe  }
0xf8: {  	s5 =	spop (v2sf)  }
0xf9: {  	p0 =	seq.s32 s5, $0xFFFFFFFF  }
.Ltmp9:
0xfa: {  	_ = 	snop;
	(pc) =	sbr.rel @p0 .LBB2_19-.Ltmp9, $1  }
0xfb: {  	_ =	sdelay $0x3  }
0xfc: {  	p0 =	slt.s32 s2, $0x1  }
.Ltmp10:
0xfd: {  	_ = 	snop;
	(pc) =	sbr.rel @p0 .LBB2_17-.Ltmp10, $1  }
0xfe: {  	_ =	sdelay $0x3  }
0xff: {  	s0 =	simm.s32 $0xC0;
	p0 =	por $0x0, $0x0  }
0x100: {  	v1 =	vld.msk @!p0 [tilespmem:s0+$0x0], $0x1;
	_ =	sdelay $0x4  }
0x101: {  	(v2sf) =	vpush @!p0 v1, $0x0;
	_ =	sdelay $0xd  }
0x102: {  	p2 =	sne.s32 s2, $0x1  }
.Ltmp11:
0x103: {  	s6 =	spop @!p0 (v2sf);
	(pc) =	sbr.rel @!p2 .LBB2_16-.Ltmp11, $4  }
0x104: {  	p1 =	seq.s32 @!p0 s5, s6  }
0x105: {  	s6 =	simm.s32 $0x0;
	p1 =	por !p1, p0  }
0x106: {  	s8 =	simm.s32 $0xFFFFFFFF;
	s6 =	simm.s32 @p1 $0xFFFFFFFF  }
0x107: {  	s7 =	simm.s32 $0x1;
	s6 =	smov.u32 @p0 s8  }
.LBB2_15:
0x108: {  	s8 =	smov.u32 s6;
	p0 =	sne.s32 s6, $0xFFFFFFFF  }
0x109: {  	s0 =	sadd.s32 $0x1, s0;
	s6 =	smov.u32 s7;
	s7 =	sadd.s32 $0x1, s7  }
0x10a: {  	p1 =	sne.s32 s2, s7;
	v1 =	vld.msk @!p0 [tilespmem:s0+$0x0], $0x1;
	_ =	sdelay $0x4  }
0x10b: {  	(v2sf) =	vpush @!p0 v1, $0x0;
	_ =	sdelay $0xe  }
.Ltmp12:
0x10c: {  	s9 =	spop @!p0 (v2sf);
	(pc) =	sbr.rel @p1 .LBB2_15-.Ltmp12, $4  }
0x10d: {  	p2 =	seq.s32 @!p0 s5, s9  }
0x10e: {  	p2 =	por !p2, p0  }
0x10f: {  	s6 =	simm.s32 @p2 $0xFFFFFFFF  }
0x110: {  	s6 =	smov.u32 @p0 s8  }
.LBB2_16:
0x111: {  	p0 =	sne.s32 s6, $0xFFFFFFFF  }
.Ltmp13:
0x112: {  	_ = 	snop;
	(pc) =	sbr.rel @!p0 .LBB2_17-.Ltmp13, $1  }
0x113: {  	_ =	sdelay $0x3  }
0x114: {  	v0 =	vld.msk [tilespmem:s4+$0xE0], $0x1;
	v1 =	vmov s6  }
.Ltmp14:
0x115: {  	_ = 	snop;
	(pc) =	sbr.rel .LBB2_19-.Ltmp14, $2  }
0x116: {  	_ =	sdelay $0x2  }
0x117: {  	[tilespmem:v1+s3+$0x0], v0 =	vst.idx.ret.add.f32.msk $0x1, v0  }
.LBB2_20:
0x118: {  	p0 =	slt.s32 s2, $0x1  }
.Ltmp15:
0x119: {  	_ = 	snop;
	(pc) =	sbr.rel @p0 .LBB2_24-.Ltmp15, $3  }
0x11a: {  	_ =	sdelay $0x1  }
0x11b: {  	s0 =	simm.s32 $0x6  }
0x11c: {  	s3 =	simm.s32 $0x0;
	[sflag:s0] =	ssyncpa.u1 $0x1  }
0x11d: {  	s0 =	simm.s32 $0xC0  }
0x11e: {  	v0 =	vld.msk [tilespmem:s0+$0x0], $0x1;
	_ =	sdelay $0x4  }
0x11f: {  	(v2sf) =	vpush v0, $0x0;
	_ =	sdelay $0xe  }
0x120: {  	s2 =	sadd.s32 $0xFFFFFFFF, s2;
	s4 =	spop (v2sf)  }
0x121: {  	p1 =	sne.s32 s2, $0x0;
	p0 =	sgt.u32 s4, $0x13BFF  }
.Ltmp16:
0x122: {  	s5 =	sshrl.u32 @!p0 s4, $0x3;
	(pc) =	sbr.rel @!p1 .LBB2_23-.Ltmp16, $4  }
0x123: {  	s0 =	simm.s32 $0xE0;
	s4 =	sand.u32 @!p0 $0x7, s4;
	s5 =	sadd.s32 @!p0 s1, s5  }
0x124: {  	[hbm4b:s5+s4] =	stream.linear.scatter @!p0 [tilespmem:s0], [sflag:$0x5], $0x1, $0x38;
	[tilespmem:$0x11A60] =	vst v63  }
0x125: {  	s5 =	simm.s32 $0x0  }
0x126: {  	s4 =	simm.s32 $0xC1;
	s5 =	simm.s32 @!p0 $0x4  }
.LBB2_22:
0x127: {  	v0 =	vld.msk [tilespmem:s4+$0x0], $0x1;
	s2 =	sadd.s32 $0xFFFFFFFF, s2;
	s3 =	sadd.s32 s3, s5  }
0x128: {  	p0 =	sne.s32 s2, $0x0;
	_ =	sdelay $0x3  }
0x129: {  	(v2sf) =	vpush v0, $0x0;
	_ =	sdelay $0xe  }
.Ltmp17:
0x12a: {  	s6 =	spop (v2sf);
	(pc) =	sbr.rel @p0 .LBB2_22-.Ltmp17, $4  }
0x12b: {  	s5 =	simm.s32 $0x0;
	p1 =	sgt.u32 s6, $0x13BFF  }
0x12c: {  	s0 =	sadd.s32 $0x1, s0;
	s5 =	simm.s32 @!p1 $0x4;
	s7 =	sshrl.u32 @!p1 s6, $0x3  }
0x12d: {  	s4 =	sadd.s32 $0x1, s4;
	s6 =	sand.u32 @!p1 $0x7, s6;
	s7 =	sadd.s32 @!p1 s1, s7  }
0x12e: {  	[hbm4b:s7+s6] =	stream.linear.scatter @!p1 [tilespmem:s0], [sflag:$0x5], $0x1, $0x38;
	[tilespmem:$0x11A60] =	vst v63  }
.LBB2_23:
0x12f: {  	s0 =	sadd.s32 s3, s5  }
0x130: {  	s3 =	sshrl.u32 s0, $0x2  }
.LBB2_24:
0x131: {  	s0 =	simm.s32 $0x5  }
0x132: {  	_ =	swait.ge [sflag:s0], s3  }
0x133: {  	s1 =	ssub.s32 $0x0, s3;
	[sflag:s0] =	ssyncset.done $0x0  }
0x134: {  	[sflag:s0] =	ssyncadd.s32 s1  }
0x135: {  	[sflag:s0] =	ssyncpa.u1 $0x1  }
0x136: {  	s29 =	simm.s32 $0x1;
	_ =	sfence  }
0x137: {  	s30 =	simm.s32 $0x2;
	[sflag:s29] =	ssyncpa.u1 $0x1  }
0x138: {  	[sflag:s30] =	ssyncpa.u1 $0x1  }
0x139: {  	_ =	strace $0x90000047  }
0x13a: {  	[bflag:$0x2] =	sbarrier.arrive $0xFFFF  }
0x13b: {  	s31 =	rddreg [dreg:$0x1]  }
0x13c: {  	s0 =	sadd.s32 $0x100000, s31  }
0x13d: {  	[sflag:s0] =	ssyncadd.tile.s32 $0x1;
	_ =	shalt  }
.Lfunc_end2:
_tile_overlayer_lowered:
.L_overlay_start_2:
0x13e: {  	(tag) =	ssettag $0x2  }
0x13f: {  	s0 =	rddreg [dreg:$0x0];
	s2 =	stileid.u32  }
0x140: {  	s1 =	rddreg [dreg:$0x1];
	p0 =	sne.s32 s2, $0x0  }
0x141: {  	s3 =	rddreg [dreg:$0x2];
	[bflag:$0x3] =	sbarrier.arrive $0xFFFF;
	s2 =	simm.s32 @!p0 $0x1C01  }
0x142: {  	[timem:s3], [sflag:s2] =	dma.local @!p0 [hbm:s0], s1  }
0x143: {  	s0 =	simm.s32 @!p0 $0x1  }
0x144: {  	_ =	swait.ge @!p0 [sflag:s0], s1  }
0x145: {  	s1 =	ssub.s32 @!p0 $0x0, s1;
	[sflag:s0] =	ssyncset.done @!p0 $0x0  }
0x146: {  	[sflag:s0] =	ssyncadd.s32 @!p0 s1  }
0x147: {  	[bflag:$0x3] =	sbarrier.arrive $0xFFFF  }
0x148: {  	_ =	shalt  }

</sc_bundles>
